<compile_context>
chip_gen: v7x
topology: tpu7x:2x2x1
jax: 0.10.2.dev20260603
libtpu: 0.0.44.dev20260713+nightly
codegen_flags: <defaults>
</compile_context>

<pallas_src>
import functools

import jax
import jax.numpy as jnp
from jax import lax
from jax.experimental import pallas as pl
from jax.experimental.pallas import tpu as pltpu
from jax.experimental.pallas import tpu_sc as plsc

_NUM_CLASS = 7
_N = 16 * 512 * 512
_NW = 32
_PER_W = _N // _NW
_IPC = 2
_NCHUNK = 16 // _IPC
_ROWS_W = 512 // _NW
_CHUNK = _IPC * _ROWS_W * 512
_UNROLL = 32
_NROWS = 32


def _sc_body(pred_hbm, ref_hbm, lbl_hbm, out_hbm, pbuf, rbuf, lbuf, acc, sems):
    wid = lax.axis_index("s") * 2 + lax.axis_index("c")
    r0 = wid * _ROWS_W

    for i in range(_NROWS):
        acc[i] = jnp.zeros((16,), jnp.float32)

    def copies(ci, b):
        i0 = ci * _IPC
        return [
            pltpu.make_async_copy(
                pred_hbm.at[pl.ds(i0, _IPC), pl.ds(r0, _ROWS_W), :],
                pbuf.at[b], sems.at[b]),
            pltpu.make_async_copy(
                ref_hbm.at[pl.ds(i0, _IPC), pl.ds(r0, _ROWS_W), :],
                rbuf.at[b], sems.at[b]),
            pltpu.make_async_copy(
                lbl_hbm.at[pl.ds(i0, _IPC), pl.ds(r0, _ROWS_W), :],
                lbuf.at[b], sems.at[b]),
        ]

    for c in copies(0, 0):
        c.start()

    for ci in range(_NCHUNK):
        b = ci % 2
        if ci + 1 < _NCHUNK:
            for c in copies(ci + 1, 1 - b):
                c.start()
        for c in copies(ci, b):
            c.wait()

        @plsc.parallel_loop(0, _CHUNK // 16, unroll=_UNROLL)
        def vec_body(j):
            lane = lax.iota(jnp.int32, 16)
            ones = jnp.ones((16,), jnp.float32)
            zerof = jnp.zeros((16,), jnp.float32)
            c8 = jnp.full((16,), 8, jnp.int32)
            c24 = jnp.full((16,), 24, jnp.int32)
            i2 = lax.shift_right_logical(j, 9)
            row = lax.bitwise_and(lax.shift_right_logical(j, 5), 15)
            col = lax.mul(lax.bitwise_and(j, 31), 16)
            p = pbuf[b, i2, row, pl.ds(col, 16)]
            r = rbuf[b, i2, row, pl.ds(col, 16)]
            l = lbuf[b, i2, row, pl.ds(col, 16)]
            d = p - r
            neg = (d < zerof).astype(jnp.int32)
            l4 = l * jnp.full((16,), 4, jnp.int32)
            one_i = jnp.full((16,), 1, jnp.int32)
            c3 = jnp.full((16,), 3, jnp.int32)
            plsc.addupdate_scatter(acc, [l4, lane], d * d)
            plsc.addupdate_scatter(acc, [l4 + one_i + neg, lane], d)

    pltpu.sync_copy(acc, out_hbm.at[wid])


def _hist_body(l_ref, out_ref):
    i = pl.program_id(0)
    x = l_ref[0]
    rows = lax.broadcasted_iota(jnp.int32, (8, 128), 0)
    acc = jnp.zeros((8, 128), jnp.float32)
    for c in range(_NUM_CLASS):
        s = jnp.sum((x == c).astype(jnp.float32))
        acc = acc + jnp.where(rows == c, s, 0.0)

    @pl.when(i == 0)
    def _():
        out_ref[...] = jnp.zeros((8, 128), jnp.float32)

    out_ref[...] += acc


def _finish_body(part_ref, hist_ref, stats_ref, cnt_ref):
    x = part_ref[...]
    s = jnp.sum(jnp.sum(x, axis=0), axis=2)
    sumsq = s[:, 0:1]
    pos = s[:, 1:2]
    neg = s[:, 2:3]
    cnt = hist_ref[:, 0:1]
    sum_abs = pos - neg
    sum_me = pos + neg
    safe = jnp.maximum(cnt, 1.0)
    has = cnt > 0.0
    rmse_t = jnp.where(has, jnp.sqrt(sumsq / safe) * cnt, 0.0)
    mae_t = jnp.where(has, sum_abs, 0.0)
    me_t = jnp.where(has, sum_me, 0.0)
    full = jnp.concatenate([rmse_t, mae_t, me_t], axis=1)
    stats_ref[...] = full[:_NUM_CLASS, :]
    cnt_ref[...] = cnt[:_NUM_CLASS, :]


@jax.jit
def kernel(pred, ref, buildhir):
    p = pred
    r = ref
    l = buildhir.astype(jnp.int32)

    mesh = plsc.VectorSubcoreMesh(core_axis_name="c", subcore_axis_name="s")
    sc = pl.kernel(
        _sc_body,
        out_type=jax.ShapeDtypeStruct((_NW, _NROWS, 16), jnp.float32),
        mesh=mesh,
        scratch_types=[
            pltpu.VMEM((2, _IPC, _ROWS_W, 512), jnp.float32),
            pltpu.VMEM((2, _IPC, _ROWS_W, 512), jnp.float32),
            pltpu.VMEM((2, _IPC, _ROWS_W, 512), jnp.int32),
            pltpu.VMEM((_NROWS, 16), jnp.float32),
            pltpu.SemaphoreType.DMA((2,)),
        ],
        compiler_params=pltpu.CompilerParams(
            needs_layout_passes=False, use_tc_tiling_on_sc=True),
    )
    partials = sc(p, r, l)

    hist = pl.pallas_call(
        _hist_body,
        grid=(16,),
        in_specs=[pl.BlockSpec((1, 512, 512), lambda i: (i, 0, 0))],
        out_specs=pl.BlockSpec((8, 128), lambda i: (0, 0)),
        out_shape=jax.ShapeDtypeStruct((8, 128), jnp.float32),
    )(l)

    z = partials.reshape(_NW, 8, 4, 16)
    stats, count = pl.pallas_call(
        _finish_body,
        out_shape=[
            jax.ShapeDtypeStruct((_NUM_CLASS, 3), jnp.float32),
            jax.ShapeDtypeStruct((_NUM_CLASS, 1), jnp.float32),
        ],
    )(z, hist)
    return stats, count

# --- scband reference (transcript-rebuilt; emitter-appended) ---
"""Pipeline reference for scband-height-metric-6158983102540 (READ-ONLY COPY).

The authoritative reference and input builder live on the scoring server;
editing this copy changes nothing except your own understanding.
"""

import jax, jax.numpy as jnp
import numpy as np


def setup_inputs(seed: int = 0) -> dict:
    key = jax.random.key(seed)
    k1, k2, k3 = jax.random.split(key, 3)
    pred = jax.random.normal(k1, (16, 512, 512), dtype=jnp.float32)
    ref = jax.random.normal(k2, (16, 512, 512), dtype=jnp.float32)
    buildhir = jax.random.randint(k3, (16, 512, 512), 0, 7)
    return {"pred": pred, "ref": ref, "buildhir": buildhir}


def reference(pred, ref, buildhir):
    # Functional translation of HeightMetric.reset() + addBatch(pred, ref, buildhir).
    # For each class i: mask = buildhir == i; if count>0 accumulate
    #   stats[i,0] += rmse(pred[mask], ref[mask]) * count
    #   stats[i,1] += mae(...) * count   (== sum |diff| over mask)
    #   stats[i,2] += me(...)  * count   (== sum diff over mask)
    #   count[i]   += count
    numClass = 7
    diff = (pred - ref).reshape(-1)
    labels = buildhir.reshape(-1)
    ones = jnp.ones_like(diff)
    count = jax.ops.segment_sum(ones, labels, num_segments=numClass)
    sum_sq = jax.ops.segment_sum(diff * diff, labels, num_segments=numClass)
    sum_abs = jax.ops.segment_sum(jnp.abs(diff), labels, num_segments=numClass)
    sum_me = jax.ops.segment_sum(diff, labels, num_segments=numClass)
    safe = jnp.maximum(count, 1.0)
    rmse_term = jnp.where(count > 0, jnp.sqrt(sum_sq / safe) * count, 0.0)
    mae_term = jnp.where(count > 0, sum_abs, 0.0)
    me_term = jnp.where(count > 0, sum_me, 0.0)
    stats = jnp.stack([rmse_term, mae_term, me_term], axis=1)
    return stats, count.reshape(numClass, 1)

if __name__ == "__main__":
    import jax
    _d = setup_inputs()
    print(jax.jit(kernel)(*tuple(_d.values())))

</pallas_src>

<mosaic_0001>
#map = affine_map<(d0, d1) -> (0, 0, 0)>
module attributes {stable_mosaic.version = 14 : i64} {
  func.func @_sc_body(%arg0: i32, %arg1: i32, %arg2: memref<16x512x512xf32, #tpu.memory_space<hbm>>, %arg3: memref<16x512x512xf32, #tpu.memory_space<hbm>>, %arg4: memref<16x512x512xi32, #tpu.memory_space<hbm>>, %arg5: memref<32x32x16xf32, #tpu.memory_space<hbm>>, %arg6: memref<2x2x16x512xf32, #tpu.memory_space<vmem>>, %arg7: memref<2x2x16x512xf32, #tpu.memory_space<vmem>>, %arg8: memref<2x2x16x512xi32, #tpu.memory_space<vmem>>, %arg9: memref<32x16xf32, #tpu.memory_space<vmem>>, %arg10: memref<2x!tpu.dma_semaphore, #tpu.memory_space<semaphore_mem>>) attributes {dimension_semantics = [#tpu.dimension_semantics<core_parallel>, #tpu.dimension_semantics<subcore_parallel>], iteration_bounds = array<i64: 2, 16>, scalar_prefetch = 0 : i64, scratch_operands = 5 : i64, tpu.core_type = #tpu.core_type<sc_vector_subcore>, window_params = [{transform_indices = #map}, {transform_indices = #map}, {transform_indices = #map}, {transform_indices = #map}]} {
    %mul3A = arith.constant 2 : i32
    %mul3A_0 = arith.muli %arg1, %mul3A : i32
    %add3A = arith.addi %mul3A_0, %arg0 : i32
    %mul3A_1 = arith.constant 16 : i32
    %mul3A_2 = arith.muli %add3A, %mul3A_1 : i32
    %broadcast_in_dim3A = arith.constant 0.000000e+00 : f32
    %broadcast_in_dim3A_3 = vector.broadcast %broadcast_in_dim3A : f32 to vector<16xf32>
    %swap3A = arith.constant 0 : i32
    %swap3A_4 = arith.index_cast %swap3A : i32 to index
    %swap3A_5 = arith.constant 0 : index
    %swap3A_6 = tpu.vector_load %arg9[%swap3A_4, %swap3A_5] {strides = array<i32>} : memref<32x16xf32, #tpu.memory_space<vmem>>, vector<16xf32>,
    tpu.vector_store %arg9[%swap3A_4, %swap3A_5], %broadcast_in_dim3A_3 {strides = array<i32>} : memref<32x16xf32, #tpu.memory_space<vmem>>, vector<16xf32>,
    %broadcast_in_dim3A_7 = arith.constant 0.000000e+00 : f32
    %broadcast_in_dim3A_8 = vector.broadcast %broadcast_in_dim3A_7 : f32 to vector<16xf32>
    %swap3A_9 = arith.constant 1 : i32
    %swap3A_10 = arith.index_cast %swap3A_9 : i32 to index
    %swap3A_11 = arith.constant 0 : index
    %swap3A_12 = tpu.vector_load %arg9[%swap3A_10, %swap3A_11] {strides = array<i32>} : memref<32x16xf32, #tpu.memory_space<vmem>>, vector<16xf32>,
    tpu.vector_store %arg9[%swap3A_10, %swap3A_11], %broadcast_in_dim3A_8 {strides = array<i32>} : memref<32x16xf32, #tpu.memory_space<vmem>>, vector<16xf32>,
    %broadcast_in_dim3A_13 = arith.constant 0.000000e+00 : f32
    %broadcast_in_dim3A_14 = vector.broadcast %broadcast_in_dim3A_13 : f32 to vector<16xf32>
    %swap3A_15 = arith.constant 2 : i32
    %swap3A_16 = arith.index_cast %swap3A_15 : i32 to index
    %swap3A_17 = arith.constant 0 : index
    %swap3A_18 = tpu.vector_load %arg9[%swap3A_16, %swap3A_17] {strides = array<i32>} : memref<32x16xf32, #tpu.memory_space<vmem>>, vector<16xf32>,
    tpu.vector_store %arg9[%swap3A_16, %swap3A_17], %broadcast_in_dim3A_14 {strides = array<i32>} : memref<32x16xf32, #tpu.memory_space<vmem>>, vector<16xf32>,
    %broadcast_in_dim3A_19 = arith.constant 0.000000e+00 : f32
    %broadcast_in_dim3A_20 = vector.broadcast %broadcast_in_dim3A_19 : f32 to vector<16xf32>
    %swap3A_21 = arith.constant 3 : i32
    %swap3A_22 = arith.index_cast %swap3A_21 : i32 to index
    %swap3A_23 = arith.constant 0 : index
    %swap3A_24 = tpu.vector_load %arg9[%swap3A_22, %swap3A_23] {strides = array<i32>} : memref<32x16xf32, #tpu.memory_space<vmem>>, vector<16xf32>,
    tpu.vector_store %arg9[%swap3A_22, %swap3A_23], %broadcast_in_dim3A_20 {strides = array<i32>} : memref<32x16xf32, #tpu.memory_space<vmem>>, vector<16xf32>,
    %broadcast_in_dim3A_25 = arith.constant 0.000000e+00 : f32
    %broadcast_in_dim3A_26 = vector.broadcast %broadcast_in_dim3A_25 : f32 to vector<16xf32>
    %swap3A_27 = arith.constant 4 : i32
    %swap3A_28 = arith.index_cast %swap3A_27 : i32 to index
    %swap3A_29 = arith.constant 0 : index
    %swap3A_30 = tpu.vector_load %arg9[%swap3A_28, %swap3A_29] {strides = array<i32>} : memref<32x16xf32, #tpu.memory_space<vmem>>, vector<16xf32>,
    tpu.vector_store %arg9[%swap3A_28, %swap3A_29], %broadcast_in_dim3A_26 {strides = array<i32>} : memref<32x16xf32, #tpu.memory_space<vmem>>, vector<16xf32>,
    %broadcast_in_dim3A_31 = arith.constant 0.000000e+00 : f32
    %broadcast_in_dim3A_32 = vector.broadcast %broadcast_in_dim3A_31 : f32 to vector<16xf32>
    %swap3A_33 = arith.constant 5 : i32
    %swap3A_34 = arith.index_cast %swap3A_33 : i32 to index
    %swap3A_35 = arith.constant 0 : index
    %swap3A_36 = tpu.vector_load %arg9[%swap3A_34, %swap3A_35] {strides = array<i32>} : memref<32x16xf32, #tpu.memory_space<vmem>>, vector<16xf32>,
    tpu.vector_store %arg9[%swap3A_34, %swap3A_35], %broadcast_in_dim3A_32 {strides = array<i32>} : memref<32x16xf32, #tpu.memory_space<vmem>>, vector<16xf32>,
    %broadcast_in_dim3A_37 = arith.constant 0.000000e+00 : f32
    %broadcast_in_dim3A_38 = vector.broadcast %broadcast_in_dim3A_37 : f32 to vector<16xf32>
    %swap3A_39 = arith.constant 6 : i32
    %swap3A_40 = arith.index_cast %swap3A_39 : i32 to index
    %swap3A_41 = arith.constant 0 : index
    %swap3A_42 = tpu.vector_load %arg9[%swap3A_40, %swap3A_41] {strides = array<i32>} : memref<32x16xf32, #tpu.memory_space<vmem>>, vector<16xf32>,
    tpu.vector_store %arg9[%swap3A_40, %swap3A_41], %broadcast_in_dim3A_38 {strides = array<i32>} : memref<32x16xf32, #tpu.memory_space<vmem>>, vector<16xf32>,
    %broadcast_in_dim3A_43 = arith.constant 0.000000e+00 : f32
    %broadcast_in_dim3A_44 = vector.broadcast %broadcast_in_dim3A_43 : f32 to vector<16xf32>
    %swap3A_45 = arith.constant 7 : i32
    %swap3A_46 = arith.index_cast %swap3A_45 : i32 to index
    %swap3A_47 = arith.constant 0 : index
    %swap3A_48 = tpu.vector_load %arg9[%swap3A_46, %swap3A_47] {strides = array<i32>} : memref<32x16xf32, #tpu.memory_space<vmem>>, vector<16xf32>,
    tpu.vector_store %arg9[%swap3A_46, %swap3A_47], %broadcast_in_dim3A_44 {strides = array<i32>} : memref<32x16xf32, #tpu.memory_space<vmem>>, vector<16xf32>,
    %broadcast_in_dim3A_49 = arith.constant 0.000000e+00 : f32
    %broadcast_in_dim3A_50 = vector.broadcast %broadcast_in_dim3A_49 : f32 to vector<16xf32>
    %swap3A_51 = arith.constant 8 : i32
    %swap3A_52 = arith.index_cast %swap3A_51 : i32 to index
    %swap3A_53 = arith.constant 0 : index
    %swap3A_54 = tpu.vector_load %arg9[%swap3A_52, %swap3A_53] {strides = array<i32>} : memref<32x16xf32, #tpu.memory_space<vmem>>, vector<16xf32>,
    tpu.vector_store %arg9[%swap3A_52, %swap3A_53], %broadcast_in_dim3A_50 {strides = array<i32>} : memref<32x16xf32, #tpu.memory_space<vmem>>, vector<16xf32>,
    %broadcast_in_dim3A_55 = arith.constant 0.000000e+00 : f32
    %broadcast_in_dim3A_56 = vector.broadcast %broadcast_in_dim3A_55 : f32 to vector<16xf32>
    %swap3A_57 = arith.constant 9 : i32
    %swap3A_58 = arith.index_cast %swap3A_57 : i32 to index
    %swap3A_59 = arith.constant 0 : index
    %swap3A_60 = tpu.vector_load %arg9[%swap3A_58, %swap3A_59] {strides = array<i32>} : memref<32x16xf32, #tpu.memory_space<vmem>>, vector<16xf32>,
    tpu.vector_store %arg9[%swap3A_58, %swap3A_59], %broadcast_in_dim3A_56 {strides = array<i32>} : memref<32x16xf32, #tpu.memory_space<vmem>>, vector<16xf32>,
    %broadcast_in_dim3A_61 = arith.constant 0.000000e+00 : f32
    %broadcast_in_dim3A_62 = vector.broadcast %broadcast_in_dim3A_61 : f32 to vector<16xf32>
    %swap3A_63 = arith.constant 10 : i32
    %swap3A_64 = arith.index_cast %swap3A_63 : i32 to index
    %swap3A_65 = arith.constant 0 : index
    %swap3A_66 = tpu.vector_load %arg9[%swap3A_64, %swap3A_65] {strides = array<i32>} : memref<32x16xf32, #tpu.memory_space<vmem>>, vector<16xf32>,
    tpu.vector_store %arg9[%swap3A_64, %swap3A_65], %broadcast_in_dim3A_62 {strides = array<i32>} : memref<32x16xf32, #tpu.memory_space<vmem>>, vector<16xf32>,
    %broadcast_in_dim3A_67 = arith.constant 0.000000e+00 : f32
    %broadcast_in_dim3A_68 = vector.broadcast %broadcast_in_dim3A_67 : f32 to vector<16xf32>
    %swap3A_69 = arith.constant 11 : i32
    %swap3A_70 = arith.index_cast %swap3A_69 : i32 to index
    %swap3A_71 = arith.constant 0 : index
    %swap3A_72 = tpu.vector_load %arg9[%swap3A_70, %swap3A_71] {strides = array<i32>} : memref<32x16xf32, #tpu.memory_space<vmem>>, vector<16xf32>,
    tpu.vector_store %arg9[%swap3A_70, %swap3A_71], %broadcast_in_dim3A_68 {strides = array<i32>} : memref<32x16xf32, #tpu.memory_space<vmem>>, vector<16xf32>,
    %broadcast_in_dim3A_73 = arith.constant 0.000000e+00 : f32
    %broadcast_in_dim3A_74 = vector.broadcast %broadcast_in_dim3A_73 : f32 to vector<16xf32>
    %swap3A_75 = arith.constant 12 : i32
    %swap3A_76 = arith.index_cast %swap3A_75 : i32 to index
    %swap3A_77 = arith.constant 0 : index
    %swap3A_78 = tpu.vector_load %arg9[%swap3A_76, %swap3A_77] {strides = array<i32>} : memref<32x16xf32, #tpu.memory_space<vmem>>, vector<16xf32>,
    tpu.vector_store %arg9[%swap3A_76, %swap3A_77], %broadcast_in_dim3A_74 {strides = array<i32>} : memref<32x16xf32, #tpu.memory_space<vmem>>, vector<16xf32>,
    %broadcast_in_dim3A_79 = arith.constant 0.000000e+00 : f32
    %broadcast_in_dim3A_80 = vector.broadcast %broadcast_in_dim3A_79 : f32 to vector<16xf32>
    %swap3A_81 = arith.constant 13 : i32
    %swap3A_82 = arith.index_cast %swap3A_81 : i32 to index
    %swap3A_83 = arith.constant 0 : index
    %swap3A_84 = tpu.vector_load %arg9[%swap3A_82, %swap3A_83] {strides = array<i32>} : memref<32x16xf32, #tpu.memory_space<vmem>>, vector<16xf32>,
    tpu.vector_store %arg9[%swap3A_82, %swap3A_83], %broadcast_in_dim3A_80 {strides = array<i32>} : memref<32x16xf32, #tpu.memory_space<vmem>>, vector<16xf32>,
    %broadcast_in_dim3A_85 = arith.constant 0.000000e+00 : f32
    %broadcast_in_dim3A_86 = vector.broadcast %broadcast_in_dim3A_85 : f32 to vector<16xf32>
    %swap3A_87 = arith.constant 14 : i32
    %swap3A_88 = arith.index_cast %swap3A_87 : i32 to index
    %swap3A_89 = arith.constant 0 : index
    %swap3A_90 = tpu.vector_load %arg9[%swap3A_88, %swap3A_89] {strides = array<i32>} : memref<32x16xf32, #tpu.memory_space<vmem>>, vector<16xf32>,
    tpu.vector_store %arg9[%swap3A_88, %swap3A_89], %broadcast_in_dim3A_86 {strides = array<i32>} : memref<32x16xf32, #tpu.memory_space<vmem>>, vector<16xf32>,
    %broadcast_in_dim3A_91 = arith.constant 0.000000e+00 : f32
    %broadcast_in_dim3A_92 = vector.broadcast %broadcast_in_dim3A_91 : f32 to vector<16xf32>
    %swap3A_93 = arith.constant 15 : i32
    %swap3A_94 = arith.index_cast %swap3A_93 : i32 to index
    %swap3A_95 = arith.constant 0 : index
    %swap3A_96 = tpu.vector_load %arg9[%swap3A_94, %swap3A_95] {strides = array<i32>} : memref<32x16xf32, #tpu.memory_space<vmem>>, vector<16xf32>,
    tpu.vector_store %arg9[%swap3A_94, %swap3A_95], %broadcast_in_dim3A_92 {strides = array<i32>} : memref<32x16xf32, #tpu.memory_space<vmem>>, vector<16xf32>,
    %broadcast_in_dim3A_97 = arith.constant 0.000000e+00 : f32
    %broadcast_in_dim3A_98 = vector.broadcast %broadcast_in_dim3A_97 : f32 to vector<16xf32>
    %swap3A_99 = arith.constant 16 : i32
    %swap3A_100 = arith.index_cast %swap3A_99 : i32 to index
    %swap3A_101 = arith.constant 0 : index
    %swap3A_102 = tpu.vector_load %arg9[%swap3A_100, %swap3A_101] {strides = array<i32>} : memref<32x16xf32, #tpu.memory_space<vmem>>, vector<16xf32>,
    tpu.vector_store %arg9[%swap3A_100, %swap3A_101], %broadcast_in_dim3A_98 {strides = array<i32>} : memref<32x16xf32, #tpu.memory_space<vmem>>, vector<16xf32>,
    %broadcast_in_dim3A_103 = arith.constant 0.000000e+00 : f32
    %broadcast_in_dim3A_104 = vector.broadcast %broadcast_in_dim3A_103 : f32 to vector<16xf32>
    %swap3A_105 = arith.constant 17 : i32
    %swap3A_106 = arith.index_cast %swap3A_105 : i32 to index
    %swap3A_107 = arith.constant 0 : index
    %swap3A_108 = tpu.vector_load %arg9[%swap3A_106, %swap3A_107] {strides = array<i32>} : memref<32x16xf32, #tpu.memory_space<vmem>>, vector<16xf32>,
    tpu.vector_store %arg9[%swap3A_106, %swap3A_107], %broadcast_in_dim3A_104 {strides = array<i32>} : memref<32x16xf32, #tpu.memory_space<vmem>>, vector<16xf32>,
    %broadcast_in_dim3A_109 = arith.constant 0.000000e+00 : f32
    %broadcast_in_dim3A_110 = vector.broadcast %broadcast_in_dim3A_109 : f32 to vector<16xf32>
    %swap3A_111 = arith.constant 18 : i32
    %swap3A_112 = arith.index_cast %swap3A_111 : i32 to index
    %swap3A_113 = arith.constant 0 : index
    %swap3A_114 = tpu.vector_load %arg9[%swap3A_112, %swap3A_113] {strides = array<i32>} : memref<32x16xf32, #tpu.memory_space<vmem>>, vector<16xf32>,
    tpu.vector_store %arg9[%swap3A_112, %swap3A_113], %broadcast_in_dim3A_110 {strides = array<i32>} : memref<32x16xf32, #tpu.memory_space<vmem>>, vector<16xf32>,
    %broadcast_in_dim3A_115 = arith.constant 0.000000e+00 : f32
    %broadcast_in_dim3A_116 = vector.broadcast %broadcast_in_dim3A_115 : f32 to vector<16xf32>
    %swap3A_117 = arith.constant 19 : i32
    %swap3A_118 = arith.index_cast %swap3A_117 : i32 to index
    %swap3A_119 = arith.constant 0 : index
    %swap3A_120 = tpu.vector_load %arg9[%swap3A_118, %swap3A_119] {strides = array<i32>} : memref<32x16xf32, #tpu.memory_space<vmem>>, vector<16xf32>,
    tpu.vector_store %arg9[%swap3A_118, %swap3A_119], %broadcast_in_dim3A_116 {strides = array<i32>} : memref<32x16xf32, #tpu.memory_space<vmem>>, vector<16xf32>,
    %broadcast_in_dim3A_121 = arith.constant 0.000000e+00 : f32
    %broadcast_in_dim3A_122 = vector.broadcast %broadcast_in_dim3A_121 : f32 to vector<16xf32>
    %swap3A_123 = arith.constant 20 : i32
    %swap3A_124 = arith.index_cast %swap3A_123 : i32 to index
    %swap3A_125 = arith.constant 0 : index
    %swap3A_126 = tpu.vector_load %arg9[%swap3A_124, %swap3A_125] {strides = array<i32>} : memref<32x16xf32, #tpu.memory_space<vmem>>, vector<16xf32>,
    tpu.vector_store %arg9[%swap3A_124, %swap3A_125], %broadcast_in_dim3A_122 {strides = array<i32>} : memref<32x16xf32, #tpu.memory_space<vmem>>, vector<16xf32>,
    %broadcast_in_dim3A_127 = arith.constant 0.000000e+00 : f32
    %broadcast_in_dim3A_128 = vector.broadcast %broadcast_in_dim3A_127 : f32 to vector<16xf32>
    %swap3A_129 = arith.constant 21 : i32
    %swap3A_130 = arith.index_cast %swap3A_129 : i32 to index
    %swap3A_131 = arith.constant 0 : index
    %swap3A_132 = tpu.vector_load %arg9[%swap3A_130, %swap3A_131] {strides = array<i32>} : memref<32x16xf32, #tpu.memory_space<vmem>>, vector<16xf32>,
    tpu.vector_store %arg9[%swap3A_130, %swap3A_131], %broadcast_in_dim3A_128 {strides = array<i32>} : memref<32x16xf32, #tpu.memory_space<vmem>>, vector<16xf32>,
    %broadcast_in_dim3A_133 = arith.constant 0.000000e+00 : f32
    %broadcast_in_dim3A_134 = vector.broadcast %broadcast_in_dim3A_133 : f32 to vector<16xf32>
    %swap3A_135 = arith.constant 22 : i32
    %swap3A_136 = arith.index_cast %swap3A_135 : i32 to index
    %swap3A_137 = arith.constant 0 : index
    %swap3A_138 = tpu.vector_load %arg9[%swap3A_136, %swap3A_137] {strides = array<i32>} : memref<32x16xf32, #tpu.memory_space<vmem>>, vector<16xf32>,
    tpu.vector_store %arg9[%swap3A_136, %swap3A_137], %broadcast_in_dim3A_134 {strides = array<i32>} : memref<32x16xf32, #tpu.memory_space<vmem>>, vector<16xf32>,
    %broadcast_in_dim3A_139 = arith.constant 0.000000e+00 : f32
    %broadcast_in_dim3A_140 = vector.broadcast %broadcast_in_dim3A_139 : f32 to vector<16xf32>
    %swap3A_141 = arith.constant 23 : i32
    %swap3A_142 = arith.index_cast %swap3A_141 : i32 to index
    %swap3A_143 = arith.constant 0 : index
    %swap3A_144 = tpu.vector_load %arg9[%swap3A_142, %swap3A_143] {strides = array<i32>} : memref<32x16xf32, #tpu.memory_space<vmem>>, vector<16xf32>,
    tpu.vector_store %arg9[%swap3A_142, %swap3A_143], %broadcast_in_dim3A_140 {strides = array<i32>} : memref<32x16xf32, #tpu.memory_space<vmem>>, vector<16xf32>,
    %broadcast_in_dim3A_145 = arith.constant 0.000000e+00 : f32
    %broadcast_in_dim3A_146 = vector.broadcast %broadcast_in_dim3A_145 : f32 to vector<16xf32>
    %swap3A_147 = arith.constant 24 : i32
    %swap3A_148 = arith.index_cast %swap3A_147 : i32 to index
    %swap3A_149 = arith.constant 0 : index
    %swap3A_150 = tpu.vector_load %arg9[%swap3A_148, %swap3A_149] {strides = array<i32>} : memref<32x16xf32, #tpu.memory_space<vmem>>, vector<16xf32>,
    tpu.vector_store %arg9[%swap3A_148, %swap3A_149], %broadcast_in_dim3A_146 {strides = array<i32>} : memref<32x16xf32, #tpu.memory_space<vmem>>, vector<16xf32>,
    %broadcast_in_dim3A_151 = arith.constant 0.000000e+00 : f32
    %broadcast_in_dim3A_152 = vector.broadcast %broadcast_in_dim3A_151 : f32 to vector<16xf32>
    %swap3A_153 = arith.constant 25 : i32
    %swap3A_154 = arith.index_cast %swap3A_153 : i32 to index
    %swap3A_155 = arith.constant 0 : index
    %swap3A_156 = tpu.vector_load %arg9[%swap3A_154, %swap3A_155] {strides = array<i32>} : memref<32x16xf32, #tpu.memory_space<vmem>>, vector<16xf32>,
    tpu.vector_store %arg9[%swap3A_154, %swap3A_155], %broadcast_in_dim3A_152 {strides = array<i32>} : memref<32x16xf32, #tpu.memory_space<vmem>>, vector<16xf32>,
    %broadcast_in_dim3A_157 = arith.constant 0.000000e+00 : f32
    %broadcast_in_dim3A_158 = vector.broadcast %broadcast_in_dim3A_157 : f32 to vector<16xf32>
    %swap3A_159 = arith.constant 26 : i32
    %swap3A_160 = arith.index_cast %swap3A_159 : i32 to index
    %swap3A_161 = arith.constant 0 : index
    %swap3A_162 = tpu.vector_load %arg9[%swap3A_160, %swap3A_161] {strides = array<i32>} : memref<32x16xf32, #tpu.memory_space<vmem>>, vector<16xf32>,
    tpu.vector_store %arg9[%swap3A_160, %swap3A_161], %broadcast_in_dim3A_158 {strides = array<i32>} : memref<32x16xf32, #tpu.memory_space<vmem>>, vector<16xf32>,
    %broadcast_in_dim3A_163 = arith.constant 0.000000e+00 : f32
    %broadcast_in_dim3A_164 = vector.broadcast %broadcast_in_dim3A_163 : f32 to vector<16xf32>
    %swap3A_165 = arith.constant 27 : i32
    %swap3A_166 = arith.index_cast %swap3A_165 : i32 to index
    %swap3A_167 = arith.constant 0 : index
    %swap3A_168 = tpu.vector_load %arg9[%swap3A_166, %swap3A_167] {strides = array<i32>} : memref<32x16xf32, #tpu.memory_space<vmem>>, vector<16xf32>,
    tpu.vector_store %arg9[%swap3A_166, %swap3A_167], %broadcast_in_dim3A_164 {strides = array<i32>} : memref<32x16xf32, #tpu.memory_space<vmem>>, vector<16xf32>,
    %broadcast_in_dim3A_169 = arith.constant 0.000000e+00 : f32
    %broadcast_in_dim3A_170 = vector.broadcast %broadcast_in_dim3A_169 : f32 to vector<16xf32>
    %swap3A_171 = arith.constant 28 : i32
    %swap3A_172 = arith.index_cast %swap3A_171 : i32 to index
    %swap3A_173 = arith.constant 0 : index
    %swap3A_174 = tpu.vector_load %arg9[%swap3A_172, %swap3A_173] {strides = array<i32>} : memref<32x16xf32, #tpu.memory_space<vmem>>, vector<16xf32>,
    tpu.vector_store %arg9[%swap3A_172, %swap3A_173], %broadcast_in_dim3A_170 {strides = array<i32>} : memref<32x16xf32, #tpu.memory_space<vmem>>, vector<16xf32>,
    %broadcast_in_dim3A_175 = arith.constant 0.000000e+00 : f32
    %broadcast_in_dim3A_176 = vector.broadcast %broadcast_in_dim3A_175 : f32 to vector<16xf32>
    %swap3A_177 = arith.constant 29 : i32
    %swap3A_178 = arith.index_cast %swap3A_177 : i32 to index
    %swap3A_179 = arith.constant 0 : index
    %swap3A_180 = tpu.vector_load %arg9[%swap3A_178, %swap3A_179] {strides = array<i32>} : memref<32x16xf32, #tpu.memory_space<vmem>>, vector<16xf32>,
    tpu.vector_store %arg9[%swap3A_178, %swap3A_179], %broadcast_in_dim3A_176 {strides = array<i32>} : memref<32x16xf32, #tpu.memory_space<vmem>>, vector<16xf32>,
    %broadcast_in_dim3A_181 = arith.constant 0.000000e+00 : f32
    %broadcast_in_dim3A_182 = vector.broadcast %broadcast_in_dim3A_181 : f32 to vector<16xf32>
    %swap3A_183 = arith.constant 30 : i32
    %swap3A_184 = arith.index_cast %swap3A_183 : i32 to index
    %swap3A_185 = arith.constant 0 : index
    %swap3A_186 = tpu.vector_load %arg9[%swap3A_184, %swap3A_185] {strides = array<i32>} : memref<32x16xf32, #tpu.memory_space<vmem>>, vector<16xf32>,
    tpu.vector_store %arg9[%swap3A_184, %swap3A_185], %broadcast_in_dim3A_182 {strides = array<i32>} : memref<32x16xf32, #tpu.memory_space<vmem>>, vector<16xf32>,
    %broadcast_in_dim3A_187 = arith.constant 0.000000e+00 : f32
    %broadcast_in_dim3A_188 = vector.broadcast %broadcast_in_dim3A_187 : f32 to vector<16xf32>
    %swap3A_189 = arith.constant 31 : i32
    %swap3A_190 = arith.index_cast %swap3A_189 : i32 to index
    %swap3A_191 = arith.constant 0 : index
    %swap3A_192 = tpu.vector_load %arg9[%swap3A_190, %swap3A_191] {strides = array<i32>} : memref<32x16xf32, #tpu.memory_space<vmem>>, vector<16xf32>,
    tpu.vector_store %arg9[%swap3A_190, %swap3A_191], %broadcast_in_dim3A_188 {strides = array<i32>} : memref<32x16xf32, #tpu.memory_space<vmem>>, vector<16xf32>,
    %dma_start3A = arith.constant 0 : i32
    %dma_start3A_193 = arith.constant 0 : i32
    %dma_start3A_194 = arith.constant 0 : i32
    %dma_start3A_195 = arith.constant 0 : i32
    %dma_start3A_196 = arith.constant 0 : i32
    %dma_start3A_197 = tpu.memref_slice %arg6[%dma_start3A, %dma_start3A_194, %dma_start3A_195, %dma_start3A_196] : memref<2x2x16x512xf32, #tpu.memory_space<vmem>> -> memref<1x2x16x512xf32, #tpu.memory_space<vmem>>
    %dma_start3A_198 = tpu.memref_squeeze %dma_start3A_197 : memref<1x2x16x512xf32, #tpu.memory_space<vmem>> -> memref<2x16x512xf32, #tpu.memory_space<vmem>>
    %dma_start3A_199 = arith.constant 0 : i32
    %dma_start3A_200 = arith.constant 0 : i32
    %dma_start3A_201 = tpu.memref_slice %arg2[%dma_start3A_199, %mul3A_2, %dma_start3A_200] : memref<16x512x512xf32, #tpu.memory_space<hbm>> -> memref<2x16x512xf32, #tpu.memory_space<hbm>>
    %dma_start3A_202 = tpu.memref_slice %arg10[%dma_start3A_193] : memref<2x!tpu.dma_semaphore, #tpu.memory_space<semaphore_mem>> -> memref<1x!tpu.dma_semaphore, #tpu.memory_space<semaphore_mem>>
    %dma_start3A_203 = tpu.memref_squeeze %dma_start3A_202 : memref<1x!tpu.dma_semaphore, #tpu.memory_space<semaphore_mem>> -> memref<!tpu.dma_semaphore, #tpu.memory_space<semaphore_mem>>
    %dma_start3A_204 = arith.constant 0 : i32
    %dma_start3A_205 = arith.constant 0 : i32
    %dma_start3A_206 = arith.constant 0 : i32
    %dma_start3A_207 = tpu.memref_slice %arg6[%dma_start3A, %dma_start3A_204, %dma_start3A_205, %dma_start3A_206] : memref<2x2x16x512xf32, #tpu.memory_space<vmem>> -> memref<1x2x16x512xf32, #tpu.memory_space<vmem>>
    %dma_start3A_208 = tpu.memref_squeeze %dma_start3A_207 : memref<1x2x16x512xf32, #tpu.memory_space<vmem>> -> memref<2x16x512xf32, #tpu.memory_space<vmem>>
    %dma_start3A_209 = arith.constant 0 : i32
    %dma_start3A_210 = arith.constant 0 : i32
    %dma_start3A_211 = tpu.memref_slice %arg2[%dma_start3A_209, %mul3A_2, %dma_start3A_210] : memref<16x512x512xf32, #tpu.memory_space<hbm>> -> memref<2x16x512xf32, #tpu.memory_space<hbm>>
    tpu.enqueue_dma source(%dma_start3A_211 : memref<2x16x512xf32, #tpu.memory_space<hbm>>) target(%dma_start3A_208 : memref<2x16x512xf32, #tpu.memory_space<vmem>>) target_semaphore(%dma_start3A_203 : memref<!tpu.dma_semaphore, #tpu.memory_space<semaphore_mem>>)
    %dma_start3A_212 = arith.constant 0 : i32
    %dma_start3A_213 = arith.constant 0 : i32
    %dma_start3A_214 = arith.constant 0 : i32
    %dma_start3A_215 = arith.constant 0 : i32
    %dma_start3A_216 = arith.constant 0 : i32
    %dma_start3A_217 = tpu.memref_slice %arg7[%dma_start3A_212, %dma_start3A_214, %dma_start3A_215, %dma_start3A_216] : memref<2x2x16x512xf32, #tpu.memory_space<vmem>> -> memref<1x2x16x512xf32, #tpu.memory_space<vmem>>
    %dma_start3A_218 = tpu.memref_squeeze %dma_start3A_217 : memref<1x2x16x512xf32, #tpu.memory_space<vmem>> -> memref<2x16x512xf32, #tpu.memory_space<vmem>>
    %dma_start3A_219 = arith.constant 0 : i32
    %dma_start3A_220 = arith.constant 0 : i32
    %dma_start3A_221 = tpu.memref_slice %arg3[%dma_start3A_219, %mul3A_2, %dma_start3A_220] : memref<16x512x512xf32, #tpu.memory_space<hbm>> -> memref<2x16x512xf32, #tpu.memory_space<hbm>>
    %dma_start3A_222 = tpu.memref_slice %arg10[%dma_start3A_213] : memref<2x!tpu.dma_semaphore, #tpu.memory_space<semaphore_mem>> -> memref<1x!tpu.dma_semaphore, #tpu.memory_space<semaphore_mem>>
    %dma_start3A_223 = tpu.memref_squeeze %dma_start3A_222 : memref<1x!tpu.dma_semaphore, #tpu.memory_space<semaphore_mem>> -> memref<!tpu.dma_semaphore, #tpu.memory_space<semaphore_mem>>
    %dma_start3A_224 = arith.constant 0 : i32
    %dma_start3A_225 = arith.constant 0 : i32
    %dma_start3A_226 = arith.constant 0 : i32
    %dma_start3A_227 = tpu.memref_slice %arg7[%dma_start3A_212, %dma_start3A_224, %dma_start3A_225, %dma_start3A_226] : memref<2x2x16x512xf32, #tpu.memory_space<vmem>> -> memref<1x2x16x512xf32, #tpu.memory_space<vmem>>
    %dma_start3A_228 = tpu.memref_squeeze %dma_start3A_227 : memref<1x2x16x512xf32, #tpu.memory_space<vmem>> -> memref<2x16x512xf32, #tpu.memory_space<vmem>>
    %dma_start3A_229 = arith.constant 0 : i32
    %dma_start3A_230 = arith.constant 0 : i32
    %dma_start3A_231 = tpu.memref_slice %arg3[%dma_start3A_229, %mul3A_2, %dma_start3A_230] : memref<16x512x512xf32, #tpu.memory_space<hbm>> -> memref<2x16x512xf32, #tpu.memory_space<hbm>>
    tpu.enqueue_dma source(%dma_start3A_231 : memref<2x16x512xf32, #tpu.memory_space<hbm>>) target(%dma_start3A_228 : memref<2x16x512xf32, #tpu.memory_space<vmem>>) target_semaphore(%dma_start3A_223 : memref<!tpu.dma_semaphore, #tpu.memory_space<semaphore_mem>>)
    %dma_start3A_232 = arith.constant 0 : i32
    %dma_start3A_233 = arith.constant 0 : i32
    %dma_start3A_234 = arith.constant 0 : i32
    %dma_start3A_235 = arith.constant 0 : i32
    %dma_start3A_236 = arith.constant 0 : i32
    %dma_start3A_237 = tpu.memref_slice %arg8[%dma_start3A_232, %dma_start3A_234, %dma_start3A_235, %dma_start3A_236] : memref<2x2x16x512xi32, #tpu.memory_space<vmem>> -> memref<1x2x16x512xi32, #tpu.memory_space<vmem>>
    %dma_start3A_238 = tpu.memref_squeeze %dma_start3A_237 : memref<1x2x16x512xi32, #tpu.memory_space<vmem>> -> memref<2x16x512xi32, #tpu.memory_space<vmem>>
    %dma_start3A_239 = arith.constant 0 : i32
    %dma_start3A_240 = arith.constant 0 : i32
    %dma_start3A_241 = tpu.memref_slice %arg4[%dma_start3A_239, %mul3A_2, %dma_start3A_240] : memref<16x512x512xi32, #tpu.memory_space<hbm>> -> memref<2x16x512xi32, #tpu.memory_space<hbm>>
    %dma_start3A_242 = tpu.memref_slice %arg10[%dma_start3A_233] : memref<2x!tpu.dma_semaphore, #tpu.memory_space<semaphore_mem>> -> memref<1x!tpu.dma_semaphore, #tpu.memory_space<semaphore_mem>>
    %dma_start3A_243 = tpu.memref_squeeze %dma_start3A_242 : memref<1x!tpu.dma_semaphore, #tpu.memory_space<semaphore_mem>> -> memref<!tpu.dma_semaphore, #tpu.memory_space<semaphore_mem>>
    %dma_start3A_244 = arith.constant 0 : i32
    %dma_start3A_245 = arith.constant 0 : i32
    %dma_start3A_246 = arith.constant 0 : i32
    %dma_start3A_247 = tpu.memref_slice %arg8[%dma_start3A_232, %dma_start3A_244, %dma_start3A_245, %dma_start3A_246] : memref<2x2x16x512xi32, #tpu.memory_space<vmem>> -> memref<1x2x16x512xi32, #tpu.memory_space<vmem>>
    %dma_start3A_248 = tpu.memref_squeeze %dma_start3A_247 : memref<1x2x16x512xi32, #tpu.memory_space<vmem>> -> memref<2x16x512xi32, #tpu.memory_space<vmem>>
    %dma_start3A_249 = arith.constant 0 : i32
    %dma_start3A_250 = arith.constant 0 : i32
    %dma_start3A_251 = tpu.memref_slice %arg4[%dma_start3A_249, %mul3A_2, %dma_start3A_250] : memref<16x512x512xi32, #tpu.memory_space<hbm>> -> memref<2x16x512xi32, #tpu.memory_space<hbm>>
    tpu.enqueue_dma source(%dma_start3A_251 : memref<2x16x512xi32, #tpu.memory_space<hbm>>) target(%dma_start3A_248 : memref<2x16x512xi32, #tpu.memory_space<vmem>>) target_semaphore(%dma_start3A_243 : memref<!tpu.dma_semaphore, #tpu.memory_space<semaphore_mem>>)
    %dma_start3A_252 = arith.constant 1 : i32
    %dma_start3A_253 = arith.constant 1 : i32
    %dma_start3A_254 = arith.constant 0 : i32
    %dma_start3A_255 = arith.constant 0 : i32
    %dma_start3A_256 = arith.constant 0 : i32
    %dma_start3A_257 = tpu.memref_slice %arg6[%dma_start3A_252, %dma_start3A_254, %dma_start3A_255, %dma_start3A_256] : memref<2x2x16x512xf32, #tpu.memory_space<vmem>> -> memref<1x2x16x512xf32, #tpu.memory_space<vmem>>
    %dma_start3A_258 = tpu.memref_squeeze %dma_start3A_257 : memref<1x2x16x512xf32, #tpu.memory_space<vmem>> -> memref<2x16x512xf32, #tpu.memory_space<vmem>>
    %dma_start3A_259 = arith.constant 2 : i32
    %dma_start3A_260 = arith.constant 0 : i32
    %dma_start3A_261 = tpu.memref_slice %arg2[%dma_start3A_259, %mul3A_2, %dma_start3A_260] : memref<16x512x512xf32, #tpu.memory_space<hbm>> -> memref<2x16x512xf32, #tpu.memory_space<hbm>>
    %dma_start3A_262 = tpu.memref_slice %arg10[%dma_start3A_253] : memref<2x!tpu.dma_semaphore, #tpu.memory_space<semaphore_mem>> -> memref<1x!tpu.dma_semaphore, #tpu.memory_space<semaphore_mem>>
    %dma_start3A_263 = tpu.memref_squeeze %dma_start3A_262 : memref<1x!tpu.dma_semaphore, #tpu.memory_space<semaphore_mem>> -> memref<!tpu.dma_semaphore, #tpu.memory_space<semaphore_mem>>
    %dma_start3A_264 = arith.constant 0 : i32
    %dma_start3A_265 = arith.constant 0 : i32
    %dma_start3A_266 = arith.constant 0 : i32
    %dma_start3A_267 = tpu.memref_slice %arg6[%dma_start3A_252, %dma_start3A_264, %dma_start3A_265, %dma_start3A_266] : memref<2x2x16x512xf32, #tpu.memory_space<vmem>> -> memref<1x2x16x512xf32, #tpu.memory_space<vmem>>
    %dma_start3A_268 = tpu.memref_squeeze %dma_start3A_267 : memref<1x2x16x512xf32, #tpu.memory_space<vmem>> -> memref<2x16x512xf32, #tpu.memory_space<vmem>>
    %dma_start3A_269 = arith.constant 2 : i32
    %dma_start3A_270 = arith.constant 0 : i32
    %dma_start3A_271 = tpu.memref_slice %arg2[%dma_start3A_269, %mul3A_2, %dma_start3A_270] : memref<16x512x512xf32, #tpu.memory_space<hbm>> -> memref<2x16x512xf32, #tpu.memory_space<hbm>>
    tpu.enqueue_dma source(%dma_start3A_271 : memref<2x16x512xf32, #tpu.memory_space<hbm>>) target(%dma_start3A_268 : memref<2x16x512xf32, #tpu.memory_space<vmem>>) target_semaphore(%dma_start3A_263 : memref<!tpu.dma_semaphore, #tpu.memory_space<semaphore_mem>>)
    %dma_start3A_272 = arith.constant 1 : i32
    %dma_start3A_273 = arith.constant 1 : i32
    %dma_start3A_274 = arith.constant 0 : i32
    %dma_start3A_275 = arith.constant 0 : i32
    %dma_start3A_276 = arith.constant 0 : i32
    %dma_start3A_277 = tpu.memref_slice %arg7[%dma_start3A_272, %dma_start3A_274, %dma_start3A_275, %dma_start3A_276] : memref<2x2x16x512xf32, #tpu.memory_space<vmem>> -> memref<1x2x16x512xf32, #tpu.memory_space<vmem>>
    %dma_start3A_278 = tpu.memref_squeeze %dma_start3A_277 : memref<1x2x16x512xf32, #tpu.memory_space<vmem>> -> memref<2x16x512xf32, #tpu.memory_space<vmem>>
    %dma_start3A_279 = arith.constant 2 : i32
    %dma_start3A_280 = arith.constant 0 : i32
    %dma_start3A_281 = tpu.memref_slice %arg3[%dma_start3A_279, %mul3A_2, %dma_start3A_280] : memref<16x512x512xf32, #tpu.memory_space<hbm>> -> memref<2x16x512xf32, #tpu.memory_space<hbm>>
    %dma_start3A_282 = tpu.memref_slice %arg10[%dma_start3A_273] : memref<2x!tpu.dma_semaphore, #tpu.memory_space<semaphore_mem>> -> memref<1x!tpu.dma_semaphore, #tpu.memory_space<semaphore_mem>>
    %dma_start3A_283 = tpu.memref_squeeze %dma_start3A_282 : memref<1x!tpu.dma_semaphore, #tpu.memory_space<semaphore_mem>> -> memref<!tpu.dma_semaphore, #tpu.memory_space<semaphore_mem>>
    %dma_start3A_284 = arith.constant 0 : i32
    %dma_start3A_285 = arith.constant 0 : i32
    %dma_start3A_286 = arith.constant 0 : i32
    %dma_start3A_287 = tpu.memref_slice %arg7[%dma_start3A_272, %dma_start3A_284, %dma_start3A_285, %dma_start3A_286] : memref<2x2x16x512xf32, #tpu.memory_space<vmem>> -> memref<1x2x16x512xf32, #tpu.memory_space<vmem>>
    %dma_start3A_288 = tpu.memref_squeeze %dma_start3A_287 : memref<1x2x16x512xf32, #tpu.memory_space<vmem>> -> memref<2x16x512xf32, #tpu.memory_space<vmem>>
    %dma_start3A_289 = arith.constant 2 : i32
    %dma_start3A_290 = arith.constant 0 : i32
    %dma_start3A_291 = tpu.memref_slice %arg3[%dma_start3A_289, %mul3A_2, %dma_start3A_290] : memref<16x512x512xf32, #tpu.memory_space<hbm>> -> memref<2x16x512xf32, #tpu.memory_space<hbm>>
    tpu.enqueue_dma source(%dma_start3A_291 : memref<2x16x512xf32, #tpu.memory_space<hbm>>) target(%dma_start3A_288 : memref<2x16x512xf32, #tpu.memory_space<vmem>>) target_semaphore(%dma_start3A_283 : memref<!tpu.dma_semaphore, #tpu.memory_space<semaphore_mem>>)
    %dma_start3A_292 = arith.constant 1 : i32
    %dma_start3A_293 = arith.constant 1 : i32
    %dma_start3A_294 = arith.constant 0 : i32
    %dma_start3A_295 = arith.constant 0 : i32
    %dma_start3A_296 = arith.constant 0 : i32
    %dma_start3A_297 = tpu.memref_slice %arg8[%dma_start3A_292, %dma_start3A_294, %dma_start3A_295, %dma_start3A_296] : memref<2x2x16x512xi32, #tpu.memory_space<vmem>> -> memref<1x2x16x512xi32, #tpu.memory_space<vmem>>
    %dma_start3A_298 = tpu.memref_squeeze %dma_start3A_297 : memref<1x2x16x512xi32, #tpu.memory_space<vmem>> -> memref<2x16x512xi32, #tpu.memory_space<vmem>>
    %dma_start3A_299 = arith.constant 2 : i32
    %dma_start3A_300 = arith.constant 0 : i32
    %dma_start3A_301 = tpu.memref_slice %arg4[%dma_start3A_299, %mul3A_2, %dma_start3A_300] : memref<16x512x512xi32, #tpu.memory_space<hbm>> -> memref<2x16x512xi32, #tpu.memory_space<hbm>>
    %dma_start3A_302 = tpu.memref_slice %arg10[%dma_start3A_293] : memref<2x!tpu.dma_semaphore, #tpu.memory_space<semaphore_mem>> -> memref<1x!tpu.dma_semaphore, #tpu.memory_space<semaphore_mem>>
    %dma_start3A_303 = tpu.memref_squeeze %dma_start3A_302 : memref<1x!tpu.dma_semaphore, #tpu.memory_space<semaphore_mem>> -> memref<!tpu.dma_semaphore, #tpu.memory_space<semaphore_mem>>
    %dma_start3A_304 = arith.constant 0 : i32
    %dma_start3A_305 = arith.constant 0 : i32
    %dma_start3A_306 = arith.constant 0 : i32
    %dma_start3A_307 = tpu.memref_slice %arg8[%dma_start3A_292, %dma_start3A_304, %dma_start3A_305, %dma_start3A_306] : memref<2x2x16x512xi32, #tpu.memory_space<vmem>> -> memref<1x2x16x512xi32, #tpu.memory_space<vmem>>
    %dma_start3A_308 = tpu.memref_squeeze %dma_start3A_307 : memref<1x2x16x512xi32, #tpu.memory_space<vmem>> -> memref<2x16x512xi32, #tpu.memory_space<vmem>>
    %dma_start3A_309 = arith.constant 2 : i32
    %dma_start3A_310 = arith.constant 0 : i32
    %dma_start3A_311 = tpu.memref_slice %arg4[%dma_start3A_309, %mul3A_2, %dma_start3A_310] : memref<16x512x512xi32, #tpu.memory_space<hbm>> -> memref<2x16x512xi32, #tpu.memory_space<hbm>>
    tpu.enqueue_dma source(%dma_start3A_311 : memref<2x16x512xi32, #tpu.memory_space<hbm>>) target(%dma_start3A_308 : memref<2x16x512xi32, #tpu.memory_space<vmem>>) target_semaphore(%dma_start3A_303 : memref<!tpu.dma_semaphore, #tpu.memory_space<semaphore_mem>>)
    %dma_wait3A = arith.constant 0 : i32
    %dma_wait3A_312 = arith.constant 0 : i32
    %dma_wait3A_313 = arith.constant 0 : i32
    %dma_wait3A_314 = arith.constant 0 : i32
    %dma_wait3A_315 = arith.constant 0 : i32
    %dma_wait3A_316 = tpu.memref_slice %arg6[%dma_wait3A, %dma_wait3A_313, %dma_wait3A_314, %dma_wait3A_315] : memref<2x2x16x512xf32, #tpu.memory_space<vmem>> -> memref<1x2x16x512xf32, #tpu.memory_space<vmem>>
    %dma_wait3A_317 = tpu.memref_squeeze %dma_wait3A_316 : memref<1x2x16x512xf32, #tpu.memory_space<vmem>> -> memref<2x16x512xf32, #tpu.memory_space<vmem>>
    %dma_wait3A_318 = arith.constant 0 : i32
    %dma_wait3A_319 = arith.constant 0 : i32
    %dma_wait3A_320 = tpu.memref_slice %arg2[%dma_wait3A_318, %mul3A_2, %dma_wait3A_319] : memref<16x512x512xf32, #tpu.memory_space<hbm>> -> memref<2x16x512xf32, #tpu.memory_space<hbm>>
    %dma_wait3A_321 = tpu.memref_slice %arg10[%dma_wait3A_312] : memref<2x!tpu.dma_semaphore, #tpu.memory_space<semaphore_mem>> -> memref<1x!tpu.dma_semaphore, #tpu.memory_space<semaphore_mem>>
    %dma_wait3A_322 = tpu.memref_squeeze %dma_wait3A_321 : memref<1x!tpu.dma_semaphore, #tpu.memory_space<semaphore_mem>> -> memref<!tpu.dma_semaphore, #tpu.memory_space<semaphore_mem>>
    %dma_wait3A_323 = arith.constant 0 : i32
    %dma_wait3A_324 = arith.constant 0 : i32
    %dma_wait3A_325 = arith.constant 0 : i32
    %dma_wait3A_326 = tpu.memref_slice %arg6[%dma_wait3A, %dma_wait3A_323, %dma_wait3A_324, %dma_wait3A_325] : memref<2x2x16x512xf32, #tpu.memory_space<vmem>> -> memref<1x2x16x512xf32, #tpu.memory_space<vmem>>
    %dma_wait3A_327 = tpu.memref_squeeze %dma_wait3A_326 : memref<1x2x16x512xf32, #tpu.memory_space<vmem>> -> memref<2x16x512xf32, #tpu.memory_space<vmem>>
    %dma_wait3A_328 = arith.constant 0 : i32
    %dma_wait3A_329 = arith.constant 0 : i32
    %dma_wait3A_330 = tpu.memref_slice %arg2[%dma_wait3A_328, %mul3A_2, %dma_wait3A_329] : memref<16x512x512xf32, #tpu.memory_space<hbm>> -> memref<2x16x512xf32, #tpu.memory_space<hbm>>
    tpu.wait_dma2 semaphore(%dma_wait3A_322 : memref<!tpu.dma_semaphore, #tpu.memory_space<semaphore_mem>>) src(%dma_wait3A_330 : memref<2x16x512xf32, #tpu.memory_space<hbm>>) dst(%dma_wait3A_327 : memref<2x16x512xf32, #tpu.memory_space<vmem>>)
    %dma_wait3A_331 = arith.constant 0 : i32
    %dma_wait3A_332 = arith.constant 0 : i32
    %dma_wait3A_333 = arith.constant 0 : i32
    %dma_wait3A_334 = arith.constant 0 : i32
    %dma_wait3A_335 = arith.constant 0 : i32
    %dma_wait3A_336 = tpu.memref_slice %arg7[%dma_wait3A_331, %dma_wait3A_333, %dma_wait3A_334, %dma_wait3A_335] : memref<2x2x16x512xf32, #tpu.memory_space<vmem>> -> memref<1x2x16x512xf32, #tpu.memory_space<vmem>>
    %dma_wait3A_337 = tpu.memref_squeeze %dma_wait3A_336 : memref<1x2x16x512xf32, #tpu.memory_space<vmem>> -> memref<2x16x512xf32, #tpu.memory_space<vmem>>
    %dma_wait3A_338 = arith.constant 0 : i32
    %dma_wait3A_339 = arith.constant 0 : i32
    %dma_wait3A_340 = tpu.memref_slice %arg3[%dma_wait3A_338, %mul3A_2, %dma_wait3A_339] : memref<16x512x512xf32, #tpu.memory_space<hbm>> -> memref<2x16x512xf32, #tpu.memory_space<hbm>>
    %dma_wait3A_341 = tpu.memref_slice %arg10[%dma_wait3A_332] : memref<2x!tpu.dma_semaphore, #tpu.memory_space<semaphore_mem>> -> memref<1x!tpu.dma_semaphore, #tpu.memory_space<semaphore_mem>>
    %dma_wait3A_342 = tpu.memref_squeeze %dma_wait3A_341 : memref<1x!tpu.dma_semaphore, #tpu.memory_space<semaphore_mem>> -> memref<!tpu.dma_semaphore, #tpu.memory_space<semaphore_mem>>
    %dma_wait3A_343 = arith.constant 0 : i32
    %dma_wait3A_344 = arith.constant 0 : i32
    %dma_wait3A_345 = arith.constant 0 : i32
    %dma_wait3A_346 = tpu.memref_slice %arg7[%dma_wait3A_331, %dma_wait3A_343, %dma_wait3A_344, %dma_wait3A_345] : memref<2x2x16x512xf32, #tpu.memory_space<vmem>> -> memref<1x2x16x512xf32, #tpu.memory_space<vmem>>
    %dma_wait3A_347 = tpu.memref_squeeze %dma_wait3A_346 : memref<1x2x16x512xf32, #tpu.memory_space<vmem>> -> memref<2x16x512xf32, #tpu.memory_space<vmem>>
    %dma_wait3A_348 = arith.constant 0 : i32
    %dma_wait3A_349 = arith.constant 0 : i32
    %dma_wait3A_350 = tpu.memref_slice %arg3[%dma_wait3A_348, %mul3A_2, %dma_wait3A_349] : memref<16x512x512xf32, #tpu.memory_space<hbm>> -> memref<2x16x512xf32, #tpu.memory_space<hbm>>
    tpu.wait_dma2 semaphore(%dma_wait3A_342 : memref<!tpu.dma_semaphore, #tpu.memory_space<semaphore_mem>>) src(%dma_wait3A_350 : memref<2x16x512xf32, #tpu.memory_space<hbm>>) dst(%dma_wait3A_347 : memref<2x16x512xf32, #tpu.memory_space<vmem>>)
    %dma_wait3A_351 = arith.constant 0 : i32
    %dma_wait3A_352 = arith.constant 0 : i32
    %dma_wait3A_353 = arith.constant 0 : i32
    %dma_wait3A_354 = arith.constant 0 : i32
    %dma_wait3A_355 = arith.constant 0 : i32
    %dma_wait3A_356 = tpu.memref_slice %arg8[%dma_wait3A_351, %dma_wait3A_353, %dma_wait3A_354, %dma_wait3A_355] : memref<2x2x16x512xi32, #tpu.memory_space<vmem>> -> memref<1x2x16x512xi32, #tpu.memory_space<vmem>>
    %dma_wait3A_357 = tpu.memref_squeeze %dma_wait3A_356 : memref<1x2x16x512xi32, #tpu.memory_space<vmem>> -> memref<2x16x512xi32, #tpu.memory_space<vmem>>
    %dma_wait3A_358 = arith.constant 0 : i32
    %dma_wait3A_359 = arith.constant 0 : i32
    %dma_wait3A_360 = tpu.memref_slice %arg4[%dma_wait3A_358, %mul3A_2, %dma_wait3A_359] : memref<16x512x512xi32, #tpu.memory_space<hbm>> -> memref<2x16x512xi32, #tpu.memory_space<hbm>>
    %dma_wait3A_361 = tpu.memref_slice %arg10[%dma_wait3A_352] : memref<2x!tpu.dma_semaphore, #tpu.memory_space<semaphore_mem>> -> memref<1x!tpu.dma_semaphore, #tpu.memory_space<semaphore_mem>>
    %dma_wait3A_362 = tpu.memref_squeeze %dma_wait3A_361 : memref<1x!tpu.dma_semaphore, #tpu.memory_space<semaphore_mem>> -> memref<!tpu.dma_semaphore, #tpu.memory_space<semaphore_mem>>
    %dma_wait3A_363 = arith.constant 0 : i32
    %dma_wait3A_364 = arith.constant 0 : i32
    %dma_wait3A_365 = arith.constant 0 : i32
    %dma_wait3A_366 = tpu.memref_slice %arg8[%dma_wait3A_351, %dma_wait3A_363, %dma_wait3A_364, %dma_wait3A_365] : memref<2x2x16x512xi32, #tpu.memory_space<vmem>> -> memref<1x2x16x512xi32, #tpu.memory_space<vmem>>
    %dma_wait3A_367 = tpu.memref_squeeze %dma_wait3A_366 : memref<1x2x16x512xi32, #tpu.memory_space<vmem>> -> memref<2x16x512xi32, #tpu.memory_space<vmem>>
    %dma_wait3A_368 = arith.constant 0 : i32
    %dma_wait3A_369 = arith.constant 0 : i32
    %dma_wait3A_370 = tpu.memref_slice %arg4[%dma_wait3A_368, %mul3A_2, %dma_wait3A_369] : memref<16x512x512xi32, #tpu.memory_space<hbm>> -> memref<2x16x512xi32, #tpu.memory_space<hbm>>
    tpu.wait_dma2 semaphore(%dma_wait3A_362 : memref<!tpu.dma_semaphore, #tpu.memory_space<semaphore_mem>>) src(%dma_wait3A_370 : memref<2x16x512xi32, #tpu.memory_space<hbm>>) dst(%dma_wait3A_367 : memref<2x16x512xi32, #tpu.memory_space<vmem>>)
    %parallel_loop3A = arith.constant 0 : i32
    %parallel_loop3A_371 = arith.constant 1024 : i32
    %parallel_loop3A_372 = arith.constant 1 : i32
    scf.for %parallel_loop3A_1174 = %parallel_loop3A to %parallel_loop3A_371 step %parallel_loop3A_372  : i32 {
      %parallel_loop3A_1175 = tpu.iota {dimensions = array<i32: 0>} : vector<16xi32>
      %parallel_loop3A_1176 = arith.constant 1.000000e+00 : f32
      %parallel_loop3A_1177 = vector.broadcast %parallel_loop3A_1176 : f32 to vector<16xf32>
      %parallel_loop3A_1178 = arith.constant 0.000000e+00 : f32
      %parallel_loop3A_1179 = vector.broadcast %parallel_loop3A_1178 : f32 to vector<16xf32>
      %parallel_loop3A_1180 = arith.constant 8 : i32
      %parallel_loop3A_1181 = vector.broadcast %parallel_loop3A_1180 : i32 to vector<16xi32>
      %parallel_loop3A_1182 = arith.constant 24 : i32
      %parallel_loop3A_1183 = vector.broadcast %parallel_loop3A_1182 : i32 to vector<16xi32>
      %parallel_loop3A_1184 = arith.constant 9 : i32
      %parallel_loop3A_1185 = arith.shrui %parallel_loop3A_1174, %parallel_loop3A_1184 : i32
      %parallel_loop3A_1186 = arith.constant 5 : i32
      %parallel_loop3A_1187 = arith.shrui %parallel_loop3A_1174, %parallel_loop3A_1186 : i32
      %parallel_loop3A_1188 = arith.constant 15 : i32
      %parallel_loop3A_1189 = arith.andi %parallel_loop3A_1187, %parallel_loop3A_1188 : i32
      %parallel_loop3A_1190 = arith.constant 31 : i32
      %parallel_loop3A_1191 = arith.andi %parallel_loop3A_1174, %parallel_loop3A_1190 : i32
      %parallel_loop3A_1192 = arith.constant 16 : i32
      %parallel_loop3A_1193 = arith.muli %parallel_loop3A_1191, %parallel_loop3A_1192 : i32
      %parallel_loop3A_1194 = arith.constant 0 : i32
      %parallel_loop3A_1195 = arith.index_cast %parallel_loop3A_1194 : i32 to index
      %parallel_loop3A_1196 = arith.index_cast %parallel_loop3A_1185 : i32 to index
      %parallel_loop3A_1197 = arith.index_cast %parallel_loop3A_1189 : i32 to index
      %parallel_loop3A_1198 = arith.index_cast %parallel_loop3A_1193 : i32 to index
      %parallel_loop3A_1199 = tpu.vector_load %arg6[%parallel_loop3A_1195, %parallel_loop3A_1196, %parallel_loop3A_1197, %parallel_loop3A_1198] {strides = array<i32>} : memref<2x2x16x512xf32, #tpu.memory_space<vmem>>, vector<16xf32>,
      %parallel_loop3A_1200 = arith.constant 0 : i32
      %parallel_loop3A_1201 = arith.index_cast %parallel_loop3A_1200 : i32 to index
      %parallel_loop3A_1202 = arith.index_cast %parallel_loop3A_1185 : i32 to index
      %parallel_loop3A_1203 = arith.index_cast %parallel_loop3A_1189 : i32 to index
      %parallel_loop3A_1204 = arith.index_cast %parallel_loop3A_1193 : i32 to index
      %parallel_loop3A_1205 = tpu.vector_load %arg7[%parallel_loop3A_1201, %parallel_loop3A_1202, %parallel_loop3A_1203, %parallel_loop3A_1204] {strides = array<i32>} : memref<2x2x16x512xf32, #tpu.memory_space<vmem>>, vector<16xf32>,
      %parallel_loop3A_1206 = arith.constant 0 : i32
      %parallel_loop3A_1207 = arith.index_cast %parallel_loop3A_1206 : i32 to index
      %parallel_loop3A_1208 = arith.index_cast %parallel_loop3A_1185 : i32 to index
      %parallel_loop3A_1209 = arith.index_cast %parallel_loop3A_1189 : i32 to index
      %parallel_loop3A_1210 = arith.index_cast %parallel_loop3A_1193 : i32 to index
      %parallel_loop3A_1211 = tpu.vector_load %arg8[%parallel_loop3A_1207, %parallel_loop3A_1208, %parallel_loop3A_1209, %parallel_loop3A_1210] {strides = array<i32>} : memref<2x2x16x512xi32, #tpu.memory_space<vmem>>, vector<16xi32>,
      %parallel_loop3A_1212 = arith.subf %parallel_loop3A_1199, %parallel_loop3A_1205 : vector<16xf32>
      %parallel_loop3A_1213 = arith.cmpf olt, %parallel_loop3A_1212, %parallel_loop3A_1179 : vector<16xf32>
      %parallel_loop3A_1214 = arith.extui %parallel_loop3A_1213 : vector<16xi1> to vector<16xi32>
      %parallel_loop3A_1215 = arith.constant 4 : i32
      %parallel_loop3A_1216 = vector.broadcast %parallel_loop3A_1215 : i32 to vector<16xi32>
      %parallel_loop3A_1217 = arith.muli %parallel_loop3A_1211, %parallel_loop3A_1216 : vector<16xi32>
      %parallel_loop3A_1218 = arith.constant 1 : i32
      %parallel_loop3A_1219 = vector.broadcast %parallel_loop3A_1218 : i32 to vector<16xi32>
      %parallel_loop3A_1220 = arith.constant 3 : i32
      %parallel_loop3A_1221 = vector.broadcast %parallel_loop3A_1220 : i32 to vector<16xi32>
      %parallel_loop3A_1222 = arith.mulf %parallel_loop3A_1212, %parallel_loop3A_1212 : vector<16xf32>
      tpu.vector_store_idx %arg9[%parallel_loop3A_1217, %parallel_loop3A_1175], %parallel_loop3A_1222 {add = true} : memref<32x16xf32, #tpu.memory_space<vmem>>[vector<16xi32>, vector<16xi32>], vector<16xf32>,
      %parallel_loop3A_1223 = arith.addi %parallel_loop3A_1217, %parallel_loop3A_1219 : vector<16xi32>
      %parallel_loop3A_1224 = arith.addi %parallel_loop3A_1223, %parallel_loop3A_1214 : vector<16xi32>
      tpu.vector_store_idx %arg9[%parallel_loop3A_1224, %parallel_loop3A_1175], %parallel_loop3A_1212 {add = true} : memref<32x16xf32, #tpu.memory_space<vmem>>[vector<16xi32>, vector<16xi32>], vector<16xf32>,
    } {sc.loop_unroll_factor = 32 : i64, sc.parallel_access}
    %dma_start3A_373 = arith.constant 0 : i32
    %dma_start3A_374 = arith.constant 0 : i32
    %dma_start3A_375 = arith.constant 0 : i32
    %dma_start3A_376 = arith.constant 0 : i32
    %dma_start3A_377 = arith.constant 0 : i32
    %dma_start3A_378 = tpu.memref_slice %arg6[%dma_start3A_373, %dma_start3A_375, %dma_start3A_376, %dma_start3A_377] : memref<2x2x16x512xf32, #tpu.memory_space<vmem>> -> memref<1x2x16x512xf32, #tpu.memory_space<vmem>>
    %dma_start3A_379 = tpu.memref_squeeze %dma_start3A_378 : memref<1x2x16x512xf32, #tpu.memory_space<vmem>> -> memref<2x16x512xf32, #tpu.memory_space<vmem>>
    %dma_start3A_380 = arith.constant 4 : i32
    %dma_start3A_381 = arith.constant 0 : i32
    %dma_start3A_382 = tpu.memref_slice %arg2[%dma_start3A_380, %mul3A_2, %dma_start3A_381] : memref<16x512x512xf32, #tpu.memory_space<hbm>> -> memref<2x16x512xf32, #tpu.memory_space<hbm>>
    %dma_start3A_383 = tpu.memref_slice %arg10[%dma_start3A_374] : memref<2x!tpu.dma_semaphore, #tpu.memory_space<semaphore_mem>> -> memref<1x!tpu.dma_semaphore, #tpu.memory_space<semaphore_mem>>
    %dma_start3A_384 = tpu.memref_squeeze %dma_start3A_383 : memref<1x!tpu.dma_semaphore, #tpu.memory_space<semaphore_mem>> -> memref<!tpu.dma_semaphore, #tpu.memory_space<semaphore_mem>>
    %dma_start3A_385 = arith.constant 0 : i32
    %dma_start3A_386 = arith.constant 0 : i32
    %dma_start3A_387 = arith.constant 0 : i32
    %dma_start3A_388 = tpu.memref_slice %arg6[%dma_start3A_373, %dma_start3A_385, %dma_start3A_386, %dma_start3A_387] : memref<2x2x16x512xf32, #tpu.memory_space<vmem>> -> memref<1x2x16x512xf32, #tpu.memory_space<vmem>>
    %dma_start3A_389 = tpu.memref_squeeze %dma_start3A_388 : memref<1x2x16x512xf32, #tpu.memory_space<vmem>> -> memref<2x16x512xf32, #tpu.memory_space<vmem>>
    %dma_start3A_390 = arith.constant 4 : i32
    %dma_start3A_391 = arith.constant 0 : i32
    %dma_start3A_392 = tpu.memref_slice %arg2[%dma_start3A_390, %mul3A_2, %dma_start3A_391] : memref<16x512x512xf32, #tpu.memory_space<hbm>> -> memref<2x16x512xf32, #tpu.memory_space<hbm>>
    tpu.enqueue_dma source(%dma_start3A_392 : memref<2x16x512xf32, #tpu.memory_space<hbm>>) target(%dma_start3A_389 : memref<2x16x512xf32, #tpu.memory_space<vmem>>) target_semaphore(%dma_start3A_384 : memref<!tpu.dma_semaphore, #tpu.memory_space<semaphore_mem>>)
    %dma_start3A_393 = arith.constant 0 : i32
    %dma_start3A_394 = arith.constant 0 : i32
    %dma_start3A_395 = arith.constant 0 : i32
    %dma_start3A_396 = arith.constant 0 : i32
    %dma_start3A_397 = arith.constant 0 : i32
    %dma_start3A_398 = tpu.memref_slice %arg7[%dma_start3A_393, %dma_start3A_395, %dma_start3A_396, %dma_start3A_397] : memref<2x2x16x512xf32, #tpu.memory_space<vmem>> -> memref<1x2x16x512xf32, #tpu.memory_space<vmem>>
    %dma_start3A_399 = tpu.memref_squeeze %dma_start3A_398 : memref<1x2x16x512xf32, #tpu.memory_space<vmem>> -> memref<2x16x512xf32, #tpu.memory_space<vmem>>
    %dma_start3A_400 = arith.constant 4 : i32
    %dma_start3A_401 = arith.constant 0 : i32
    %dma_start3A_402 = tpu.memref_slice %arg3[%dma_start3A_400, %mul3A_2, %dma_start3A_401] : memref<16x512x512xf32, #tpu.memory_space<hbm>> -> memref<2x16x512xf32, #tpu.memory_space<hbm>>
    %dma_start3A_403 = tpu.memref_slice %arg10[%dma_start3A_394] : memref<2x!tpu.dma_semaphore, #tpu.memory_space<semaphore_mem>> -> memref<1x!tpu.dma_semaphore, #tpu.memory_space<semaphore_mem>>
    %dma_start3A_404 = tpu.memref_squeeze %dma_start3A_403 : memref<1x!tpu.dma_semaphore, #tpu.memory_space<semaphore_mem>> -> memref<!tpu.dma_semaphore, #tpu.memory_space<semaphore_mem>>
    %dma_start3A_405 = arith.constant 0 : i32
    %dma_start3A_406 = arith.constant 0 : i32
    %dma_start3A_407 = arith.constant 0 : i32
    %dma_start3A_408 = tpu.memref_slice %arg7[%dma_start3A_393, %dma_start3A_405, %dma_start3A_406, %dma_start3A_407] : memref<2x2x16x512xf32, #tpu.memory_space<vmem>> -> memref<1x2x16x512xf32, #tpu.memory_space<vmem>>
    %dma_start3A_409 = tpu.memref_squeeze %dma_start3A_408 : memref<1x2x16x512xf32, #tpu.memory_space<vmem>> -> memref<2x16x512xf32, #tpu.memory_space<vmem>>
    %dma_start3A_410 = arith.constant 4 : i32
    %dma_start3A_411 = arith.constant 0 : i32
    %dma_start3A_412 = tpu.memref_slice %arg3[%dma_start3A_410, %mul3A_2, %dma_start3A_411] : memref<16x512x512xf32, #tpu.memory_space<hbm>> -> memref<2x16x512xf32, #tpu.memory_space<hbm>>
    tpu.enqueue_dma source(%dma_start3A_412 : memref<2x16x512xf32, #tpu.memory_space<hbm>>) target(%dma_start3A_409 : memref<2x16x512xf32, #tpu.memory_space<vmem>>) target_semaphore(%dma_start3A_404 : memref<!tpu.dma_semaphore, #tpu.memory_space<semaphore_mem>>)
    %dma_start3A_413 = arith.constant 0 : i32
    %dma_start3A_414 = arith.constant 0 : i32
    %dma_start3A_415 = arith.constant 0 : i32
    %dma_start3A_416 = arith.constant 0 : i32
    %dma_start3A_417 = arith.constant 0 : i32
    %dma_start3A_418 = tpu.memref_slice %arg8[%dma_start3A_413, %dma_start3A_415, %dma_start3A_416, %dma_start3A_417] : memref<2x2x16x512xi32, #tpu.memory_space<vmem>> -> memref<1x2x16x512xi32, #tpu.memory_space<vmem>>
    %dma_start3A_419 = tpu.memref_squeeze %dma_start3A_418 : memref<1x2x16x512xi32, #tpu.memory_space<vmem>> -> memref<2x16x512xi32, #tpu.memory_space<vmem>>
    %dma_start3A_420 = arith.constant 4 : i32
    %dma_start3A_421 = arith.constant 0 : i32
    %dma_start3A_422 = tpu.memref_slice %arg4[%dma_start3A_420, %mul3A_2, %dma_start3A_421] : memref<16x512x512xi32, #tpu.memory_space<hbm>> -> memref<2x16x512xi32, #tpu.memory_space<hbm>>
    %dma_start3A_423 = tpu.memref_slice %arg10[%dma_start3A_414] : memref<2x!tpu.dma_semaphore, #tpu.memory_space<semaphore_mem>> -> memref<1x!tpu.dma_semaphore, #tpu.memory_space<semaphore_mem>>
    %dma_start3A_424 = tpu.memref_squeeze %dma_start3A_423 : memref<1x!tpu.dma_semaphore, #tpu.memory_space<semaphore_mem>> -> memref<!tpu.dma_semaphore, #tpu.memory_space<semaphore_mem>>
    %dma_start3A_425 = arith.constant 0 : i32
    %dma_start3A_426 = arith.constant 0 : i32
    %dma_start3A_427 = arith.constant 0 : i32
    %dma_start3A_428 = tpu.memref_slice %arg8[%dma_start3A_413, %dma_start3A_425, %dma_start3A_426, %dma_start3A_427] : memref<2x2x16x512xi32, #tpu.memory_space<vmem>> -> memref<1x2x16x512xi32, #tpu.memory_space<vmem>>
    %dma_start3A_429 = tpu.memref_squeeze %dma_start3A_428 : memref<1x2x16x512xi32, #tpu.memory_space<vmem>> -> memref<2x16x512xi32, #tpu.memory_space<vmem>>
    %dma_start3A_430 = arith.constant 4 : i32
    %dma_start3A_431 = arith.constant 0 : i32
    %dma_start3A_432 = tpu.memref_slice %arg4[%dma_start3A_430, %mul3A_2, %dma_start3A_431] : memref<16x512x512xi32, #tpu.memory_space<hbm>> -> memref<2x16x512xi32, #tpu.memory_space<hbm>>
    tpu.enqueue_dma source(%dma_start3A_432 : memref<2x16x512xi32, #tpu.memory_space<hbm>>) target(%dma_start3A_429 : memref<2x16x512xi32, #tpu.memory_space<vmem>>) target_semaphore(%dma_start3A_424 : memref<!tpu.dma_semaphore, #tpu.memory_space<semaphore_mem>>)
    %dma_wait3A_433 = arith.constant 1 : i32
    %dma_wait3A_434 = arith.constant 1 : i32
    %dma_wait3A_435 = arith.constant 0 : i32
    %dma_wait3A_436 = arith.constant 0 : i32
    %dma_wait3A_437 = arith.constant 0 : i32
    %dma_wait3A_438 = tpu.memref_slice %arg6[%dma_wait3A_433, %dma_wait3A_435, %dma_wait3A_436, %dma_wait3A_437] : memref<2x2x16x512xf32, #tpu.memory_space<vmem>> -> memref<1x2x16x512xf32, #tpu.memory_space<vmem>>
    %dma_wait3A_439 = tpu.memref_squeeze %dma_wait3A_438 : memref<1x2x16x512xf32, #tpu.memory_space<vmem>> -> memref<2x16x512xf32, #tpu.memory_space<vmem>>
    %dma_wait3A_440 = arith.constant 2 : i32
    %dma_wait3A_441 = arith.constant 0 : i32
    %dma_wait3A_442 = tpu.memref_slice %arg2[%dma_wait3A_440, %mul3A_2, %dma_wait3A_441] : memref<16x512x512xf32, #tpu.memory_space<hbm>> -> memref<2x16x512xf32, #tpu.memory_space<hbm>>
    %dma_wait3A_443 = tpu.memref_slice %arg10[%dma_wait3A_434] : memref<2x!tpu.dma_semaphore, #tpu.memory_space<semaphore_mem>> -> memref<1x!tpu.dma_semaphore, #tpu.memory_space<semaphore_mem>>
    %dma_wait3A_444 = tpu.memref_squeeze %dma_wait3A_443 : memref<1x!tpu.dma_semaphore, #tpu.memory_space<semaphore_mem>> -> memref<!tpu.dma_semaphore, #tpu.memory_space<semaphore_mem>>
    %dma_wait3A_445 = arith.constant 0 : i32
    %dma_wait3A_446 = arith.constant 0 : i32
    %dma_wait3A_447 = arith.constant 0 : i32
    %dma_wait3A_448 = tpu.memref_slice %arg6[%dma_wait3A_433, %dma_wait3A_445, %dma_wait3A_446, %dma_wait3A_447] : memref<2x2x16x512xf32, #tpu.memory_space<vmem>> -> memref<1x2x16x512xf32, #tpu.memory_space<vmem>>
    %dma_wait3A_449 = tpu.memref_squeeze %dma_wait3A_448 : memref<1x2x16x512xf32, #tpu.memory_space<vmem>> -> memref<2x16x512xf32, #tpu.memory_space<vmem>>
    %dma_wait3A_450 = arith.constant 2 : i32
    %dma_wait3A_451 = arith.constant 0 : i32
    %dma_wait3A_452 = tpu.memref_slice %arg2[%dma_wait3A_450, %mul3A_2, %dma_wait3A_451] : memref<16x512x512xf32, #tpu.memory_space<hbm>> -> memref<2x16x512xf32, #tpu.memory_space<hbm>>
    tpu.wait_dma2 semaphore(%dma_wait3A_444 : memref<!tpu.dma_semaphore, #tpu.memory_space<semaphore_mem>>) src(%dma_wait3A_452 : memref<2x16x512xf32, #tpu.memory_space<hbm>>) dst(%dma_wait3A_449 : memref<2x16x512xf32, #tpu.memory_space<vmem>>)
    %dma_wait3A_453 = arith.constant 1 : i32
    %dma_wait3A_454 = arith.constant 1 : i32
    %dma_wait3A_455 = arith.constant 0 : i32
    %dma_wait3A_456 = arith.constant 0 : i32
    %dma_wait3A_457 = arith.constant 0 : i32
    %dma_wait3A_458 = tpu.memref_slice %arg7[%dma_wait3A_453, %dma_wait3A_455, %dma_wait3A_456, %dma_wait3A_457] : memref<2x2x16x512xf32, #tpu.memory_space<vmem>> -> memref<1x2x16x512xf32, #tpu.memory_space<vmem>>
    %dma_wait3A_459 = tpu.memref_squeeze %dma_wait3A_458 : memref<1x2x16x512xf32, #tpu.memory_space<vmem>> -> memref<2x16x512xf32, #tpu.memory_space<vmem>>
    %dma_wait3A_460 = arith.constant 2 : i32
    %dma_wait3A_461 = arith.constant 0 : i32
    %dma_wait3A_462 = tpu.memref_slice %arg3[%dma_wait3A_460, %mul3A_2, %dma_wait3A_461] : memref<16x512x512xf32, #tpu.memory_space<hbm>> -> memref<2x16x512xf32, #tpu.memory_space<hbm>>
    %dma_wait3A_463 = tpu.memref_slice %arg10[%dma_wait3A_454] : memref<2x!tpu.dma_semaphore, #tpu.memory_space<semaphore_mem>> -> memref<1x!tpu.dma_semaphore, #tpu.memory_space<semaphore_mem>>
    %dma_wait3A_464 = tpu.memref_squeeze %dma_wait3A_463 : memref<1x!tpu.dma_semaphore, #tpu.memory_space<semaphore_mem>> -> memref<!tpu.dma_semaphore, #tpu.memory_space<semaphore_mem>>
    %dma_wait3A_465 = arith.constant 0 : i32
    %dma_wait3A_466 = arith.constant 0 : i32
    %dma_wait3A_467 = arith.constant 0 : i32
    %dma_wait3A_468 = tpu.memref_slice %arg7[%dma_wait3A_453, %dma_wait3A_465, %dma_wait3A_466, %dma_wait3A_467] : memref<2x2x16x512xf32, #tpu.memory_space<vmem>> -> memref<1x2x16x512xf32, #tpu.memory_space<vmem>>
    %dma_wait3A_469 = tpu.memref_squeeze %dma_wait3A_468 : memref<1x2x16x512xf32, #tpu.memory_space<vmem>> -> memref<2x16x512xf32, #tpu.memory_space<vmem>>
    %dma_wait3A_470 = arith.constant 2 : i32
    %dma_wait3A_471 = arith.constant 0 : i32
    %dma_wait3A_472 = tpu.memref_slice %arg3[%dma_wait3A_470, %mul3A_2, %dma_wait3A_471] : memref<16x512x512xf32, #tpu.memory_space<hbm>> -> memref<2x16x512xf32, #tpu.memory_space<hbm>>
    tpu.wait_dma2 semaphore(%dma_wait3A_464 : memref<!tpu.dma_semaphore, #tpu.memory_space<semaphore_mem>>) src(%dma_wait3A_472 : memref<2x16x512xf32, #tpu.memory_space<hbm>>) dst(%dma_wait3A_469 : memref<2x16x512xf32, #tpu.memory_space<vmem>>)
    %dma_wait3A_473 = arith.constant 1 : i32
    %dma_wait3A_474 = arith.constant 1 : i32
    %dma_wait3A_475 = arith.constant 0 : i32
    %dma_wait3A_476 = arith.constant 0 : i32
    %dma_wait3A_477 = arith.constant 0 : i32
    %dma_wait3A_478 = tpu.memref_slice %arg8[%dma_wait3A_473, %dma_wait3A_475, %dma_wait3A_476, %dma_wait3A_477] : memref<2x2x16x512xi32, #tpu.memory_space<vmem>> -> memref<1x2x16x512xi32, #tpu.memory_space<vmem>>
    %dma_wait3A_479 = tpu.memref_squeeze %dma_wait3A_478 : memref<1x2x16x512xi32, #tpu.memory_space<vmem>> -> memref<2x16x512xi32, #tpu.memory_space<vmem>>
    %dma_wait3A_480 = arith.constant 2 : i32
    %dma_wait3A_481 = arith.constant 0 : i32
    %dma_wait3A_482 = tpu.memref_slice %arg4[%dma_wait3A_480, %mul3A_2, %dma_wait3A_481] : memref<16x512x512xi32, #tpu.memory_space<hbm>> -> memref<2x16x512xi32, #tpu.memory_space<hbm>>
    %dma_wait3A_483 = tpu.memref_slice %arg10[%dma_wait3A_474] : memref<2x!tpu.dma_semaphore, #tpu.memory_space<semaphore_mem>> -> memref<1x!tpu.dma_semaphore, #tpu.memory_space<semaphore_mem>>
    %dma_wait3A_484 = tpu.memref_squeeze %dma_wait3A_483 : memref<1x!tpu.dma_semaphore, #tpu.memory_space<semaphore_mem>> -> memref<!tpu.dma_semaphore, #tpu.memory_space<semaphore_mem>>
    %dma_wait3A_485 = arith.constant 0 : i32
    %dma_wait3A_486 = arith.constant 0 : i32
    %dma_wait3A_487 = arith.constant 0 : i32
    %dma_wait3A_488 = tpu.memref_slice %arg8[%dma_wait3A_473, %dma_wait3A_485, %dma_wait3A_486, %dma_wait3A_487] : memref<2x2x16x512xi32, #tpu.memory_space<vmem>> -> memref<1x2x16x512xi32, #tpu.memory_space<vmem>>
    %dma_wait3A_489 = tpu.memref_squeeze %dma_wait3A_488 : memref<1x2x16x512xi32, #tpu.memory_space<vmem>> -> memref<2x16x512xi32, #tpu.memory_space<vmem>>
    %dma_wait3A_490 = arith.constant 2 : i32
    %dma_wait3A_491 = arith.constant 0 : i32
    %dma_wait3A_492 = tpu.memref_slice %arg4[%dma_wait3A_490, %mul3A_2, %dma_wait3A_491] : memref<16x512x512xi32, #tpu.memory_space<hbm>> -> memref<2x16x512xi32, #tpu.memory_space<hbm>>
    tpu.wait_dma2 semaphore(%dma_wait3A_484 : memref<!tpu.dma_semaphore, #tpu.memory_space<semaphore_mem>>) src(%dma_wait3A_492 : memref<2x16x512xi32, #tpu.memory_space<hbm>>) dst(%dma_wait3A_489 : memref<2x16x512xi32, #tpu.memory_space<vmem>>)
    %parallel_loop3A_493 = arith.constant 0 : i32
    %parallel_loop3A_494 = arith.constant 1024 : i32
    %parallel_loop3A_495 = arith.constant 1 : i32
    scf.for %parallel_loop3A_1174 = %parallel_loop3A_493 to %parallel_loop3A_494 step %parallel_loop3A_495  : i32 {
      %parallel_loop3A_1175 = tpu.iota {dimensions = array<i32: 0>} : vector<16xi32>
      %parallel_loop3A_1176 = arith.constant 1.000000e+00 : f32
      %parallel_loop3A_1177 = vector.broadcast %parallel_loop3A_1176 : f32 to vector<16xf32>
      %parallel_loop3A_1178 = arith.constant 0.000000e+00 : f32
      %parallel_loop3A_1179 = vector.broadcast %parallel_loop3A_1178 : f32 to vector<16xf32>
      %parallel_loop3A_1180 = arith.constant 8 : i32
      %parallel_loop3A_1181 = vector.broadcast %parallel_loop3A_1180 : i32 to vector<16xi32>
      %parallel_loop3A_1182 = arith.constant 24 : i32
      %parallel_loop3A_1183 = vector.broadcast %parallel_loop3A_1182 : i32 to vector<16xi32>
      %parallel_loop3A_1184 = arith.constant 9 : i32
      %parallel_loop3A_1185 = arith.shrui %parallel_loop3A_1174, %parallel_loop3A_1184 : i32
      %parallel_loop3A_1186 = arith.constant 5 : i32
      %parallel_loop3A_1187 = arith.shrui %parallel_loop3A_1174, %parallel_loop3A_1186 : i32
      %parallel_loop3A_1188 = arith.constant 15 : i32
      %parallel_loop3A_1189 = arith.andi %parallel_loop3A_1187, %parallel_loop3A_1188 : i32
      %parallel_loop3A_1190 = arith.constant 31 : i32
      %parallel_loop3A_1191 = arith.andi %parallel_loop3A_1174, %parallel_loop3A_1190 : i32
      %parallel_loop3A_1192 = arith.constant 16 : i32
      %parallel_loop3A_1193 = arith.muli %parallel_loop3A_1191, %parallel_loop3A_1192 : i32
      %parallel_loop3A_1194 = arith.constant 1 : i32
      %parallel_loop3A_1195 = arith.index_cast %parallel_loop3A_1194 : i32 to index
      %parallel_loop3A_1196 = arith.index_cast %parallel_loop3A_1185 : i32 to index
      %parallel_loop3A_1197 = arith.index_cast %parallel_loop3A_1189 : i32 to index
      %parallel_loop3A_1198 = arith.index_cast %parallel_loop3A_1193 : i32 to index
      %parallel_loop3A_1199 = tpu.vector_load %arg6[%parallel_loop3A_1195, %parallel_loop3A_1196, %parallel_loop3A_1197, %parallel_loop3A_1198] {strides = array<i32>} : memref<2x2x16x512xf32, #tpu.memory_space<vmem>>, vector<16xf32>,
      %parallel_loop3A_1200 = arith.constant 1 : i32
      %parallel_loop3A_1201 = arith.index_cast %parallel_loop3A_1200 : i32 to index
      %parallel_loop3A_1202 = arith.index_cast %parallel_loop3A_1185 : i32 to index
      %parallel_loop3A_1203 = arith.index_cast %parallel_loop3A_1189 : i32 to index
      %parallel_loop3A_1204 = arith.index_cast %parallel_loop3A_1193 : i32 to index
      %parallel_loop3A_1205 = tpu.vector_load %arg7[%parallel_loop3A_1201, %parallel_loop3A_1202, %parallel_loop3A_1203, %parallel_loop3A_1204] {strides = array<i32>} : memref<2x2x16x512xf32, #tpu.memory_space<vmem>>, vector<16xf32>,
      %parallel_loop3A_1206 = arith.constant 1 : i32
      %parallel_loop3A_1207 = arith.index_cast %parallel_loop3A_1206 : i32 to index
      %parallel_loop3A_1208 = arith.index_cast %parallel_loop3A_1185 : i32 to index
      %parallel_loop3A_1209 = arith.index_cast %parallel_loop3A_1189 : i32 to index
      %parallel_loop3A_1210 = arith.index_cast %parallel_loop3A_1193 : i32 to index
      %parallel_loop3A_1211 = tpu.vector_load %arg8[%parallel_loop3A_1207, %parallel_loop3A_1208, %parallel_loop3A_1209, %parallel_loop3A_1210] {strides = array<i32>} : memref<2x2x16x512xi32, #tpu.memory_space<vmem>>, vector<16xi32>,
      %parallel_loop3A_1212 = arith.subf %parallel_loop3A_1199, %parallel_loop3A_1205 : vector<16xf32>
      %parallel_loop3A_1213 = arith.cmpf olt, %parallel_loop3A_1212, %parallel_loop3A_1179 : vector<16xf32>
      %parallel_loop3A_1214 = arith.extui %parallel_loop3A_1213 : vector<16xi1> to vector<16xi32>
      %parallel_loop3A_1215 = arith.constant 4 : i32
      %parallel_loop3A_1216 = vector.broadcast %parallel_loop3A_1215 : i32 to vector<16xi32>
      %parallel_loop3A_1217 = arith.muli %parallel_loop3A_1211, %parallel_loop3A_1216 : vector<16xi32>
      %parallel_loop3A_1218 = arith.constant 1 : i32
      %parallel_loop3A_1219 = vector.broadcast %parallel_loop3A_1218 : i32 to vector<16xi32>
      %parallel_loop3A_1220 = arith.constant 3 : i32
      %parallel_loop3A_1221 = vector.broadcast %parallel_loop3A_1220 : i32 to vector<16xi32>
      %parallel_loop3A_1222 = arith.mulf %parallel_loop3A_1212, %parallel_loop3A_1212 : vector<16xf32>
      tpu.vector_store_idx %arg9[%parallel_loop3A_1217, %parallel_loop3A_1175], %parallel_loop3A_1222 {add = true} : memref<32x16xf32, #tpu.memory_space<vmem>>[vector<16xi32>, vector<16xi32>], vector<16xf32>,
      %parallel_loop3A_1223 = arith.addi %parallel_loop3A_1217, %parallel_loop3A_1219 : vector<16xi32>
      %parallel_loop3A_1224 = arith.addi %parallel_loop3A_1223, %parallel_loop3A_1214 : vector<16xi32>
      tpu.vector_store_idx %arg9[%parallel_loop3A_1224, %parallel_loop3A_1175], %parallel_loop3A_1212 {add = true} : memref<32x16xf32, #tpu.memory_space<vmem>>[vector<16xi32>, vector<16xi32>], vector<16xf32>,
    } {sc.loop_unroll_factor = 32 : i64, sc.parallel_access}
    %dma_start3A_496 = arith.constant 1 : i32
    %dma_start3A_497 = arith.constant 1 : i32
    %dma_start3A_498 = arith.constant 0 : i32
    %dma_start3A_499 = arith.constant 0 : i32
    %dma_start3A_500 = arith.constant 0 : i32
    %dma_start3A_501 = tpu.memref_slice %arg6[%dma_start3A_496, %dma_start3A_498, %dma_start3A_499, %dma_start3A_500] : memref<2x2x16x512xf32, #tpu.memory_space<vmem>> -> memref<1x2x16x512xf32, #tpu.memory_space<vmem>>
    %dma_start3A_502 = tpu.memref_squeeze %dma_start3A_501 : memref<1x2x16x512xf32, #tpu.memory_space<vmem>> -> memref<2x16x512xf32, #tpu.memory_space<vmem>>
    %dma_start3A_503 = arith.constant 6 : i32
    %dma_start3A_504 = arith.constant 0 : i32
    %dma_start3A_505 = tpu.memref_slice %arg2[%dma_start3A_503, %mul3A_2, %dma_start3A_504] : memref<16x512x512xf32, #tpu.memory_space<hbm>> -> memref<2x16x512xf32, #tpu.memory_space<hbm>>
    %dma_start3A_506 = tpu.memref_slice %arg10[%dma_start3A_497] : memref<2x!tpu.dma_semaphore, #tpu.memory_space<semaphore_mem>> -> memref<1x!tpu.dma_semaphore, #tpu.memory_space<semaphore_mem>>
    %dma_start3A_507 = tpu.memref_squeeze %dma_start3A_506 : memref<1x!tpu.dma_semaphore, #tpu.memory_space<semaphore_mem>> -> memref<!tpu.dma_semaphore, #tpu.memory_space<semaphore_mem>>
    %dma_start3A_508 = arith.constant 0 : i32
    %dma_start3A_509 = arith.constant 0 : i32
    %dma_start3A_510 = arith.constant 0 : i32
    %dma_start3A_511 = tpu.memref_slice %arg6[%dma_start3A_496, %dma_start3A_508, %dma_start3A_509, %dma_start3A_510] : memref<2x2x16x512xf32, #tpu.memory_space<vmem>> -> memref<1x2x16x512xf32, #tpu.memory_space<vmem>>
    %dma_start3A_512 = tpu.memref_squeeze %dma_start3A_511 : memref<1x2x16x512xf32, #tpu.memory_space<vmem>> -> memref<2x16x512xf32, #tpu.memory_space<vmem>>
    %dma_start3A_513 = arith.constant 6 : i32
    %dma_start3A_514 = arith.constant 0 : i32
    %dma_start3A_515 = tpu.memref_slice %arg2[%dma_start3A_513, %mul3A_2, %dma_start3A_514] : memref<16x512x512xf32, #tpu.memory_space<hbm>> -> memref<2x16x512xf32, #tpu.memory_space<hbm>>
    tpu.enqueue_dma source(%dma_start3A_515 : memref<2x16x512xf32, #tpu.memory_space<hbm>>) target(%dma_start3A_512 : memref<2x16x512xf32, #tpu.memory_space<vmem>>) target_semaphore(%dma_start3A_507 : memref<!tpu.dma_semaphore, #tpu.memory_space<semaphore_mem>>)
    %dma_start3A_516 = arith.constant 1 : i32
    %dma_start3A_517 = arith.constant 1 : i32
    %dma_start3A_518 = arith.constant 0 : i32
    %dma_start3A_519 = arith.constant 0 : i32
    %dma_start3A_520 = arith.constant 0 : i32
    %dma_start3A_521 = tpu.memref_slice %arg7[%dma_start3A_516, %dma_start3A_518, %dma_start3A_519, %dma_start3A_520] : memref<2x2x16x512xf32, #tpu.memory_space<vmem>> -> memref<1x2x16x512xf32, #tpu.memory_space<vmem>>
    %dma_start3A_522 = tpu.memref_squeeze %dma_start3A_521 : memref<1x2x16x512xf32, #tpu.memory_space<vmem>> -> memref<2x16x512xf32, #tpu.memory_space<vmem>>
    %dma_start3A_523 = arith.constant 6 : i32
    %dma_start3A_524 = arith.constant 0 : i32
    %dma_start3A_525 = tpu.memref_slice %arg3[%dma_start3A_523, %mul3A_2, %dma_start3A_524] : memref<16x512x512xf32, #tpu.memory_space<hbm>> -> memref<2x16x512xf32, #tpu.memory_space<hbm>>
    %dma_start3A_526 = tpu.memref_slice %arg10[%dma_start3A_517] : memref<2x!tpu.dma_semaphore, #tpu.memory_space<semaphore_mem>> -> memref<1x!tpu.dma_semaphore, #tpu.memory_space<semaphore_mem>>
    %dma_start3A_527 = tpu.memref_squeeze %dma_start3A_526 : memref<1x!tpu.dma_semaphore, #tpu.memory_space<semaphore_mem>> -> memref<!tpu.dma_semaphore, #tpu.memory_space<semaphore_mem>>
    %dma_start3A_528 = arith.constant 0 : i32
    %dma_start3A_529 = arith.constant 0 : i32
    %dma_start3A_530 = arith.constant 0 : i32
    %dma_start3A_531 = tpu.memref_slice %arg7[%dma_start3A_516, %dma_start3A_528, %dma_start3A_529, %dma_start3A_530] : memref<2x2x16x512xf32, #tpu.memory_space<vmem>> -> memref<1x2x16x512xf32, #tpu.memory_space<vmem>>
    %dma_start3A_532 = tpu.memref_squeeze %dma_start3A_531 : memref<1x2x16x512xf32, #tpu.memory_space<vmem>> -> memref<2x16x512xf32, #tpu.memory_space<vmem>>
    %dma_start3A_533 = arith.constant 6 : i32
    %dma_start3A_534 = arith.constant 0 : i32
    %dma_start3A_535 = tpu.memref_slice %arg3[%dma_start3A_533, %mul3A_2, %dma_start3A_534] : memref<16x512x512xf32, #tpu.memory_space<hbm>> -> memref<2x16x512xf32, #tpu.memory_space<hbm>>
    tpu.enqueue_dma source(%dma_start3A_535 : memref<2x16x512xf32, #tpu.memory_space<hbm>>) target(%dma_start3A_532 : memref<2x16x512xf32, #tpu.memory_space<vmem>>) target_semaphore(%dma_start3A_527 : memref<!tpu.dma_semaphore, #tpu.memory_space<semaphore_mem>>)
    %dma_start3A_536 = arith.constant 1 : i32
    %dma_start3A_537 = arith.constant 1 : i32
    %dma_start3A_538 = arith.constant 0 : i32
    %dma_start3A_539 = arith.constant 0 : i32
    %dma_start3A_540 = arith.constant 0 : i32
    %dma_start3A_541 = tpu.memref_slice %arg8[%dma_start3A_536, %dma_start3A_538, %dma_start3A_539, %dma_start3A_540] : memref<2x2x16x512xi32, #tpu.memory_space<vmem>> -> memref<1x2x16x512xi32, #tpu.memory_space<vmem>>
    %dma_start3A_542 = tpu.memref_squeeze %dma_start3A_541 : memref<1x2x16x512xi32, #tpu.memory_space<vmem>> -> memref<2x16x512xi32, #tpu.memory_space<vmem>>
    %dma_start3A_543 = arith.constant 6 : i32
    %dma_start3A_544 = arith.constant 0 : i32
    %dma_start3A_545 = tpu.memref_slice %arg4[%dma_start3A_543, %mul3A_2, %dma_start3A_544] : memref<16x512x512xi32, #tpu.memory_space<hbm>> -> memref<2x16x512xi32, #tpu.memory_space<hbm>>
    %dma_start3A_546 = tpu.memref_slice %arg10[%dma_start3A_537] : memref<2x!tpu.dma_semaphore, #tpu.memory_space<semaphore_mem>> -> memref<1x!tpu.dma_semaphore, #tpu.memory_space<semaphore_mem>>
    %dma_start3A_547 = tpu.memref_squeeze %dma_start3A_546 : memref<1x!tpu.dma_semaphore, #tpu.memory_space<semaphore_mem>> -> memref<!tpu.dma_semaphore, #tpu.memory_space<semaphore_mem>>
    %dma_start3A_548 = arith.constant 0 : i32
    %dma_start3A_549 = arith.constant 0 : i32
    %dma_start3A_550 = arith.constant 0 : i32
    %dma_start3A_551 = tpu.memref_slice %arg8[%dma_start3A_536, %dma_start3A_548, %dma_start3A_549, %dma_start3A_550] : memref<2x2x16x512xi32, #tpu.memory_space<vmem>> -> memref<1x2x16x512xi32, #tpu.memory_space<vmem>>
    %dma_start3A_552 = tpu.memref_squeeze %dma_start3A_551 : memref<1x2x16x512xi32, #tpu.memory_space<vmem>> -> memref<2x16x512xi32, #tpu.memory_space<vmem>>
    %dma_start3A_553 = arith.constant 6 : i32
    %dma_start3A_554 = arith.constant 0 : i32
    %dma_start3A_555 = tpu.memref_slice %arg4[%dma_start3A_553, %mul3A_2, %dma_start3A_554] : memref<16x512x512xi32, #tpu.memory_space<hbm>> -> memref<2x16x512xi32, #tpu.memory_space<hbm>>
    tpu.enqueue_dma source(%dma_start3A_555 : memref<2x16x512xi32, #tpu.memory_space<hbm>>) target(%dma_start3A_552 : memref<2x16x512xi32, #tpu.memory_space<vmem>>) target_semaphore(%dma_start3A_547 : memref<!tpu.dma_semaphore, #tpu.memory_space<semaphore_mem>>)
    %dma_wait3A_556 = arith.constant 0 : i32
    %dma_wait3A_557 = arith.constant 0 : i32
    %dma_wait3A_558 = arith.constant 0 : i32
    %dma_wait3A_559 = arith.constant 0 : i32
    %dma_wait3A_560 = arith.constant 0 : i32
    %dma_wait3A_561 = tpu.memref_slice %arg6[%dma_wait3A_556, %dma_wait3A_558, %dma_wait3A_559, %dma_wait3A_560] : memref<2x2x16x512xf32, #tpu.memory_space<vmem>> -> memref<1x2x16x512xf32, #tpu.memory_space<vmem>>
    %dma_wait3A_562 = tpu.memref_squeeze %dma_wait3A_561 : memref<1x2x16x512xf32, #tpu.memory_space<vmem>> -> memref<2x16x512xf32, #tpu.memory_space<vmem>>
    %dma_wait3A_563 = arith.constant 4 : i32
    %dma_wait3A_564 = arith.constant 0 : i32
    %dma_wait3A_565 = tpu.memref_slice %arg2[%dma_wait3A_563, %mul3A_2, %dma_wait3A_564] : memref<16x512x512xf32, #tpu.memory_space<hbm>> -> memref<2x16x512xf32, #tpu.memory_space<hbm>>
    %dma_wait3A_566 = tpu.memref_slice %arg10[%dma_wait3A_557] : memref<2x!tpu.dma_semaphore, #tpu.memory_space<semaphore_mem>> -> memref<1x!tpu.dma_semaphore, #tpu.memory_space<semaphore_mem>>
    %dma_wait3A_567 = tpu.memref_squeeze %dma_wait3A_566 : memref<1x!tpu.dma_semaphore, #tpu.memory_space<semaphore_mem>> -> memref<!tpu.dma_semaphore, #tpu.memory_space<semaphore_mem>>
    %dma_wait3A_568 = arith.constant 0 : i32
    %dma_wait3A_569 = arith.constant 0 : i32
    %dma_wait3A_570 = arith.constant 0 : i32
    %dma_wait3A_571 = tpu.memref_slice %arg6[%dma_wait3A_556, %dma_wait3A_568, %dma_wait3A_569, %dma_wait3A_570] : memref<2x2x16x512xf32, #tpu.memory_space<vmem>> -> memref<1x2x16x512xf32, #tpu.memory_space<vmem>>
    %dma_wait3A_572 = tpu.memref_squeeze %dma_wait3A_571 : memref<1x2x16x512xf32, #tpu.memory_space<vmem>> -> memref<2x16x512xf32, #tpu.memory_space<vmem>>
    %dma_wait3A_573 = arith.constant 4 : i32
    %dma_wait3A_574 = arith.constant 0 : i32
    %dma_wait3A_575 = tpu.memref_slice %arg2[%dma_wait3A_573, %mul3A_2, %dma_wait3A_574] : memref<16x512x512xf32, #tpu.memory_space<hbm>> -> memref<2x16x512xf32, #tpu.memory_space<hbm>>
    tpu.wait_dma2 semaphore(%dma_wait3A_567 : memref<!tpu.dma_semaphore, #tpu.memory_space<semaphore_mem>>) src(%dma_wait3A_575 : memref<2x16x512xf32, #tpu.memory_space<hbm>>) dst(%dma_wait3A_572 : memref<2x16x512xf32, #tpu.memory_space<vmem>>)
    %dma_wait3A_576 = arith.constant 0 : i32
    %dma_wait3A_577 = arith.constant 0 : i32
    %dma_wait3A_578 = arith.constant 0 : i32
    %dma_wait3A_579 = arith.constant 0 : i32
    %dma_wait3A_580 = arith.constant 0 : i32
    %dma_wait3A_581 = tpu.memref_slice %arg7[%dma_wait3A_576, %dma_wait3A_578, %dma_wait3A_579, %dma_wait3A_580] : memref<2x2x16x512xf32, #tpu.memory_space<vmem>> -> memref<1x2x16x512xf32, #tpu.memory_space<vmem>>
    %dma_wait3A_582 = tpu.memref_squeeze %dma_wait3A_581 : memref<1x2x16x512xf32, #tpu.memory_space<vmem>> -> memref<2x16x512xf32, #tpu.memory_space<vmem>>
    %dma_wait3A_583 = arith.constant 4 : i32
    %dma_wait3A_584 = arith.constant 0 : i32
    %dma_wait3A_585 = tpu.memref_slice %arg3[%dma_wait3A_583, %mul3A_2, %dma_wait3A_584] : memref<16x512x512xf32, #tpu.memory_space<hbm>> -> memref<2x16x512xf32, #tpu.memory_space<hbm>>
    %dma_wait3A_586 = tpu.memref_slice %arg10[%dma_wait3A_577] : memref<2x!tpu.dma_semaphore, #tpu.memory_space<semaphore_mem>> -> memref<1x!tpu.dma_semaphore, #tpu.memory_space<semaphore_mem>>
    %dma_wait3A_587 = tpu.memref_squeeze %dma_wait3A_586 : memref<1x!tpu.dma_semaphore, #tpu.memory_space<semaphore_mem>> -> memref<!tpu.dma_semaphore, #tpu.memory_space<semaphore_mem>>
    %dma_wait3A_588 = arith.constant 0 : i32
    %dma_wait3A_589 = arith.constant 0 : i32
    %dma_wait3A_590 = arith.constant 0 : i32
    %dma_wait3A_591 = tpu.memref_slice %arg7[%dma_wait3A_576, %dma_wait3A_588, %dma_wait3A_589, %dma_wait3A_590] : memref<2x2x16x512xf32, #tpu.memory_space<vmem>> -> memref<1x2x16x512xf32, #tpu.memory_space<vmem>>
    %dma_wait3A_592 = tpu.memref_squeeze %dma_wait3A_591 : memref<1x2x16x512xf32, #tpu.memory_space<vmem>> -> memref<2x16x512xf32, #tpu.memory_space<vmem>>
    %dma_wait3A_593 = arith.constant 4 : i32
    %dma_wait3A_594 = arith.constant 0 : i32
    %dma_wait3A_595 = tpu.memref_slice %arg3[%dma_wait3A_593, %mul3A_2, %dma_wait3A_594] : memref<16x512x512xf32, #tpu.memory_space<hbm>> -> memref<2x16x512xf32, #tpu.memory_space<hbm>>
    tpu.wait_dma2 semaphore(%dma_wait3A_587 : memref<!tpu.dma_semaphore, #tpu.memory_space<semaphore_mem>>) src(%dma_wait3A_595 : memref<2x16x512xf32, #tpu.memory_space<hbm>>) dst(%dma_wait3A_592 : memref<2x16x512xf32, #tpu.memory_space<vmem>>)
    %dma_wait3A_596 = arith.constant 0 : i32
    %dma_wait3A_597 = arith.constant 0 : i32
    %dma_wait3A_598 = arith.constant 0 : i32
    %dma_wait3A_599 = arith.constant 0 : i32
    %dma_wait3A_600 = arith.constant 0 : i32
    %dma_wait3A_601 = tpu.memref_slice %arg8[%dma_wait3A_596, %dma_wait3A_598, %dma_wait3A_599, %dma_wait3A_600] : memref<2x2x16x512xi32, #tpu.memory_space<vmem>> -> memref<1x2x16x512xi32, #tpu.memory_space<vmem>>
    %dma_wait3A_602 = tpu.memref_squeeze %dma_wait3A_601 : memref<1x2x16x512xi32, #tpu.memory_space<vmem>> -> memref<2x16x512xi32, #tpu.memory_space<vmem>>
    %dma_wait3A_603 = arith.constant 4 : i32
    %dma_wait3A_604 = arith.constant 0 : i32
    %dma_wait3A_605 = tpu.memref_slice %arg4[%dma_wait3A_603, %mul3A_2, %dma_wait3A_604] : memref<16x512x512xi32, #tpu.memory_space<hbm>> -> memref<2x16x512xi32, #tpu.memory_space<hbm>>
    %dma_wait3A_606 = tpu.memref_slice %arg10[%dma_wait3A_597] : memref<2x!tpu.dma_semaphore, #tpu.memory_space<semaphore_mem>> -> memref<1x!tpu.dma_semaphore, #tpu.memory_space<semaphore_mem>>
    %dma_wait3A_607 = tpu.memref_squeeze %dma_wait3A_606 : memref<1x!tpu.dma_semaphore, #tpu.memory_space<semaphore_mem>> -> memref<!tpu.dma_semaphore, #tpu.memory_space<semaphore_mem>>
    %dma_wait3A_608 = arith.constant 0 : i32
    %dma_wait3A_609 = arith.constant 0 : i32
    %dma_wait3A_610 = arith.constant 0 : i32
    %dma_wait3A_611 = tpu.memref_slice %arg8[%dma_wait3A_596, %dma_wait3A_608, %dma_wait3A_609, %dma_wait3A_610] : memref<2x2x16x512xi32, #tpu.memory_space<vmem>> -> memref<1x2x16x512xi32, #tpu.memory_space<vmem>>
    %dma_wait3A_612 = tpu.memref_squeeze %dma_wait3A_611 : memref<1x2x16x512xi32, #tpu.memory_space<vmem>> -> memref<2x16x512xi32, #tpu.memory_space<vmem>>
    %dma_wait3A_613 = arith.constant 4 : i32
    %dma_wait3A_614 = arith.constant 0 : i32
    %dma_wait3A_615 = tpu.memref_slice %arg4[%dma_wait3A_613, %mul3A_2, %dma_wait3A_614] : memref<16x512x512xi32, #tpu.memory_space<hbm>> -> memref<2x16x512xi32, #tpu.memory_space<hbm>>
    tpu.wait_dma2 semaphore(%dma_wait3A_607 : memref<!tpu.dma_semaphore, #tpu.memory_space<semaphore_mem>>) src(%dma_wait3A_615 : memref<2x16x512xi32, #tpu.memory_space<hbm>>) dst(%dma_wait3A_612 : memref<2x16x512xi32, #tpu.memory_space<vmem>>)
    %parallel_loop3A_616 = arith.constant 0 : i32
    %parallel_loop3A_617 = arith.constant 1024 : i32
    %parallel_loop3A_618 = arith.constant 1 : i32
    scf.for %parallel_loop3A_1174 = %parallel_loop3A_616 to %parallel_loop3A_617 step %parallel_loop3A_618  : i32 {
      %parallel_loop3A_1175 = tpu.iota {dimensions = array<i32: 0>} : vector<16xi32>
      %parallel_loop3A_1176 = arith.constant 1.000000e+00 : f32
      %parallel_loop3A_1177 = vector.broadcast %parallel_loop3A_1176 : f32 to vector<16xf32>
      %parallel_loop3A_1178 = arith.constant 0.000000e+00 : f32
      %parallel_loop3A_1179 = vector.broadcast %parallel_loop3A_1178 : f32 to vector<16xf32>
      %parallel_loop3A_1180 = arith.constant 8 : i32
      %parallel_loop3A_1181 = vector.broadcast %parallel_loop3A_1180 : i32 to vector<16xi32>
      %parallel_loop3A_1182 = arith.constant 24 : i32
      %parallel_loop3A_1183 = vector.broadcast %parallel_loop3A_1182 : i32 to vector<16xi32>
      %parallel_loop3A_1184 = arith.constant 9 : i32
      %parallel_loop3A_1185 = arith.shrui %parallel_loop3A_1174, %parallel_loop3A_1184 : i32
      %parallel_loop3A_1186 = arith.constant 5 : i32
      %parallel_loop3A_1187 = arith.shrui %parallel_loop3A_1174, %parallel_loop3A_1186 : i32
      %parallel_loop3A_1188 = arith.constant 15 : i32
      %parallel_loop3A_1189 = arith.andi %parallel_loop3A_1187, %parallel_loop3A_1188 : i32
      %parallel_loop3A_1190 = arith.constant 31 : i32
      %parallel_loop3A_1191 = arith.andi %parallel_loop3A_1174, %parallel_loop3A_1190 : i32
      %parallel_loop3A_1192 = arith.constant 16 : i32
      %parallel_loop3A_1193 = arith.muli %parallel_loop3A_1191, %parallel_loop3A_1192 : i32
      %parallel_loop3A_1194 = arith.constant 0 : i32
      %parallel_loop3A_1195 = arith.index_cast %parallel_loop3A_1194 : i32 to index
      %parallel_loop3A_1196 = arith.index_cast %parallel_loop3A_1185 : i32 to index
      %parallel_loop3A_1197 = arith.index_cast %parallel_loop3A_1189 : i32 to index
      %parallel_loop3A_1198 = arith.index_cast %parallel_loop3A_1193 : i32 to index
      %parallel_loop3A_1199 = tpu.vector_load %arg6[%parallel_loop3A_1195, %parallel_loop3A_1196, %parallel_loop3A_1197, %parallel_loop3A_1198] {strides = array<i32>} : memref<2x2x16x512xf32, #tpu.memory_space<vmem>>, vector<16xf32>,
      %parallel_loop3A_1200 = arith.constant 0 : i32
      %parallel_loop3A_1201 = arith.index_cast %parallel_loop3A_1200 : i32 to index
      %parallel_loop3A_1202 = arith.index_cast %parallel_loop3A_1185 : i32 to index
      %parallel_loop3A_1203 = arith.index_cast %parallel_loop3A_1189 : i32 to index
      %parallel_loop3A_1204 = arith.index_cast %parallel_loop3A_1193 : i32 to index
      %parallel_loop3A_1205 = tpu.vector_load %arg7[%parallel_loop3A_1201, %parallel_loop3A_1202, %parallel_loop3A_1203, %parallel_loop3A_1204] {strides = array<i32>} : memref<2x2x16x512xf32, #tpu.memory_space<vmem>>, vector<16xf32>,
      %parallel_loop3A_1206 = arith.constant 0 : i32
      %parallel_loop3A_1207 = arith.index_cast %parallel_loop3A_1206 : i32 to index
      %parallel_loop3A_1208 = arith.index_cast %parallel_loop3A_1185 : i32 to index
      %parallel_loop3A_1209 = arith.index_cast %parallel_loop3A_1189 : i32 to index
      %parallel_loop3A_1210 = arith.index_cast %parallel_loop3A_1193 : i32 to index
      %parallel_loop3A_1211 = tpu.vector_load %arg8[%parallel_loop3A_1207, %parallel_loop3A_1208, %parallel_loop3A_1209, %parallel_loop3A_1210] {strides = array<i32>} : memref<2x2x16x512xi32, #tpu.memory_space<vmem>>, vector<16xi32>,
      %parallel_loop3A_1212 = arith.subf %parallel_loop3A_1199, %parallel_loop3A_1205 : vector<16xf32>
      %parallel_loop3A_1213 = arith.cmpf olt, %parallel_loop3A_1212, %parallel_loop3A_1179 : vector<16xf32>
      %parallel_loop3A_1214 = arith.extui %parallel_loop3A_1213 : vector<16xi1> to vector<16xi32>
      %parallel_loop3A_1215 = arith.constant 4 : i32
      %parallel_loop3A_1216 = vector.broadcast %parallel_loop3A_1215 : i32 to vector<16xi32>
      %parallel_loop3A_1217 = arith.muli %parallel_loop3A_1211, %parallel_loop3A_1216 : vector<16xi32>
      %parallel_loop3A_1218 = arith.constant 1 : i32
      %parallel_loop3A_1219 = vector.broadcast %parallel_loop3A_1218 : i32 to vector<16xi32>
      %parallel_loop3A_1220 = arith.constant 3 : i32
      %parallel_loop3A_1221 = vector.broadcast %parallel_loop3A_1220 : i32 to vector<16xi32>
      %parallel_loop3A_1222 = arith.mulf %parallel_loop3A_1212, %parallel_loop3A_1212 : vector<16xf32>
      tpu.vector_store_idx %arg9[%parallel_loop3A_1217, %parallel_loop3A_1175], %parallel_loop3A_1222 {add = true} : memref<32x16xf32, #tpu.memory_space<vmem>>[vector<16xi32>, vector<16xi32>], vector<16xf32>,
      %parallel_loop3A_1223 = arith.addi %parallel_loop3A_1217, %parallel_loop3A_1219 : vector<16xi32>
      %parallel_loop3A_1224 = arith.addi %parallel_loop3A_1223, %parallel_loop3A_1214 : vector<16xi32>
      tpu.vector_store_idx %arg9[%parallel_loop3A_1224, %parallel_loop3A_1175], %parallel_loop3A_1212 {add = true} : memref<32x16xf32, #tpu.memory_space<vmem>>[vector<16xi32>, vector<16xi32>], vector<16xf32>,
    } {sc.loop_unroll_factor = 32 : i64, sc.parallel_access}
    %dma_start3A_619 = arith.constant 0 : i32
    %dma_start3A_620 = arith.constant 0 : i32
    %dma_start3A_621 = arith.constant 0 : i32
    %dma_start3A_622 = arith.constant 0 : i32
    %dma_start3A_623 = arith.constant 0 : i32
    %dma_start3A_624 = tpu.memref_slice %arg6[%dma_start3A_619, %dma_start3A_621, %dma_start3A_622, %dma_start3A_623] : memref<2x2x16x512xf32, #tpu.memory_space<vmem>> -> memref<1x2x16x512xf32, #tpu.memory_space<vmem>>
    %dma_start3A_625 = tpu.memref_squeeze %dma_start3A_624 : memref<1x2x16x512xf32, #tpu.memory_space<vmem>> -> memref<2x16x512xf32, #tpu.memory_space<vmem>>
    %dma_start3A_626 = arith.constant 8 : i32
    %dma_start3A_627 = arith.constant 0 : i32
    %dma_start3A_628 = tpu.memref_slice %arg2[%dma_start3A_626, %mul3A_2, %dma_start3A_627] : memref<16x512x512xf32, #tpu.memory_space<hbm>> -> memref<2x16x512xf32, #tpu.memory_space<hbm>>
    %dma_start3A_629 = tpu.memref_slice %arg10[%dma_start3A_620] : memref<2x!tpu.dma_semaphore, #tpu.memory_space<semaphore_mem>> -> memref<1x!tpu.dma_semaphore, #tpu.memory_space<semaphore_mem>>
    %dma_start3A_630 = tpu.memref_squeeze %dma_start3A_629 : memref<1x!tpu.dma_semaphore, #tpu.memory_space<semaphore_mem>> -> memref<!tpu.dma_semaphore, #tpu.memory_space<semaphore_mem>>
    %dma_start3A_631 = arith.constant 0 : i32
    %dma_start3A_632 = arith.constant 0 : i32
    %dma_start3A_633 = arith.constant 0 : i32
    %dma_start3A_634 = tpu.memref_slice %arg6[%dma_start3A_619, %dma_start3A_631, %dma_start3A_632, %dma_start3A_633] : memref<2x2x16x512xf32, #tpu.memory_space<vmem>> -> memref<1x2x16x512xf32, #tpu.memory_space<vmem>>
    %dma_start3A_635 = tpu.memref_squeeze %dma_start3A_634 : memref<1x2x16x512xf32, #tpu.memory_space<vmem>> -> memref<2x16x512xf32, #tpu.memory_space<vmem>>
    %dma_start3A_636 = arith.constant 8 : i32
    %dma_start3A_637 = arith.constant 0 : i32
    %dma_start3A_638 = tpu.memref_slice %arg2[%dma_start3A_636, %mul3A_2, %dma_start3A_637] : memref<16x512x512xf32, #tpu.memory_space<hbm>> -> memref<2x16x512xf32, #tpu.memory_space<hbm>>
    tpu.enqueue_dma source(%dma_start3A_638 : memref<2x16x512xf32, #tpu.memory_space<hbm>>) target(%dma_start3A_635 : memref<2x16x512xf32, #tpu.memory_space<vmem>>) target_semaphore(%dma_start3A_630 : memref<!tpu.dma_semaphore, #tpu.memory_space<semaphore_mem>>)
    %dma_start3A_639 = arith.constant 0 : i32
    %dma_start3A_640 = arith.constant 0 : i32
    %dma_start3A_641 = arith.constant 0 : i32
    %dma_start3A_642 = arith.constant 0 : i32
    %dma_start3A_643 = arith.constant 0 : i32
    %dma_start3A_644 = tpu.memref_slice %arg7[%dma_start3A_639, %dma_start3A_641, %dma_start3A_642, %dma_start3A_643] : memref<2x2x16x512xf32, #tpu.memory_space<vmem>> -> memref<1x2x16x512xf32, #tpu.memory_space<vmem>>
    %dma_start3A_645 = tpu.memref_squeeze %dma_start3A_644 : memref<1x2x16x512xf32, #tpu.memory_space<vmem>> -> memref<2x16x512xf32, #tpu.memory_space<vmem>>
    %dma_start3A_646 = arith.constant 8 : i32
    %dma_start3A_647 = arith.constant 0 : i32
    %dma_start3A_648 = tpu.memref_slice %arg3[%dma_start3A_646, %mul3A_2, %dma_start3A_647] : memref<16x512x512xf32, #tpu.memory_space<hbm>> -> memref<2x16x512xf32, #tpu.memory_space<hbm>>
    %dma_start3A_649 = tpu.memref_slice %arg10[%dma_start3A_640] : memref<2x!tpu.dma_semaphore, #tpu.memory_space<semaphore_mem>> -> memref<1x!tpu.dma_semaphore, #tpu.memory_space<semaphore_mem>>
    %dma_start3A_650 = tpu.memref_squeeze %dma_start3A_649 : memref<1x!tpu.dma_semaphore, #tpu.memory_space<semaphore_mem>> -> memref<!tpu.dma_semaphore, #tpu.memory_space<semaphore_mem>>
    %dma_start3A_651 = arith.constant 0 : i32
    %dma_start3A_652 = arith.constant 0 : i32
    %dma_start3A_653 = arith.constant 0 : i32
    %dma_start3A_654 = tpu.memref_slice %arg7[%dma_start3A_639, %dma_start3A_651, %dma_start3A_652, %dma_start3A_653] : memref<2x2x16x512xf32, #tpu.memory_space<vmem>> -> memref<1x2x16x512xf32, #tpu.memory_space<vmem>>
    %dma_start3A_655 = tpu.memref_squeeze %dma_start3A_654 : memref<1x2x16x512xf32, #tpu.memory_space<vmem>> -> memref<2x16x512xf32, #tpu.memory_space<vmem>>
    %dma_start3A_656 = arith.constant 8 : i32
    %dma_start3A_657 = arith.constant 0 : i32
    %dma_start3A_658 = tpu.memref_slice %arg3[%dma_start3A_656, %mul3A_2, %dma_start3A_657] : memref<16x512x512xf32, #tpu.memory_space<hbm>> -> memref<2x16x512xf32, #tpu.memory_space<hbm>>
    tpu.enqueue_dma source(%dma_start3A_658 : memref<2x16x512xf32, #tpu.memory_space<hbm>>) target(%dma_start3A_655 : memref<2x16x512xf32, #tpu.memory_space<vmem>>) target_semaphore(%dma_start3A_650 : memref<!tpu.dma_semaphore, #tpu.memory_space<semaphore_mem>>)
    %dma_start3A_659 = arith.constant 0 : i32
    %dma_start3A_660 = arith.constant 0 : i32
    %dma_start3A_661 = arith.constant 0 : i32
    %dma_start3A_662 = arith.constant 0 : i32
    %dma_start3A_663 = arith.constant 0 : i32
    %dma_start3A_664 = tpu.memref_slice %arg8[%dma_start3A_659, %dma_start3A_661, %dma_start3A_662, %dma_start3A_663] : memref<2x2x16x512xi32, #tpu.memory_space<vmem>> -> memref<1x2x16x512xi32, #tpu.memory_space<vmem>>
    %dma_start3A_665 = tpu.memref_squeeze %dma_start3A_664 : memref<1x2x16x512xi32, #tpu.memory_space<vmem>> -> memref<2x16x512xi32, #tpu.memory_space<vmem>>
    %dma_start3A_666 = arith.constant 8 : i32
    %dma_start3A_667 = arith.constant 0 : i32
    %dma_start3A_668 = tpu.memref_slice %arg4[%dma_start3A_666, %mul3A_2, %dma_start3A_667] : memref<16x512x512xi32, #tpu.memory_space<hbm>> -> memref<2x16x512xi32, #tpu.memory_space<hbm>>
    %dma_start3A_669 = tpu.memref_slice %arg10[%dma_start3A_660] : memref<2x!tpu.dma_semaphore, #tpu.memory_space<semaphore_mem>> -> memref<1x!tpu.dma_semaphore, #tpu.memory_space<semaphore_mem>>
    %dma_start3A_670 = tpu.memref_squeeze %dma_start3A_669 : memref<1x!tpu.dma_semaphore, #tpu.memory_space<semaphore_mem>> -> memref<!tpu.dma_semaphore, #tpu.memory_space<semaphore_mem>>
    %dma_start3A_671 = arith.constant 0 : i32
    %dma_start3A_672 = arith.constant 0 : i32
    %dma_start3A_673 = arith.constant 0 : i32
    %dma_start3A_674 = tpu.memref_slice %arg8[%dma_start3A_659, %dma_start3A_671, %dma_start3A_672, %dma_start3A_673] : memref<2x2x16x512xi32, #tpu.memory_space<vmem>> -> memref<1x2x16x512xi32, #tpu.memory_space<vmem>>
    %dma_start3A_675 = tpu.memref_squeeze %dma_start3A_674 : memref<1x2x16x512xi32, #tpu.memory_space<vmem>> -> memref<2x16x512xi32, #tpu.memory_space<vmem>>
    %dma_start3A_676 = arith.constant 8 : i32
    %dma_start3A_677 = arith.constant 0 : i32
    %dma_start3A_678 = tpu.memref_slice %arg4[%dma_start3A_676, %mul3A_2, %dma_start3A_677] : memref<16x512x512xi32, #tpu.memory_space<hbm>> -> memref<2x16x512xi32, #tpu.memory_space<hbm>>
    tpu.enqueue_dma source(%dma_start3A_678 : memref<2x16x512xi32, #tpu.memory_space<hbm>>) target(%dma_start3A_675 : memref<2x16x512xi32, #tpu.memory_space<vmem>>) target_semaphore(%dma_start3A_670 : memref<!tpu.dma_semaphore, #tpu.memory_space<semaphore_mem>>)
    %dma_wait3A_679 = arith.constant 1 : i32
    %dma_wait3A_680 = arith.constant 1 : i32
    %dma_wait3A_681 = arith.constant 0 : i32
    %dma_wait3A_682 = arith.constant 0 : i32
    %dma_wait3A_683 = arith.constant 0 : i32
    %dma_wait3A_684 = tpu.memref_slice %arg6[%dma_wait3A_679, %dma_wait3A_681, %dma_wait3A_682, %dma_wait3A_683] : memref<2x2x16x512xf32, #tpu.memory_space<vmem>> -> memref<1x2x16x512xf32, #tpu.memory_space<vmem>>
    %dma_wait3A_685 = tpu.memref_squeeze %dma_wait3A_684 : memref<1x2x16x512xf32, #tpu.memory_space<vmem>> -> memref<2x16x512xf32, #tpu.memory_space<vmem>>
    %dma_wait3A_686 = arith.constant 6 : i32
    %dma_wait3A_687 = arith.constant 0 : i32
    %dma_wait3A_688 = tpu.memref_slice %arg2[%dma_wait3A_686, %mul3A_2, %dma_wait3A_687] : memref<16x512x512xf32, #tpu.memory_space<hbm>> -> memref<2x16x512xf32, #tpu.memory_space<hbm>>
    %dma_wait3A_689 = tpu.memref_slice %arg10[%dma_wait3A_680] : memref<2x!tpu.dma_semaphore, #tpu.memory_space<semaphore_mem>> -> memref<1x!tpu.dma_semaphore, #tpu.memory_space<semaphore_mem>>
    %dma_wait3A_690 = tpu.memref_squeeze %dma_wait3A_689 : memref<1x!tpu.dma_semaphore, #tpu.memory_space<semaphore_mem>> -> memref<!tpu.dma_semaphore, #tpu.memory_space<semaphore_mem>>
    %dma_wait3A_691 = arith.constant 0 : i32
    %dma_wait3A_692 = arith.constant 0 : i32
    %dma_wait3A_693 = arith.constant 0 : i32
    %dma_wait3A_694 = tpu.memref_slice %arg6[%dma_wait3A_679, %dma_wait3A_691, %dma_wait3A_692, %dma_wait3A_693] : memref<2x2x16x512xf32, #tpu.memory_space<vmem>> -> memref<1x2x16x512xf32, #tpu.memory_space<vmem>>
    %dma_wait3A_695 = tpu.memref_squeeze %dma_wait3A_694 : memref<1x2x16x512xf32, #tpu.memory_space<vmem>> -> memref<2x16x512xf32, #tpu.memory_space<vmem>>
    %dma_wait3A_696 = arith.constant 6 : i32
    %dma_wait3A_697 = arith.constant 0 : i32
    %dma_wait3A_698 = tpu.memref_slice %arg2[%dma_wait3A_696, %mul3A_2, %dma_wait3A_697] : memref<16x512x512xf32, #tpu.memory_space<hbm>> -> memref<2x16x512xf32, #tpu.memory_space<hbm>>
    tpu.wait_dma2 semaphore(%dma_wait3A_690 : memref<!tpu.dma_semaphore, #tpu.memory_space<semaphore_mem>>) src(%dma_wait3A_698 : memref<2x16x512xf32, #tpu.memory_space<hbm>>) dst(%dma_wait3A_695 : memref<2x16x512xf32, #tpu.memory_space<vmem>>)
    %dma_wait3A_699 = arith.constant 1 : i32
    %dma_wait3A_700 = arith.constant 1 : i32
    %dma_wait3A_701 = arith.constant 0 : i32
    %dma_wait3A_702 = arith.constant 0 : i32
    %dma_wait3A_703 = arith.constant 0 : i32
    %dma_wait3A_704 = tpu.memref_slice %arg7[%dma_wait3A_699, %dma_wait3A_701, %dma_wait3A_702, %dma_wait3A_703] : memref<2x2x16x512xf32, #tpu.memory_space<vmem>> -> memref<1x2x16x512xf32, #tpu.memory_space<vmem>>
    %dma_wait3A_705 = tpu.memref_squeeze %dma_wait3A_704 : memref<1x2x16x512xf32, #tpu.memory_space<vmem>> -> memref<2x16x512xf32, #tpu.memory_space<vmem>>
    %dma_wait3A_706 = arith.constant 6 : i32
    %dma_wait3A_707 = arith.constant 0 : i32
    %dma_wait3A_708 = tpu.memref_slice %arg3[%dma_wait3A_706, %mul3A_2, %dma_wait3A_707] : memref<16x512x512xf32, #tpu.memory_space<hbm>> -> memref<2x16x512xf32, #tpu.memory_space<hbm>>
    %dma_wait3A_709 = tpu.memref_slice %arg10[%dma_wait3A_700] : memref<2x!tpu.dma_semaphore, #tpu.memory_space<semaphore_mem>> -> memref<1x!tpu.dma_semaphore, #tpu.memory_space<semaphore_mem>>
    %dma_wait3A_710 = tpu.memref_squeeze %dma_wait3A_709 : memref<1x!tpu.dma_semaphore, #tpu.memory_space<semaphore_mem>> -> memref<!tpu.dma_semaphore, #tpu.memory_space<semaphore_mem>>
    %dma_wait3A_711 = arith.constant 0 : i32
    %dma_wait3A_712 = arith.constant 0 : i32
    %dma_wait3A_713 = arith.constant 0 : i32
    %dma_wait3A_714 = tpu.memref_slice %arg7[%dma_wait3A_699, %dma_wait3A_711, %dma_wait3A_712, %dma_wait3A_713] : memref<2x2x16x512xf32, #tpu.memory_space<vmem>> -> memref<1x2x16x512xf32, #tpu.memory_space<vmem>>
    %dma_wait3A_715 = tpu.memref_squeeze %dma_wait3A_714 : memref<1x2x16x512xf32, #tpu.memory_space<vmem>> -> memref<2x16x512xf32, #tpu.memory_space<vmem>>
    %dma_wait3A_716 = arith.constant 6 : i32
    %dma_wait3A_717 = arith.constant 0 : i32
    %dma_wait3A_718 = tpu.memref_slice %arg3[%dma_wait3A_716, %mul3A_2, %dma_wait3A_717] : memref<16x512x512xf32, #tpu.memory_space<hbm>> -> memref<2x16x512xf32, #tpu.memory_space<hbm>>
    tpu.wait_dma2 semaphore(%dma_wait3A_710 : memref<!tpu.dma_semaphore, #tpu.memory_space<semaphore_mem>>) src(%dma_wait3A_718 : memref<2x16x512xf32, #tpu.memory_space<hbm>>) dst(%dma_wait3A_715 : memref<2x16x512xf32, #tpu.memory_space<vmem>>)
    %dma_wait3A_719 = arith.constant 1 : i32
    %dma_wait3A_720 = arith.constant 1 : i32
    %dma_wait3A_721 = arith.constant 0 : i32
    %dma_wait3A_722 = arith.constant 0 : i32
    %dma_wait3A_723 = arith.constant 0 : i32
    %dma_wait3A_724 = tpu.memref_slice %arg8[%dma_wait3A_719, %dma_wait3A_721, %dma_wait3A_722, %dma_wait3A_723] : memref<2x2x16x512xi32, #tpu.memory_space<vmem>> -> memref<1x2x16x512xi32, #tpu.memory_space<vmem>>
    %dma_wait3A_725 = tpu.memref_squeeze %dma_wait3A_724 : memref<1x2x16x512xi32, #tpu.memory_space<vmem>> -> memref<2x16x512xi32, #tpu.memory_space<vmem>>
    %dma_wait3A_726 = arith.constant 6 : i32
    %dma_wait3A_727 = arith.constant 0 : i32
    %dma_wait3A_728 = tpu.memref_slice %arg4[%dma_wait3A_726, %mul3A_2, %dma_wait3A_727] : memref<16x512x512xi32, #tpu.memory_space<hbm>> -> memref<2x16x512xi32, #tpu.memory_space<hbm>>
    %dma_wait3A_729 = tpu.memref_slice %arg10[%dma_wait3A_720] : memref<2x!tpu.dma_semaphore, #tpu.memory_space<semaphore_mem>> -> memref<1x!tpu.dma_semaphore, #tpu.memory_space<semaphore_mem>>
    %dma_wait3A_730 = tpu.memref_squeeze %dma_wait3A_729 : memref<1x!tpu.dma_semaphore, #tpu.memory_space<semaphore_mem>> -> memref<!tpu.dma_semaphore, #tpu.memory_space<semaphore_mem>>
    %dma_wait3A_731 = arith.constant 0 : i32
    %dma_wait3A_732 = arith.constant 0 : i32
    %dma_wait3A_733 = arith.constant 0 : i32
    %dma_wait3A_734 = tpu.memref_slice %arg8[%dma_wait3A_719, %dma_wait3A_731, %dma_wait3A_732, %dma_wait3A_733] : memref<2x2x16x512xi32, #tpu.memory_space<vmem>> -> memref<1x2x16x512xi32, #tpu.memory_space<vmem>>
    %dma_wait3A_735 = tpu.memref_squeeze %dma_wait3A_734 : memref<1x2x16x512xi32, #tpu.memory_space<vmem>> -> memref<2x16x512xi32, #tpu.memory_space<vmem>>
    %dma_wait3A_736 = arith.constant 6 : i32
    %dma_wait3A_737 = arith.constant 0 : i32
    %dma_wait3A_738 = tpu.memref_slice %arg4[%dma_wait3A_736, %mul3A_2, %dma_wait3A_737] : memref<16x512x512xi32, #tpu.memory_space<hbm>> -> memref<2x16x512xi32, #tpu.memory_space<hbm>>
    tpu.wait_dma2 semaphore(%dma_wait3A_730 : memref<!tpu.dma_semaphore, #tpu.memory_space<semaphore_mem>>) src(%dma_wait3A_738 : memref<2x16x512xi32, #tpu.memory_space<hbm>>) dst(%dma_wait3A_735 : memref<2x16x512xi32, #tpu.memory_space<vmem>>)
    %parallel_loop3A_739 = arith.constant 0 : i32
    %parallel_loop3A_740 = arith.constant 1024 : i32
    %parallel_loop3A_741 = arith.constant 1 : i32
    scf.for %parallel_loop3A_1174 = %parallel_loop3A_739 to %parallel_loop3A_740 step %parallel_loop3A_741  : i32 {
      %parallel_loop3A_1175 = tpu.iota {dimensions = array<i32: 0>} : vector<16xi32>
      %parallel_loop3A_1176 = arith.constant 1.000000e+00 : f32
      %parallel_loop3A_1177 = vector.broadcast %parallel_loop3A_1176 : f32 to vector<16xf32>
      %parallel_loop3A_1178 = arith.constant 0.000000e+00 : f32
      %parallel_loop3A_1179 = vector.broadcast %parallel_loop3A_1178 : f32 to vector<16xf32>
      %parallel_loop3A_1180 = arith.constant 8 : i32
      %parallel_loop3A_1181 = vector.broadcast %parallel_loop3A_1180 : i32 to vector<16xi32>
      %parallel_loop3A_1182 = arith.constant 24 : i32
      %parallel_loop3A_1183 = vector.broadcast %parallel_loop3A_1182 : i32 to vector<16xi32>
      %parallel_loop3A_1184 = arith.constant 9 : i32
      %parallel_loop3A_1185 = arith.shrui %parallel_loop3A_1174, %parallel_loop3A_1184 : i32
      %parallel_loop3A_1186 = arith.constant 5 : i32
      %parallel_loop3A_1187 = arith.shrui %parallel_loop3A_1174, %parallel_loop3A_1186 : i32
      %parallel_loop3A_1188 = arith.constant 15 : i32
      %parallel_loop3A_1189 = arith.andi %parallel_loop3A_1187, %parallel_loop3A_1188 : i32
      %parallel_loop3A_1190 = arith.constant 31 : i32
      %parallel_loop3A_1191 = arith.andi %parallel_loop3A_1174, %parallel_loop3A_1190 : i32
      %parallel_loop3A_1192 = arith.constant 16 : i32
      %parallel_loop3A_1193 = arith.muli %parallel_loop3A_1191, %parallel_loop3A_1192 : i32
      %parallel_loop3A_1194 = arith.constant 1 : i32
      %parallel_loop3A_1195 = arith.index_cast %parallel_loop3A_1194 : i32 to index
      %parallel_loop3A_1196 = arith.index_cast %parallel_loop3A_1185 : i32 to index
      %parallel_loop3A_1197 = arith.index_cast %parallel_loop3A_1189 : i32 to index
      %parallel_loop3A_1198 = arith.index_cast %parallel_loop3A_1193 : i32 to index
      %parallel_loop3A_1199 = tpu.vector_load %arg6[%parallel_loop3A_1195, %parallel_loop3A_1196, %parallel_loop3A_1197, %parallel_loop3A_1198] {strides = array<i32>} : memref<2x2x16x512xf32, #tpu.memory_space<vmem>>, vector<16xf32>,
      %parallel_loop3A_1200 = arith.constant 1 : i32
      %parallel_loop3A_1201 = arith.index_cast %parallel_loop3A_1200 : i32 to index
      %parallel_loop3A_1202 = arith.index_cast %parallel_loop3A_1185 : i32 to index
      %parallel_loop3A_1203 = arith.index_cast %parallel_loop3A_1189 : i32 to index
      %parallel_loop3A_1204 = arith.index_cast %parallel_loop3A_1193 : i32 to index
      %parallel_loop3A_1205 = tpu.vector_load %arg7[%parallel_loop3A_1201, %parallel_loop3A_1202, %parallel_loop3A_1203, %parallel_loop3A_1204] {strides = array<i32>} : memref<2x2x16x512xf32, #tpu.memory_space<vmem>>, vector<16xf32>,
      %parallel_loop3A_1206 = arith.constant 1 : i32
      %parallel_loop3A_1207 = arith.index_cast %parallel_loop3A_1206 : i32 to index
      %parallel_loop3A_1208 = arith.index_cast %parallel_loop3A_1185 : i32 to index
      %parallel_loop3A_1209 = arith.index_cast %parallel_loop3A_1189 : i32 to index
      %parallel_loop3A_1210 = arith.index_cast %parallel_loop3A_1193 : i32 to index
      %parallel_loop3A_1211 = tpu.vector_load %arg8[%parallel_loop3A_1207, %parallel_loop3A_1208, %parallel_loop3A_1209, %parallel_loop3A_1210] {strides = array<i32>} : memref<2x2x16x512xi32, #tpu.memory_space<vmem>>, vector<16xi32>,
      %parallel_loop3A_1212 = arith.subf %parallel_loop3A_1199, %parallel_loop3A_1205 : vector<16xf32>
      %parallel_loop3A_1213 = arith.cmpf olt, %parallel_loop3A_1212, %parallel_loop3A_1179 : vector<16xf32>
      %parallel_loop3A_1214 = arith.extui %parallel_loop3A_1213 : vector<16xi1> to vector<16xi32>
      %parallel_loop3A_1215 = arith.constant 4 : i32
      %parallel_loop3A_1216 = vector.broadcast %parallel_loop3A_1215 : i32 to vector<16xi32>
      %parallel_loop3A_1217 = arith.muli %parallel_loop3A_1211, %parallel_loop3A_1216 : vector<16xi32>
      %parallel_loop3A_1218 = arith.constant 1 : i32
      %parallel_loop3A_1219 = vector.broadcast %parallel_loop3A_1218 : i32 to vector<16xi32>
      %parallel_loop3A_1220 = arith.constant 3 : i32
      %parallel_loop3A_1221 = vector.broadcast %parallel_loop3A_1220 : i32 to vector<16xi32>
      %parallel_loop3A_1222 = arith.mulf %parallel_loop3A_1212, %parallel_loop3A_1212 : vector<16xf32>
      tpu.vector_store_idx %arg9[%parallel_loop3A_1217, %parallel_loop3A_1175], %parallel_loop3A_1222 {add = true} : memref<32x16xf32, #tpu.memory_space<vmem>>[vector<16xi32>, vector<16xi32>], vector<16xf32>,
      %parallel_loop3A_1223 = arith.addi %parallel_loop3A_1217, %parallel_loop3A_1219 : vector<16xi32>
      %parallel_loop3A_1224 = arith.addi %parallel_loop3A_1223, %parallel_loop3A_1214 : vector<16xi32>
      tpu.vector_store_idx %arg9[%parallel_loop3A_1224, %parallel_loop3A_1175], %parallel_loop3A_1212 {add = true} : memref<32x16xf32, #tpu.memory_space<vmem>>[vector<16xi32>, vector<16xi32>], vector<16xf32>,
    } {sc.loop_unroll_factor = 32 : i64, sc.parallel_access}
    %dma_start3A_742 = arith.constant 1 : i32
    %dma_start3A_743 = arith.constant 1 : i32
    %dma_start3A_744 = arith.constant 0 : i32
    %dma_start3A_745 = arith.constant 0 : i32
    %dma_start3A_746 = arith.constant 0 : i32
    %dma_start3A_747 = tpu.memref_slice %arg6[%dma_start3A_742, %dma_start3A_744, %dma_start3A_745, %dma_start3A_746] : memref<2x2x16x512xf32, #tpu.memory_space<vmem>> -> memref<1x2x16x512xf32, #tpu.memory_space<vmem>>
    %dma_start3A_748 = tpu.memref_squeeze %dma_start3A_747 : memref<1x2x16x512xf32, #tpu.memory_space<vmem>> -> memref<2x16x512xf32, #tpu.memory_space<vmem>>
    %dma_start3A_749 = arith.constant 10 : i32
    %dma_start3A_750 = arith.constant 0 : i32
    %dma_start3A_751 = tpu.memref_slice %arg2[%dma_start3A_749, %mul3A_2, %dma_start3A_750] : memref<16x512x512xf32, #tpu.memory_space<hbm>> -> memref<2x16x512xf32, #tpu.memory_space<hbm>>
    %dma_start3A_752 = tpu.memref_slice %arg10[%dma_start3A_743] : memref<2x!tpu.dma_semaphore, #tpu.memory_space<semaphore_mem>> -> memref<1x!tpu.dma_semaphore, #tpu.memory_space<semaphore_mem>>
    %dma_start3A_753 = tpu.memref_squeeze %dma_start3A_752 : memref<1x!tpu.dma_semaphore, #tpu.memory_space<semaphore_mem>> -> memref<!tpu.dma_semaphore, #tpu.memory_space<semaphore_mem>>
    %dma_start3A_754 = arith.constant 0 : i32
    %dma_start3A_755 = arith.constant 0 : i32
    %dma_start3A_756 = arith.constant 0 : i32
    %dma_start3A_757 = tpu.memref_slice %arg6[%dma_start3A_742, %dma_start3A_754, %dma_start3A_755, %dma_start3A_756] : memref<2x2x16x512xf32, #tpu.memory_space<vmem>> -> memref<1x2x16x512xf32, #tpu.memory_space<vmem>>
    %dma_start3A_758 = tpu.memref_squeeze %dma_start3A_757 : memref<1x2x16x512xf32, #tpu.memory_space<vmem>> -> memref<2x16x512xf32, #tpu.memory_space<vmem>>
    %dma_start3A_759 = arith.constant 10 : i32
    %dma_start3A_760 = arith.constant 0 : i32
    %dma_start3A_761 = tpu.memref_slice %arg2[%dma_start3A_759, %mul3A_2, %dma_start3A_760] : memref<16x512x512xf32, #tpu.memory_space<hbm>> -> memref<2x16x512xf32, #tpu.memory_space<hbm>>
    tpu.enqueue_dma source(%dma_start3A_761 : memref<2x16x512xf32, #tpu.memory_space<hbm>>) target(%dma_start3A_758 : memref<2x16x512xf32, #tpu.memory_space<vmem>>) target_semaphore(%dma_start3A_753 : memref<!tpu.dma_semaphore, #tpu.memory_space<semaphore_mem>>)
    %dma_start3A_762 = arith.constant 1 : i32
    %dma_start3A_763 = arith.constant 1 : i32
    %dma_start3A_764 = arith.constant 0 : i32
    %dma_start3A_765 = arith.constant 0 : i32
    %dma_start3A_766 = arith.constant 0 : i32
    %dma_start3A_767 = tpu.memref_slice %arg7[%dma_start3A_762, %dma_start3A_764, %dma_start3A_765, %dma_start3A_766] : memref<2x2x16x512xf32, #tpu.memory_space<vmem>> -> memref<1x2x16x512xf32, #tpu.memory_space<vmem>>
    %dma_start3A_768 = tpu.memref_squeeze %dma_start3A_767 : memref<1x2x16x512xf32, #tpu.memory_space<vmem>> -> memref<2x16x512xf32, #tpu.memory_space<vmem>>
    %dma_start3A_769 = arith.constant 10 : i32
    %dma_start3A_770 = arith.constant 0 : i32
    %dma_start3A_771 = tpu.memref_slice %arg3[%dma_start3A_769, %mul3A_2, %dma_start3A_770] : memref<16x512x512xf32, #tpu.memory_space<hbm>> -> memref<2x16x512xf32, #tpu.memory_space<hbm>>
    %dma_start3A_772 = tpu.memref_slice %arg10[%dma_start3A_763] : memref<2x!tpu.dma_semaphore, #tpu.memory_space<semaphore_mem>> -> memref<1x!tpu.dma_semaphore, #tpu.memory_space<semaphore_mem>>
    %dma_start3A_773 = tpu.memref_squeeze %dma_start3A_772 : memref<1x!tpu.dma_semaphore, #tpu.memory_space<semaphore_mem>> -> memref<!tpu.dma_semaphore, #tpu.memory_space<semaphore_mem>>
    %dma_start3A_774 = arith.constant 0 : i32
    %dma_start3A_775 = arith.constant 0 : i32
    %dma_start3A_776 = arith.constant 0 : i32
    %dma_start3A_777 = tpu.memref_slice %arg7[%dma_start3A_762, %dma_start3A_774, %dma_start3A_775, %dma_start3A_776] : memref<2x2x16x512xf32, #tpu.memory_space<vmem>> -> memref<1x2x16x512xf32, #tpu.memory_space<vmem>>
    %dma_start3A_778 = tpu.memref_squeeze %dma_start3A_777 : memref<1x2x16x512xf32, #tpu.memory_space<vmem>> -> memref<2x16x512xf32, #tpu.memory_space<vmem>>
    %dma_start3A_779 = arith.constant 10 : i32
    %dma_start3A_780 = arith.constant 0 : i32
    %dma_start3A_781 = tpu.memref_slice %arg3[%dma_start3A_779, %mul3A_2, %dma_start3A_780] : memref<16x512x512xf32, #tpu.memory_space<hbm>> -> memref<2x16x512xf32, #tpu.memory_space<hbm>>
    tpu.enqueue_dma source(%dma_start3A_781 : memref<2x16x512xf32, #tpu.memory_space<hbm>>) target(%dma_start3A_778 : memref<2x16x512xf32, #tpu.memory_space<vmem>>) target_semaphore(%dma_start3A_773 : memref<!tpu.dma_semaphore, #tpu.memory_space<semaphore_mem>>)
    %dma_start3A_782 = arith.constant 1 : i32
    %dma_start3A_783 = arith.constant 1 : i32
    %dma_start3A_784 = arith.constant 0 : i32
    %dma_start3A_785 = arith.constant 0 : i32
    %dma_start3A_786 = arith.constant 0 : i32
    %dma_start3A_787 = tpu.memref_slice %arg8[%dma_start3A_782, %dma_start3A_784, %dma_start3A_785, %dma_start3A_786] : memref<2x2x16x512xi32, #tpu.memory_space<vmem>> -> memref<1x2x16x512xi32, #tpu.memory_space<vmem>>
    %dma_start3A_788 = tpu.memref_squeeze %dma_start3A_787 : memref<1x2x16x512xi32, #tpu.memory_space<vmem>> -> memref<2x16x512xi32, #tpu.memory_space<vmem>>
    %dma_start3A_789 = arith.constant 10 : i32
    %dma_start3A_790 = arith.constant 0 : i32
    %dma_start3A_791 = tpu.memref_slice %arg4[%dma_start3A_789, %mul3A_2, %dma_start3A_790] : memref<16x512x512xi32, #tpu.memory_space<hbm>> -> memref<2x16x512xi32, #tpu.memory_space<hbm>>
    %dma_start3A_792 = tpu.memref_slice %arg10[%dma_start3A_783] : memref<2x!tpu.dma_semaphore, #tpu.memory_space<semaphore_mem>> -> memref<1x!tpu.dma_semaphore, #tpu.memory_space<semaphore_mem>>
    %dma_start3A_793 = tpu.memref_squeeze %dma_start3A_792 : memref<1x!tpu.dma_semaphore, #tpu.memory_space<semaphore_mem>> -> memref<!tpu.dma_semaphore, #tpu.memory_space<semaphore_mem>>
    %dma_start3A_794 = arith.constant 0 : i32
    %dma_start3A_795 = arith.constant 0 : i32
    %dma_start3A_796 = arith.constant 0 : i32
    %dma_start3A_797 = tpu.memref_slice %arg8[%dma_start3A_782, %dma_start3A_794, %dma_start3A_795, %dma_start3A_796] : memref<2x2x16x512xi32, #tpu.memory_space<vmem>> -> memref<1x2x16x512xi32, #tpu.memory_space<vmem>>
    %dma_start3A_798 = tpu.memref_squeeze %dma_start3A_797 : memref<1x2x16x512xi32, #tpu.memory_space<vmem>> -> memref<2x16x512xi32, #tpu.memory_space<vmem>>
    %dma_start3A_799 = arith.constant 10 : i32
    %dma_start3A_800 = arith.constant 0 : i32
    %dma_start3A_801 = tpu.memref_slice %arg4[%dma_start3A_799, %mul3A_2, %dma_start3A_800] : memref<16x512x512xi32, #tpu.memory_space<hbm>> -> memref<2x16x512xi32, #tpu.memory_space<hbm>>
    tpu.enqueue_dma source(%dma_start3A_801 : memref<2x16x512xi32, #tpu.memory_space<hbm>>) target(%dma_start3A_798 : memref<2x16x512xi32, #tpu.memory_space<vmem>>) target_semaphore(%dma_start3A_793 : memref<!tpu.dma_semaphore, #tpu.memory_space<semaphore_mem>>)
    %dma_wait3A_802 = arith.constant 0 : i32
    %dma_wait3A_803 = arith.constant 0 : i32
    %dma_wait3A_804 = arith.constant 0 : i32
    %dma_wait3A_805 = arith.constant 0 : i32
    %dma_wait3A_806 = arith.constant 0 : i32
    %dma_wait3A_807 = tpu.memref_slice %arg6[%dma_wait3A_802, %dma_wait3A_804, %dma_wait3A_805, %dma_wait3A_806] : memref<2x2x16x512xf32, #tpu.memory_space<vmem>> -> memref<1x2x16x512xf32, #tpu.memory_space<vmem>>
    %dma_wait3A_808 = tpu.memref_squeeze %dma_wait3A_807 : memref<1x2x16x512xf32, #tpu.memory_space<vmem>> -> memref<2x16x512xf32, #tpu.memory_space<vmem>>
    %dma_wait3A_809 = arith.constant 8 : i32
    %dma_wait3A_810 = arith.constant 0 : i32
    %dma_wait3A_811 = tpu.memref_slice %arg2[%dma_wait3A_809, %mul3A_2, %dma_wait3A_810] : memref<16x512x512xf32, #tpu.memory_space<hbm>> -> memref<2x16x512xf32, #tpu.memory_space<hbm>>
    %dma_wait3A_812 = tpu.memref_slice %arg10[%dma_wait3A_803] : memref<2x!tpu.dma_semaphore, #tpu.memory_space<semaphore_mem>> -> memref<1x!tpu.dma_semaphore, #tpu.memory_space<semaphore_mem>>
    %dma_wait3A_813 = tpu.memref_squeeze %dma_wait3A_812 : memref<1x!tpu.dma_semaphore, #tpu.memory_space<semaphore_mem>> -> memref<!tpu.dma_semaphore, #tpu.memory_space<semaphore_mem>>
    %dma_wait3A_814 = arith.constant 0 : i32
    %dma_wait3A_815 = arith.constant 0 : i32
    %dma_wait3A_816 = arith.constant 0 : i32
    %dma_wait3A_817 = tpu.memref_slice %arg6[%dma_wait3A_802, %dma_wait3A_814, %dma_wait3A_815, %dma_wait3A_816] : memref<2x2x16x512xf32, #tpu.memory_space<vmem>> -> memref<1x2x16x512xf32, #tpu.memory_space<vmem>>
    %dma_wait3A_818 = tpu.memref_squeeze %dma_wait3A_817 : memref<1x2x16x512xf32, #tpu.memory_space<vmem>> -> memref<2x16x512xf32, #tpu.memory_space<vmem>>
    %dma_wait3A_819 = arith.constant 8 : i32
    %dma_wait3A_820 = arith.constant 0 : i32
    %dma_wait3A_821 = tpu.memref_slice %arg2[%dma_wait3A_819, %mul3A_2, %dma_wait3A_820] : memref<16x512x512xf32, #tpu.memory_space<hbm>> -> memref<2x16x512xf32, #tpu.memory_space<hbm>>
    tpu.wait_dma2 semaphore(%dma_wait3A_813 : memref<!tpu.dma_semaphore, #tpu.memory_space<semaphore_mem>>) src(%dma_wait3A_821 : memref<2x16x512xf32, #tpu.memory_space<hbm>>) dst(%dma_wait3A_818 : memref<2x16x512xf32, #tpu.memory_space<vmem>>)
    %dma_wait3A_822 = arith.constant 0 : i32
    %dma_wait3A_823 = arith.constant 0 : i32
    %dma_wait3A_824 = arith.constant 0 : i32
    %dma_wait3A_825 = arith.constant 0 : i32
    %dma_wait3A_826 = arith.constant 0 : i32
    %dma_wait3A_827 = tpu.memref_slice %arg7[%dma_wait3A_822, %dma_wait3A_824, %dma_wait3A_825, %dma_wait3A_826] : memref<2x2x16x512xf32, #tpu.memory_space<vmem>> -> memref<1x2x16x512xf32, #tpu.memory_space<vmem>>
    %dma_wait3A_828 = tpu.memref_squeeze %dma_wait3A_827 : memref<1x2x16x512xf32, #tpu.memory_space<vmem>> -> memref<2x16x512xf32, #tpu.memory_space<vmem>>
    %dma_wait3A_829 = arith.constant 8 : i32
    %dma_wait3A_830 = arith.constant 0 : i32
    %dma_wait3A_831 = tpu.memref_slice %arg3[%dma_wait3A_829, %mul3A_2, %dma_wait3A_830] : memref<16x512x512xf32, #tpu.memory_space<hbm>> -> memref<2x16x512xf32, #tpu.memory_space<hbm>>
    %dma_wait3A_832 = tpu.memref_slice %arg10[%dma_wait3A_823] : memref<2x!tpu.dma_semaphore, #tpu.memory_space<semaphore_mem>> -> memref<1x!tpu.dma_semaphore, #tpu.memory_space<semaphore_mem>>
    %dma_wait3A_833 = tpu.memref_squeeze %dma_wait3A_832 : memref<1x!tpu.dma_semaphore, #tpu.memory_space<semaphore_mem>> -> memref<!tpu.dma_semaphore, #tpu.memory_space<semaphore_mem>>
    %dma_wait3A_834 = arith.constant 0 : i32
    %dma_wait3A_835 = arith.constant 0 : i32
    %dma_wait3A_836 = arith.constant 0 : i32
    %dma_wait3A_837 = tpu.memref_slice %arg7[%dma_wait3A_822, %dma_wait3A_834, %dma_wait3A_835, %dma_wait3A_836] : memref<2x2x16x512xf32, #tpu.memory_space<vmem>> -> memref<1x2x16x512xf32, #tpu.memory_space<vmem>>
    %dma_wait3A_838 = tpu.memref_squeeze %dma_wait3A_837 : memref<1x2x16x512xf32, #tpu.memory_space<vmem>> -> memref<2x16x512xf32, #tpu.memory_space<vmem>>
    %dma_wait3A_839 = arith.constant 8 : i32
    %dma_wait3A_840 = arith.constant 0 : i32
    %dma_wait3A_841 = tpu.memref_slice %arg3[%dma_wait3A_839, %mul3A_2, %dma_wait3A_840] : memref<16x512x512xf32, #tpu.memory_space<hbm>> -> memref<2x16x512xf32, #tpu.memory_space<hbm>>
    tpu.wait_dma2 semaphore(%dma_wait3A_833 : memref<!tpu.dma_semaphore, #tpu.memory_space<semaphore_mem>>) src(%dma_wait3A_841 : memref<2x16x512xf32, #tpu.memory_space<hbm>>) dst(%dma_wait3A_838 : memref<2x16x512xf32, #tpu.memory_space<vmem>>)
    %dma_wait3A_842 = arith.constant 0 : i32
    %dma_wait3A_843 = arith.constant 0 : i32
    %dma_wait3A_844 = arith.constant 0 : i32
    %dma_wait3A_845 = arith.constant 0 : i32
    %dma_wait3A_846 = arith.constant 0 : i32
    %dma_wait3A_847 = tpu.memref_slice %arg8[%dma_wait3A_842, %dma_wait3A_844, %dma_wait3A_845, %dma_wait3A_846] : memref<2x2x16x512xi32, #tpu.memory_space<vmem>> -> memref<1x2x16x512xi32, #tpu.memory_space<vmem>>
    %dma_wait3A_848 = tpu.memref_squeeze %dma_wait3A_847 : memref<1x2x16x512xi32, #tpu.memory_space<vmem>> -> memref<2x16x512xi32, #tpu.memory_space<vmem>>
    %dma_wait3A_849 = arith.constant 8 : i32
    %dma_wait3A_850 = arith.constant 0 : i32
    %dma_wait3A_851 = tpu.memref_slice %arg4[%dma_wait3A_849, %mul3A_2, %dma_wait3A_850] : memref<16x512x512xi32, #tpu.memory_space<hbm>> -> memref<2x16x512xi32, #tpu.memory_space<hbm>>
    %dma_wait3A_852 = tpu.memref_slice %arg10[%dma_wait3A_843] : memref<2x!tpu.dma_semaphore, #tpu.memory_space<semaphore_mem>> -> memref<1x!tpu.dma_semaphore, #tpu.memory_space<semaphore_mem>>
    %dma_wait3A_853 = tpu.memref_squeeze %dma_wait3A_852 : memref<1x!tpu.dma_semaphore, #tpu.memory_space<semaphore_mem>> -> memref<!tpu.dma_semaphore, #tpu.memory_space<semaphore_mem>>
    %dma_wait3A_854 = arith.constant 0 : i32
    %dma_wait3A_855 = arith.constant 0 : i32
    %dma_wait3A_856 = arith.constant 0 : i32
    %dma_wait3A_857 = tpu.memref_slice %arg8[%dma_wait3A_842, %dma_wait3A_854, %dma_wait3A_855, %dma_wait3A_856] : memref<2x2x16x512xi32, #tpu.memory_space<vmem>> -> memref<1x2x16x512xi32, #tpu.memory_space<vmem>>
    %dma_wait3A_858 = tpu.memref_squeeze %dma_wait3A_857 : memref<1x2x16x512xi32, #tpu.memory_space<vmem>> -> memref<2x16x512xi32, #tpu.memory_space<vmem>>
    %dma_wait3A_859 = arith.constant 8 : i32
    %dma_wait3A_860 = arith.constant 0 : i32
    %dma_wait3A_861 = tpu.memref_slice %arg4[%dma_wait3A_859, %mul3A_2, %dma_wait3A_860] : memref<16x512x512xi32, #tpu.memory_space<hbm>> -> memref<2x16x512xi32, #tpu.memory_space<hbm>>
    tpu.wait_dma2 semaphore(%dma_wait3A_853 : memref<!tpu.dma_semaphore, #tpu.memory_space<semaphore_mem>>) src(%dma_wait3A_861 : memref<2x16x512xi32, #tpu.memory_space<hbm>>) dst(%dma_wait3A_858 : memref<2x16x512xi32, #tpu.memory_space<vmem>>)
    %parallel_loop3A_862 = arith.constant 0 : i32
    %parallel_loop3A_863 = arith.constant 1024 : i32
    %parallel_loop3A_864 = arith.constant 1 : i32
    scf.for %parallel_loop3A_1174 = %parallel_loop3A_862 to %parallel_loop3A_863 step %parallel_loop3A_864  : i32 {
      %parallel_loop3A_1175 = tpu.iota {dimensions = array<i32: 0>} : vector<16xi32>
      %parallel_loop3A_1176 = arith.constant 1.000000e+00 : f32
      %parallel_loop3A_1177 = vector.broadcast %parallel_loop3A_1176 : f32 to vector<16xf32>
      %parallel_loop3A_1178 = arith.constant 0.000000e+00 : f32
      %parallel_loop3A_1179 = vector.broadcast %parallel_loop3A_1178 : f32 to vector<16xf32>
      %parallel_loop3A_1180 = arith.constant 8 : i32
      %parallel_loop3A_1181 = vector.broadcast %parallel_loop3A_1180 : i32 to vector<16xi32>
      %parallel_loop3A_1182 = arith.constant 24 : i32
      %parallel_loop3A_1183 = vector.broadcast %parallel_loop3A_1182 : i32 to vector<16xi32>
      %parallel_loop3A_1184 = arith.constant 9 : i32
      %parallel_loop3A_1185 = arith.shrui %parallel_loop3A_1174, %parallel_loop3A_1184 : i32
      %parallel_loop3A_1186 = arith.constant 5 : i32
      %parallel_loop3A_1187 = arith.shrui %parallel_loop3A_1174, %parallel_loop3A_1186 : i32
      %parallel_loop3A_1188 = arith.constant 15 : i32
      %parallel_loop3A_1189 = arith.andi %parallel_loop3A_1187, %parallel_loop3A_1188 : i32
      %parallel_loop3A_1190 = arith.constant 31 : i32
      %parallel_loop3A_1191 = arith.andi %parallel_loop3A_1174, %parallel_loop3A_1190 : i32
      %parallel_loop3A_1192 = arith.constant 16 : i32
      %parallel_loop3A_1193 = arith.muli %parallel_loop3A_1191, %parallel_loop3A_1192 : i32
      %parallel_loop3A_1194 = arith.constant 0 : i32
      %parallel_loop3A_1195 = arith.index_cast %parallel_loop3A_1194 : i32 to index
      %parallel_loop3A_1196 = arith.index_cast %parallel_loop3A_1185 : i32 to index
      %parallel_loop3A_1197 = arith.index_cast %parallel_loop3A_1189 : i32 to index
      %parallel_loop3A_1198 = arith.index_cast %parallel_loop3A_1193 : i32 to index
      %parallel_loop3A_1199 = tpu.vector_load %arg6[%parallel_loop3A_1195, %parallel_loop3A_1196, %parallel_loop3A_1197, %parallel_loop3A_1198] {strides = array<i32>} : memref<2x2x16x512xf32, #tpu.memory_space<vmem>>, vector<16xf32>,
      %parallel_loop3A_1200 = arith.constant 0 : i32
      %parallel_loop3A_1201 = arith.index_cast %parallel_loop3A_1200 : i32 to index
      %parallel_loop3A_1202 = arith.index_cast %parallel_loop3A_1185 : i32 to index
      %parallel_loop3A_1203 = arith.index_cast %parallel_loop3A_1189 : i32 to index
      %parallel_loop3A_1204 = arith.index_cast %parallel_loop3A_1193 : i32 to index
      %parallel_loop3A_1205 = tpu.vector_load %arg7[%parallel_loop3A_1201, %parallel_loop3A_1202, %parallel_loop3A_1203, %parallel_loop3A_1204] {strides = array<i32>} : memref<2x2x16x512xf32, #tpu.memory_space<vmem>>, vector<16xf32>,
      %parallel_loop3A_1206 = arith.constant 0 : i32
      %parallel_loop3A_1207 = arith.index_cast %parallel_loop3A_1206 : i32 to index
      %parallel_loop3A_1208 = arith.index_cast %parallel_loop3A_1185 : i32 to index
      %parallel_loop3A_1209 = arith.index_cast %parallel_loop3A_1189 : i32 to index
      %parallel_loop3A_1210 = arith.index_cast %parallel_loop3A_1193 : i32 to index
      %parallel_loop3A_1211 = tpu.vector_load %arg8[%parallel_loop3A_1207, %parallel_loop3A_1208, %parallel_loop3A_1209, %parallel_loop3A_1210] {strides = array<i32>} : memref<2x2x16x512xi32, #tpu.memory_space<vmem>>, vector<16xi32>,
      %parallel_loop3A_1212 = arith.subf %parallel_loop3A_1199, %parallel_loop3A_1205 : vector<16xf32>
      %parallel_loop3A_1213 = arith.cmpf olt, %parallel_loop3A_1212, %parallel_loop3A_1179 : vector<16xf32>
      %parallel_loop3A_1214 = arith.extui %parallel_loop3A_1213 : vector<16xi1> to vector<16xi32>
      %parallel_loop3A_1215 = arith.constant 4 : i32
      %parallel_loop3A_1216 = vector.broadcast %parallel_loop3A_1215 : i32 to vector<16xi32>
      %parallel_loop3A_1217 = arith.muli %parallel_loop3A_1211, %parallel_loop3A_1216 : vector<16xi32>
      %parallel_loop3A_1218 = arith.constant 1 : i32
      %parallel_loop3A_1219 = vector.broadcast %parallel_loop3A_1218 : i32 to vector<16xi32>
      %parallel_loop3A_1220 = arith.constant 3 : i32
      %parallel_loop3A_1221 = vector.broadcast %parallel_loop3A_1220 : i32 to vector<16xi32>
      %parallel_loop3A_1222 = arith.mulf %parallel_loop3A_1212, %parallel_loop3A_1212 : vector<16xf32>
      tpu.vector_store_idx %arg9[%parallel_loop3A_1217, %parallel_loop3A_1175], %parallel_loop3A_1222 {add = true} : memref<32x16xf32, #tpu.memory_space<vmem>>[vector<16xi32>, vector<16xi32>], vector<16xf32>,
      %parallel_loop3A_1223 = arith.addi %parallel_loop3A_1217, %parallel_loop3A_1219 : vector<16xi32>
      %parallel_loop3A_1224 = arith.addi %parallel_loop3A_1223, %parallel_loop3A_1214 : vector<16xi32>
      tpu.vector_store_idx %arg9[%parallel_loop3A_1224, %parallel_loop3A_1175], %parallel_loop3A_1212 {add = true} : memref<32x16xf32, #tpu.memory_space<vmem>>[vector<16xi32>, vector<16xi32>], vector<16xf32>,
    } {sc.loop_unroll_factor = 32 : i64, sc.parallel_access}
    %dma_start3A_865 = arith.constant 0 : i32
    %dma_start3A_866 = arith.constant 0 : i32
    %dma_start3A_867 = arith.constant 0 : i32
    %dma_start3A_868 = arith.constant 0 : i32
    %dma_start3A_869 = arith.constant 0 : i32
    %dma_start3A_870 = tpu.memref_slice %arg6[%dma_start3A_865, %dma_start3A_867, %dma_start3A_868, %dma_start3A_869] : memref<2x2x16x512xf32, #tpu.memory_space<vmem>> -> memref<1x2x16x512xf32, #tpu.memory_space<vmem>>
    %dma_start3A_871 = tpu.memref_squeeze %dma_start3A_870 : memref<1x2x16x512xf32, #tpu.memory_space<vmem>> -> memref<2x16x512xf32, #tpu.memory_space<vmem>>
    %dma_start3A_872 = arith.constant 12 : i32
    %dma_start3A_873 = arith.constant 0 : i32
    %dma_start3A_874 = tpu.memref_slice %arg2[%dma_start3A_872, %mul3A_2, %dma_start3A_873] : memref<16x512x512xf32, #tpu.memory_space<hbm>> -> memref<2x16x512xf32, #tpu.memory_space<hbm>>
    %dma_start3A_875 = tpu.memref_slice %arg10[%dma_start3A_866] : memref<2x!tpu.dma_semaphore, #tpu.memory_space<semaphore_mem>> -> memref<1x!tpu.dma_semaphore, #tpu.memory_space<semaphore_mem>>
    %dma_start3A_876 = tpu.memref_squeeze %dma_start3A_875 : memref<1x!tpu.dma_semaphore, #tpu.memory_space<semaphore_mem>> -> memref<!tpu.dma_semaphore, #tpu.memory_space<semaphore_mem>>
    %dma_start3A_877 = arith.constant 0 : i32
    %dma_start3A_878 = arith.constant 0 : i32
    %dma_start3A_879 = arith.constant 0 : i32
    %dma_start3A_880 = tpu.memref_slice %arg6[%dma_start3A_865, %dma_start3A_877, %dma_start3A_878, %dma_start3A_879] : memref<2x2x16x512xf32, #tpu.memory_space<vmem>> -> memref<1x2x16x512xf32, #tpu.memory_space<vmem>>
    %dma_start3A_881 = tpu.memref_squeeze %dma_start3A_880 : memref<1x2x16x512xf32, #tpu.memory_space<vmem>> -> memref<2x16x512xf32, #tpu.memory_space<vmem>>
    %dma_start3A_882 = arith.constant 12 : i32
    %dma_start3A_883 = arith.constant 0 : i32
    %dma_start3A_884 = tpu.memref_slice %arg2[%dma_start3A_882, %mul3A_2, %dma_start3A_883] : memref<16x512x512xf32, #tpu.memory_space<hbm>> -> memref<2x16x512xf32, #tpu.memory_space<hbm>>
    tpu.enqueue_dma source(%dma_start3A_884 : memref<2x16x512xf32, #tpu.memory_space<hbm>>) target(%dma_start3A_881 : memref<2x16x512xf32, #tpu.memory_space<vmem>>) target_semaphore(%dma_start3A_876 : memref<!tpu.dma_semaphore, #tpu.memory_space<semaphore_mem>>)
    %dma_start3A_885 = arith.constant 0 : i32
    %dma_start3A_886 = arith.constant 0 : i32
    %dma_start3A_887 = arith.constant 0 : i32
    %dma_start3A_888 = arith.constant 0 : i32
    %dma_start3A_889 = arith.constant 0 : i32
    %dma_start3A_890 = tpu.memref_slice %arg7[%dma_start3A_885, %dma_start3A_887, %dma_start3A_888, %dma_start3A_889] : memref<2x2x16x512xf32, #tpu.memory_space<vmem>> -> memref<1x2x16x512xf32, #tpu.memory_space<vmem>>
    %dma_start3A_891 = tpu.memref_squeeze %dma_start3A_890 : memref<1x2x16x512xf32, #tpu.memory_space<vmem>> -> memref<2x16x512xf32, #tpu.memory_space<vmem>>
    %dma_start3A_892 = arith.constant 12 : i32
    %dma_start3A_893 = arith.constant 0 : i32
    %dma_start3A_894 = tpu.memref_slice %arg3[%dma_start3A_892, %mul3A_2, %dma_start3A_893] : memref<16x512x512xf32, #tpu.memory_space<hbm>> -> memref<2x16x512xf32, #tpu.memory_space<hbm>>
    %dma_start3A_895 = tpu.memref_slice %arg10[%dma_start3A_886] : memref<2x!tpu.dma_semaphore, #tpu.memory_space<semaphore_mem>> -> memref<1x!tpu.dma_semaphore, #tpu.memory_space<semaphore_mem>>
    %dma_start3A_896 = tpu.memref_squeeze %dma_start3A_895 : memref<1x!tpu.dma_semaphore, #tpu.memory_space<semaphore_mem>> -> memref<!tpu.dma_semaphore, #tpu.memory_space<semaphore_mem>>
    %dma_start3A_897 = arith.constant 0 : i32
    %dma_start3A_898 = arith.constant 0 : i32
    %dma_start3A_899 = arith.constant 0 : i32
    %dma_start3A_900 = tpu.memref_slice %arg7[%dma_start3A_885, %dma_start3A_897, %dma_start3A_898, %dma_start3A_899] : memref<2x2x16x512xf32, #tpu.memory_space<vmem>> -> memref<1x2x16x512xf32, #tpu.memory_space<vmem>>
    %dma_start3A_901 = tpu.memref_squeeze %dma_start3A_900 : memref<1x2x16x512xf32, #tpu.memory_space<vmem>> -> memref<2x16x512xf32, #tpu.memory_space<vmem>>
    %dma_start3A_902 = arith.constant 12 : i32
    %dma_start3A_903 = arith.constant 0 : i32
    %dma_start3A_904 = tpu.memref_slice %arg3[%dma_start3A_902, %mul3A_2, %dma_start3A_903] : memref<16x512x512xf32, #tpu.memory_space<hbm>> -> memref<2x16x512xf32, #tpu.memory_space<hbm>>
    tpu.enqueue_dma source(%dma_start3A_904 : memref<2x16x512xf32, #tpu.memory_space<hbm>>) target(%dma_start3A_901 : memref<2x16x512xf32, #tpu.memory_space<vmem>>) target_semaphore(%dma_start3A_896 : memref<!tpu.dma_semaphore, #tpu.memory_space<semaphore_mem>>)
    %dma_start3A_905 = arith.constant 0 : i32
    %dma_start3A_906 = arith.constant 0 : i32
    %dma_start3A_907 = arith.constant 0 : i32
    %dma_start3A_908 = arith.constant 0 : i32
    %dma_start3A_909 = arith.constant 0 : i32
    %dma_start3A_910 = tpu.memref_slice %arg8[%dma_start3A_905, %dma_start3A_907, %dma_start3A_908, %dma_start3A_909] : memref<2x2x16x512xi32, #tpu.memory_space<vmem>> -> memref<1x2x16x512xi32, #tpu.memory_space<vmem>>
    %dma_start3A_911 = tpu.memref_squeeze %dma_start3A_910 : memref<1x2x16x512xi32, #tpu.memory_space<vmem>> -> memref<2x16x512xi32, #tpu.memory_space<vmem>>
    %dma_start3A_912 = arith.constant 12 : i32
    %dma_start3A_913 = arith.constant 0 : i32
    %dma_start3A_914 = tpu.memref_slice %arg4[%dma_start3A_912, %mul3A_2, %dma_start3A_913] : memref<16x512x512xi32, #tpu.memory_space<hbm>> -> memref<2x16x512xi32, #tpu.memory_space<hbm>>
    %dma_start3A_915 = tpu.memref_slice %arg10[%dma_start3A_906] : memref<2x!tpu.dma_semaphore, #tpu.memory_space<semaphore_mem>> -> memref<1x!tpu.dma_semaphore, #tpu.memory_space<semaphore_mem>>
    %dma_start3A_916 = tpu.memref_squeeze %dma_start3A_915 : memref<1x!tpu.dma_semaphore, #tpu.memory_space<semaphore_mem>> -> memref<!tpu.dma_semaphore, #tpu.memory_space<semaphore_mem>>
    %dma_start3A_917 = arith.constant 0 : i32
    %dma_start3A_918 = arith.constant 0 : i32
    %dma_start3A_919 = arith.constant 0 : i32
    %dma_start3A_920 = tpu.memref_slice %arg8[%dma_start3A_905, %dma_start3A_917, %dma_start3A_918, %dma_start3A_919] : memref<2x2x16x512xi32, #tpu.memory_space<vmem>> -> memref<1x2x16x512xi32, #tpu.memory_space<vmem>>
    %dma_start3A_921 = tpu.memref_squeeze %dma_start3A_920 : memref<1x2x16x512xi32, #tpu.memory_space<vmem>> -> memref<2x16x512xi32, #tpu.memory_space<vmem>>
    %dma_start3A_922 = arith.constant 12 : i32
    %dma_start3A_923 = arith.constant 0 : i32
    %dma_start3A_924 = tpu.memref_slice %arg4[%dma_start3A_922, %mul3A_2, %dma_start3A_923] : memref<16x512x512xi32, #tpu.memory_space<hbm>> -> memref<2x16x512xi32, #tpu.memory_space<hbm>>
    tpu.enqueue_dma source(%dma_start3A_924 : memref<2x16x512xi32, #tpu.memory_space<hbm>>) target(%dma_start3A_921 : memref<2x16x512xi32, #tpu.memory_space<vmem>>) target_semaphore(%dma_start3A_916 : memref<!tpu.dma_semaphore, #tpu.memory_space<semaphore_mem>>)
    %dma_wait3A_925 = arith.constant 1 : i32
    %dma_wait3A_926 = arith.constant 1 : i32
    %dma_wait3A_927 = arith.constant 0 : i32
    %dma_wait3A_928 = arith.constant 0 : i32
    %dma_wait3A_929 = arith.constant 0 : i32
    %dma_wait3A_930 = tpu.memref_slice %arg6[%dma_wait3A_925, %dma_wait3A_927, %dma_wait3A_928, %dma_wait3A_929] : memref<2x2x16x512xf32, #tpu.memory_space<vmem>> -> memref<1x2x16x512xf32, #tpu.memory_space<vmem>>
    %dma_wait3A_931 = tpu.memref_squeeze %dma_wait3A_930 : memref<1x2x16x512xf32, #tpu.memory_space<vmem>> -> memref<2x16x512xf32, #tpu.memory_space<vmem>>
    %dma_wait3A_932 = arith.constant 10 : i32
    %dma_wait3A_933 = arith.constant 0 : i32
    %dma_wait3A_934 = tpu.memref_slice %arg2[%dma_wait3A_932, %mul3A_2, %dma_wait3A_933] : memref<16x512x512xf32, #tpu.memory_space<hbm>> -> memref<2x16x512xf32, #tpu.memory_space<hbm>>
    %dma_wait3A_935 = tpu.memref_slice %arg10[%dma_wait3A_926] : memref<2x!tpu.dma_semaphore, #tpu.memory_space<semaphore_mem>> -> memref<1x!tpu.dma_semaphore, #tpu.memory_space<semaphore_mem>>
    %dma_wait3A_936 = tpu.memref_squeeze %dma_wait3A_935 : memref<1x!tpu.dma_semaphore, #tpu.memory_space<semaphore_mem>> -> memref<!tpu.dma_semaphore, #tpu.memory_space<semaphore_mem>>
    %dma_wait3A_937 = arith.constant 0 : i32
    %dma_wait3A_938 = arith.constant 0 : i32
    %dma_wait3A_939 = arith.constant 0 : i32
    %dma_wait3A_940 = tpu.memref_slice %arg6[%dma_wait3A_925, %dma_wait3A_937, %dma_wait3A_938, %dma_wait3A_939] : memref<2x2x16x512xf32, #tpu.memory_space<vmem>> -> memref<1x2x16x512xf32, #tpu.memory_space<vmem>>
    %dma_wait3A_941 = tpu.memref_squeeze %dma_wait3A_940 : memref<1x2x16x512xf32, #tpu.memory_space<vmem>> -> memref<2x16x512xf32, #tpu.memory_space<vmem>>
    %dma_wait3A_942 = arith.constant 10 : i32
    %dma_wait3A_943 = arith.constant 0 : i32
    %dma_wait3A_944 = tpu.memref_slice %arg2[%dma_wait3A_942, %mul3A_2, %dma_wait3A_943] : memref<16x512x512xf32, #tpu.memory_space<hbm>> -> memref<2x16x512xf32, #tpu.memory_space<hbm>>
    tpu.wait_dma2 semaphore(%dma_wait3A_936 : memref<!tpu.dma_semaphore, #tpu.memory_space<semaphore_mem>>) src(%dma_wait3A_944 : memref<2x16x512xf32, #tpu.memory_space<hbm>>) dst(%dma_wait3A_941 : memref<2x16x512xf32, #tpu.memory_space<vmem>>)
    %dma_wait3A_945 = arith.constant 1 : i32
    %dma_wait3A_946 = arith.constant 1 : i32
    %dma_wait3A_947 = arith.constant 0 : i32
    %dma_wait3A_948 = arith.constant 0 : i32
    %dma_wait3A_949 = arith.constant 0 : i32
    %dma_wait3A_950 = tpu.memref_slice %arg7[%dma_wait3A_945, %dma_wait3A_947, %dma_wait3A_948, %dma_wait3A_949] : memref<2x2x16x512xf32, #tpu.memory_space<vmem>> -> memref<1x2x16x512xf32, #tpu.memory_space<vmem>>
    %dma_wait3A_951 = tpu.memref_squeeze %dma_wait3A_950 : memref<1x2x16x512xf32, #tpu.memory_space<vmem>> -> memref<2x16x512xf32, #tpu.memory_space<vmem>>
    %dma_wait3A_952 = arith.constant 10 : i32
    %dma_wait3A_953 = arith.constant 0 : i32
    %dma_wait3A_954 = tpu.memref_slice %arg3[%dma_wait3A_952, %mul3A_2, %dma_wait3A_953] : memref<16x512x512xf32, #tpu.memory_space<hbm>> -> memref<2x16x512xf32, #tpu.memory_space<hbm>>
    %dma_wait3A_955 = tpu.memref_slice %arg10[%dma_wait3A_946] : memref<2x!tpu.dma_semaphore, #tpu.memory_space<semaphore_mem>> -> memref<1x!tpu.dma_semaphore, #tpu.memory_space<semaphore_mem>>
    %dma_wait3A_956 = tpu.memref_squeeze %dma_wait3A_955 : memref<1x!tpu.dma_semaphore, #tpu.memory_space<semaphore_mem>> -> memref<!tpu.dma_semaphore, #tpu.memory_space<semaphore_mem>>
    %dma_wait3A_957 = arith.constant 0 : i32
    %dma_wait3A_958 = arith.constant 0 : i32
    %dma_wait3A_959 = arith.constant 0 : i32
    %dma_wait3A_960 = tpu.memref_slice %arg7[%dma_wait3A_945, %dma_wait3A_957, %dma_wait3A_958, %dma_wait3A_959] : memref<2x2x16x512xf32, #tpu.memory_space<vmem>> -> memref<1x2x16x512xf32, #tpu.memory_space<vmem>>
    %dma_wait3A_961 = tpu.memref_squeeze %dma_wait3A_960 : memref<1x2x16x512xf32, #tpu.memory_space<vmem>> -> memref<2x16x512xf32, #tpu.memory_space<vmem>>
    %dma_wait3A_962 = arith.constant 10 : i32
    %dma_wait3A_963 = arith.constant 0 : i32
    %dma_wait3A_964 = tpu.memref_slice %arg3[%dma_wait3A_962, %mul3A_2, %dma_wait3A_963] : memref<16x512x512xf32, #tpu.memory_space<hbm>> -> memref<2x16x512xf32, #tpu.memory_space<hbm>>
    tpu.wait_dma2 semaphore(%dma_wait3A_956 : memref<!tpu.dma_semaphore, #tpu.memory_space<semaphore_mem>>) src(%dma_wait3A_964 : memref<2x16x512xf32, #tpu.memory_space<hbm>>) dst(%dma_wait3A_961 : memref<2x16x512xf32, #tpu.memory_space<vmem>>)
    %dma_wait3A_965 = arith.constant 1 : i32
    %dma_wait3A_966 = arith.constant 1 : i32
    %dma_wait3A_967 = arith.constant 0 : i32
    %dma_wait3A_968 = arith.constant 0 : i32
    %dma_wait3A_969 = arith.constant 0 : i32
    %dma_wait3A_970 = tpu.memref_slice %arg8[%dma_wait3A_965, %dma_wait3A_967, %dma_wait3A_968, %dma_wait3A_969] : memref<2x2x16x512xi32, #tpu.memory_space<vmem>> -> memref<1x2x16x512xi32, #tpu.memory_space<vmem>>
    %dma_wait3A_971 = tpu.memref_squeeze %dma_wait3A_970 : memref<1x2x16x512xi32, #tpu.memory_space<vmem>> -> memref<2x16x512xi32, #tpu.memory_space<vmem>>
    %dma_wait3A_972 = arith.constant 10 : i32
    %dma_wait3A_973 = arith.constant 0 : i32
    %dma_wait3A_974 = tpu.memref_slice %arg4[%dma_wait3A_972, %mul3A_2, %dma_wait3A_973] : memref<16x512x512xi32, #tpu.memory_space<hbm>> -> memref<2x16x512xi32, #tpu.memory_space<hbm>>
    %dma_wait3A_975 = tpu.memref_slice %arg10[%dma_wait3A_966] : memref<2x!tpu.dma_semaphore, #tpu.memory_space<semaphore_mem>> -> memref<1x!tpu.dma_semaphore, #tpu.memory_space<semaphore_mem>>
    %dma_wait3A_976 = tpu.memref_squeeze %dma_wait3A_975 : memref<1x!tpu.dma_semaphore, #tpu.memory_space<semaphore_mem>> -> memref<!tpu.dma_semaphore, #tpu.memory_space<semaphore_mem>>
    %dma_wait3A_977 = arith.constant 0 : i32
    %dma_wait3A_978 = arith.constant 0 : i32
    %dma_wait3A_979 = arith.constant 0 : i32
    %dma_wait3A_980 = tpu.memref_slice %arg8[%dma_wait3A_965, %dma_wait3A_977, %dma_wait3A_978, %dma_wait3A_979] : memref<2x2x16x512xi32, #tpu.memory_space<vmem>> -> memref<1x2x16x512xi32, #tpu.memory_space<vmem>>
    %dma_wait3A_981 = tpu.memref_squeeze %dma_wait3A_980 : memref<1x2x16x512xi32, #tpu.memory_space<vmem>> -> memref<2x16x512xi32, #tpu.memory_space<vmem>>
    %dma_wait3A_982 = arith.constant 10 : i32
    %dma_wait3A_983 = arith.constant 0 : i32
    %dma_wait3A_984 = tpu.memref_slice %arg4[%dma_wait3A_982, %mul3A_2, %dma_wait3A_983] : memref<16x512x512xi32, #tpu.memory_space<hbm>> -> memref<2x16x512xi32, #tpu.memory_space<hbm>>
    tpu.wait_dma2 semaphore(%dma_wait3A_976 : memref<!tpu.dma_semaphore, #tpu.memory_space<semaphore_mem>>) src(%dma_wait3A_984 : memref<2x16x512xi32, #tpu.memory_space<hbm>>) dst(%dma_wait3A_981 : memref<2x16x512xi32, #tpu.memory_space<vmem>>)
    %parallel_loop3A_985 = arith.constant 0 : i32
    %parallel_loop3A_986 = arith.constant 1024 : i32
    %parallel_loop3A_987 = arith.constant 1 : i32
    scf.for %parallel_loop3A_1174 = %parallel_loop3A_985 to %parallel_loop3A_986 step %parallel_loop3A_987  : i32 {
      %parallel_loop3A_1175 = tpu.iota {dimensions = array<i32: 0>} : vector<16xi32>
      %parallel_loop3A_1176 = arith.constant 1.000000e+00 : f32
      %parallel_loop3A_1177 = vector.broadcast %parallel_loop3A_1176 : f32 to vector<16xf32>
      %parallel_loop3A_1178 = arith.constant 0.000000e+00 : f32
      %parallel_loop3A_1179 = vector.broadcast %parallel_loop3A_1178 : f32 to vector<16xf32>
      %parallel_loop3A_1180 = arith.constant 8 : i32
      %parallel_loop3A_1181 = vector.broadcast %parallel_loop3A_1180 : i32 to vector<16xi32>
      %parallel_loop3A_1182 = arith.constant 24 : i32
      %parallel_loop3A_1183 = vector.broadcast %parallel_loop3A_1182 : i32 to vector<16xi32>
      %parallel_loop3A_1184 = arith.constant 9 : i32
      %parallel_loop3A_1185 = arith.shrui %parallel_loop3A_1174, %parallel_loop3A_1184 : i32
      %parallel_loop3A_1186 = arith.constant 5 : i32
      %parallel_loop3A_1187 = arith.shrui %parallel_loop3A_1174, %parallel_loop3A_1186 : i32
      %parallel_loop3A_1188 = arith.constant 15 : i32
      %parallel_loop3A_1189 = arith.andi %parallel_loop3A_1187, %parallel_loop3A_1188 : i32
      %parallel_loop3A_1190 = arith.constant 31 : i32
      %parallel_loop3A_1191 = arith.andi %parallel_loop3A_1174, %parallel_loop3A_1190 : i32
      %parallel_loop3A_1192 = arith.constant 16 : i32
      %parallel_loop3A_1193 = arith.muli %parallel_loop3A_1191, %parallel_loop3A_1192 : i32
      %parallel_loop3A_1194 = arith.constant 1 : i32
      %parallel_loop3A_1195 = arith.index_cast %parallel_loop3A_1194 : i32 to index
      %parallel_loop3A_1196 = arith.index_cast %parallel_loop3A_1185 : i32 to index
      %parallel_loop3A_1197 = arith.index_cast %parallel_loop3A_1189 : i32 to index
      %parallel_loop3A_1198 = arith.index_cast %parallel_loop3A_1193 : i32 to index
      %parallel_loop3A_1199 = tpu.vector_load %arg6[%parallel_loop3A_1195, %parallel_loop3A_1196, %parallel_loop3A_1197, %parallel_loop3A_1198] {strides = array<i32>} : memref<2x2x16x512xf32, #tpu.memory_space<vmem>>, vector<16xf32>,
      %parallel_loop3A_1200 = arith.constant 1 : i32
      %parallel_loop3A_1201 = arith.index_cast %parallel_loop3A_1200 : i32 to index
      %parallel_loop3A_1202 = arith.index_cast %parallel_loop3A_1185 : i32 to index
      %parallel_loop3A_1203 = arith.index_cast %parallel_loop3A_1189 : i32 to index
      %parallel_loop3A_1204 = arith.index_cast %parallel_loop3A_1193 : i32 to index
      %parallel_loop3A_1205 = tpu.vector_load %arg7[%parallel_loop3A_1201, %parallel_loop3A_1202, %parallel_loop3A_1203, %parallel_loop3A_1204] {strides = array<i32>} : memref<2x2x16x512xf32, #tpu.memory_space<vmem>>, vector<16xf32>,
      %parallel_loop3A_1206 = arith.constant 1 : i32
      %parallel_loop3A_1207 = arith.index_cast %parallel_loop3A_1206 : i32 to index
      %parallel_loop3A_1208 = arith.index_cast %parallel_loop3A_1185 : i32 to index
      %parallel_loop3A_1209 = arith.index_cast %parallel_loop3A_1189 : i32 to index
      %parallel_loop3A_1210 = arith.index_cast %parallel_loop3A_1193 : i32 to index
      %parallel_loop3A_1211 = tpu.vector_load %arg8[%parallel_loop3A_1207, %parallel_loop3A_1208, %parallel_loop3A_1209, %parallel_loop3A_1210] {strides = array<i32>} : memref<2x2x16x512xi32, #tpu.memory_space<vmem>>, vector<16xi32>,
      %parallel_loop3A_1212 = arith.subf %parallel_loop3A_1199, %parallel_loop3A_1205 : vector<16xf32>
      %parallel_loop3A_1213 = arith.cmpf olt, %parallel_loop3A_1212, %parallel_loop3A_1179 : vector<16xf32>
      %parallel_loop3A_1214 = arith.extui %parallel_loop3A_1213 : vector<16xi1> to vector<16xi32>
      %parallel_loop3A_1215 = arith.constant 4 : i32
      %parallel_loop3A_1216 = vector.broadcast %parallel_loop3A_1215 : i32 to vector<16xi32>
      %parallel_loop3A_1217 = arith.muli %parallel_loop3A_1211, %parallel_loop3A_1216 : vector<16xi32>
      %parallel_loop3A_1218 = arith.constant 1 : i32
      %parallel_loop3A_1219 = vector.broadcast %parallel_loop3A_1218 : i32 to vector<16xi32>
      %parallel_loop3A_1220 = arith.constant 3 : i32
      %parallel_loop3A_1221 = vector.broadcast %parallel_loop3A_1220 : i32 to vector<16xi32>
      %parallel_loop3A_1222 = arith.mulf %parallel_loop3A_1212, %parallel_loop3A_1212 : vector<16xf32>
      tpu.vector_store_idx %arg9[%parallel_loop3A_1217, %parallel_loop3A_1175], %parallel_loop3A_1222 {add = true} : memref<32x16xf32, #tpu.memory_space<vmem>>[vector<16xi32>, vector<16xi32>], vector<16xf32>,
      %parallel_loop3A_1223 = arith.addi %parallel_loop3A_1217, %parallel_loop3A_1219 : vector<16xi32>
      %parallel_loop3A_1224 = arith.addi %parallel_loop3A_1223, %parallel_loop3A_1214 : vector<16xi32>
      tpu.vector_store_idx %arg9[%parallel_loop3A_1224, %parallel_loop3A_1175], %parallel_loop3A_1212 {add = true} : memref<32x16xf32, #tpu.memory_space<vmem>>[vector<16xi32>, vector<16xi32>], vector<16xf32>,
    } {sc.loop_unroll_factor = 32 : i64, sc.parallel_access}
    %dma_start3A_988 = arith.constant 1 : i32
    %dma_start3A_989 = arith.constant 1 : i32
    %dma_start3A_990 = arith.constant 0 : i32
    %dma_start3A_991 = arith.constant 0 : i32
    %dma_start3A_992 = arith.constant 0 : i32
    %dma_start3A_993 = tpu.memref_slice %arg6[%dma_start3A_988, %dma_start3A_990, %dma_start3A_991, %dma_start3A_992] : memref<2x2x16x512xf32, #tpu.memory_space<vmem>> -> memref<1x2x16x512xf32, #tpu.memory_space<vmem>>
    %dma_start3A_994 = tpu.memref_squeeze %dma_start3A_993 : memref<1x2x16x512xf32, #tpu.memory_space<vmem>> -> memref<2x16x512xf32, #tpu.memory_space<vmem>>
    %dma_start3A_995 = arith.constant 14 : i32
    %dma_start3A_996 = arith.constant 0 : i32
    %dma_start3A_997 = tpu.memref_slice %arg2[%dma_start3A_995, %mul3A_2, %dma_start3A_996] : memref<16x512x512xf32, #tpu.memory_space<hbm>> -> memref<2x16x512xf32, #tpu.memory_space<hbm>>
    %dma_start3A_998 = tpu.memref_slice %arg10[%dma_start3A_989] : memref<2x!tpu.dma_semaphore, #tpu.memory_space<semaphore_mem>> -> memref<1x!tpu.dma_semaphore, #tpu.memory_space<semaphore_mem>>
    %dma_start3A_999 = tpu.memref_squeeze %dma_start3A_998 : memref<1x!tpu.dma_semaphore, #tpu.memory_space<semaphore_mem>> -> memref<!tpu.dma_semaphore, #tpu.memory_space<semaphore_mem>>
    %dma_start3A_1000 = arith.constant 0 : i32
    %dma_start3A_1001 = arith.constant 0 : i32
    %dma_start3A_1002 = arith.constant 0 : i32
    %dma_start3A_1003 = tpu.memref_slice %arg6[%dma_start3A_988, %dma_start3A_1000, %dma_start3A_1001, %dma_start3A_1002] : memref<2x2x16x512xf32, #tpu.memory_space<vmem>> -> memref<1x2x16x512xf32, #tpu.memory_space<vmem>>
    %dma_start3A_1004 = tpu.memref_squeeze %dma_start3A_1003 : memref<1x2x16x512xf32, #tpu.memory_space<vmem>> -> memref<2x16x512xf32, #tpu.memory_space<vmem>>
    %dma_start3A_1005 = arith.constant 14 : i32
    %dma_start3A_1006 = arith.constant 0 : i32
    %dma_start3A_1007 = tpu.memref_slice %arg2[%dma_start3A_1005, %mul3A_2, %dma_start3A_1006] : memref<16x512x512xf32, #tpu.memory_space<hbm>> -> memref<2x16x512xf32, #tpu.memory_space<hbm>>
    tpu.enqueue_dma source(%dma_start3A_1007 : memref<2x16x512xf32, #tpu.memory_space<hbm>>) target(%dma_start3A_1004 : memref<2x16x512xf32, #tpu.memory_space<vmem>>) target_semaphore(%dma_start3A_999 : memref<!tpu.dma_semaphore, #tpu.memory_space<semaphore_mem>>)
    %dma_start3A_1008 = arith.constant 1 : i32
    %dma_start3A_1009 = arith.constant 1 : i32
    %dma_start3A_1010 = arith.constant 0 : i32
    %dma_start3A_1011 = arith.constant 0 : i32
    %dma_start3A_1012 = arith.constant 0 : i32
    %dma_start3A_1013 = tpu.memref_slice %arg7[%dma_start3A_1008, %dma_start3A_1010, %dma_start3A_1011, %dma_start3A_1012] : memref<2x2x16x512xf32, #tpu.memory_space<vmem>> -> memref<1x2x16x512xf32, #tpu.memory_space<vmem>>
    %dma_start3A_1014 = tpu.memref_squeeze %dma_start3A_1013 : memref<1x2x16x512xf32, #tpu.memory_space<vmem>> -> memref<2x16x512xf32, #tpu.memory_space<vmem>>
    %dma_start3A_1015 = arith.constant 14 : i32
    %dma_start3A_1016 = arith.constant 0 : i32
    %dma_start3A_1017 = tpu.memref_slice %arg3[%dma_start3A_1015, %mul3A_2, %dma_start3A_1016] : memref<16x512x512xf32, #tpu.memory_space<hbm>> -> memref<2x16x512xf32, #tpu.memory_space<hbm>>
    %dma_start3A_1018 = tpu.memref_slice %arg10[%dma_start3A_1009] : memref<2x!tpu.dma_semaphore, #tpu.memory_space<semaphore_mem>> -> memref<1x!tpu.dma_semaphore, #tpu.memory_space<semaphore_mem>>
    %dma_start3A_1019 = tpu.memref_squeeze %dma_start3A_1018 : memref<1x!tpu.dma_semaphore, #tpu.memory_space<semaphore_mem>> -> memref<!tpu.dma_semaphore, #tpu.memory_space<semaphore_mem>>
    %dma_start3A_1020 = arith.constant 0 : i32
    %dma_start3A_1021 = arith.constant 0 : i32
    %dma_start3A_1022 = arith.constant 0 : i32
    %dma_start3A_1023 = tpu.memref_slice %arg7[%dma_start3A_1008, %dma_start3A_1020, %dma_start3A_1021, %dma_start3A_1022] : memref<2x2x16x512xf32, #tpu.memory_space<vmem>> -> memref<1x2x16x512xf32, #tpu.memory_space<vmem>>
    %dma_start3A_1024 = tpu.memref_squeeze %dma_start3A_1023 : memref<1x2x16x512xf32, #tpu.memory_space<vmem>> -> memref<2x16x512xf32, #tpu.memory_space<vmem>>
    %dma_start3A_1025 = arith.constant 14 : i32
    %dma_start3A_1026 = arith.constant 0 : i32
    %dma_start3A_1027 = tpu.memref_slice %arg3[%dma_start3A_1025, %mul3A_2, %dma_start3A_1026] : memref<16x512x512xf32, #tpu.memory_space<hbm>> -> memref<2x16x512xf32, #tpu.memory_space<hbm>>
    tpu.enqueue_dma source(%dma_start3A_1027 : memref<2x16x512xf32, #tpu.memory_space<hbm>>) target(%dma_start3A_1024 : memref<2x16x512xf32, #tpu.memory_space<vmem>>) target_semaphore(%dma_start3A_1019 : memref<!tpu.dma_semaphore, #tpu.memory_space<semaphore_mem>>)
    %dma_start3A_1028 = arith.constant 1 : i32
    %dma_start3A_1029 = arith.constant 1 : i32
    %dma_start3A_1030 = arith.constant 0 : i32
    %dma_start3A_1031 = arith.constant 0 : i32
    %dma_start3A_1032 = arith.constant 0 : i32
    %dma_start3A_1033 = tpu.memref_slice %arg8[%dma_start3A_1028, %dma_start3A_1030, %dma_start3A_1031, %dma_start3A_1032] : memref<2x2x16x512xi32, #tpu.memory_space<vmem>> -> memref<1x2x16x512xi32, #tpu.memory_space<vmem>>
    %dma_start3A_1034 = tpu.memref_squeeze %dma_start3A_1033 : memref<1x2x16x512xi32, #tpu.memory_space<vmem>> -> memref<2x16x512xi32, #tpu.memory_space<vmem>>
    %dma_start3A_1035 = arith.constant 14 : i32
    %dma_start3A_1036 = arith.constant 0 : i32
    %dma_start3A_1037 = tpu.memref_slice %arg4[%dma_start3A_1035, %mul3A_2, %dma_start3A_1036] : memref<16x512x512xi32, #tpu.memory_space<hbm>> -> memref<2x16x512xi32, #tpu.memory_space<hbm>>
    %dma_start3A_1038 = tpu.memref_slice %arg10[%dma_start3A_1029] : memref<2x!tpu.dma_semaphore, #tpu.memory_space<semaphore_mem>> -> memref<1x!tpu.dma_semaphore, #tpu.memory_space<semaphore_mem>>
    %dma_start3A_1039 = tpu.memref_squeeze %dma_start3A_1038 : memref<1x!tpu.dma_semaphore, #tpu.memory_space<semaphore_mem>> -> memref<!tpu.dma_semaphore, #tpu.memory_space<semaphore_mem>>
    %dma_start3A_1040 = arith.constant 0 : i32
    %dma_start3A_1041 = arith.constant 0 : i32
    %dma_start3A_1042 = arith.constant 0 : i32
    %dma_start3A_1043 = tpu.memref_slice %arg8[%dma_start3A_1028, %dma_start3A_1040, %dma_start3A_1041, %dma_start3A_1042] : memref<2x2x16x512xi32, #tpu.memory_space<vmem>> -> memref<1x2x16x512xi32, #tpu.memory_space<vmem>>
    %dma_start3A_1044 = tpu.memref_squeeze %dma_start3A_1043 : memref<1x2x16x512xi32, #tpu.memory_space<vmem>> -> memref<2x16x512xi32, #tpu.memory_space<vmem>>
    %dma_start3A_1045 = arith.constant 14 : i32
    %dma_start3A_1046 = arith.constant 0 : i32
    %dma_start3A_1047 = tpu.memref_slice %arg4[%dma_start3A_1045, %mul3A_2, %dma_start3A_1046] : memref<16x512x512xi32, #tpu.memory_space<hbm>> -> memref<2x16x512xi32, #tpu.memory_space<hbm>>
    tpu.enqueue_dma source(%dma_start3A_1047 : memref<2x16x512xi32, #tpu.memory_space<hbm>>) target(%dma_start3A_1044 : memref<2x16x512xi32, #tpu.memory_space<vmem>>) target_semaphore(%dma_start3A_1039 : memref<!tpu.dma_semaphore, #tpu.memory_space<semaphore_mem>>)
    %dma_wait3A_1048 = arith.constant 0 : i32
    %dma_wait3A_1049 = arith.constant 0 : i32
    %dma_wait3A_1050 = arith.constant 0 : i32
    %dma_wait3A_1051 = arith.constant 0 : i32
    %dma_wait3A_1052 = arith.constant 0 : i32
    %dma_wait3A_1053 = tpu.memref_slice %arg6[%dma_wait3A_1048, %dma_wait3A_1050, %dma_wait3A_1051, %dma_wait3A_1052] : memref<2x2x16x512xf32, #tpu.memory_space<vmem>> -> memref<1x2x16x512xf32, #tpu.memory_space<vmem>>
    %dma_wait3A_1054 = tpu.memref_squeeze %dma_wait3A_1053 : memref<1x2x16x512xf32, #tpu.memory_space<vmem>> -> memref<2x16x512xf32, #tpu.memory_space<vmem>>
    %dma_wait3A_1055 = arith.constant 12 : i32
    %dma_wait3A_1056 = arith.constant 0 : i32
    %dma_wait3A_1057 = tpu.memref_slice %arg2[%dma_wait3A_1055, %mul3A_2, %dma_wait3A_1056] : memref<16x512x512xf32, #tpu.memory_space<hbm>> -> memref<2x16x512xf32, #tpu.memory_space<hbm>>
    %dma_wait3A_1058 = tpu.memref_slice %arg10[%dma_wait3A_1049] : memref<2x!tpu.dma_semaphore, #tpu.memory_space<semaphore_mem>> -> memref<1x!tpu.dma_semaphore, #tpu.memory_space<semaphore_mem>>
    %dma_wait3A_1059 = tpu.memref_squeeze %dma_wait3A_1058 : memref<1x!tpu.dma_semaphore, #tpu.memory_space<semaphore_mem>> -> memref<!tpu.dma_semaphore, #tpu.memory_space<semaphore_mem>>
    %dma_wait3A_1060 = arith.constant 0 : i32
    %dma_wait3A_1061 = arith.constant 0 : i32
    %dma_wait3A_1062 = arith.constant 0 : i32
    %dma_wait3A_1063 = tpu.memref_slice %arg6[%dma_wait3A_1048, %dma_wait3A_1060, %dma_wait3A_1061, %dma_wait3A_1062] : memref<2x2x16x512xf32, #tpu.memory_space<vmem>> -> memref<1x2x16x512xf32, #tpu.memory_space<vmem>>
    %dma_wait3A_1064 = tpu.memref_squeeze %dma_wait3A_1063 : memref<1x2x16x512xf32, #tpu.memory_space<vmem>> -> memref<2x16x512xf32, #tpu.memory_space<vmem>>
    %dma_wait3A_1065 = arith.constant 12 : i32
    %dma_wait3A_1066 = arith.constant 0 : i32
    %dma_wait3A_1067 = tpu.memref_slice %arg2[%dma_wait3A_1065, %mul3A_2, %dma_wait3A_1066] : memref<16x512x512xf32, #tpu.memory_space<hbm>> -> memref<2x16x512xf32, #tpu.memory_space<hbm>>
    tpu.wait_dma2 semaphore(%dma_wait3A_1059 : memref<!tpu.dma_semaphore, #tpu.memory_space<semaphore_mem>>) src(%dma_wait3A_1067 : memref<2x16x512xf32, #tpu.memory_space<hbm>>) dst(%dma_wait3A_1064 : memref<2x16x512xf32, #tpu.memory_space<vmem>>)
    %dma_wait3A_1068 = arith.constant 0 : i32
    %dma_wait3A_1069 = arith.constant 0 : i32
    %dma_wait3A_1070 = arith.constant 0 : i32
    %dma_wait3A_1071 = arith.constant 0 : i32
    %dma_wait3A_1072 = arith.constant 0 : i32
    %dma_wait3A_1073 = tpu.memref_slice %arg7[%dma_wait3A_1068, %dma_wait3A_1070, %dma_wait3A_1071, %dma_wait3A_1072] : memref<2x2x16x512xf32, #tpu.memory_space<vmem>> -> memref<1x2x16x512xf32, #tpu.memory_space<vmem>>
    %dma_wait3A_1074 = tpu.memref_squeeze %dma_wait3A_1073 : memref<1x2x16x512xf32, #tpu.memory_space<vmem>> -> memref<2x16x512xf32, #tpu.memory_space<vmem>>
    %dma_wait3A_1075 = arith.constant 12 : i32
    %dma_wait3A_1076 = arith.constant 0 : i32
    %dma_wait3A_1077 = tpu.memref_slice %arg3[%dma_wait3A_1075, %mul3A_2, %dma_wait3A_1076] : memref<16x512x512xf32, #tpu.memory_space<hbm>> -> memref<2x16x512xf32, #tpu.memory_space<hbm>>
    %dma_wait3A_1078 = tpu.memref_slice %arg10[%dma_wait3A_1069] : memref<2x!tpu.dma_semaphore, #tpu.memory_space<semaphore_mem>> -> memref<1x!tpu.dma_semaphore, #tpu.memory_space<semaphore_mem>>
    %dma_wait3A_1079 = tpu.memref_squeeze %dma_wait3A_1078 : memref<1x!tpu.dma_semaphore, #tpu.memory_space<semaphore_mem>> -> memref<!tpu.dma_semaphore, #tpu.memory_space<semaphore_mem>>
    %dma_wait3A_1080 = arith.constant 0 : i32
    %dma_wait3A_1081 = arith.constant 0 : i32
    %dma_wait3A_1082 = arith.constant 0 : i32
    %dma_wait3A_1083 = tpu.memref_slice %arg7[%dma_wait3A_1068, %dma_wait3A_1080, %dma_wait3A_1081, %dma_wait3A_1082] : memref<2x2x16x512xf32, #tpu.memory_space<vmem>> -> memref<1x2x16x512xf32, #tpu.memory_space<vmem>>
    %dma_wait3A_1084 = tpu.memref_squeeze %dma_wait3A_1083 : memref<1x2x16x512xf32, #tpu.memory_space<vmem>> -> memref<2x16x512xf32, #tpu.memory_space<vmem>>
    %dma_wait3A_1085 = arith.constant 12 : i32
    %dma_wait3A_1086 = arith.constant 0 : i32
    %dma_wait3A_1087 = tpu.memref_slice %arg3[%dma_wait3A_1085, %mul3A_2, %dma_wait3A_1086] : memref<16x512x512xf32, #tpu.memory_space<hbm>> -> memref<2x16x512xf32, #tpu.memory_space<hbm>>
    tpu.wait_dma2 semaphore(%dma_wait3A_1079 : memref<!tpu.dma_semaphore, #tpu.memory_space<semaphore_mem>>) src(%dma_wait3A_1087 : memref<2x16x512xf32, #tpu.memory_space<hbm>>) dst(%dma_wait3A_1084 : memref<2x16x512xf32, #tpu.memory_space<vmem>>)
    %dma_wait3A_1088 = arith.constant 0 : i32
    %dma_wait3A_1089 = arith.constant 0 : i32
    %dma_wait3A_1090 = arith.constant 0 : i32
    %dma_wait3A_1091 = arith.constant 0 : i32
    %dma_wait3A_1092 = arith.constant 0 : i32
    %dma_wait3A_1093 = tpu.memref_slice %arg8[%dma_wait3A_1088, %dma_wait3A_1090, %dma_wait3A_1091, %dma_wait3A_1092] : memref<2x2x16x512xi32, #tpu.memory_space<vmem>> -> memref<1x2x16x512xi32, #tpu.memory_space<vmem>>
    %dma_wait3A_1094 = tpu.memref_squeeze %dma_wait3A_1093 : memref<1x2x16x512xi32, #tpu.memory_space<vmem>> -> memref<2x16x512xi32, #tpu.memory_space<vmem>>
    %dma_wait3A_1095 = arith.constant 12 : i32
    %dma_wait3A_1096 = arith.constant 0 : i32
    %dma_wait3A_1097 = tpu.memref_slice %arg4[%dma_wait3A_1095, %mul3A_2, %dma_wait3A_1096] : memref<16x512x512xi32, #tpu.memory_space<hbm>> -> memref<2x16x512xi32, #tpu.memory_space<hbm>>
    %dma_wait3A_1098 = tpu.memref_slice %arg10[%dma_wait3A_1089] : memref<2x!tpu.dma_semaphore, #tpu.memory_space<semaphore_mem>> -> memref<1x!tpu.dma_semaphore, #tpu.memory_space<semaphore_mem>>
    %dma_wait3A_1099 = tpu.memref_squeeze %dma_wait3A_1098 : memref<1x!tpu.dma_semaphore, #tpu.memory_space<semaphore_mem>> -> memref<!tpu.dma_semaphore, #tpu.memory_space<semaphore_mem>>
    %dma_wait3A_1100 = arith.constant 0 : i32
    %dma_wait3A_1101 = arith.constant 0 : i32
    %dma_wait3A_1102 = arith.constant 0 : i32
    %dma_wait3A_1103 = tpu.memref_slice %arg8[%dma_wait3A_1088, %dma_wait3A_1100, %dma_wait3A_1101, %dma_wait3A_1102] : memref<2x2x16x512xi32, #tpu.memory_space<vmem>> -> memref<1x2x16x512xi32, #tpu.memory_space<vmem>>
    %dma_wait3A_1104 = tpu.memref_squeeze %dma_wait3A_1103 : memref<1x2x16x512xi32, #tpu.memory_space<vmem>> -> memref<2x16x512xi32, #tpu.memory_space<vmem>>
    %dma_wait3A_1105 = arith.constant 12 : i32
    %dma_wait3A_1106 = arith.constant 0 : i32
    %dma_wait3A_1107 = tpu.memref_slice %arg4[%dma_wait3A_1105, %mul3A_2, %dma_wait3A_1106] : memref<16x512x512xi32, #tpu.memory_space<hbm>> -> memref<2x16x512xi32, #tpu.memory_space<hbm>>
    tpu.wait_dma2 semaphore(%dma_wait3A_1099 : memref<!tpu.dma_semaphore, #tpu.memory_space<semaphore_mem>>) src(%dma_wait3A_1107 : memref<2x16x512xi32, #tpu.memory_space<hbm>>) dst(%dma_wait3A_1104 : memref<2x16x512xi32, #tpu.memory_space<vmem>>)
    %parallel_loop3A_1108 = arith.constant 0 : i32
    %parallel_loop3A_1109 = arith.constant 1024 : i32
    %parallel_loop3A_1110 = arith.constant 1 : i32
    scf.for %parallel_loop3A_1174 = %parallel_loop3A_1108 to %parallel_loop3A_1109 step %parallel_loop3A_1110  : i32 {
      %parallel_loop3A_1175 = tpu.iota {dimensions = array<i32: 0>} : vector<16xi32>
      %parallel_loop3A_1176 = arith.constant 1.000000e+00 : f32
      %parallel_loop3A_1177 = vector.broadcast %parallel_loop3A_1176 : f32 to vector<16xf32>
      %parallel_loop3A_1178 = arith.constant 0.000000e+00 : f32
      %parallel_loop3A_1179 = vector.broadcast %parallel_loop3A_1178 : f32 to vector<16xf32>
      %parallel_loop3A_1180 = arith.constant 8 : i32
      %parallel_loop3A_1181 = vector.broadcast %parallel_loop3A_1180 : i32 to vector<16xi32>
      %parallel_loop3A_1182 = arith.constant 24 : i32
      %parallel_loop3A_1183 = vector.broadcast %parallel_loop3A_1182 : i32 to vector<16xi32>
      %parallel_loop3A_1184 = arith.constant 9 : i32
      %parallel_loop3A_1185 = arith.shrui %parallel_loop3A_1174, %parallel_loop3A_1184 : i32
      %parallel_loop3A_1186 = arith.constant 5 : i32
      %parallel_loop3A_1187 = arith.shrui %parallel_loop3A_1174, %parallel_loop3A_1186 : i32
      %parallel_loop3A_1188 = arith.constant 15 : i32
      %parallel_loop3A_1189 = arith.andi %parallel_loop3A_1187, %parallel_loop3A_1188 : i32
      %parallel_loop3A_1190 = arith.constant 31 : i32
      %parallel_loop3A_1191 = arith.andi %parallel_loop3A_1174, %parallel_loop3A_1190 : i32
      %parallel_loop3A_1192 = arith.constant 16 : i32
      %parallel_loop3A_1193 = arith.muli %parallel_loop3A_1191, %parallel_loop3A_1192 : i32
      %parallel_loop3A_1194 = arith.constant 0 : i32
      %parallel_loop3A_1195 = arith.index_cast %parallel_loop3A_1194 : i32 to index
      %parallel_loop3A_1196 = arith.index_cast %parallel_loop3A_1185 : i32 to index
      %parallel_loop3A_1197 = arith.index_cast %parallel_loop3A_1189 : i32 to index
      %parallel_loop3A_1198 = arith.index_cast %parallel_loop3A_1193 : i32 to index
      %parallel_loop3A_1199 = tpu.vector_load %arg6[%parallel_loop3A_1195, %parallel_loop3A_1196, %parallel_loop3A_1197, %parallel_loop3A_1198] {strides = array<i32>} : memref<2x2x16x512xf32, #tpu.memory_space<vmem>>, vector<16xf32>,
      %parallel_loop3A_1200 = arith.constant 0 : i32
      %parallel_loop3A_1201 = arith.index_cast %parallel_loop3A_1200 : i32 to index
      %parallel_loop3A_1202 = arith.index_cast %parallel_loop3A_1185 : i32 to index
      %parallel_loop3A_1203 = arith.index_cast %parallel_loop3A_1189 : i32 to index
      %parallel_loop3A_1204 = arith.index_cast %parallel_loop3A_1193 : i32 to index
      %parallel_loop3A_1205 = tpu.vector_load %arg7[%parallel_loop3A_1201, %parallel_loop3A_1202, %parallel_loop3A_1203, %parallel_loop3A_1204] {strides = array<i32>} : memref<2x2x16x512xf32, #tpu.memory_space<vmem>>, vector<16xf32>,
      %parallel_loop3A_1206 = arith.constant 0 : i32
      %parallel_loop3A_1207 = arith.index_cast %parallel_loop3A_1206 : i32 to index
      %parallel_loop3A_1208 = arith.index_cast %parallel_loop3A_1185 : i32 to index
      %parallel_loop3A_1209 = arith.index_cast %parallel_loop3A_1189 : i32 to index
      %parallel_loop3A_1210 = arith.index_cast %parallel_loop3A_1193 : i32 to index
      %parallel_loop3A_1211 = tpu.vector_load %arg8[%parallel_loop3A_1207, %parallel_loop3A_1208, %parallel_loop3A_1209, %parallel_loop3A_1210] {strides = array<i32>} : memref<2x2x16x512xi32, #tpu.memory_space<vmem>>, vector<16xi32>,
      %parallel_loop3A_1212 = arith.subf %parallel_loop3A_1199, %parallel_loop3A_1205 : vector<16xf32>
      %parallel_loop3A_1213 = arith.cmpf olt, %parallel_loop3A_1212, %parallel_loop3A_1179 : vector<16xf32>
      %parallel_loop3A_1214 = arith.extui %parallel_loop3A_1213 : vector<16xi1> to vector<16xi32>
      %parallel_loop3A_1215 = arith.constant 4 : i32
      %parallel_loop3A_1216 = vector.broadcast %parallel_loop3A_1215 : i32 to vector<16xi32>
      %parallel_loop3A_1217 = arith.muli %parallel_loop3A_1211, %parallel_loop3A_1216 : vector<16xi32>
      %parallel_loop3A_1218 = arith.constant 1 : i32
      %parallel_loop3A_1219 = vector.broadcast %parallel_loop3A_1218 : i32 to vector<16xi32>
      %parallel_loop3A_1220 = arith.constant 3 : i32
      %parallel_loop3A_1221 = vector.broadcast %parallel_loop3A_1220 : i32 to vector<16xi32>
      %parallel_loop3A_1222 = arith.mulf %parallel_loop3A_1212, %parallel_loop3A_1212 : vector<16xf32>
      tpu.vector_store_idx %arg9[%parallel_loop3A_1217, %parallel_loop3A_1175], %parallel_loop3A_1222 {add = true} : memref<32x16xf32, #tpu.memory_space<vmem>>[vector<16xi32>, vector<16xi32>], vector<16xf32>,
      %parallel_loop3A_1223 = arith.addi %parallel_loop3A_1217, %parallel_loop3A_1219 : vector<16xi32>
      %parallel_loop3A_1224 = arith.addi %parallel_loop3A_1223, %parallel_loop3A_1214 : vector<16xi32>
      tpu.vector_store_idx %arg9[%parallel_loop3A_1224, %parallel_loop3A_1175], %parallel_loop3A_1212 {add = true} : memref<32x16xf32, #tpu.memory_space<vmem>>[vector<16xi32>, vector<16xi32>], vector<16xf32>,
    } {sc.loop_unroll_factor = 32 : i64, sc.parallel_access}
    %dma_wait3A_1111 = arith.constant 1 : i32
    %dma_wait3A_1112 = arith.constant 1 : i32
    %dma_wait3A_1113 = arith.constant 0 : i32
    %dma_wait3A_1114 = arith.constant 0 : i32
    %dma_wait3A_1115 = arith.constant 0 : i32
    %dma_wait3A_1116 = tpu.memref_slice %arg6[%dma_wait3A_1111, %dma_wait3A_1113, %dma_wait3A_1114, %dma_wait3A_1115] : memref<2x2x16x512xf32, #tpu.memory_space<vmem>> -> memref<1x2x16x512xf32, #tpu.memory_space<vmem>>
    %dma_wait3A_1117 = tpu.memref_squeeze %dma_wait3A_1116 : memref<1x2x16x512xf32, #tpu.memory_space<vmem>> -> memref<2x16x512xf32, #tpu.memory_space<vmem>>
    %dma_wait3A_1118 = arith.constant 14 : i32
    %dma_wait3A_1119 = arith.constant 0 : i32
    %dma_wait3A_1120 = tpu.memref_slice %arg2[%dma_wait3A_1118, %mul3A_2, %dma_wait3A_1119] : memref<16x512x512xf32, #tpu.memory_space<hbm>> -> memref<2x16x512xf32, #tpu.memory_space<hbm>>
    %dma_wait3A_1121 = tpu.memref_slice %arg10[%dma_wait3A_1112] : memref<2x!tpu.dma_semaphore, #tpu.memory_space<semaphore_mem>> -> memref<1x!tpu.dma_semaphore, #tpu.memory_space<semaphore_mem>>
    %dma_wait3A_1122 = tpu.memref_squeeze %dma_wait3A_1121 : memref<1x!tpu.dma_semaphore, #tpu.memory_space<semaphore_mem>> -> memref<!tpu.dma_semaphore, #tpu.memory_space<semaphore_mem>>
    %dma_wait3A_1123 = arith.constant 0 : i32
    %dma_wait3A_1124 = arith.constant 0 : i32
    %dma_wait3A_1125 = arith.constant 0 : i32
    %dma_wait3A_1126 = tpu.memref_slice %arg6[%dma_wait3A_1111, %dma_wait3A_1123, %dma_wait3A_1124, %dma_wait3A_1125] : memref<2x2x16x512xf32, #tpu.memory_space<vmem>> -> memref<1x2x16x512xf32, #tpu.memory_space<vmem>>
    %dma_wait3A_1127 = tpu.memref_squeeze %dma_wait3A_1126 : memref<1x2x16x512xf32, #tpu.memory_space<vmem>> -> memref<2x16x512xf32, #tpu.memory_space<vmem>>
    %dma_wait3A_1128 = arith.constant 14 : i32
    %dma_wait3A_1129 = arith.constant 0 : i32
    %dma_wait3A_1130 = tpu.memref_slice %arg2[%dma_wait3A_1128, %mul3A_2, %dma_wait3A_1129] : memref<16x512x512xf32, #tpu.memory_space<hbm>> -> memref<2x16x512xf32, #tpu.memory_space<hbm>>
    tpu.wait_dma2 semaphore(%dma_wait3A_1122 : memref<!tpu.dma_semaphore, #tpu.memory_space<semaphore_mem>>) src(%dma_wait3A_1130 : memref<2x16x512xf32, #tpu.memory_space<hbm>>) dst(%dma_wait3A_1127 : memref<2x16x512xf32, #tpu.memory_space<vmem>>)
    %dma_wait3A_1131 = arith.constant 1 : i32
    %dma_wait3A_1132 = arith.constant 1 : i32
    %dma_wait3A_1133 = arith.constant 0 : i32
    %dma_wait3A_1134 = arith.constant 0 : i32
    %dma_wait3A_1135 = arith.constant 0 : i32
    %dma_wait3A_1136 = tpu.memref_slice %arg7[%dma_wait3A_1131, %dma_wait3A_1133, %dma_wait3A_1134, %dma_wait3A_1135] : memref<2x2x16x512xf32, #tpu.memory_space<vmem>> -> memref<1x2x16x512xf32, #tpu.memory_space<vmem>>
    %dma_wait3A_1137 = tpu.memref_squeeze %dma_wait3A_1136 : memref<1x2x16x512xf32, #tpu.memory_space<vmem>> -> memref<2x16x512xf32, #tpu.memory_space<vmem>>
    %dma_wait3A_1138 = arith.constant 14 : i32
    %dma_wait3A_1139 = arith.constant 0 : i32
    %dma_wait3A_1140 = tpu.memref_slice %arg3[%dma_wait3A_1138, %mul3A_2, %dma_wait3A_1139] : memref<16x512x512xf32, #tpu.memory_space<hbm>> -> memref<2x16x512xf32, #tpu.memory_space<hbm>>
    %dma_wait3A_1141 = tpu.memref_slice %arg10[%dma_wait3A_1132] : memref<2x!tpu.dma_semaphore, #tpu.memory_space<semaphore_mem>> -> memref<1x!tpu.dma_semaphore, #tpu.memory_space<semaphore_mem>>
    %dma_wait3A_1142 = tpu.memref_squeeze %dma_wait3A_1141 : memref<1x!tpu.dma_semaphore, #tpu.memory_space<semaphore_mem>> -> memref<!tpu.dma_semaphore, #tpu.memory_space<semaphore_mem>>
    %dma_wait3A_1143 = arith.constant 0 : i32
    %dma_wait3A_1144 = arith.constant 0 : i32
    %dma_wait3A_1145 = arith.constant 0 : i32
    %dma_wait3A_1146 = tpu.memref_slice %arg7[%dma_wait3A_1131, %dma_wait3A_1143, %dma_wait3A_1144, %dma_wait3A_1145] : memref<2x2x16x512xf32, #tpu.memory_space<vmem>> -> memref<1x2x16x512xf32, #tpu.memory_space<vmem>>
    %dma_wait3A_1147 = tpu.memref_squeeze %dma_wait3A_1146 : memref<1x2x16x512xf32, #tpu.memory_space<vmem>> -> memref<2x16x512xf32, #tpu.memory_space<vmem>>
    %dma_wait3A_1148 = arith.constant 14 : i32
    %dma_wait3A_1149 = arith.constant 0 : i32
    %dma_wait3A_1150 = tpu.memref_slice %arg3[%dma_wait3A_1148, %mul3A_2, %dma_wait3A_1149] : memref<16x512x512xf32, #tpu.memory_space<hbm>> -> memref<2x16x512xf32, #tpu.memory_space<hbm>>
    tpu.wait_dma2 semaphore(%dma_wait3A_1142 : memref<!tpu.dma_semaphore, #tpu.memory_space<semaphore_mem>>) src(%dma_wait3A_1150 : memref<2x16x512xf32, #tpu.memory_space<hbm>>) dst(%dma_wait3A_1147 : memref<2x16x512xf32, #tpu.memory_space<vmem>>)
    %dma_wait3A_1151 = arith.constant 1 : i32
    %dma_wait3A_1152 = arith.constant 1 : i32
    %dma_wait3A_1153 = arith.constant 0 : i32
    %dma_wait3A_1154 = arith.constant 0 : i32
    %dma_wait3A_1155 = arith.constant 0 : i32
    %dma_wait3A_1156 = tpu.memref_slice %arg8[%dma_wait3A_1151, %dma_wait3A_1153, %dma_wait3A_1154, %dma_wait3A_1155] : memref<2x2x16x512xi32, #tpu.memory_space<vmem>> -> memref<1x2x16x512xi32, #tpu.memory_space<vmem>>
    %dma_wait3A_1157 = tpu.memref_squeeze %dma_wait3A_1156 : memref<1x2x16x512xi32, #tpu.memory_space<vmem>> -> memref<2x16x512xi32, #tpu.memory_space<vmem>>
    %dma_wait3A_1158 = arith.constant 14 : i32
    %dma_wait3A_1159 = arith.constant 0 : i32
    %dma_wait3A_1160 = tpu.memref_slice %arg4[%dma_wait3A_1158, %mul3A_2, %dma_wait3A_1159] : memref<16x512x512xi32, #tpu.memory_space<hbm>> -> memref<2x16x512xi32, #tpu.memory_space<hbm>>
    %dma_wait3A_1161 = tpu.memref_slice %arg10[%dma_wait3A_1152] : memref<2x!tpu.dma_semaphore, #tpu.memory_space<semaphore_mem>> -> memref<1x!tpu.dma_semaphore, #tpu.memory_space<semaphore_mem>>
    %dma_wait3A_1162 = tpu.memref_squeeze %dma_wait3A_1161 : memref<1x!tpu.dma_semaphore, #tpu.memory_space<semaphore_mem>> -> memref<!tpu.dma_semaphore, #tpu.memory_space<semaphore_mem>>
    %dma_wait3A_1163 = arith.constant 0 : i32
    %dma_wait3A_1164 = arith.constant 0 : i32
    %dma_wait3A_1165 = arith.constant 0 : i32
    %dma_wait3A_1166 = tpu.memref_slice %arg8[%dma_wait3A_1151, %dma_wait3A_1163, %dma_wait3A_1164, %dma_wait3A_1165] : memref<2x2x16x512xi32, #tpu.memory_space<vmem>> -> memref<1x2x16x512xi32, #tpu.memory_space<vmem>>
    %dma_wait3A_1167 = tpu.memref_squeeze %dma_wait3A_1166 : memref<1x2x16x512xi32, #tpu.memory_space<vmem>> -> memref<2x16x512xi32, #tpu.memory_space<vmem>>
    %dma_wait3A_1168 = arith.constant 14 : i32
    %dma_wait3A_1169 = arith.constant 0 : i32
    %dma_wait3A_1170 = tpu.memref_slice %arg4[%dma_wait3A_1168, %mul3A_2, %dma_wait3A_1169] : memref<16x512x512xi32, #tpu.memory_space<hbm>> -> memref<2x16x512xi32, #tpu.memory_space<hbm>>
    tpu.wait_dma2 semaphore(%dma_wait3A_1162 : memref<!tpu.dma_semaphore, #tpu.memory_space<semaphore_mem>>) src(%dma_wait3A_1170 : memref<2x16x512xi32, #tpu.memory_space<hbm>>) dst(%dma_wait3A_1167 : memref<2x16x512xi32, #tpu.memory_space<vmem>>)
    %parallel_loop3A_1171 = arith.constant 0 : i32
    %parallel_loop3A_1172 = arith.constant 1024 : i32
    %parallel_loop3A_1173 = arith.constant 1 : i32
    scf.for %parallel_loop3A_1174 = %parallel_loop3A_1171 to %parallel_loop3A_1172 step %parallel_loop3A_1173  : i32 {
      %parallel_loop3A_1175 = tpu.iota {dimensions = array<i32: 0>} : vector<16xi32>
      %parallel_loop3A_1176 = arith.constant 1.000000e+00 : f32
      %parallel_loop3A_1177 = vector.broadcast %parallel_loop3A_1176 : f32 to vector<16xf32>
      %parallel_loop3A_1178 = arith.constant 0.000000e+00 : f32
      %parallel_loop3A_1179 = vector.broadcast %parallel_loop3A_1178 : f32 to vector<16xf32>
      %parallel_loop3A_1180 = arith.constant 8 : i32
      %parallel_loop3A_1181 = vector.broadcast %parallel_loop3A_1180 : i32 to vector<16xi32>
      %parallel_loop3A_1182 = arith.constant 24 : i32
      %parallel_loop3A_1183 = vector.broadcast %parallel_loop3A_1182 : i32 to vector<16xi32>
      %parallel_loop3A_1184 = arith.constant 9 : i32
      %parallel_loop3A_1185 = arith.shrui %parallel_loop3A_1174, %parallel_loop3A_1184 : i32
      %parallel_loop3A_1186 = arith.constant 5 : i32
      %parallel_loop3A_1187 = arith.shrui %parallel_loop3A_1174, %parallel_loop3A_1186 : i32
      %parallel_loop3A_1188 = arith.constant 15 : i32
      %parallel_loop3A_1189 = arith.andi %parallel_loop3A_1187, %parallel_loop3A_1188 : i32
      %parallel_loop3A_1190 = arith.constant 31 : i32
      %parallel_loop3A_1191 = arith.andi %parallel_loop3A_1174, %parallel_loop3A_1190 : i32
      %parallel_loop3A_1192 = arith.constant 16 : i32
      %parallel_loop3A_1193 = arith.muli %parallel_loop3A_1191, %parallel_loop3A_1192 : i32
      %parallel_loop3A_1194 = arith.constant 1 : i32
      %parallel_loop3A_1195 = arith.index_cast %parallel_loop3A_1194 : i32 to index
      %parallel_loop3A_1196 = arith.index_cast %parallel_loop3A_1185 : i32 to index
      %parallel_loop3A_1197 = arith.index_cast %parallel_loop3A_1189 : i32 to index
      %parallel_loop3A_1198 = arith.index_cast %parallel_loop3A_1193 : i32 to index
      %parallel_loop3A_1199 = tpu.vector_load %arg6[%parallel_loop3A_1195, %parallel_loop3A_1196, %parallel_loop3A_1197, %parallel_loop3A_1198] {strides = array<i32>} : memref<2x2x16x512xf32, #tpu.memory_space<vmem>>, vector<16xf32>,
      %parallel_loop3A_1200 = arith.constant 1 : i32
      %parallel_loop3A_1201 = arith.index_cast %parallel_loop3A_1200 : i32 to index
      %parallel_loop3A_1202 = arith.index_cast %parallel_loop3A_1185 : i32 to index
      %parallel_loop3A_1203 = arith.index_cast %parallel_loop3A_1189 : i32 to index
      %parallel_loop3A_1204 = arith.index_cast %parallel_loop3A_1193 : i32 to index
      %parallel_loop3A_1205 = tpu.vector_load %arg7[%parallel_loop3A_1201, %parallel_loop3A_1202, %parallel_loop3A_1203, %parallel_loop3A_1204] {strides = array<i32>} : memref<2x2x16x512xf32, #tpu.memory_space<vmem>>, vector<16xf32>,
      %parallel_loop3A_1206 = arith.constant 1 : i32
      %parallel_loop3A_1207 = arith.index_cast %parallel_loop3A_1206 : i32 to index
      %parallel_loop3A_1208 = arith.index_cast %parallel_loop3A_1185 : i32 to index
      %parallel_loop3A_1209 = arith.index_cast %parallel_loop3A_1189 : i32 to index
      %parallel_loop3A_1210 = arith.index_cast %parallel_loop3A_1193 : i32 to index
      %parallel_loop3A_1211 = tpu.vector_load %arg8[%parallel_loop3A_1207, %parallel_loop3A_1208, %parallel_loop3A_1209, %parallel_loop3A_1210] {strides = array<i32>} : memref<2x2x16x512xi32, #tpu.memory_space<vmem>>, vector<16xi32>,
      %parallel_loop3A_1212 = arith.subf %parallel_loop3A_1199, %parallel_loop3A_1205 : vector<16xf32>
      %parallel_loop3A_1213 = arith.cmpf olt, %parallel_loop3A_1212, %parallel_loop3A_1179 : vector<16xf32>
      %parallel_loop3A_1214 = arith.extui %parallel_loop3A_1213 : vector<16xi1> to vector<16xi32>
      %parallel_loop3A_1215 = arith.constant 4 : i32
      %parallel_loop3A_1216 = vector.broadcast %parallel_loop3A_1215 : i32 to vector<16xi32>
      %parallel_loop3A_1217 = arith.muli %parallel_loop3A_1211, %parallel_loop3A_1216 : vector<16xi32>
      %parallel_loop3A_1218 = arith.constant 1 : i32
      %parallel_loop3A_1219 = vector.broadcast %parallel_loop3A_1218 : i32 to vector<16xi32>
      %parallel_loop3A_1220 = arith.constant 3 : i32
      %parallel_loop3A_1221 = vector.broadcast %parallel_loop3A_1220 : i32 to vector<16xi32>
      %parallel_loop3A_1222 = arith.mulf %parallel_loop3A_1212, %parallel_loop3A_1212 : vector<16xf32>
      tpu.vector_store_idx %arg9[%parallel_loop3A_1217, %parallel_loop3A_1175], %parallel_loop3A_1222 {add = true} : memref<32x16xf32, #tpu.memory_space<vmem>>[vector<16xi32>, vector<16xi32>], vector<16xf32>,
      %parallel_loop3A_1223 = arith.addi %parallel_loop3A_1217, %parallel_loop3A_1219 : vector<16xi32>
      %parallel_loop3A_1224 = arith.addi %parallel_loop3A_1223, %parallel_loop3A_1214 : vector<16xi32>
      tpu.vector_store_idx %arg9[%parallel_loop3A_1224, %parallel_loop3A_1175], %parallel_loop3A_1212 {add = true} : memref<32x16xf32, #tpu.memory_space<vmem>>[vector<16xi32>, vector<16xi32>], vector<16xf32>,
    } {sc.loop_unroll_factor = 32 : i64, sc.parallel_access}
    "tpu.region"() ({
      %run_scoped3A = tpu.sem_alloc : memref<!tpu.dma_semaphore, #tpu.memory_space<semaphore_mem>>
      %dma_start3A_1174 = arith.constant 0 : i32
      %dma_start3A_1175 = arith.constant 0 : i32
      %dma_start3A_1176 = tpu.memref_slice %arg5[%add3A, %dma_start3A_1174, %dma_start3A_1175] : memref<32x32x16xf32, #tpu.memory_space<hbm>> -> memref<1x32x16xf32, #tpu.memory_space<hbm>>
      %dma_start3A_1177 = tpu.memref_squeeze %dma_start3A_1176 : memref<1x32x16xf32, #tpu.memory_space<hbm>> -> memref<32x16xf32, #tpu.memory_space<hbm>>
      %dma_start3A_1178 = arith.constant 0 : i32
      %dma_start3A_1179 = arith.constant 0 : i32
      %dma_start3A_1180 = tpu.memref_slice %arg5[%add3A, %dma_start3A_1178, %dma_start3A_1179] : memref<32x32x16xf32, #tpu.memory_space<hbm>> -> memref<1x32x16xf32, #tpu.memory_space<hbm>>
      %dma_start3A_1181 = tpu.memref_squeeze %dma_start3A_1180 : memref<1x32x16xf32, #tpu.memory_space<hbm>> -> memref<32x16xf32, #tpu.memory_space<hbm>>
      tpu.enqueue_dma source(%arg9 : memref<32x16xf32, #tpu.memory_space<vmem>>) target(%dma_start3A_1181 : memref<32x16xf32, #tpu.memory_space<hbm>>) target_semaphore(%run_scoped3A : memref<!tpu.dma_semaphore, #tpu.memory_space<semaphore_mem>>)
      %dma_wait3A_1182 = arith.constant 0 : i32
      %dma_wait3A_1183 = arith.constant 0 : i32
      %dma_wait3A_1184 = tpu.memref_slice %arg5[%add3A, %dma_wait3A_1182, %dma_wait3A_1183] : memref<32x32x16xf32, #tpu.memory_space<hbm>> -> memref<1x32x16xf32, #tpu.memory_space<hbm>>
      %dma_wait3A_1185 = tpu.memref_squeeze %dma_wait3A_1184 : memref<1x32x16xf32, #tpu.memory_space<hbm>> -> memref<32x16xf32, #tpu.memory_space<hbm>>
      %dma_wait3A_1186 = arith.constant 0 : i32
      %dma_wait3A_1187 = arith.constant 0 : i32
      %dma_wait3A_1188 = tpu.memref_slice %arg5[%add3A, %dma_wait3A_1186, %dma_wait3A_1187] : memref<32x32x16xf32, #tpu.memory_space<hbm>> -> memref<1x32x16xf32, #tpu.memory_space<hbm>>
      %dma_wait3A_1189 = tpu.memref_squeeze %dma_wait3A_1188 : memref<1x32x16xf32, #tpu.memory_space<hbm>> -> memref<32x16xf32, #tpu.memory_space<hbm>>
      tpu.wait_dma2 semaphore(%run_scoped3A : memref<!tpu.dma_semaphore, #tpu.memory_space<semaphore_mem>>) src(%arg9 : memref<32x16xf32, #tpu.memory_space<vmem>>) dst(%dma_wait3A_1189 : memref<32x16xf32, #tpu.memory_space<hbm>>)
      tpu.yield
    }) : () -> ()
    return
  }
}

module attributes {stable_mosaic.version = 14 : i64} {
  func.func @_finish_body(%arg0: memref<32x8x4x16xf32, #tpu.memory_space<vmem>>, %arg1: memref<8x128xf32, #tpu.memory_space<vmem>>, %arg2: memref<7x3xf32, #tpu.memory_space<vmem>>, %arg3: memref<7x1xf32, #tpu.memory_space<vmem>>) attributes {dimension_semantics = [], scalar_prefetch = 0 : i64, scratch_operands = 0 : i64, tpu.core_type = #tpu.core_type<tc>} {
    %get3A = arith.constant 0 : index
    %get3A_0 = arith.constant 0 : index
    %get3A_1 = arith.constant 0 : index
    %get3A_2 = arith.constant 0 : index
    %get3A_3 = vector.load %arg0[%get3A, %get3A_0, %get3A_1, %get3A_2] : memref<32x8x4x16xf32, #tpu.memory_space<vmem>>, vector<32x8x4x16xf32>
    %reduce_sum3A = arith.constant dense<0.000000e+00> : vector<8x4x16xf32>
    %reduce_sum3A_4 = vector.multi_reduction <add>, %get3A_3, %reduce_sum3A [0] : vector<32x8x4x16xf32> to vector<8x4x16xf32>
    %reduce_sum3A_5 = arith.constant dense<0.000000e+00> : vector<8x4xf32>
    %reduce_sum3A_6 = vector.multi_reduction <add>, %reduce_sum3A_4, %reduce_sum3A_5 [2] : vector<8x4x16xf32> to vector<8x4xf32>
    %slice3A = vector.extract_strided_slice %reduce_sum3A_6 {offsets = [0, 0], sizes = [8, 1], strides = [1, 1]} : vector<8x4xf32> to vector<8x1xf32>
    %slice3A_7 = vector.extract_strided_slice %reduce_sum3A_6 {offsets = [0, 1], sizes = [8, 1], strides = [1, 1]} : vector<8x4xf32> to vector<8x1xf32>
    %slice3A_8 = vector.extract_strided_slice %reduce_sum3A_6 {offsets = [0, 2], sizes = [8, 1], strides = [1, 1]} : vector<8x4xf32> to vector<8x1xf32>
    %get3A_9 = arith.constant 0 : index
    %get3A_10 = arith.constant 0 : index
    %get3A_11 = vector.load %arg1[%get3A_9, %get3A_10] : memref<8x128xf32, #tpu.memory_space<vmem>>, vector<8x1xf32>
    %sub3A = arith.subf %slice3A_7, %slice3A_8 : vector<8x1xf32>
    %add3A = arith.addf %slice3A_7, %slice3A_8 : vector<8x1xf32>
    %max3A = arith.constant 1.000000e+00 : f32
    %max3A_12 = vector.broadcast %max3A : f32 to vector<8x1xf32>
    %max3A_13 = arith.maximumf %get3A_11, %max3A_12 : vector<8x1xf32>
    %gt3A = arith.constant 0.000000e+00 : f32
    %gt3A_14 = vector.broadcast %gt3A : f32 to vector<8x1xf32>
    %gt3A_15 = arith.cmpf ogt, %get3A_11, %gt3A_14 : vector<8x1xf32>
    %div3A = arith.divf %slice3A, %max3A_13 : vector<8x1xf32>
    %sqrt3A = math.sqrt %div3A : vector<8x1xf32>
    %mul3A = arith.mulf %sqrt3A, %get3A_11 : vector<8x1xf32>
    %jit3A = arith.constant 0.000000e+00 : f32
    %broadcast_in_dim3A = vector.broadcast %jit3A : f32 to vector<8x1xf32>
    %select_n3A = arith.select %gt3A_15, %mul3A, %broadcast_in_dim3A : vector<8x1xi1>, vector<8x1xf32>
    %jit3A_16 = arith.constant 0.000000e+00 : f32
    %broadcast_in_dim3A_17 = vector.broadcast %jit3A_16 : f32 to vector<8x1xf32>
    %select_n3A_18 = arith.select %gt3A_15, %sub3A, %broadcast_in_dim3A_17 : vector<8x1xi1>, vector<8x1xf32>
    %jit3A_19 = arith.constant 0.000000e+00 : f32
    %broadcast_in_dim3A_20 = vector.broadcast %jit3A_19 : f32 to vector<8x1xf32>
    %select_n3A_21 = arith.select %gt3A_15, %add3A, %broadcast_in_dim3A_20 : vector<8x1xi1>, vector<8x1xf32>
    %concatenate3A = tpu.concatenate %select_n3A, %select_n3A_18, %select_n3A_21 in 1 : vector<8x1xf32>, vector<8x1xf32>, vector<8x1xf32> -> vector<8x3xf32>
    %slice3A_22 = vector.extract_strided_slice %concatenate3A {offsets = [0, 0], sizes = [7, 3], strides = [1, 1]} : vector<8x3xf32> to vector<7x3xf32>
    %swap3A = arith.constant 0 : index
    %swap3A_23 = arith.constant 0 : index
    %swap3A_24 = vector.load %arg2[%swap3A, %swap3A_23] : memref<7x3xf32, #tpu.memory_space<vmem>>, vector<7x3xf32>
    tpu.vector_store %arg2[%swap3A, %swap3A_23], %slice3A_22 {strides = array<i32>} : memref<7x3xf32, #tpu.memory_space<vmem>>, vector<7x3xf32>,
    %slice3A_25 = vector.extract_strided_slice %get3A_11 {offsets = [0, 0], sizes = [7, 1], strides = [1, 1]} : vector<8x1xf32> to vector<7x1xf32>
    %swap3A_26 = arith.constant 0 : index
    %swap3A_27 = arith.constant 0 : index
    %swap3A_28 = vector.load %arg3[%swap3A_26, %swap3A_27] : memref<7x1xf32, #tpu.memory_space<vmem>>, vector<7x1xf32>
    tpu.vector_store %arg3[%swap3A_26, %swap3A_27], %slice3A_25 {strides = array<i32>} : memref<7x1xf32, #tpu.memory_space<vmem>>, vector<7x1xf32>,
    return
  }
}

module attributes {stable_mosaic.version = 14 : i64} {
  func.func @_hist_body(%arg0: i32, %arg1: memref<1x512x512xi32, #tpu.memory_space<vmem>>, %arg2: memref<8x128xf32, #tpu.memory_space<vmem>>) attributes {dimension_semantics = [#tpu.dimension_semantics<arbitrary>], iteration_bounds = array<i64: 16>, scalar_prefetch = 0 : i64, scratch_operands = 0 : i64, tpu.core_type = #tpu.core_type<tc>, window_params = [{transform_indices = @transform_0, window_bounds = array<i64: 1, 512, 512>}, {pipeline_mode = #tpu.pipeline_mode<synchronous>, transform_indices = @transform_1, window_bounds = array<i64: 8, 128>}]} {
    %get3A = arith.constant 0 : index
    %get3A_0 = arith.constant 0 : index
    %get3A_1 = arith.constant 0 : index
    %get3A_2 = vector.load %arg1[%get3A, %get3A_0, %get3A_1] : memref<1x512x512xi32, #tpu.memory_space<vmem>>, vector<1x512x512xi32>
    %get3A_3 = vector.shape_cast %get3A_2 : vector<1x512x512xi32> to vector<512x512xi32>
    %iota3A = tpu.iota {dimensions = array<i32: 0>} : vector<8x128xi32>
    %broadcast_in_dim3A = arith.constant 0.000000e+00 : f32
    %broadcast_in_dim3A_4 = vector.broadcast %broadcast_in_dim3A : f32 to vector<8x128xf32>
    %eq3A = arith.constant 0 : i32
    %eq3A_5 = vector.broadcast %eq3A : i32 to vector<512x512xi32>
    %eq3A_6 = arith.cmpi eq, %get3A_3, %eq3A_5 : vector<512x512xi32>
    %convert_element_type3A = arith.extui %eq3A_6 : vector<512x512xi1> to vector<512x512xi32>
    %convert_element_type3A_7 = arith.sitofp %convert_element_type3A : vector<512x512xi32> to vector<512x512xf32>
    %reduce_sum3A = vector.shape_cast %convert_element_type3A_7 : vector<512x512xf32> to vector<1x512x512xf32>
    %reduce_sum3A_8 = arith.constant dense<0.000000e+00> : vector<1xf32>
    %reduce_sum3A_9 = vector.multi_reduction <add>, %reduce_sum3A, %reduce_sum3A_8 [1, 2] : vector<1x512x512xf32> to vector<1xf32>
    %reduce_sum3A_10 = vector.shape_cast %reduce_sum3A_9 : vector<1xf32> to vector<1x1x1xf32>
    %reduce_sum3A_11 = vector.extract %reduce_sum3A_10[0, 0, 0] : f32 from vector<1x1x1xf32>
    %eq3A_12 = arith.constant 0 : i32
    %eq3A_13 = vector.broadcast %eq3A_12 : i32 to vector<8x128xi32>
    %eq3A_14 = arith.cmpi eq, %iota3A, %eq3A_13 : vector<8x128xi32>
    %jit3A = arith.constant 0.000000e+00 : f32
    %broadcast_in_dim3A_15 = vector.broadcast %reduce_sum3A_11 : f32 to vector<8x128xf32>
    %broadcast_in_dim3A_16 = vector.broadcast %jit3A : f32 to vector<8x128xf32>
    %select_n3A = arith.select %eq3A_14, %broadcast_in_dim3A_15, %broadcast_in_dim3A_16 : vector<8x128xi1>, vector<8x128xf32>
    %add3A = arith.addf %broadcast_in_dim3A_4, %select_n3A : vector<8x128xf32>
    %eq3A_17 = arith.constant 1 : i32
    %eq3A_18 = vector.broadcast %eq3A_17 : i32 to vector<512x512xi32>
    %eq3A_19 = arith.cmpi eq, %get3A_3, %eq3A_18 : vector<512x512xi32>
    %convert_element_type3A_20 = arith.extui %eq3A_19 : vector<512x512xi1> to vector<512x512xi32>
    %convert_element_type3A_21 = arith.sitofp %convert_element_type3A_20 : vector<512x512xi32> to vector<512x512xf32>
    %reduce_sum3A_22 = vector.shape_cast %convert_element_type3A_21 : vector<512x512xf32> to vector<1x512x512xf32>
    %reduce_sum3A_23 = arith.constant dense<0.000000e+00> : vector<1xf32>
    %reduce_sum3A_24 = vector.multi_reduction <add>, %reduce_sum3A_22, %reduce_sum3A_23 [1, 2] : vector<1x512x512xf32> to vector<1xf32>
    %reduce_sum3A_25 = vector.shape_cast %reduce_sum3A_24 : vector<1xf32> to vector<1x1x1xf32>
    %reduce_sum3A_26 = vector.extract %reduce_sum3A_25[0, 0, 0] : f32 from vector<1x1x1xf32>
    %eq3A_27 = arith.constant 1 : i32
    %eq3A_28 = vector.broadcast %eq3A_27 : i32 to vector<8x128xi32>
    %eq3A_29 = arith.cmpi eq, %iota3A, %eq3A_28 : vector<8x128xi32>
    %jit3A_30 = arith.constant 0.000000e+00 : f32
    %broadcast_in_dim3A_31 = vector.broadcast %reduce_sum3A_26 : f32 to vector<8x128xf32>
    %broadcast_in_dim3A_32 = vector.broadcast %jit3A_30 : f32 to vector<8x128xf32>
    %select_n3A_33 = arith.select %eq3A_29, %broadcast_in_dim3A_31, %broadcast_in_dim3A_32 : vector<8x128xi1>, vector<8x128xf32>
    %add3A_34 = arith.addf %add3A, %select_n3A_33 : vector<8x128xf32>
    %eq3A_35 = arith.constant 2 : i32
    %eq3A_36 = vector.broadcast %eq3A_35 : i32 to vector<512x512xi32>
    %eq3A_37 = arith.cmpi eq, %get3A_3, %eq3A_36 : vector<512x512xi32>
    %convert_element_type3A_38 = arith.extui %eq3A_37 : vector<512x512xi1> to vector<512x512xi32>
    %convert_element_type3A_39 = arith.sitofp %convert_element_type3A_38 : vector<512x512xi32> to vector<512x512xf32>
    %reduce_sum3A_40 = vector.shape_cast %convert_element_type3A_39 : vector<512x512xf32> to vector<1x512x512xf32>
    %reduce_sum3A_41 = arith.constant dense<0.000000e+00> : vector<1xf32>
    %reduce_sum3A_42 = vector.multi_reduction <add>, %reduce_sum3A_40, %reduce_sum3A_41 [1, 2] : vector<1x512x512xf32> to vector<1xf32>
    %reduce_sum3A_43 = vector.shape_cast %reduce_sum3A_42 : vector<1xf32> to vector<1x1x1xf32>
    %reduce_sum3A_44 = vector.extract %reduce_sum3A_43[0, 0, 0] : f32 from vector<1x1x1xf32>
    %eq3A_45 = arith.constant 2 : i32
    %eq3A_46 = vector.broadcast %eq3A_45 : i32 to vector<8x128xi32>
    %eq3A_47 = arith.cmpi eq, %iota3A, %eq3A_46 : vector<8x128xi32>
    %jit3A_48 = arith.constant 0.000000e+00 : f32
    %broadcast_in_dim3A_49 = vector.broadcast %reduce_sum3A_44 : f32 to vector<8x128xf32>
    %broadcast_in_dim3A_50 = vector.broadcast %jit3A_48 : f32 to vector<8x128xf32>
    %select_n3A_51 = arith.select %eq3A_47, %broadcast_in_dim3A_49, %broadcast_in_dim3A_50 : vector<8x128xi1>, vector<8x128xf32>
    %add3A_52 = arith.addf %add3A_34, %select_n3A_51 : vector<8x128xf32>
    %eq3A_53 = arith.constant 3 : i32
    %eq3A_54 = vector.broadcast %eq3A_53 : i32 to vector<512x512xi32>
    %eq3A_55 = arith.cmpi eq, %get3A_3, %eq3A_54 : vector<512x512xi32>
    %convert_element_type3A_56 = arith.extui %eq3A_55 : vector<512x512xi1> to vector<512x512xi32>
    %convert_element_type3A_57 = arith.sitofp %convert_element_type3A_56 : vector<512x512xi32> to vector<512x512xf32>
    %reduce_sum3A_58 = vector.shape_cast %convert_element_type3A_57 : vector<512x512xf32> to vector<1x512x512xf32>
    %reduce_sum3A_59 = arith.constant dense<0.000000e+00> : vector<1xf32>
    %reduce_sum3A_60 = vector.multi_reduction <add>, %reduce_sum3A_58, %reduce_sum3A_59 [1, 2] : vector<1x512x512xf32> to vector<1xf32>
    %reduce_sum3A_61 = vector.shape_cast %reduce_sum3A_60 : vector<1xf32> to vector<1x1x1xf32>
    %reduce_sum3A_62 = vector.extract %reduce_sum3A_61[0, 0, 0] : f32 from vector<1x1x1xf32>
    %eq3A_63 = arith.constant 3 : i32
    %eq3A_64 = vector.broadcast %eq3A_63 : i32 to vector<8x128xi32>
    %eq3A_65 = arith.cmpi eq, %iota3A, %eq3A_64 : vector<8x128xi32>
    %jit3A_66 = arith.constant 0.000000e+00 : f32
    %broadcast_in_dim3A_67 = vector.broadcast %reduce_sum3A_62 : f32 to vector<8x128xf32>
    %broadcast_in_dim3A_68 = vector.broadcast %jit3A_66 : f32 to vector<8x128xf32>
    %select_n3A_69 = arith.select %eq3A_65, %broadcast_in_dim3A_67, %broadcast_in_dim3A_68 : vector<8x128xi1>, vector<8x128xf32>
    %add3A_70 = arith.addf %add3A_52, %select_n3A_69 : vector<8x128xf32>
    %eq3A_71 = arith.constant 4 : i32
    %eq3A_72 = vector.broadcast %eq3A_71 : i32 to vector<512x512xi32>
    %eq3A_73 = arith.cmpi eq, %get3A_3, %eq3A_72 : vector<512x512xi32>
    %convert_element_type3A_74 = arith.extui %eq3A_73 : vector<512x512xi1> to vector<512x512xi32>
    %convert_element_type3A_75 = arith.sitofp %convert_element_type3A_74 : vector<512x512xi32> to vector<512x512xf32>
    %reduce_sum3A_76 = vector.shape_cast %convert_element_type3A_75 : vector<512x512xf32> to vector<1x512x512xf32>
    %reduce_sum3A_77 = arith.constant dense<0.000000e+00> : vector<1xf32>
    %reduce_sum3A_78 = vector.multi_reduction <add>, %reduce_sum3A_76, %reduce_sum3A_77 [1, 2] : vector<1x512x512xf32> to vector<1xf32>
    %reduce_sum3A_79 = vector.shape_cast %reduce_sum3A_78 : vector<1xf32> to vector<1x1x1xf32>
    %reduce_sum3A_80 = vector.extract %reduce_sum3A_79[0, 0, 0] : f32 from vector<1x1x1xf32>
    %eq3A_81 = arith.constant 4 : i32
    %eq3A_82 = vector.broadcast %eq3A_81 : i32 to vector<8x128xi32>
    %eq3A_83 = arith.cmpi eq, %iota3A, %eq3A_82 : vector<8x128xi32>
    %jit3A_84 = arith.constant 0.000000e+00 : f32
    %broadcast_in_dim3A_85 = vector.broadcast %reduce_sum3A_80 : f32 to vector<8x128xf32>
    %broadcast_in_dim3A_86 = vector.broadcast %jit3A_84 : f32 to vector<8x128xf32>
    %select_n3A_87 = arith.select %eq3A_83, %broadcast_in_dim3A_85, %broadcast_in_dim3A_86 : vector<8x128xi1>, vector<8x128xf32>
    %add3A_88 = arith.addf %add3A_70, %select_n3A_87 : vector<8x128xf32>
    %eq3A_89 = arith.constant 5 : i32
    %eq3A_90 = vector.broadcast %eq3A_89 : i32 to vector<512x512xi32>
    %eq3A_91 = arith.cmpi eq, %get3A_3, %eq3A_90 : vector<512x512xi32>
    %convert_element_type3A_92 = arith.extui %eq3A_91 : vector<512x512xi1> to vector<512x512xi32>
    %convert_element_type3A_93 = arith.sitofp %convert_element_type3A_92 : vector<512x512xi32> to vector<512x512xf32>
    %reduce_sum3A_94 = vector.shape_cast %convert_element_type3A_93 : vector<512x512xf32> to vector<1x512x512xf32>
    %reduce_sum3A_95 = arith.constant dense<0.000000e+00> : vector<1xf32>
    %reduce_sum3A_96 = vector.multi_reduction <add>, %reduce_sum3A_94, %reduce_sum3A_95 [1, 2] : vector<1x512x512xf32> to vector<1xf32>
    %reduce_sum3A_97 = vector.shape_cast %reduce_sum3A_96 : vector<1xf32> to vector<1x1x1xf32>
    %reduce_sum3A_98 = vector.extract %reduce_sum3A_97[0, 0, 0] : f32 from vector<1x1x1xf32>
    %eq3A_99 = arith.constant 5 : i32
    %eq3A_100 = vector.broadcast %eq3A_99 : i32 to vector<8x128xi32>
    %eq3A_101 = arith.cmpi eq, %iota3A, %eq3A_100 : vector<8x128xi32>
    %jit3A_102 = arith.constant 0.000000e+00 : f32
    %broadcast_in_dim3A_103 = vector.broadcast %reduce_sum3A_98 : f32 to vector<8x128xf32>
    %broadcast_in_dim3A_104 = vector.broadcast %jit3A_102 : f32 to vector<8x128xf32>
    %select_n3A_105 = arith.select %eq3A_101, %broadcast_in_dim3A_103, %broadcast_in_dim3A_104 : vector<8x128xi1>, vector<8x128xf32>
    %add3A_106 = arith.addf %add3A_88, %select_n3A_105 : vector<8x128xf32>
    %eq3A_107 = arith.constant 6 : i32
    %eq3A_108 = vector.broadcast %eq3A_107 : i32 to vector<512x512xi32>
    %eq3A_109 = arith.cmpi eq, %get3A_3, %eq3A_108 : vector<512x512xi32>
    %convert_element_type3A_110 = arith.extui %eq3A_109 : vector<512x512xi1> to vector<512x512xi32>
    %convert_element_type3A_111 = arith.sitofp %convert_element_type3A_110 : vector<512x512xi32> to vector<512x512xf32>
    %reduce_sum3A_112 = vector.shape_cast %convert_element_type3A_111 : vector<512x512xf32> to vector<1x512x512xf32>
    %reduce_sum3A_113 = arith.constant dense<0.000000e+00> : vector<1xf32>
    %reduce_sum3A_114 = vector.multi_reduction <add>, %reduce_sum3A_112, %reduce_sum3A_113 [1, 2] : vector<1x512x512xf32> to vector<1xf32>
    %reduce_sum3A_115 = vector.shape_cast %reduce_sum3A_114 : vector<1xf32> to vector<1x1x1xf32>
    %reduce_sum3A_116 = vector.extract %reduce_sum3A_115[0, 0, 0] : f32 from vector<1x1x1xf32>
    %eq3A_117 = arith.constant 6 : i32
    %eq3A_118 = vector.broadcast %eq3A_117 : i32 to vector<8x128xi32>
    %eq3A_119 = arith.cmpi eq, %iota3A, %eq3A_118 : vector<8x128xi32>
    %jit3A_120 = arith.constant 0.000000e+00 : f32
    %broadcast_in_dim3A_121 = vector.broadcast %reduce_sum3A_116 : f32 to vector<8x128xf32>
    %broadcast_in_dim3A_122 = vector.broadcast %jit3A_120 : f32 to vector<8x128xf32>
    %select_n3A_123 = arith.select %eq3A_119, %broadcast_in_dim3A_121, %broadcast_in_dim3A_122 : vector<8x128xi1>, vector<8x128xf32>
    %add3A_124 = arith.addf %add3A_106, %select_n3A_123 : vector<8x128xf32>
    %eq3A_125 = arith.constant 0 : i32
    %eq3A_126 = arith.cmpi eq, %arg0, %eq3A_125 : i32
    %convert_element_type3A_127 = arith.extui %eq3A_126 : i1 to i32
    %cond3A = arith.constant 0 : i32
    %cond3A_128 = arith.cmpi ne, %convert_element_type3A_127, %cond3A : i32
    scf.if %cond3A_128 {
      %broadcast_in_dim3A_135 = arith.constant 0.000000e+00 : f32
      %broadcast_in_dim3A_136 = vector.broadcast %broadcast_in_dim3A_135 : f32 to vector<8x128xf32>
      %swap3A_137 = arith.constant 0 : index
      %swap3A_138 = arith.constant 0 : index
      %swap3A_139 = vector.load %arg2[%swap3A_137, %swap3A_138] : memref<8x128xf32, #tpu.memory_space<vmem>>, vector<8x128xf32>
      tpu.vector_store %arg2[%swap3A_137, %swap3A_138], %broadcast_in_dim3A_136 {strides = array<i32>} : memref<8x128xf32, #tpu.memory_space<vmem>>, vector<8x128xf32>,
    } else {
    }
    %get3A_129 = arith.constant 0 : index
    %get3A_130 = arith.constant 0 : index
    %get3A_131 = vector.load %arg2[%get3A_129, %get3A_130] : memref<8x128xf32, #tpu.memory_space<vmem>>, vector<8x128xf32>
    %add3A_132 = arith.addf %get3A_131, %add3A_124 : vector<8x128xf32>
    %swap3A = arith.constant 0 : index
    %swap3A_133 = arith.constant 0 : index
    %swap3A_134 = vector.load %arg2[%swap3A, %swap3A_133] : memref<8x128xf32, #tpu.memory_space<vmem>>, vector<8x128xf32>
    tpu.vector_store %arg2[%swap3A, %swap3A_133], %add3A_132 {strides = array<i32>} : memref<8x128xf32, #tpu.memory_space<vmem>>, vector<8x128xf32>,
    return
  }
  func.func @transform_0(%arg0: i32) -> (i32, i32, i32) {
    %c0_i32 = arith.constant 0 : i32
    %c0_i32_0 = arith.constant 0 : i32
    %c0_i32_1 = arith.constant 0 : i32
    return %arg0, %c0_i32, %c0_i32_0 : i32, i32, i32
  }
  func.func @transform_1(%arg0: i32) -> (i32, i32) {
    %c0_i32 = arith.constant 0 : i32
    %c0_i32_0 = arith.constant 0 : i32
    %c0_i32_1 = arith.constant 0 : i32
    return %c0_i32, %c0_i32_0 : i32, i32
  }
}

</mosaic_0001>

<sc_bundles>
// kernel: kernel.5.cloned.1.call-start
scs
__scs_entry_jumppad:
0x0: {  	(pc) =	sbr.rel $0x88, $3  }
0x1: {  	(tag) =	ssettag $0x0;
	lr =	simm.s32 $0x1  }
0x2: {  	[smem:$0x3F9E] =	sst lr;
	_ =	strace $0xD0000000  }
0x3: {  	_ = 	snop  }
0x4: {  	_ = 	snop  }
0x5: {  	_ = 	snop  }
0x6: {  	_ = 	snop  }
0x7: {  	_ = 	snop  }
__scs_overlays_trampoline_lowered:
0x8: {  	[smem:$0x3FAD] =	sst s0  }
0x9: {  	[smem:$0x3FAE] =	sst s1  }
0xa: {  	[smem:$0x3FAF] =	sst s2  }
0xb: {  	[smem:$0x3FB0] =	sst s3  }
0xc: {  	[smem:$0x3FB1] =	sst s4  }
0xd: {  	[smem:$0x3FB2] =	sst s5  }
0xe: {  	[smem:$0x3FB3] =	sst s6  }
0xf: {  	[smem:$0x3FB4] =	sst s7  }
0x10: {  	[smem:$0x3FB5] =	sst s8  }
0x11: {  	[smem:$0x3FB6] =	sst s9;
	s0 =	simm.s32 @!p0 $0x0  }
0x12: {  	s1 =	sld [smem:$0x3F9C];
	s0 =	simm.s32 @p0 $0x1  }
0x13: {  	[smem:$0x3FB7] =	sst s0;
	s0 =	simm.s32 @!p1 $0x0  }
0x14: {  	s2 =	sld [smem:$0x3F9B];
	s0 =	simm.s32 @p1 $0x1  }
0x15: {  	[smem:$0x3FB8] =	sst s0;
	s0 =	simm.s32 @!p2 $0x0  }
0x16: {  	s3 =	sld [smem:$0x3FDB];
	s0 =	simm.s32 @p2 $0x1  }
0x17: {  	s4 =	simm.s32 $0x1BF5;
	[smem:$0x3FBA] =	sst s0  }
0x18: {  	s0 =	sld [smem:$0x3F9D];
	_ =	swait.ge [sflag:s4], $0x0  }
0x19: {  	s7 =	sld [smem:$0x3F9E]  }
0x1a: {  	s8 =	sadd.s32 $0xFFFFE003, lr  }
0x1b: {  	s9 =	sadd.s32 $0xFFFFFEF7, lr;
	s5 =	simm.s32 $0xFFFFFFFF;
	p2 =	slt.u32 s8, $0xFFFFF086  }
0x1c: {  	p1 =	slt.u32 s9, $0xF7A;
	s5 =	simm.s32 @!p2 $0x0  }
0x1d: {  	s5 =	simm.s32 @p1 $0x1;
	p0 =	seq.s32 s7, s2  }
0x1e: {  	s7 =	smul.u32 @!p0 $0xF7A, s2;
	p2 =	seq.s32 @!p0 s5, $0x0  }
0x1f: {  	s9 =	smul.u32 $0xF7A, s1;
	s8 =	simm.s32 @!p0 $0x1BF5;
	p2 =	por !p2, p0  }
0x20: {  	[sflag:s8] =	ssyncset.s32 @!p0 $0xFFFFF086;
	s6 =	sadd.s32 @!p0 s3, s7;
	s7 =	simm.s32 @!p0 $0x108  }
0x21: {  	s3 =	sadd.s32 s3, s9;
	s6 =	sadd.s32 @!p0 $0x88, s6;
	s7 =	simm.s32 @p2 $0x1082  }
0x22: {  	[simem:s7], [sflag:s8] =	dma.local @!p0 [hbm:s6], $0xF7A  }
0x23: {  	s9 =	sor.u32 $0xD0000000, s2;
	s6 =	simm.s32 $0x108;
	_ =	swait.ge @!p0 [sflag:s8], $0x0  }
0x24: {  	s3 =	sadd.s32 $0x88, s3;
	s6 =	simm.s32 @!p1 $0x1082;
	[sflag:s4] =	ssyncset.s32 $0xFFFFF086  }
0x25: {  	[simem:s6], [sflag:s4] =	dma.local [hbm:s3], $0xF7A  }
0x26: {  	[smem:$0x3F9E] =	sst s1;
	(tag) =	ssettag s2;
	_ =	strace s9  }
0x27: {  	s1 =	sld [smem:$0x3FAE]  }
0x28: {  	s2 =	sld [smem:$0x3FAF]  }
0x29: {  	s4 =	sld [smem:$0x3FB1]  }
0x2a: {  	p0 =	seq.s32 s5, $0x0;
	s5 =	sld [smem:$0x3FB2]  }
0x2b: {  	s6 =	sld [smem:$0x3FB3]  }
0x2c: {  	s7 =	sld [smem:$0x3FB4]  }
0x2d: {  	s3 =	simm.s32 $0x108;
	s8 =	sld [smem:$0x3FB5]  }
0x2e: {  	s3 =	simm.s32 @!p0 $0x1082;
	s9 =	sld [smem:$0x3FB6]  }
0x2f: {  	lr =	sadd.s32 s0, s3;
	s0 =	sld [smem:$0x3FAD]  }
0x30: {  	s3 =	sld [smem:$0x3FB0]  }
0x31: {  	[smem:$0x3FB9] =	sst s10  }
0x32: {  	s10 =	sld [smem:$0x3FB7];
	_ =	sdelay $0x3  }
0x33: {  	p0 =	seq.s32 s10, $0x1;
	s10 =	sld [smem:$0x3FB9];
	_ =	sdelay $0x3  }
0x34: {  	[smem:$0x3FB9] =	sst s10  }
0x35: {  	s10 =	sld [smem:$0x3FB8];
	_ =	sdelay $0x3  }
0x36: {  	p1 =	seq.s32 s10, $0x1;
	s10 =	sld [smem:$0x3FB9];
	_ =	sdelay $0x3  }
0x37: {  	[smem:$0x3FB9] =	sst s10  }
0x38: {  	s10 =	sld [smem:$0x3FBA]  }
0x39: {  	_ = 	snop;
	(pc) =	sbr.ind lr, $3  }
0x3a: {  	_ = 	snop  }
0x3b: {  	_ = 	snop  }
0x3c: {  	p2 =	seq.s32 s10, $0x1;
	s10 =	sld [smem:$0x3FB9]  }
0x3d: {  	_ =	shalt  }
0x3e: {  	_ =	shalt  }
0x3f: {  	_ =	shalt  }
0x40: {  	_ =	shalt  }
0x41: {  	_ =	shalt  }
0x42: {  	_ =	shalt  }
0x43: {  	_ =	shalt  }
0x44: {  	_ =	shalt  }
0x45: {  	_ =	shalt  }
0x46: {  	_ =	shalt  }
0x47: {  	_ =	shalt  }
0x48: {  	_ =	shalt  }
0x49: {  	_ =	shalt  }
0x4a: {  	_ =	shalt  }
0x4b: {  	_ =	shalt  }
0x4c: {  	_ =	shalt  }
0x4d: {  	_ =	shalt  }
0x4e: {  	_ =	shalt  }
0x4f: {  	_ =	shalt  }
0x50: {  	_ =	shalt  }
0x51: {  	_ =	shalt  }
0x52: {  	_ =	shalt  }
0x53: {  	_ =	shalt  }
0x54: {  	_ =	shalt  }
0x55: {  	_ =	shalt  }
0x56: {  	_ =	shalt  }
0x57: {  	_ =	shalt  }
0x58: {  	_ =	shalt  }
0x59: {  	_ =	shalt  }
0x5a: {  	_ =	shalt  }
0x5b: {  	_ =	shalt  }
0x5c: {  	_ =	shalt  }
0x5d: {  	_ =	shalt  }
0x5e: {  	_ =	shalt  }
0x5f: {  	_ =	shalt  }
0x60: {  	_ =	shalt  }
0x61: {  	_ =	shalt  }
0x62: {  	_ =	shalt  }
0x63: {  	_ =	shalt  }
0x64: {  	_ =	shalt  }
0x65: {  	_ =	shalt  }
0x66: {  	_ =	shalt  }
0x67: {  	_ =	shalt  }
0x68: {  	_ =	shalt  }
0x69: {  	_ =	shalt  }
0x6a: {  	_ =	shalt  }
0x6b: {  	_ =	shalt  }
0x6c: {  	_ =	shalt  }
0x6d: {  	_ =	shalt  }
0x6e: {  	_ =	shalt  }
0x6f: {  	_ =	shalt  }
0x70: {  	_ =	shalt  }
0x71: {  	_ =	shalt  }
0x72: {  	_ =	shalt  }
0x73: {  	_ =	shalt  }
0x74: {  	_ =	shalt  }
0x75: {  	_ =	shalt  }
0x76: {  	_ =	shalt  }
0x77: {  	_ =	shalt  }
0x78: {  	_ =	shalt  }
0x79: {  	_ =	shalt  }
0x7a: {  	_ =	shalt  }
0x7b: {  	_ =	shalt  }
0x7c: {  	_ =	shalt  }
0x7d: {  	_ =	shalt  }
0x7e: {  	_ =	shalt  }
0x7f: {  	_ =	shalt  }
0x80: {  	_ =	shalt  }
0x81: {  	_ =	shalt  }
0x82: {  	_ =	shalt  }
0x83: {  	_ =	shalt  }
0x84: {  	_ =	shalt  }
0x85: {  	_ =	shalt  }
0x86: {  	_ =	shalt  }
0x87: {  	_ =	shalt  }
.Lfunc_end0:
.L_simem_size_0:
called_computation_lowered:
.L_overlay_start_0:
0x88: {  	s2 =	sld [smem:$0x3FD9]  }
0x89: {  	s3 =	sld [smem:$0x3FFE];
	_ =	sdelay $0x1  }
0x8a: {  	s1 =	srdreg.scid  }
0x8b: {  	s0 =	sand.u32 $0x1, s1  }
0x8c: {  	s17 =	sshll.u32 s0, $0xA;
	s2 =	sadd.s32 s3, s2  }
0x8d: {  	s2 =	sadd.s32 s2, s17  }
0x8e: {  	[smem:$0x3FC5] =	sst s2  }
0x8f: {  	_ = 	snop  }
0x90: {  	s2 =	sld [smem:$0x3FC9]  }
0x91: {  	s18 =	sld [smem:$0x3FC8]  }
0x92: {  	s4 =	sld [smem:$0x3FC7];
	(tm) =	ssettm $0x1  }
0x93: {  	s5 =	sld [smem:$0x3FFB];
	_ =	sdelay $0x3  }
0x94: {  	_ =	strace s5  }
0x95: {  	s5 =	sld [smem:$0x3FFC];
	_ =	sdelay $0x3  }
0x96: {  	_ =	strace s5  }
0x97: {  	s5 =	sld [smem:$0x3FFD];
	_ =	sdelay $0x3  }
0x98: {  	_ =	strace s5  }
0x99: {  	_ =	strace $0x8FFFFFFF  }
0x9a: {  	s19 =	sld [smem:$0x3FDB];
	_ =	sdelay $0x1  }
0x9b: {  	s6 =	simm.s32 $_scs_section_size  }
0x9c: {  	s7 =	simm.s32 $_size__tile_overlayer_lowered;
	s8 =	simm.s32 $_tile_overlayer_lowered  }
0x9d: {  	s22 =	simm.s32 $0x1BFF;
	s21 =	sshll.u32 s8, $0x1;
	s5 =	sadd.s32 s6, s19  }
0x9e: {  	s9 =	simm.s32 $0x0;
	s20 =	sshll.u32 s7, $0x1;
	s7 =	sadd.s32 s21, s5  }
0x9f: {  	[timem:s9], [sflag:s22] =	dma.local [hbm:s7], s20  }
0xa0: {  	_ =	swait.ge [sflag:s22], s20  }
0xa1: {  	s6 =	ssub.s32 $0x0, s20;
	[sflag:s22] =	ssyncset.done $0x0  }
0xa2: {  	[sflag:s22] =	ssyncadd.s32 s6;
	_ =	sdelay $0x1  }
0xa3: {  	s23 =	simm.s32 $0x1B8B  }
0xa4: {  	_ =	swait.ge [sflag:s23], $0x1  }
0xa5: {  	[sflag:s23] =	ssyncset.done $0x0  }
0xa6: {  	s25 =	simm.s32 $0x1B8E;
	s24 =	sld [smem:$0x3FFE];
	[sflag:s23] =	ssyncadd.s32 $0xFFFFFFFF  }
0xa7: {  	s26 =	simm.s32 $execute0_lowered;
	[smem:$0x3FD2] =	sst s25  }
0xa8: {  	s7 =	sshll.u32 s26, $0x1;
	_ =	strace $0x80000046;
	[dreg:$0x1] =	wrdreg $0xFFFFFFFF  }
0xa9: {  	s28 =	simm.s32 $_size_execute0_lowered;
	s5 =	sadd.s32 s5, s7;
	[dreg:$0x0] =	wrdreg $0x0  }
0xaa: {  	s7 =	sshll.u32 s28, $0x1;
	[dreg:$0x2] =	wrdreg s5  }
0xab: {  	[dreg:$0x3] =	wrdreg s7  }
0xac: {  	[dreg:$0x4] =	wrdreg $0xC0  }
0xad: {  	_ =	task [dreg:s9], $0x5FFFF  }
0xae: {  	[dreg:$0x1] =	wrdreg $0xFFFFFFFF  }
0xaf: {  	[dreg:$0x0] =	wrdreg $0x60  }
0xb0: {  	[dreg:$0x2] =	wrdreg s2  }
0xb1: {  	[dreg:$0x3] =	wrdreg s18  }
0xb2: {  	[dreg:$0x4] =	wrdreg s4  }
0xb3: {  	[dreg:$0x5] =	wrdreg s24  }
0xb4: {  	[dreg:$0x6] =	wrdreg $0x9  }
0xb5: {  	_ =	task.clear_ibuf [dreg:s9], $0x7FFFF;
	_ =	strace $0x90000046  }
0xb6: {  	s29 =	simm.s32 $0x9;
	_ =	strace $0x80000048  }
0xb7: {  	_ =	swait.ge [sflag:s29], $0x1  }
0xb8: {  	[sflag:s29] =	ssyncadd.s32 $0xFFFFFFFF  }
0xb9: {  	_ =	strace $0x90000048  }
0xba: {  	_ =	sfence  }
0xbb: {  	s30 =	sld [smem:$0x0];
	_ =	sdelay $0x2  }
0xbc: {  	s31 =	sshll.u32 s1, $0xD;
	s1 =	sshrl.u32 s1, $0x2  }
0xbd: {  	s3 =	sand.u32 $0x4000, s31;
	s1 =	sadd.s32 s1, s30  }
0xbe: {  	s0 =	sor.u32 s3, s0;
	s1 =	sshll.u32 s1, $0x11  }
0xbf: {  	s0 =	sor.u32 s1, s0  }
0xc0: {  	s0 =	sadd.s32 $0x8F2B, s0  }
0xc1: {  	[sflag:s0] =	ssyncadd.remote.s32 $0x1  }
0xc2: {  	_ =	sfence.sel $0xFFFF  }
0xc3: {  	[dreg:$0x0] =	wrdreg $0xFFFFFFFF;
	(pc) =	sbr.abs _section_cstart, $3  }
0xc4: {  	[dreg:$0x1] =	wrdreg $0xFFFFFFFF  }
0xc5: {  	_ =	task.clear_ibuf [dreg:s9], $0x2FFFF;
	_ =	strace $0x9FFFFFFF  }
0xc6: {  	(tm) =	ssettm $0x7FFFFFFF  }
0xc7: {  	_ =	shalt  }
tec
execute0_lowered:
.L_overlay_start_1:
0x0: {  	(tag) =	ssettag $0x1  }
0x1: {  	s0 =	rddreg [dreg:$0x0]  }
0x2: {  	s1 =	rddreg [dreg:$0x1]  }
0x3: {  	s2 =	srdreg.scid;
	s3 =	rddreg [dreg:$0x2]  }
0x4: {  	s4 =	stileid.u32;
	s5 =	rddreg [dreg:$0x3];
	s9 =	simm.s32 $0x0  }
0x5: {  	s30 =	simm.s32 $0x2000;
	s2 =	sand.u32 $0x1, s2;
	s4 =	sshll.u32 s4, $0x1  }
0x6: {  	s31 =	simm.s32 $0x40000;
	s4 =	sor.u32 s2, s4;
	s2 =	ssub.s32 $0x2, s2  }
0x7: {  	[smem:$0x7FF] =	sst s9;
	s6 =	sshll.u32 s4, $0x9;
	s11 =	sshrl.u32 s2, $0x1  }
0x8: {  	s4 =	sshll.u32 s4, $0xA;
	s5 =	sadd.s32 s6, s5;
	s2 =	ssub.s32 s2, s11  }
0x9: {  	s12 =	sadd.s32 s0, s4;
	s13 =	sor.u32 $0x10000, s4;
	s7 =	sadd.s32 s1, s4  }
0xa: {  	s15 =	sor.u32 $0x20000, s4;
	s19 =	sor.u32 $0x30000, s4;
	[dreg:$0x5] =	wrdreg s12  }
0xb: {  	s22 =	sor.u32 $0x40000, s4;
	[dreg:$0x6] =	wrdreg s7;
	s14 =	sadd.s32 s0, s13  }
0xc: {  	s24 =	sor.u32 $0x50000, s4;
	s8 =	sadd.s32 s1, s13;
	[dreg:$0x7] =	wrdreg s14  }
0xd: {  	s26 =	sor.u32 $0x60000, s4;
	s6 =	sadd.s32 s3, s13;
	[dreg:$0x8] =	wrdreg s8  }
0xe: {  	s16 =	sadd.s32 s0, s15;
	s17 =	sadd.s32 s1, s15;
	[dreg:$0x9] =	wrdreg s6  }
0xf: {  	s18 =	sadd.s32 s3, s15;
	s20 =	sadd.s32 s0, s19;
	[dreg:$0xa] =	wrdreg s16  }
0x10: {  	s21 =	sadd.s32 s1, s19;
	s23 =	sadd.s32 s0, s22;
	[dreg:$0xb] =	wrdreg s17  }
0x11: {  	s25 =	sadd.s32 s1, s22;
	s15 =	sadd.s32 s3, s22;
	[dreg:$0xc] =	wrdreg s18  }
0x12: {  	s22 =	sadd.s32 s1, s26;
	s28 =	sadd.s32 $0xA00, s5;
	[dreg:$0xd] =	wrdreg s20  }
0x13: {  	s29 =	smax.u32 s2, $0x1;
	s2 =	simm.s32 $0xC000;
	[dreg:$0xe] =	wrdreg s21  }
0x14: {  	s5 =	simm.s32 $0x18000;
	s7 =	simm.s32 $0x3;
	[dreg:$0x10] =	wrdreg s23  }
0x15: {  	s6 =	sadd.s32 s3, s19;
	[dreg:$0x11] =	wrdreg s25;
	s16 =	sadd.s32 s0, s24  }
0x16: {  	s17 =	sadd.s32 s1, s24;
	s18 =	sadd.s32 s3, s24;
	s19 =	sadd.s32 s3, s4  }
0x17: {  	s4 =	sor.u32 $0x70000, s4;
	s21 =	sadd.s32 s0, s26;
	s23 =	sadd.s32 s3, s26  }
0x18: {  	s20 =	simm.s32 $0x8000;
	s8 =	simm.s32 $0x0;
	[dreg:$0xf] =	wrdreg s6  }
0x19: {  	s24 =	sadd.s32 s0, s4;
	s25 =	sadd.s32 s1, s4;
	s26 =	sadd.s32 s3, s4  }
0x1a: {  	s0 =	simm.s32 $0x10000;
	s1 =	simm.s32 $0x4000;
	s3 =	simm.s32 $0x14000  }
0x1b: {  	v0 =	vimm.f32 $0.0e+00;
	v1 =	vimm.s32 $0x0;
	v2 =	vlaneseq.u32;
	s4 =	simm.s32 $0x1;
	s6 =	simm.s32 $0x2;
	_ =	strace $0x80000047  }
.LBB2_1:
0x1c: {  	[tilespmem:$0x18000] =	vst v0  }
0x1d: {  	[tilespmem:$0x18080] =	vst v0  }
0x1e: {  	[tilespmem:$0x18100] =	vst v0  }
0x1f: {  	[tilespmem:$0x18180] =	vst v0  }
0x20: {  	[tilespmem:$0x18200] =	vst v0  }
0x21: {  	[tilespmem:$0x18280] =	vst v0  }
0x22: {  	[tilespmem:$0x18300] =	vst v0  }
0x23: {  	[tilespmem:$0x18380] =	vst v0  }
0x24: {  	[tilespmem:$0x18400] =	vst v0  }
0x25: {  	[tilespmem:$0x18480] =	vst v0  }
0x26: {  	[tilespmem:$0x18500] =	vst v0  }
0x27: {  	[tilespmem:$0x18580] =	vst v0  }
0x28: {  	[tilespmem:$0x18600] =	vst v0  }
0x29: {  	[tilespmem:$0x18680] =	vst v0  }
0x2a: {  	[tilespmem:$0x18700] =	vst v0  }
0x2b: {  	[tilespmem:$0x18780] =	vst v0  }
0x2c: {  	[tilespmem:$0x18800] =	vst v0  }
0x2d: {  	[tilespmem:$0x18880] =	vst v0  }
0x2e: {  	[tilespmem:$0x18900] =	vst v0  }
0x2f: {  	[tilespmem:$0x18980] =	vst v0  }
0x30: {  	[tilespmem:$0x18A00] =	vst v0  }
0x31: {  	[tilespmem:$0x18A80] =	vst v0  }
0x32: {  	[tilespmem:$0x18B00] =	vst v0  }
0x33: {  	[tilespmem:$0x18B80] =	vst v0  }
0x34: {  	[tilespmem:$0x18C00] =	vst v0  }
0x35: {  	[tilespmem:$0x18C80] =	vst v0  }
0x36: {  	[tilespmem:$0x18D00] =	vst v0  }
0x37: {  	[tilespmem:$0x18D80] =	vst v0  }
0x38: {  	[tilespmem:$0x18E00] =	vst v0  }
0x39: {  	[tilespmem:$0x18E80] =	vst v0  }
0x3a: {  	[tilespmem:$0x18F00] =	vst v0  }
0x3b: {  	[tilespmem:$0x18F80] =	vst v0;
	s10 =	rddreg [dreg:$0x5]  }
0x3c: {  	[tilespmem:s9], [sflag:$0x1] =	stream.strided.gather [hbm4b:s10+s30], $0x4000, s31, s30, $0x38;
	[tilespmem:$0x19000] =	vst v63  }
0x3d: {  	s11 =	rddreg [dreg:$0x6]  }
0x3e: {  	[tilespmem:s20], [sflag:$0x1] =	stream.strided.gather [hbm4b:s11+s30], $0x4000, s31, s30, $0x38;
	[tilespmem:$0x19000] =	vst v63  }
0x3f: {  	_ = 	snop  }
0x40: {  	[tilespmem:s0], [sflag:$0x1] =	stream.strided.gather [hbm4b:s19+s30], $0x4000, s31, s30, $0x38;
	[tilespmem:$0x19000] =	vst v63  }
0x41: {  	s12 =	rddreg [dreg:$0x7]  }
0x42: {  	[tilespmem:s1], [sflag:$0x2] =	stream.strided.gather [hbm4b:s12+s30], $0x4000, s31, s30, $0x38;
	[tilespmem:$0x19000] =	vst v63  }
0x43: {  	s13 =	rddreg [dreg:$0x8]  }
0x44: {  	[tilespmem:s2], [sflag:$0x2] =	stream.strided.gather [hbm4b:s13+s30], $0x4000, s31, s30, $0x38;
	[tilespmem:$0x19000] =	vst v63  }
0x45: {  	s14 =	rddreg [dreg:$0x9]  }
0x46: {  	[tilespmem:s3], [sflag:$0x2] =	stream.strided.gather [hbm4b:s14+s30], $0x4000, s31, s30, $0x38;
	[tilespmem:$0x19000] =	vst v63  }
0x47: {  	_ =	swait.ge [sflag:s4], $0x4000  }
0x48: {  	[sflag:s4] =	ssyncset.done $0x0  }
0x49: {  	[sflag:s4] =	ssyncadd.s32 $0xFFFFC000  }
0x4a: {  	_ =	swait.ge [sflag:s4], $0x4000  }
0x4b: {  	[sflag:s4] =	ssyncset.done $0x0  }
0x4c: {  	[sflag:s4] =	ssyncadd.s32 $0xFFFFC000  }
0x4d: {  	_ =	swait.ge [sflag:s4], $0x4000  }
0x4e: {  	s9 =	simm.s32 $0xFFFFFFE0;
	[sflag:s4] =	ssyncset.done $0x0  }
0x4f: {  	s10 =	simm.s32 $0x0;
	s11 =	simm.s32 $0x0;
	[sflag:s4] =	ssyncadd.s32 $0xFFFFC000  }
.LBB2_2:
0x50: {  	s12 =	sand.u32 $0x3000, s10;
	s13 =	sand.u32 $0x380, s11  }
0x51: {  	s12 =	sor.u32 s13, s12  }
0x52: {  	v3 =	vld [tilespmem:s12+$0x0]  }
0x53: {  	v4 =	vld [tilespmem:s12+$0x8000]  }
0x54: {  	v5 =	vld [tilespmem:s12+$0x10000]  }
0x55: {  	v6 =	vld [tilespmem:s12+$0x10]  }
0x56: {  	v7 =	vld [tilespmem:s12+$0x8010]  }
0x57: {  	v18 =	vld [tilespmem:s12+$0x20]  }
0x58: {  	v8 =	vld [tilespmem:s12+$0x8020]  }
0x59: {  	v11 =	vld [tilespmem:s12+$0x10010]  }
0x5a: {  	v20 =	vld [tilespmem:s12+$0x10020]  }
0x5b: {  	v12 =	vld [tilespmem:s12+$0x10030]  }
0x5c: {  	v14 =	vld [tilespmem:s12+$0x30]  }
0x5d: {  	v15 =	vld [tilespmem:s12+$0x8030]  }
0x5e: {  	v28 =	vld [tilespmem:s12+$0x40]  }
0x5f: {  	v29 =	vld [tilespmem:s12+$0x8040]  }
0x60: {  	v31 =	vld [tilespmem:s12+$0x10040]  }
0x61: {  	v32 =	vld [tilespmem:s12+$0x50]  }
0x62: {  	v33 =	vld [tilespmem:s12+$0x8050]  }
0x63: {  	v34 =	vld [tilespmem:s12+$0x60]  }
0x64: {  	v35 =	vld [tilespmem:s12+$0x8060]  }
0x65: {  	v36 =	vld [tilespmem:s12+$0x10050]  }
0x66: {  	v38 =	vld [tilespmem:s12+$0x10060]  }
0x67: {  	v39 =	vld [tilespmem:s12+$0x70]  }
0x68: {  	v41 =	vld [tilespmem:s12+$0x8070]  }
0x69: {  	v44 =	vld [tilespmem:s12+$0x10070]  }
0x6a: {  	v45 =	vld [tilespmem:s12+$0x400]  }
0x6b: {  	v46 =	vld [tilespmem:s12+$0x410]  }
0x6c: {  	v50 =	vld [tilespmem:s12+$0x10400]  }
0x6d: {  	v3 =	vsub.f32 v3, v4;
	v10 =	vshll.u32 v5, $0x2;
	v4 =	vsub.f32 v18, v8;
	v18 =	vld [tilespmem:s12+$0x8400]  }
0x6e: {  	v54 =	vld [tilespmem:s12+$0x10410];
	v6 =	vsub.f32 v6, v7;
	v5 =	vshll.u32 v5, $0x9;
	v22 =	vshll.u32 v11, $0x9  }
0x6f: {  	v62 =	vld [tilespmem:s12+$0x10420];
	v5 =	vor.u32 v2, v5;
	vm0 =	vlt.f32 v3, $0.0e+00;
	vm10 =	vlt.f32 v4, $0.0e+00  }
0x70: {  	v42 =	vsub.f32 v34, v35;
	v34 =	vld [tilespmem:s12+$0x460];
	v9 =	vsel vm0, $0x1, v1;
	v23 =	vsel vm10, $0x1, v1  }
0x71: {  	v11 =	vor.u32 v2, v22;
	v9 =	vor.u32 v10, v9;
	v10 =	vshll.u32 v23, $0x7;
	v23 =	vld [tilespmem:s12+$0x430]  }
0x72: {  	vm9 =	vlt.f32 v6, $0.0e+00;
	v13 =	vmul.f32 v3, v3;
	v52 =	vsub.f32 v45, v18;
	v18 =	vld [tilespmem:s12+$0x420]  }
0x73: {  	v21 =	vsel vm9, $0x1, v1;
	v45 =	vld [tilespmem:s12+$0x8800]  }
0x74: {  	v24 =	vmul.f32 v6, v6;
	v8 =	vshll.u32 v21, $0x7;
	v19 =	vadd.s32 $0x1, v9;
	[tilespmem:v5+s5+$0x0] =	vst.idx.add.f32.msk $0xffff, v13  }
0x75: {  	vm14 =	vlt.f32 v42, $0.0e+00;
	v8 =	vor.u32 v8, v22;
	v7 =	vshll.u32 v19, $0x7;
	v19 =	vld [tilespmem:s12+$0x8410]  }
0x76: {  	v17 =	vsel vm14, $0x1, v1;
	v8 =	vadd.s32 $0x80, v8;
	[tilespmem:v11+s5+$0x0] =	vst.idx.add.f32.msk $0xffff, v24;
	v7 =	vor.u32 v2, v7  }
0x77: {  	v17 =	vshll.u32 v17, $0x7;
	v13 =	vshll.u32 v38, $0x9;
	v24 =	vld [tilespmem:s12+$0x8430];
	v8 =	vor.u32 v2, v8  }
0x78: {  	v5 =	vsub.f32 v32, v33;
	v33 =	vld [tilespmem:s12+$0x10450];
	v17 =	vor.u32 v17, v13;
	v13 =	vor.u32 v2, v13  }
0x79: {  	v11 =	vshll.u32 v36, $0x9;
	v36 =	vld [tilespmem:s12+$0x8460]  }
0x7a: {  	v55 =	vsub.f32 v46, v19;
	v19 =	vld [tilespmem:s12+$0x8420]  }
0x7b: {  	v53 =	vmul.f32 v42, v42;
	v9 =	vshll.u32 v20, $0x9;
	[tilespmem:v7+s5+$0x0] =	vst.idx.add.f32.msk $0xffff, v3  }
0x7c: {  	v10 =	vor.u32 v10, v9;
	v9 =	vor.u32 v2, v9;
	[tilespmem:v8+s5+$0x0] =	vst.idx.add.f32.msk $0xffff, v6  }
0x7d: {  	[tilespmem:v13+s5+$0x0] =	vst.idx.add.f32.msk $0xffff, v53  }
0x7e: {  	v7 =	vsub.f32 v28, v29;
	v28 =	vld [tilespmem:s12+$0x8440]  }
0x7f: {  	v10 =	vadd.s32 $0x80, v10;
	v3 =	vmul.f32 v4, v4;
	v29 =	vld [tilespmem:s12+$0x450]  }
0x80: {  	v10 =	vor.u32 v2, v10;
	vm13 =	vlt.f32 v5, $0.0e+00;
	v6 =	vshll.u32 v31, $0x9;
	v31 =	vld [tilespmem:s12+$0x10440]  }
0x81: {  	v25 =	vshll.u32 v12, $0x9;
	v43 =	vsel vm13, $0x1, v1;
	[tilespmem:v9+s5+$0x0] =	vst.idx.add.f32.msk $0xffff, v3;
	v3 =	vsub.f32 v14, v15  }
0x82: {  	v26 =	vor.u32 v2, v25;
	v8 =	vshll.u32 v43, $0x7;
	v43 =	vld [tilespmem:s12+$0x8470]  }
0x83: {  	v53 =	vld [tilespmem:s12+$0x10800];
	v8 =	vor.u32 v8, v11;
	v11 =	vor.u32 v2, v11;
	vm11 =	vlt.f32 v3, $0.0e+00  }
0x84: {  	v13 =	vshll.u32 v33, $0x9;
	v33 =	vld [tilespmem:s12+$0x850];
	v30 =	vsel vm11, $0x1, v1  }
0x85: {  	[tilespmem:v10+s5+$0x0] =	vst.idx.add.f32.msk $0xffff, v4;
	v27 =	vmul.f32 v3, v3;
	v4 =	vshll.u32 v30, $0x7  }
0x86: {  	v16 =	vmul.f32 v5, v5;
	v9 =	vsub.f32 v39, v41;
	v39 =	vld [tilespmem:s12+$0x10460];
	v4 =	vor.u32 v4, v25  }
0x87: {  	[tilespmem:v26+s5+$0x0] =	vst.idx.add.f32.msk $0xffff, v27;
	v4 =	vadd.s32 $0x80, v4  }
0x88: {  	vm12 =	vlt.f32 v7, $0.0e+00;
	v8 =	vadd.s32 $0x80, v8;
	[tilespmem:v11+s5+$0x0] =	vst.idx.add.f32.msk $0xffff, v16;
	v4 =	vor.u32 v2, v4  }
0x89: {  	v48 =	vadd.s32 $0x80, v17;
	v37 =	vsel vm12, $0x1, v1;
	v47 =	vor.u32 v2, v8;
	v26 =	vld [tilespmem:s12+$0x10430]  }
0x8a: {  	v8 =	vor.u32 v2, v48;
	v12 =	vshll.u32 v37, $0x7;
	vm15 =	vlt.f32 v9, $0.0e+00;
	v27 =	vld [tilespmem:s12+$0x440]  }
0x8b: {  	v12 =	vor.u32 v12, v6;
	v6 =	vor.u32 v2, v6;
	v49 =	vsel vm15, $0x1, v1;
	v30 =	vld [tilespmem:s12+$0x8450]  }
0x8c: {  	v51 =	vshll.u32 v49, $0x7;
	v49 =	vld [tilespmem:s12+$0x10470]  }
0x8d: {  	[tilespmem:v4+s5+$0x0] =	vst.idx.add.f32.msk $0xffff, v3;
	v3 =	vadd.s32 $0x80, v12  }
0x8e: {  	v40 =	vmul.f32 v7, v7;
	[tilespmem:v47+s5+$0x0] =	vst.idx.add.f32.msk $0xffff, v5;
	v3 =	vor.u32 v2, v3  }
0x8f: {  	[tilespmem:v8+s5+$0x0] =	vst.idx.add.f32.msk $0xffff, v42  }
0x90: {  	v58 =	vshll.u32 v50, $0x9;
	[tilespmem:v6+s5+$0x0] =	vst.idx.add.f32.msk $0xffff, v40  }
0x91: {  	v61 =	vshll.u32 v54, $0x9;
	v59 =	vor.u32 v2, v58;
	v40 =	vld [tilespmem:s12+$0x470]  }
0x92: {  	vm4 =	vlt.f32 v52, $0.0e+00;
	vm5 =	vlt.f32 v55, $0.0e+00;
	v37 =	vsub.f32 v29, v30;
	v29 =	vld [tilespmem:s12+$0x8840]  }
0x93: {  	v57 =	vsel vm4, $0x1, v1;
	v60 =	vsel vm5, $0x1, v1;
	v63 =	vmul.f32 v9, v9;
	[tilespmem:v3+s5+$0x0] =	vst.idx.add.f32.msk $0xffff, v7  }
0x94: {  	v6 =	vshll.u32 v57, $0x7;
	vm9 =	vlt.f32 v37, $0.0e+00;
	v3 =	vshll.u32 v44, $0x9;
	v44 =	vld [tilespmem:s12+$0x800]  }
0x95: {  	v30 =	vld [tilespmem:s12+$0x10830];
	v42 =	vsel vm9, $0x1, v1;
	v7 =	vor.u32 v51, v3;
	v3 =	vor.u32 v2, v3  }
0x96: {  	v6 =	vor.u32 v6, v58;
	v17 =	vshll.u32 v42, $0x7;
	v42 =	vld [tilespmem:s12+$0x8860];
	v7 =	vadd.s32 $0x80, v7  }
0x97: {  	v51 =	vsub.f32 v40, v43;
	v43 =	vld [tilespmem:s12+$0x870];
	v56 =	vor.u32 v2, v7;
	v7 =	vshll.u32 v60, $0x7  }
0x98: {  	v8 =	vor.u32 v2, v61;
	v6 =	vadd.s32 $0x80, v6;
	v7 =	vor.u32 v7, v61;
	v61 =	vld [tilespmem:s12+$0x10810]  }
0x99: {  	v6 =	vor.u32 v2, v6;
	v54 =	vsub.f32 v44, v45;
	v44 =	vld [tilespmem:s12+$0x8870]  }
0x9a: {  	[tilespmem:v3+s5+$0x0] =	vst.idx.add.f32.msk $0xffff, v63  }
0x9b: {  	v3 =	vmul.f32 v52, v52;
	v63 =	vld [tilespmem:s12+$0x810]  }
0x9c: {  	v7 =	vadd.s32 $0x80, v7;
	[tilespmem:v56+s5+$0x0] =	vst.idx.add.f32.msk $0xffff, v9  }
0x9d: {  	v7 =	vor.u32 v2, v7;
	[tilespmem:v59+s5+$0x0] =	vst.idx.add.f32.msk $0xffff, v3;
	v3 =	vmul.f32 v55, v55  }
0x9e: {  	v17 =	vor.u32 v17, v13;
	v13 =	vor.u32 v2, v13;
	[tilespmem:v6+s5+$0x0] =	vst.idx.add.f32.msk $0xffff, v52  }
0x9f: {  	[tilespmem:v8+s5+$0x0] =	vst.idx.add.f32.msk $0xffff, v3;
	v3 =	vsub.f32 v18, v19  }
0xa0: {  	v6 =	vshll.u32 v26, $0x9;
	v26 =	vld [tilespmem:s12+$0x830]  }
0xa1: {  	v20 =	vshll.u32 v62, $0x9;
	v52 =	vmul.f32 v37, v37;
	v18 =	vld [tilespmem:s12+$0x8810];
	vm6 =	vlt.f32 v3, $0.0e+00  }
0xa2: {  	v21 =	vor.u32 v2, v20;
	v9 =	vsub.f32 v34, v36;
	[tilespmem:v7+s5+$0x0] =	vst.idx.add.f32.msk $0xffff, v55;
	v25 =	vsel vm6, $0x1, v1  }
0xa3: {  	[tilespmem:v13+s5+$0x0] =	vst.idx.add.f32.msk $0xffff, v52;
	v5 =	vshll.u32 v25, $0x7  }
0xa4: {  	vm10 =	vlt.f32 v9, $0.0e+00;
	v7 =	vsub.f32 v23, v24;
	v23 =	vld [tilespmem:s12+$0x8820];
	v4 =	vor.u32 v5, v20  }
0xa5: {  	v48 =	vsel vm10, $0x1, v1;
	v52 =	vld [tilespmem:s12+$0x10870];
	v22 =	vmul.f32 v3, v3;
	v4 =	vadd.s32 $0x80, v4  }
0xa6: {  	v50 =	vshll.u32 v48, $0x7;
	v48 =	vld [tilespmem:s12+$0x10860];
	v4 =	vor.u32 v2, v4  }
0xa7: {  	vm7 =	vlt.f32 v7, $0.0e+00;
	[tilespmem:v21+s5+$0x0] =	vst.idx.add.f32.msk $0xffff, v22;
	v5 =	vsub.f32 v27, v28  }
0xa8: {  	v32 =	vsel vm7, $0x1, v1;
	v22 =	vld [tilespmem:s12+$0x820]  }
0xa9: {  	v25 =	vld [tilespmem:s12+$0x10820];
	v12 =	vshll.u32 v32, $0x7;
	vm8 =	vlt.f32 v5, $0.0e+00  }
0xaa: {  	v27 =	vld [tilespmem:s12+$0x8830];
	v12 =	vor.u32 v12, v6;
	v6 =	vor.u32 v2, v6;
	v38 =	vsel vm8, $0x1, v1  }
0xab: {  	v11 =	vshll.u32 v31, $0x9;
	v8 =	vshll.u32 v38, $0x7;
	[tilespmem:v4+s5+$0x0] =	vst.idx.add.f32.msk $0xffff, v3;
	v3 =	vadd.s32 $0x80, v12  }
0xac: {  	v28 =	vld [tilespmem:s12+$0x840];
	v8 =	vor.u32 v8, v11;
	v3 =	vor.u32 v2, v3  }
0xad: {  	v35 =	vmul.f32 v7, v7;
	v32 =	vld [tilespmem:s12+$0x10840];
	v11 =	vor.u32 v2, v11;
	v8 =	vadd.s32 $0x80, v8  }
0xae: {  	v57 =	vshll.u32 v49, $0x9;
	v38 =	vld [tilespmem:s12+$0x10850];
	v46 =	vor.u32 v2, v8  }
0xaf: {  	v58 =	vor.u32 v2, v57;
	v47 =	vadd.s32 $0x80, v17;
	vm11 =	vlt.f32 v51, $0.0e+00;
	[tilespmem:v6+s5+$0x0] =	vst.idx.add.f32.msk $0xffff, v35  }
0xb0: {  	v60 =	vshll.u32 v53, $0x9;
	v41 =	vmul.f32 v5, v5;
	v35 =	vld [tilespmem:s12+$0x8850];
	v8 =	vor.u32 v2, v47  }
0xb1: {  	vm12 =	vlt.f32 v54, $0.0e+00;
	v56 =	vsel vm11, $0x1, v1;
	[tilespmem:v3+s5+$0x0] =	vst.idx.add.f32.msk $0xffff, v7;
	v3 =	vshll.u32 v39, $0x9  }
0xb2: {  	v59 =	vsel vm12, $0x1, v1;
	[tilespmem:v11+s5+$0x0] =	vst.idx.add.f32.msk $0xffff, v41;
	v7 =	vor.u32 v50, v3;
	v3 =	vor.u32 v2, v3  }
0xb3: {  	s13 =	sand.u32 $0xFFFFF000, s10;
	v36 =	vsub.f32 v28, v29;
	v6 =	vshll.u32 v56, $0x7;
	[tilespmem:v46+s5+$0x0] =	vst.idx.add.f32.msk $0xffff, v5;
	v7 =	vadd.s32 $0x80, v7  }
0xb4: {  	v62 =	vmul.f32 v9, v9;
	v6 =	vor.u32 v6, v57;
	v39 =	vld [tilespmem:s12+$0x860];
	s12 =	sadd.s32 s13, s11;
	v55 =	vor.u32 v2, v7  }
0xb5: {  	vm4 =	vlt.f32 v36, $0.0e+00;
	v6 =	vadd.s32 $0x80, v6;
	[tilespmem:v8+s5+$0x0] =	vst.idx.add.f32.msk $0xffff, v37;
	s14 =	sor.u32 $0xC00, s12;
	v7 =	vshll.u32 v59, $0x7  }
0xb6: {  	v6 =	vor.u32 v2, v6;
	v8 =	vor.u32 v2, v60;
	v7 =	vor.u32 v7, v60;
	v60 =	vld [tilespmem:s14+$0x10000]  }
0xb7: {  	v13 =	vshll.u32 v32, $0x9;
	v41 =	vsel vm4, $0x1, v1;
	[tilespmem:v3+s5+$0x0] =	vst.idx.add.f32.msk $0xffff, v62  }
0xb8: {  	v17 =	vshll.u32 v41, $0x7;
	v7 =	vadd.s32 $0x80, v7;
	v3 =	vmul.f32 v51, v51;
	v62 =	vld [tilespmem:s14+$0x0]  }
0xb9: {  	v17 =	vor.u32 v17, v13;
	v7 =	vor.u32 v2, v7;
	[tilespmem:v55+s5+$0x0] =	vst.idx.add.f32.msk $0xffff, v9  }
0xba: {  	v13 =	vor.u32 v2, v13;
	[tilespmem:v58+s5+$0x0] =	vst.idx.add.f32.msk $0xffff, v3;
	v3 =	vmul.f32 v54, v54  }
0xbb: {  	[tilespmem:v6+s5+$0x0] =	vst.idx.add.f32.msk $0xffff, v51  }
0xbc: {  	v19 =	vshll.u32 v61, $0x9;
	[tilespmem:v8+s5+$0x0] =	vst.idx.add.f32.msk $0xffff, v3;
	v3 =	vsub.f32 v63, v18  }
0xbd: {  	v20 =	vor.u32 v2, v19;
	v51 =	vmul.f32 v36, v36;
	v63 =	vld [tilespmem:s14+$0x8000]  }
0xbe: {  	[tilespmem:v7+s5+$0x0] =	vst.idx.add.f32.msk $0xffff, v54;
	vm13 =	vlt.f32 v3, $0.0e+00  }
0xbf: {  	s14 =	sor.u32 $0xC20, s12;
	[tilespmem:v13+s5+$0x0] =	vst.idx.add.f32.msk $0xffff, v51;
	v24 =	vsel vm13, $0x1, v1  }
0xc0: {  	s13 =	sor.u32 $0xC10, s12;
	v7 =	vsub.f32 v22, v23;
	v22 =	vld [tilespmem:s14+$0x8000];
	v21 =	vmul.f32 v3, v3;
	v5 =	vshll.u32 v24, $0x7  }
0xc1: {  	v23 =	vld [tilespmem:s13+$0x10000];
	v4 =	vor.u32 v5, v19  }
0xc2: {  	v53 =	vsub.f32 v43, v44;
	[tilespmem:v20+s5+$0x0] =	vst.idx.add.f32.msk $0xffff, v21;
	v4 =	vadd.s32 $0x80, v4  }
0xc3: {  	v20 =	vld [tilespmem:s13+$0x8000];
	v4 =	vor.u32 v2, v4  }
0xc4: {  	vm7 =	vlt.f32 v53, $0.0e+00;
	v56 =	vshll.u32 v48, $0x9;
	vm14 =	vlt.f32 v7, $0.0e+00;
	v21 =	vld [tilespmem:s14+$0x0]  }
0xc5: {  	v57 =	vor.u32 v2, v56;
	v11 =	vshll.u32 v30, $0x9;
	v31 =	vsel vm14, $0x1, v1;
	v24 =	vld [tilespmem:s14+$0x10000]  }
0xc6: {  	v6 =	vshll.u32 v25, $0x9;
	s14 =	sor.u32 $0xC30, s12;
	v12 =	vshll.u32 v31, $0x7;
	v5 =	vsub.f32 v26, v27;
	v19 =	vld [tilespmem:s13+$0x0]  }
0xc7: {  	v46 =	vadd.s32 $0x80, v17;
	v50 =	vsub.f32 v39, v42;
	v26 =	vld [tilespmem:s14+$0x0];
	v12 =	vor.u32 v12, v6  }
0xc8: {  	v6 =	vor.u32 v2, v6;
	vm15 =	vlt.f32 v5, $0.0e+00;
	[tilespmem:v4+s5+$0x0] =	vst.idx.add.f32.msk $0xffff, v3;
	v3 =	vadd.s32 $0x80, v12  }
0xc9: {  	v59 =	vshll.u32 v52, $0x9;
	v27 =	vld [tilespmem:s14+$0x8000];
	v37 =	vsel vm15, $0x1, v1;
	v3 =	vor.u32 v2, v3  }
0xca: {  	vm6 =	vlt.f32 v50, $0.0e+00;
	v9 =	vsub.f32 v33, v35;
	v29 =	vld [tilespmem:s14+$0x10000];
	s14 =	sor.u32 $0xC40, s12;
	v8 =	vshll.u32 v37, $0x7  }
0xcb: {  	v55 =	vsel vm6, $0x1, v1;
	v34 =	vmul.f32 v7, v7;
	v30 =	vld [tilespmem:s14+$0x0];
	v8 =	vor.u32 v8, v11  }
0xcc: {  	vm5 =	vlt.f32 v9, $0.0e+00;
	v31 =	vld [tilespmem:s14+$0x8000];
	v11 =	vor.u32 v2, v11;
	v8 =	vadd.s32 $0x80, v8  }
0xcd: {  	v47 =	vsel vm5, $0x1, v1;
	[tilespmem:v6+s5+$0x0] =	vst.idx.add.f32.msk $0xffff, v34;
	v45 =	vor.u32 v2, v8;
	v8 =	vor.u32 v2, v46  }
0xce: {  	v58 =	vsel vm7, $0x1, v1;
	v49 =	vshll.u32 v47, $0x7;
	[tilespmem:v3+s5+$0x0] =	vst.idx.add.f32.msk $0xffff, v7;
	v3 =	vshll.u32 v38, $0x9  }
0xcf: {  	v61 =	vmul.f32 v9, v9;
	v40 =	vmul.f32 v5, v5;
	v34 =	vld [tilespmem:s14+$0x10000];
	s14 =	sor.u32 $0xC50, s12;
	v7 =	vor.u32 v49, v3  }
0xd0: {  	v6 =	vshll.u32 v55, $0x7;
	v35 =	vld [tilespmem:s14+$0x0];
	v3 =	vor.u32 v2, v3;
	v7 =	vadd.s32 $0x80, v7  }
0xd1: {  	v16 =	vshll.u32 v60, $0x9;
	v6 =	vor.u32 v6, v56;
	[tilespmem:v11+s5+$0x0] =	vst.idx.add.f32.msk $0xffff, v40;
	v54 =	vor.u32 v2, v7  }
0xd2: {  	v17 =	vor.u32 v2, v16;
	v6 =	vadd.s32 $0x80, v6;
	[tilespmem:v8+s5+$0x0] =	vst.idx.add.f32.msk $0xffff, v36;
	v7 =	vshll.u32 v58, $0x7  }
0xd3: {  	v13 =	vsub.f32 v30, v31;
	v6 =	vor.u32 v2, v6;
	v36 =	vld [tilespmem:s14+$0x8000];
	v7 =	vor.u32 v7, v59  }
0xd4: {  	v11 =	vsub.f32 v26, v27;
	[tilespmem:v45+s5+$0x0] =	vst.idx.add.f32.msk $0xffff, v5;
	v8 =	vor.u32 v2, v59;
	v7 =	vadd.s32 $0x80, v7  }
0xd5: {  	vm12 =	vlt.f32 v13, $0.0e+00;
	[tilespmem:v3+s5+$0x0] =	vst.idx.add.f32.msk $0xffff, v61;
	v3 =	vmul.f32 v50, v50;
	v7 =	vor.u32 v2, v7  }
0xd6: {  	v42 =	vmul.f32 v13, v13;
	v41 =	vsel vm12, $0x1, v1;
	v43 =	vshll.u32 v34, $0x9;
	[tilespmem:v54+s5+$0x0] =	vst.idx.add.f32.msk $0xffff, v9  }
0xd7: {  	v5 =	vsub.f32 v21, v22;
	vm11 =	vlt.f32 v11, $0.0e+00;
	[tilespmem:v57+s5+$0x0] =	vst.idx.add.f32.msk $0xffff, v3;
	v3 =	vmul.f32 v53, v53  }
0xd8: {  	v46 =	vor.u32 v2, v43;
	v21 =	vsel vm11, $0x1, v1;
	v12 =	vsub.f32 v35, v36;
	[tilespmem:v6+s5+$0x0] =	vst.idx.add.f32.msk $0xffff, v50  }
0xd9: {  	vm10 =	vlt.f32 v5, $0.0e+00;
	v37 =	vmul.f32 v5, v5;
	v21 =	vshll.u32 v21, $0x7;
	[tilespmem:v8+s5+$0x0] =	vst.idx.add.f32.msk $0xffff, v3  }
0xda: {  	v33 =	vsel vm10, $0x1, v1;
	vm13 =	vlt.f32 v12, $0.0e+00;
	v59 =	vmul.f32 v12, v12;
	[tilespmem:v7+s5+$0x0] =	vst.idx.add.f32.msk $0xffff, v53  }
0xdb: {  	v44 =	vsel vm13, $0x1, v1;
	v9 =	vshll.u32 v23, $0x9;
	v7 =	vsub.f32 v19, v20;
	v20 =	vld [tilespmem:s14+$0x10000];
	s14 =	sor.u32 $0xC60, s12  }
0xdc: {  	v23 =	vmul.f32 v11, v11;
	v6 =	vshll.u32 v29, $0x9;
	v3 =	vsub.f32 v62, v63;
	v22 =	vld [tilespmem:s14+$0x0]  }
0xdd: {  	v8 =	vshll.u32 v24, $0x9;
	v24 =	vor.u32 v2, v6;
	v6 =	vor.u32 v21, v6;
	s12 =	sor.u32 $0xC70, s12;
	v38 =	vld [tilespmem:s14+$0x8000]  }
0xde: {  	v48 =	vshll.u32 v44, $0x7;
	v6 =	vadd.s32 $0x80, v6;
	vm8 =	vlt.f32 v3, $0.0e+00;
	v39 =	vld [tilespmem:s12+$0x0]  }
0xdf: {  	v18 =	vmul.f32 v3, v3;
	v40 =	vld [tilespmem:s12+$0x8000];
	v25 =	vsel vm8, $0x1, v1;
	vm9 =	vlt.f32 v7, $0.0e+00  }
0xe0: {  	v45 =	vld [tilespmem:s14+$0x10000];
	v32 =	vmul.f32 v7, v7;
	v10 =	vshll.u32 v25, $0x7;
	v28 =	vsel vm9, $0x1, v1  }
0xe1: {  	v50 =	vld [tilespmem:s12+$0x10000];
	v4 =	vor.u32 v10, v16;
	v10 =	vshll.u32 v28, $0x7;
	v16 =	vshll.u32 v33, $0x7  }
0xe2: {  	[tilespmem:v46+s5+$0x0] =	vst.idx.add.f32.msk $0xffff, v42;
	v4 =	vadd.s32 $0x80, v4;
	v10 =	vor.u32 v10, v9;
	v9 =	vor.u32 v2, v9  }
0xe3: {  	v16 =	vor.u32 v16, v8;
	v8 =	vor.u32 v2, v8;
	v4 =	vor.u32 v2, v4  }
0xe4: {  	[tilespmem:v17+s5+$0x0] =	vst.idx.add.f32.msk $0xffff, v18;
	v47 =	vshll.u32 v20, $0x9;
	v10 =	vadd.s32 $0x80, v10;
	v16 =	vadd.s32 $0x80, v16  }
0xe5: {  	v14 =	vsub.f32 v22, v38;
	v49 =	vsub.f32 v39, v40;
	v52 =	vor.u32 v2, v47  }
0xe6: {  	[tilespmem:v24+s5+$0x0] =	vst.idx.add.f32.msk $0xffff, v23;
	v54 =	vshll.u32 v45, $0x9;
	v57 =	vshll.u32 v50, $0x9;
	v10 =	vor.u32 v2, v10  }
0xe7: {  	v16 =	vor.u32 v2, v16;
	v55 =	vor.u32 v2, v54;
	v60 =	vor.u32 v2, v57  }
0xe8: {  	vm14 =	vlt.f32 v14, $0.0e+00;
	vm15 =	vlt.f32 v49, $0.0e+00;
	[tilespmem:v4+s5+$0x0] =	vst.idx.add.f32.msk $0xffff, v3;
	v3 =	vor.u32 v2, v6  }
0xe9: {  	v62 =	vmul.f32 v14, v14;
	v53 =	vsel vm14, $0x1, v1;
	[tilespmem:v9+s5+$0x0] =	vst.idx.add.f32.msk $0xffff, v32;
	v4 =	vshll.u32 v41, $0x7  }
0xea: {  	v56 =	vsel vm15, $0x1, v1;
	[tilespmem:v8+s5+$0x0] =	vst.idx.add.f32.msk $0xffff, v37;
	v9 =	vshll.u32 v53, $0x7;
	v4 =	vor.u32 v4, v43  }
0xeb: {  	v58 =	vshll.u32 v56, $0x7;
	[tilespmem:v10+s5+$0x0] =	vst.idx.add.f32.msk $0xffff, v7;
	v10 =	vor.u32 v48, v47;
	v4 =	vadd.s32 $0x80, v4  }
0xec: {  	[tilespmem:v52+s5+$0x0] =	vst.idx.add.f32.msk $0xffff, v59;
	v7 =	vor.u32 v58, v57;
	v51 =	vadd.s32 $0x80, v10;
	v4 =	vor.u32 v2, v4  }
0xed: {  	v61 =	vadd.s32 $0x80, v7;
	v8 =	vor.u32 v2, v51;
	[tilespmem:v3+s5+$0x0] =	vst.idx.add.f32.msk $0xffff, v11;
	v3 =	vor.u32 v9, v54  }
0xee: {  	s9 =	sadd.s32 $0x20, s9;
	v63 =	vmul.f32 v49, v49;
	[tilespmem:v16+s5+$0x0] =	vst.idx.add.f32.msk $0xffff, v5;
	v6 =	vor.u32 v2, v61;
	v3 =	vadd.s32 $0x80, v3  }
0xef: {  	p0 =	slt.u32 s9, $0x3E0;
	[tilespmem:v55+s5+$0x0] =	vst.idx.add.f32.msk $0xffff, v62;
	v3 =	vor.u32 v2, v3  }
.Ltmp0:
0xf0: {  	[tilespmem:v60+s5+$0x0] =	vst.idx.add.f32.msk $0xffff, v63;
	(pc) =	sbr.rel @p0 .LBB2_2-.Ltmp0, $4  }
0xf1: {  	[tilespmem:v4+s5+$0x0] =	vst.idx.add.f32.msk $0xffff, v13  }
0xf2: {  	[tilespmem:v8+s5+$0x0] =	vst.idx.add.f32.msk $0xffff, v12  }
0xf3: {  	[tilespmem:v6+s5+$0x0] =	vst.idx.add.f32.msk $0xffff, v49  }
0xf4: {  	s10 =	sadd.s32 $0x200, s10;
	s11 =	sadd.s32 $0x80, s11;
	[tilespmem:v3+s5+$0x0] =	vst.idx.add.f32.msk $0xffff, v14  }
0xf5: {  	s9 =	simm.s32 $0x0;
	s10 =	rddreg [dreg:$0xa]  }
0xf6: {  	[tilespmem:s9], [sflag:$0x1] =	stream.strided.gather [hbm4b:s10+s30], $0x4000, s31, s30, $0x38;
	[tilespmem:$0x19000] =	vst v63  }
0xf7: {  	s13 =	rddreg [dreg:$0xb]  }
0xf8: {  	[tilespmem:s20], [sflag:$0x1] =	stream.strided.gather [hbm4b:s13+s30], $0x4000, s31, s30, $0x38;
	[tilespmem:$0x19000] =	vst v63  }
0xf9: {  	s14 =	rddreg [dreg:$0xc]  }
0xfa: {  	[tilespmem:s0], [sflag:$0x1] =	stream.strided.gather [hbm4b:s14+s30], $0x4000, s31, s30, $0x38;
	[tilespmem:$0x19000] =	vst v63  }
0xfb: {  	_ =	swait.ge [sflag:s6], $0x4000  }
0xfc: {  	[sflag:s6] =	ssyncset.done $0x0  }
0xfd: {  	[sflag:s6] =	ssyncadd.s32 $0xFFFFC000  }
0xfe: {  	_ =	swait.ge [sflag:s6], $0x4000  }
0xff: {  	[sflag:s6] =	ssyncset.done $0x0  }
0x100: {  	[sflag:s6] =	ssyncadd.s32 $0xFFFFC000  }
0x101: {  	_ =	swait.ge [sflag:s6], $0x4000  }
0x102: {  	[sflag:s6] =	ssyncset.done $0x0  }
0x103: {  	s11 =	simm.s32 $0x0;
	s10 =	simm.s32 $0xFFFFFFE0;
	[sflag:s6] =	ssyncadd.s32 $0xFFFFC000  }
.LBB2_4:
0x104: {  	s12 =	sand.u32 $0x3000, s9;
	s13 =	sand.u32 $0x380, s11  }
0x105: {  	s12 =	sor.u32 s13, s12  }
0x106: {  	v3 =	vld [tilespmem:s12+$0x4000]  }
0x107: {  	v4 =	vld [tilespmem:s12+$0xC000]  }
0x108: {  	v5 =	vld [tilespmem:s12+$0x14000]  }
0x109: {  	v6 =	vld [tilespmem:s12+$0x4010]  }
0x10a: {  	v7 =	vld [tilespmem:s12+$0xC010]  }
0x10b: {  	v18 =	vld [tilespmem:s12+$0x4020]  }
0x10c: {  	v8 =	vld [tilespmem:s12+$0xC020]  }
0x10d: {  	v11 =	vld [tilespmem:s12+$0x14010]  }
0x10e: {  	v20 =	vld [tilespmem:s12+$0x14020]  }
0x10f: {  	v12 =	vld [tilespmem:s12+$0x14030]  }
0x110: {  	v14 =	vld [tilespmem:s12+$0x4030]  }
0x111: {  	v15 =	vld [tilespmem:s12+$0xC030]  }
0x112: {  	v28 =	vld [tilespmem:s12+$0x4040]  }
0x113: {  	v29 =	vld [tilespmem:s12+$0xC040]  }
0x114: {  	v31 =	vld [tilespmem:s12+$0x14040]  }
0x115: {  	v32 =	vld [tilespmem:s12+$0x4050]  }
0x116: {  	v33 =	vld [tilespmem:s12+$0xC050]  }
0x117: {  	v34 =	vld [tilespmem:s12+$0x4060]  }
0x118: {  	v35 =	vld [tilespmem:s12+$0xC060]  }
0x119: {  	v36 =	vld [tilespmem:s12+$0x14050]  }
0x11a: {  	v38 =	vld [tilespmem:s12+$0x14060]  }
0x11b: {  	v39 =	vld [tilespmem:s12+$0x4070]  }
0x11c: {  	v41 =	vld [tilespmem:s12+$0xC070]  }
0x11d: {  	v44 =	vld [tilespmem:s12+$0x14070]  }
0x11e: {  	v45 =	vld [tilespmem:s12+$0x4400]  }
0x11f: {  	v46 =	vld [tilespmem:s12+$0x4410]  }
0x120: {  	v50 =	vld [tilespmem:s12+$0x14400]  }
0x121: {  	v3 =	vsub.f32 v3, v4;
	v10 =	vshll.u32 v5, $0x2;
	v4 =	vsub.f32 v18, v8;
	v18 =	vld [tilespmem:s12+$0xC400]  }
0x122: {  	v54 =	vld [tilespmem:s12+$0x14410];
	v6 =	vsub.f32 v6, v7;
	v5 =	vshll.u32 v5, $0x9;
	v22 =	vshll.u32 v11, $0x9  }
0x123: {  	v62 =	vld [tilespmem:s12+$0x14420];
	v5 =	vor.u32 v2, v5;
	vm0 =	vlt.f32 v3, $0.0e+00;
	vm10 =	vlt.f32 v4, $0.0e+00  }
0x124: {  	v42 =	vsub.f32 v34, v35;
	v34 =	vld [tilespmem:s12+$0x4460];
	v9 =	vsel vm0, $0x1, v1;
	v23 =	vsel vm10, $0x1, v1  }
0x125: {  	v11 =	vor.u32 v2, v22;
	v9 =	vor.u32 v10, v9;
	v10 =	vshll.u32 v23, $0x7;
	v23 =	vld [tilespmem:s12+$0x4430]  }
0x126: {  	vm9 =	vlt.f32 v6, $0.0e+00;
	v13 =	vmul.f32 v3, v3;
	v52 =	vsub.f32 v45, v18;
	v18 =	vld [tilespmem:s12+$0x4420]  }
0x127: {  	v21 =	vsel vm9, $0x1, v1;
	v45 =	vld [tilespmem:s12+$0xC800]  }
0x128: {  	v24 =	vmul.f32 v6, v6;
	v8 =	vshll.u32 v21, $0x7;
	v19 =	vadd.s32 $0x1, v9;
	[tilespmem:v5+s5+$0x0] =	vst.idx.add.f32.msk $0xffff, v13  }
0x129: {  	vm14 =	vlt.f32 v42, $0.0e+00;
	v8 =	vor.u32 v8, v22;
	v7 =	vshll.u32 v19, $0x7;
	v19 =	vld [tilespmem:s12+$0xC410]  }
0x12a: {  	v17 =	vsel vm14, $0x1, v1;
	v8 =	vadd.s32 $0x80, v8;
	[tilespmem:v11+s5+$0x0] =	vst.idx.add.f32.msk $0xffff, v24;
	v7 =	vor.u32 v2, v7  }
0x12b: {  	v17 =	vshll.u32 v17, $0x7;
	v13 =	vshll.u32 v38, $0x9;
	v24 =	vld [tilespmem:s12+$0xC430];
	v8 =	vor.u32 v2, v8  }
0x12c: {  	v5 =	vsub.f32 v32, v33;
	v33 =	vld [tilespmem:s12+$0x14450];
	v17 =	vor.u32 v17, v13;
	v13 =	vor.u32 v2, v13  }
0x12d: {  	v11 =	vshll.u32 v36, $0x9;
	v36 =	vld [tilespmem:s12+$0xC460]  }
0x12e: {  	v55 =	vsub.f32 v46, v19;
	v19 =	vld [tilespmem:s12+$0xC420]  }
0x12f: {  	v53 =	vmul.f32 v42, v42;
	v9 =	vshll.u32 v20, $0x9;
	[tilespmem:v7+s5+$0x0] =	vst.idx.add.f32.msk $0xffff, v3  }
0x130: {  	v10 =	vor.u32 v10, v9;
	v9 =	vor.u32 v2, v9;
	[tilespmem:v8+s5+$0x0] =	vst.idx.add.f32.msk $0xffff, v6  }
0x131: {  	[tilespmem:v13+s5+$0x0] =	vst.idx.add.f32.msk $0xffff, v53  }
0x132: {  	v7 =	vsub.f32 v28, v29;
	v28 =	vld [tilespmem:s12+$0xC440]  }
0x133: {  	v10 =	vadd.s32 $0x80, v10;
	v3 =	vmul.f32 v4, v4;
	v29 =	vld [tilespmem:s12+$0x4450]  }
0x134: {  	v10 =	vor.u32 v2, v10;
	vm13 =	vlt.f32 v5, $0.0e+00;
	v6 =	vshll.u32 v31, $0x9;
	v31 =	vld [tilespmem:s12+$0x14440]  }
0x135: {  	v25 =	vshll.u32 v12, $0x9;
	v43 =	vsel vm13, $0x1, v1;
	[tilespmem:v9+s5+$0x0] =	vst.idx.add.f32.msk $0xffff, v3;
	v3 =	vsub.f32 v14, v15  }
0x136: {  	v26 =	vor.u32 v2, v25;
	v8 =	vshll.u32 v43, $0x7;
	v43 =	vld [tilespmem:s12+$0xC470]  }
0x137: {  	v53 =	vld [tilespmem:s12+$0x14800];
	v8 =	vor.u32 v8, v11;
	v11 =	vor.u32 v2, v11;
	vm11 =	vlt.f32 v3, $0.0e+00  }
0x138: {  	v13 =	vshll.u32 v33, $0x9;
	v33 =	vld [tilespmem:s12+$0x4850];
	v30 =	vsel vm11, $0x1, v1  }
0x139: {  	[tilespmem:v10+s5+$0x0] =	vst.idx.add.f32.msk $0xffff, v4;
	v27 =	vmul.f32 v3, v3;
	v4 =	vshll.u32 v30, $0x7  }
0x13a: {  	v16 =	vmul.f32 v5, v5;
	v9 =	vsub.f32 v39, v41;
	v39 =	vld [tilespmem:s12+$0x14460];
	v4 =	vor.u32 v4, v25  }
0x13b: {  	[tilespmem:v26+s5+$0x0] =	vst.idx.add.f32.msk $0xffff, v27;
	v4 =	vadd.s32 $0x80, v4  }
0x13c: {  	vm12 =	vlt.f32 v7, $0.0e+00;
	v8 =	vadd.s32 $0x80, v8;
	[tilespmem:v11+s5+$0x0] =	vst.idx.add.f32.msk $0xffff, v16;
	v4 =	vor.u32 v2, v4  }
0x13d: {  	v48 =	vadd.s32 $0x80, v17;
	v37 =	vsel vm12, $0x1, v1;
	v47 =	vor.u32 v2, v8;
	v26 =	vld [tilespmem:s12+$0x14430]  }
0x13e: {  	v8 =	vor.u32 v2, v48;
	v12 =	vshll.u32 v37, $0x7;
	vm15 =	vlt.f32 v9, $0.0e+00;
	v27 =	vld [tilespmem:s12+$0x4440]  }
0x13f: {  	v12 =	vor.u32 v12, v6;
	v6 =	vor.u32 v2, v6;
	v49 =	vsel vm15, $0x1, v1;
	v30 =	vld [tilespmem:s12+$0xC450]  }
0x140: {  	v51 =	vshll.u32 v49, $0x7;
	v49 =	vld [tilespmem:s12+$0x14470]  }
0x141: {  	[tilespmem:v4+s5+$0x0] =	vst.idx.add.f32.msk $0xffff, v3;
	v3 =	vadd.s32 $0x80, v12  }
0x142: {  	v40 =	vmul.f32 v7, v7;
	[tilespmem:v47+s5+$0x0] =	vst.idx.add.f32.msk $0xffff, v5;
	v3 =	vor.u32 v2, v3  }
0x143: {  	[tilespmem:v8+s5+$0x0] =	vst.idx.add.f32.msk $0xffff, v42  }
0x144: {  	v58 =	vshll.u32 v50, $0x9;
	[tilespmem:v6+s5+$0x0] =	vst.idx.add.f32.msk $0xffff, v40  }
0x145: {  	v61 =	vshll.u32 v54, $0x9;
	v59 =	vor.u32 v2, v58;
	v40 =	vld [tilespmem:s12+$0x4470]  }
0x146: {  	vm4 =	vlt.f32 v52, $0.0e+00;
	vm5 =	vlt.f32 v55, $0.0e+00;
	v37 =	vsub.f32 v29, v30;
	v29 =	vld [tilespmem:s12+$0xC840]  }
0x147: {  	v57 =	vsel vm4, $0x1, v1;
	v60 =	vsel vm5, $0x1, v1;
	v63 =	vmul.f32 v9, v9;
	[tilespmem:v3+s5+$0x0] =	vst.idx.add.f32.msk $0xffff, v7  }
0x148: {  	v6 =	vshll.u32 v57, $0x7;
	vm9 =	vlt.f32 v37, $0.0e+00;
	v3 =	vshll.u32 v44, $0x9;
	v44 =	vld [tilespmem:s12+$0x4800]  }
0x149: {  	v30 =	vld [tilespmem:s12+$0x14830];
	v42 =	vsel vm9, $0x1, v1;
	v7 =	vor.u32 v51, v3;
	v3 =	vor.u32 v2, v3  }
0x14a: {  	v6 =	vor.u32 v6, v58;
	v17 =	vshll.u32 v42, $0x7;
	v42 =	vld [tilespmem:s12+$0xC860];
	v7 =	vadd.s32 $0x80, v7  }
0x14b: {  	v51 =	vsub.f32 v40, v43;
	v43 =	vld [tilespmem:s12+$0x4870];
	v56 =	vor.u32 v2, v7;
	v7 =	vshll.u32 v60, $0x7  }
0x14c: {  	v8 =	vor.u32 v2, v61;
	v6 =	vadd.s32 $0x80, v6;
	v7 =	vor.u32 v7, v61;
	v61 =	vld [tilespmem:s12+$0x14810]  }
0x14d: {  	v6 =	vor.u32 v2, v6;
	v54 =	vsub.f32 v44, v45;
	v44 =	vld [tilespmem:s12+$0xC870]  }
0x14e: {  	[tilespmem:v3+s5+$0x0] =	vst.idx.add.f32.msk $0xffff, v63  }
0x14f: {  	v3 =	vmul.f32 v52, v52;
	v63 =	vld [tilespmem:s12+$0x4810]  }
0x150: {  	v7 =	vadd.s32 $0x80, v7;
	[tilespmem:v56+s5+$0x0] =	vst.idx.add.f32.msk $0xffff, v9  }
0x151: {  	v7 =	vor.u32 v2, v7;
	[tilespmem:v59+s5+$0x0] =	vst.idx.add.f32.msk $0xffff, v3;
	v3 =	vmul.f32 v55, v55  }
0x152: {  	v17 =	vor.u32 v17, v13;
	v13 =	vor.u32 v2, v13;
	[tilespmem:v6+s5+$0x0] =	vst.idx.add.f32.msk $0xffff, v52  }
0x153: {  	[tilespmem:v8+s5+$0x0] =	vst.idx.add.f32.msk $0xffff, v3;
	v3 =	vsub.f32 v18, v19  }
0x154: {  	v6 =	vshll.u32 v26, $0x9;
	v26 =	vld [tilespmem:s12+$0x4830]  }
0x155: {  	v20 =	vshll.u32 v62, $0x9;
	v52 =	vmul.f32 v37, v37;
	v18 =	vld [tilespmem:s12+$0xC810];
	vm6 =	vlt.f32 v3, $0.0e+00  }
0x156: {  	v21 =	vor.u32 v2, v20;
	v9 =	vsub.f32 v34, v36;
	[tilespmem:v7+s5+$0x0] =	vst.idx.add.f32.msk $0xffff, v55;
	v25 =	vsel vm6, $0x1, v1  }
0x157: {  	[tilespmem:v13+s5+$0x0] =	vst.idx.add.f32.msk $0xffff, v52;
	v5 =	vshll.u32 v25, $0x7  }
0x158: {  	vm10 =	vlt.f32 v9, $0.0e+00;
	v7 =	vsub.f32 v23, v24;
	v23 =	vld [tilespmem:s12+$0xC820];
	v4 =	vor.u32 v5, v20  }
0x159: {  	v48 =	vsel vm10, $0x1, v1;
	v52 =	vld [tilespmem:s12+$0x14870];
	v22 =	vmul.f32 v3, v3;
	v4 =	vadd.s32 $0x80, v4  }
0x15a: {  	v50 =	vshll.u32 v48, $0x7;
	v48 =	vld [tilespmem:s12+$0x14860];
	v4 =	vor.u32 v2, v4  }
0x15b: {  	vm7 =	vlt.f32 v7, $0.0e+00;
	[tilespmem:v21+s5+$0x0] =	vst.idx.add.f32.msk $0xffff, v22;
	v5 =	vsub.f32 v27, v28  }
0x15c: {  	v32 =	vsel vm7, $0x1, v1;
	v22 =	vld [tilespmem:s12+$0x4820]  }
0x15d: {  	v25 =	vld [tilespmem:s12+$0x14820];
	v12 =	vshll.u32 v32, $0x7;
	vm8 =	vlt.f32 v5, $0.0e+00  }
0x15e: {  	v27 =	vld [tilespmem:s12+$0xC830];
	v12 =	vor.u32 v12, v6;
	v6 =	vor.u32 v2, v6;
	v38 =	vsel vm8, $0x1, v1  }
0x15f: {  	v11 =	vshll.u32 v31, $0x9;
	v8 =	vshll.u32 v38, $0x7;
	[tilespmem:v4+s5+$0x0] =	vst.idx.add.f32.msk $0xffff, v3;
	v3 =	vadd.s32 $0x80, v12  }
0x160: {  	v28 =	vld [tilespmem:s12+$0x4840];
	v8 =	vor.u32 v8, v11;
	v3 =	vor.u32 v2, v3  }
0x161: {  	v35 =	vmul.f32 v7, v7;
	v32 =	vld [tilespmem:s12+$0x14840];
	v11 =	vor.u32 v2, v11;
	v8 =	vadd.s32 $0x80, v8  }
0x162: {  	v57 =	vshll.u32 v49, $0x9;
	v38 =	vld [tilespmem:s12+$0x14850];
	v46 =	vor.u32 v2, v8  }
0x163: {  	v58 =	vor.u32 v2, v57;
	v47 =	vadd.s32 $0x80, v17;
	vm11 =	vlt.f32 v51, $0.0e+00;
	[tilespmem:v6+s5+$0x0] =	vst.idx.add.f32.msk $0xffff, v35  }
0x164: {  	v60 =	vshll.u32 v53, $0x9;
	v41 =	vmul.f32 v5, v5;
	v35 =	vld [tilespmem:s12+$0xC850];
	v8 =	vor.u32 v2, v47  }
0x165: {  	vm12 =	vlt.f32 v54, $0.0e+00;
	v56 =	vsel vm11, $0x1, v1;
	[tilespmem:v3+s5+$0x0] =	vst.idx.add.f32.msk $0xffff, v7;
	v3 =	vshll.u32 v39, $0x9  }
0x166: {  	v59 =	vsel vm12, $0x1, v1;
	[tilespmem:v11+s5+$0x0] =	vst.idx.add.f32.msk $0xffff, v41;
	v7 =	vor.u32 v50, v3;
	v3 =	vor.u32 v2, v3  }
0x167: {  	s13 =	sand.u32 $0xFFFFF000, s9;
	v36 =	vsub.f32 v28, v29;
	v6 =	vshll.u32 v56, $0x7;
	[tilespmem:v46+s5+$0x0] =	vst.idx.add.f32.msk $0xffff, v5;
	v7 =	vadd.s32 $0x80, v7  }
0x168: {  	v62 =	vmul.f32 v9, v9;
	v6 =	vor.u32 v6, v57;
	v39 =	vld [tilespmem:s12+$0x4860];
	s12 =	sadd.s32 s13, s11;
	v55 =	vor.u32 v2, v7  }
0x169: {  	vm4 =	vlt.f32 v36, $0.0e+00;
	v6 =	vadd.s32 $0x80, v6;
	[tilespmem:v8+s5+$0x0] =	vst.idx.add.f32.msk $0xffff, v37;
	s14 =	sor.u32 $0x4C00, s12;
	v7 =	vshll.u32 v59, $0x7  }
0x16a: {  	v6 =	vor.u32 v2, v6;
	v8 =	vor.u32 v2, v60;
	v7 =	vor.u32 v7, v60;
	v60 =	vld [tilespmem:s14+$0x10000]  }
0x16b: {  	v13 =	vshll.u32 v32, $0x9;
	v41 =	vsel vm4, $0x1, v1;
	[tilespmem:v3+s5+$0x0] =	vst.idx.add.f32.msk $0xffff, v62  }
0x16c: {  	v17 =	vshll.u32 v41, $0x7;
	v7 =	vadd.s32 $0x80, v7;
	v3 =	vmul.f32 v51, v51;
	v62 =	vld [tilespmem:s14+$0x0]  }
0x16d: {  	v17 =	vor.u32 v17, v13;
	v7 =	vor.u32 v2, v7;
	[tilespmem:v55+s5+$0x0] =	vst.idx.add.f32.msk $0xffff, v9  }
0x16e: {  	v13 =	vor.u32 v2, v13;
	[tilespmem:v58+s5+$0x0] =	vst.idx.add.f32.msk $0xffff, v3;
	v3 =	vmul.f32 v54, v54  }
0x16f: {  	[tilespmem:v6+s5+$0x0] =	vst.idx.add.f32.msk $0xffff, v51  }
0x170: {  	v19 =	vshll.u32 v61, $0x9;
	[tilespmem:v8+s5+$0x0] =	vst.idx.add.f32.msk $0xffff, v3;
	v3 =	vsub.f32 v63, v18  }
0x171: {  	v20 =	vor.u32 v2, v19;
	v51 =	vmul.f32 v36, v36;
	v63 =	vld [tilespmem:s14+$0x8000]  }
0x172: {  	[tilespmem:v7+s5+$0x0] =	vst.idx.add.f32.msk $0xffff, v54;
	vm13 =	vlt.f32 v3, $0.0e+00  }
0x173: {  	s14 =	sor.u32 $0x4C20, s12;
	[tilespmem:v13+s5+$0x0] =	vst.idx.add.f32.msk $0xffff, v51;
	v24 =	vsel vm13, $0x1, v1  }
0x174: {  	s13 =	sor.u32 $0x4C10, s12;
	v7 =	vsub.f32 v22, v23;
	v22 =	vld [tilespmem:s14+$0x8000];
	v21 =	vmul.f32 v3, v3;
	v5 =	vshll.u32 v24, $0x7  }
0x175: {  	v23 =	vld [tilespmem:s13+$0x10000];
	v4 =	vor.u32 v5, v19  }
0x176: {  	v53 =	vsub.f32 v43, v44;
	[tilespmem:v20+s5+$0x0] =	vst.idx.add.f32.msk $0xffff, v21;
	v4 =	vadd.s32 $0x80, v4  }
0x177: {  	v20 =	vld [tilespmem:s13+$0x8000];
	v4 =	vor.u32 v2, v4  }
0x178: {  	vm7 =	vlt.f32 v53, $0.0e+00;
	v56 =	vshll.u32 v48, $0x9;
	vm14 =	vlt.f32 v7, $0.0e+00;
	v21 =	vld [tilespmem:s14+$0x0]  }
0x179: {  	v57 =	vor.u32 v2, v56;
	v11 =	vshll.u32 v30, $0x9;
	v31 =	vsel vm14, $0x1, v1;
	v24 =	vld [tilespmem:s14+$0x10000]  }
0x17a: {  	v6 =	vshll.u32 v25, $0x9;
	s14 =	sor.u32 $0x4C30, s12;
	v12 =	vshll.u32 v31, $0x7;
	v5 =	vsub.f32 v26, v27;
	v19 =	vld [tilespmem:s13+$0x0]  }
0x17b: {  	v46 =	vadd.s32 $0x80, v17;
	v50 =	vsub.f32 v39, v42;
	v26 =	vld [tilespmem:s14+$0x0];
	v12 =	vor.u32 v12, v6  }
0x17c: {  	v6 =	vor.u32 v2, v6;
	vm15 =	vlt.f32 v5, $0.0e+00;
	[tilespmem:v4+s5+$0x0] =	vst.idx.add.f32.msk $0xffff, v3;
	v3 =	vadd.s32 $0x80, v12  }
0x17d: {  	v59 =	vshll.u32 v52, $0x9;
	v27 =	vld [tilespmem:s14+$0x8000];
	v37 =	vsel vm15, $0x1, v1;
	v3 =	vor.u32 v2, v3  }
0x17e: {  	vm6 =	vlt.f32 v50, $0.0e+00;
	v9 =	vsub.f32 v33, v35;
	v29 =	vld [tilespmem:s14+$0x10000];
	s14 =	sor.u32 $0x4C40, s12;
	v8 =	vshll.u32 v37, $0x7  }
0x17f: {  	v55 =	vsel vm6, $0x1, v1;
	v34 =	vmul.f32 v7, v7;
	v30 =	vld [tilespmem:s14+$0x0];
	v8 =	vor.u32 v8, v11  }
0x180: {  	vm5 =	vlt.f32 v9, $0.0e+00;
	v31 =	vld [tilespmem:s14+$0x8000];
	v11 =	vor.u32 v2, v11;
	v8 =	vadd.s32 $0x80, v8  }
0x181: {  	v47 =	vsel vm5, $0x1, v1;
	[tilespmem:v6+s5+$0x0] =	vst.idx.add.f32.msk $0xffff, v34;
	v45 =	vor.u32 v2, v8;
	v8 =	vor.u32 v2, v46  }
0x182: {  	v58 =	vsel vm7, $0x1, v1;
	v49 =	vshll.u32 v47, $0x7;
	[tilespmem:v3+s5+$0x0] =	vst.idx.add.f32.msk $0xffff, v7;
	v3 =	vshll.u32 v38, $0x9  }
0x183: {  	v61 =	vmul.f32 v9, v9;
	v40 =	vmul.f32 v5, v5;
	v34 =	vld [tilespmem:s14+$0x10000];
	s14 =	sor.u32 $0x4C50, s12;
	v7 =	vor.u32 v49, v3  }
0x184: {  	v6 =	vshll.u32 v55, $0x7;
	v35 =	vld [tilespmem:s14+$0x0];
	v3 =	vor.u32 v2, v3;
	v7 =	vadd.s32 $0x80, v7  }
0x185: {  	v16 =	vshll.u32 v60, $0x9;
	v6 =	vor.u32 v6, v56;
	[tilespmem:v11+s5+$0x0] =	vst.idx.add.f32.msk $0xffff, v40;
	v54 =	vor.u32 v2, v7  }
0x186: {  	v17 =	vor.u32 v2, v16;
	v6 =	vadd.s32 $0x80, v6;
	[tilespmem:v8+s5+$0x0] =	vst.idx.add.f32.msk $0xffff, v36;
	v7 =	vshll.u32 v58, $0x7  }
0x187: {  	v13 =	vsub.f32 v30, v31;
	v6 =	vor.u32 v2, v6;
	v36 =	vld [tilespmem:s14+$0x8000];
	v7 =	vor.u32 v7, v59  }
0x188: {  	v11 =	vsub.f32 v26, v27;
	[tilespmem:v45+s5+$0x0] =	vst.idx.add.f32.msk $0xffff, v5;
	v8 =	vor.u32 v2, v59;
	v7 =	vadd.s32 $0x80, v7  }
0x189: {  	vm12 =	vlt.f32 v13, $0.0e+00;
	[tilespmem:v3+s5+$0x0] =	vst.idx.add.f32.msk $0xffff, v61;
	v3 =	vmul.f32 v50, v50;
	v7 =	vor.u32 v2, v7  }
0x18a: {  	v42 =	vmul.f32 v13, v13;
	v41 =	vsel vm12, $0x1, v1;
	v43 =	vshll.u32 v34, $0x9;
	[tilespmem:v54+s5+$0x0] =	vst.idx.add.f32.msk $0xffff, v9  }
0x18b: {  	v5 =	vsub.f32 v21, v22;
	vm11 =	vlt.f32 v11, $0.0e+00;
	[tilespmem:v57+s5+$0x0] =	vst.idx.add.f32.msk $0xffff, v3;
	v3 =	vmul.f32 v53, v53  }
0x18c: {  	v46 =	vor.u32 v2, v43;
	v21 =	vsel vm11, $0x1, v1;
	v12 =	vsub.f32 v35, v36;
	[tilespmem:v6+s5+$0x0] =	vst.idx.add.f32.msk $0xffff, v50  }
0x18d: {  	vm10 =	vlt.f32 v5, $0.0e+00;
	v37 =	vmul.f32 v5, v5;
	v21 =	vshll.u32 v21, $0x7;
	[tilespmem:v8+s5+$0x0] =	vst.idx.add.f32.msk $0xffff, v3  }
0x18e: {  	v33 =	vsel vm10, $0x1, v1;
	vm13 =	vlt.f32 v12, $0.0e+00;
	v59 =	vmul.f32 v12, v12;
	[tilespmem:v7+s5+$0x0] =	vst.idx.add.f32.msk $0xffff, v53  }
0x18f: {  	v44 =	vsel vm13, $0x1, v1;
	v9 =	vshll.u32 v23, $0x9;
	v7 =	vsub.f32 v19, v20;
	v20 =	vld [tilespmem:s14+$0x10000];
	s14 =	sor.u32 $0x4C60, s12  }
0x190: {  	v23 =	vmul.f32 v11, v11;
	v6 =	vshll.u32 v29, $0x9;
	v3 =	vsub.f32 v62, v63;
	v22 =	vld [tilespmem:s14+$0x0]  }
0x191: {  	v8 =	vshll.u32 v24, $0x9;
	v24 =	vor.u32 v2, v6;
	v6 =	vor.u32 v21, v6;
	s12 =	sor.u32 $0x4C70, s12;
	v38 =	vld [tilespmem:s14+$0x8000]  }
0x192: {  	v48 =	vshll.u32 v44, $0x7;
	v6 =	vadd.s32 $0x80, v6;
	vm8 =	vlt.f32 v3, $0.0e+00;
	v39 =	vld [tilespmem:s12+$0x0]  }
0x193: {  	v18 =	vmul.f32 v3, v3;
	v40 =	vld [tilespmem:s12+$0x8000];
	v25 =	vsel vm8, $0x1, v1;
	vm9 =	vlt.f32 v7, $0.0e+00  }
0x194: {  	v45 =	vld [tilespmem:s14+$0x10000];
	v32 =	vmul.f32 v7, v7;
	v10 =	vshll.u32 v25, $0x7;
	v28 =	vsel vm9, $0x1, v1  }
0x195: {  	v50 =	vld [tilespmem:s12+$0x10000];
	v4 =	vor.u32 v10, v16;
	v10 =	vshll.u32 v28, $0x7;
	v16 =	vshll.u32 v33, $0x7  }
0x196: {  	[tilespmem:v46+s5+$0x0] =	vst.idx.add.f32.msk $0xffff, v42;
	v4 =	vadd.s32 $0x80, v4;
	v10 =	vor.u32 v10, v9;
	v9 =	vor.u32 v2, v9  }
0x197: {  	v16 =	vor.u32 v16, v8;
	v8 =	vor.u32 v2, v8;
	v4 =	vor.u32 v2, v4  }
0x198: {  	[tilespmem:v17+s5+$0x0] =	vst.idx.add.f32.msk $0xffff, v18;
	v47 =	vshll.u32 v20, $0x9;
	v10 =	vadd.s32 $0x80, v10;
	v16 =	vadd.s32 $0x80, v16  }
0x199: {  	v14 =	vsub.f32 v22, v38;
	v49 =	vsub.f32 v39, v40;
	v52 =	vor.u32 v2, v47  }
0x19a: {  	[tilespmem:v24+s5+$0x0] =	vst.idx.add.f32.msk $0xffff, v23;
	v54 =	vshll.u32 v45, $0x9;
	v57 =	vshll.u32 v50, $0x9;
	v10 =	vor.u32 v2, v10  }
0x19b: {  	v16 =	vor.u32 v2, v16;
	v55 =	vor.u32 v2, v54;
	v60 =	vor.u32 v2, v57  }
0x19c: {  	vm14 =	vlt.f32 v14, $0.0e+00;
	vm15 =	vlt.f32 v49, $0.0e+00;
	[tilespmem:v4+s5+$0x0] =	vst.idx.add.f32.msk $0xffff, v3;
	v3 =	vor.u32 v2, v6  }
0x19d: {  	v62 =	vmul.f32 v14, v14;
	v53 =	vsel vm14, $0x1, v1;
	[tilespmem:v9+s5+$0x0] =	vst.idx.add.f32.msk $0xffff, v32;
	v4 =	vshll.u32 v41, $0x7  }
0x19e: {  	v56 =	vsel vm15, $0x1, v1;
	[tilespmem:v8+s5+$0x0] =	vst.idx.add.f32.msk $0xffff, v37;
	v9 =	vshll.u32 v53, $0x7;
	v4 =	vor.u32 v4, v43  }
0x19f: {  	v58 =	vshll.u32 v56, $0x7;
	[tilespmem:v10+s5+$0x0] =	vst.idx.add.f32.msk $0xffff, v7;
	v10 =	vor.u32 v48, v47;
	v4 =	vadd.s32 $0x80, v4  }
0x1a0: {  	[tilespmem:v52+s5+$0x0] =	vst.idx.add.f32.msk $0xffff, v59;
	v7 =	vor.u32 v58, v57;
	v51 =	vadd.s32 $0x80, v10;
	v4 =	vor.u32 v2, v4  }
0x1a1: {  	v61 =	vadd.s32 $0x80, v7;
	v8 =	vor.u32 v2, v51;
	[tilespmem:v3+s5+$0x0] =	vst.idx.add.f32.msk $0xffff, v11;
	v3 =	vor.u32 v9, v54  }
0x1a2: {  	s10 =	sadd.s32 $0x20, s10;
	v63 =	vmul.f32 v49, v49;
	[tilespmem:v16+s5+$0x0] =	vst.idx.add.f32.msk $0xffff, v5;
	v6 =	vor.u32 v2, v61;
	v3 =	vadd.s32 $0x80, v3  }
0x1a3: {  	p0 =	slt.u32 s10, $0x3E0;
	[tilespmem:v55+s5+$0x0] =	vst.idx.add.f32.msk $0xffff, v62;
	v3 =	vor.u32 v2, v3  }
.Ltmp1:
0x1a4: {  	[tilespmem:v60+s5+$0x0] =	vst.idx.add.f32.msk $0xffff, v63;
	(pc) =	sbr.rel @p0 .LBB2_4-.Ltmp1, $4  }
0x1a5: {  	[tilespmem:v4+s5+$0x0] =	vst.idx.add.f32.msk $0xffff, v13  }
0x1a6: {  	[tilespmem:v8+s5+$0x0] =	vst.idx.add.f32.msk $0xffff, v12  }
0x1a7: {  	[tilespmem:v6+s5+$0x0] =	vst.idx.add.f32.msk $0xffff, v49  }
0x1a8: {  	s9 =	sadd.s32 $0x200, s9;
	s11 =	sadd.s32 $0x80, s11;
	[tilespmem:v3+s5+$0x0] =	vst.idx.add.f32.msk $0xffff, v14  }
0x1a9: {  	s9 =	rddreg [dreg:$0xd]  }
0x1aa: {  	[tilespmem:s1], [sflag:$0x2] =	stream.strided.gather [hbm4b:s9+s30], $0x4000, s31, s30, $0x38;
	[tilespmem:$0x19000] =	vst v63  }
0x1ab: {  	s13 =	rddreg [dreg:$0xe]  }
0x1ac: {  	[tilespmem:s2], [sflag:$0x2] =	stream.strided.gather [hbm4b:s13+s30], $0x4000, s31, s30, $0x38;
	[tilespmem:$0x19000] =	vst v63  }
0x1ad: {  	s14 =	rddreg [dreg:$0xf]  }
0x1ae: {  	[tilespmem:s3], [sflag:$0x2] =	stream.strided.gather [hbm4b:s14+s30], $0x4000, s31, s30, $0x38;
	[tilespmem:$0x19000] =	vst v63  }
0x1af: {  	_ =	swait.ge [sflag:s4], $0x4000  }
0x1b0: {  	[sflag:s4] =	ssyncset.done $0x0  }
0x1b1: {  	[sflag:s4] =	ssyncadd.s32 $0xFFFFC000  }
0x1b2: {  	_ =	swait.ge [sflag:s4], $0x4000  }
0x1b3: {  	[sflag:s4] =	ssyncset.done $0x0  }
0x1b4: {  	[sflag:s4] =	ssyncadd.s32 $0xFFFFC000  }
0x1b5: {  	_ =	swait.ge [sflag:s4], $0x4000  }
0x1b6: {  	s10 =	simm.s32 $0x0;
	[sflag:s4] =	ssyncset.done $0x0  }
0x1b7: {  	s11 =	simm.s32 $0x0;
	s9 =	simm.s32 $0xFFFFFFE0;
	[sflag:s4] =	ssyncadd.s32 $0xFFFFC000  }
.LBB2_6:
0x1b8: {  	s12 =	sand.u32 $0x3000, s10;
	s13 =	sand.u32 $0x380, s11  }
0x1b9: {  	s12 =	sor.u32 s13, s12  }
0x1ba: {  	v3 =	vld [tilespmem:s12+$0x0]  }
0x1bb: {  	v4 =	vld [tilespmem:s12+$0x8000]  }
0x1bc: {  	v5 =	vld [tilespmem:s12+$0x10000]  }
0x1bd: {  	v6 =	vld [tilespmem:s12+$0x10]  }
0x1be: {  	v7 =	vld [tilespmem:s12+$0x8010]  }
0x1bf: {  	v18 =	vld [tilespmem:s12+$0x20]  }
0x1c0: {  	v8 =	vld [tilespmem:s12+$0x8020]  }
0x1c1: {  	v11 =	vld [tilespmem:s12+$0x10010]  }
0x1c2: {  	v20 =	vld [tilespmem:s12+$0x10020]  }
0x1c3: {  	v12 =	vld [tilespmem:s12+$0x10030]  }
0x1c4: {  	v14 =	vld [tilespmem:s12+$0x30]  }
0x1c5: {  	v15 =	vld [tilespmem:s12+$0x8030]  }
0x1c6: {  	v28 =	vld [tilespmem:s12+$0x40]  }
0x1c7: {  	v29 =	vld [tilespmem:s12+$0x8040]  }
0x1c8: {  	v31 =	vld [tilespmem:s12+$0x10040]  }
0x1c9: {  	v32 =	vld [tilespmem:s12+$0x50]  }
0x1ca: {  	v33 =	vld [tilespmem:s12+$0x8050]  }
0x1cb: {  	v34 =	vld [tilespmem:s12+$0x60]  }
0x1cc: {  	v35 =	vld [tilespmem:s12+$0x8060]  }
0x1cd: {  	v36 =	vld [tilespmem:s12+$0x10050]  }
0x1ce: {  	v38 =	vld [tilespmem:s12+$0x10060]  }
0x1cf: {  	v39 =	vld [tilespmem:s12+$0x70]  }
0x1d0: {  	v41 =	vld [tilespmem:s12+$0x8070]  }
0x1d1: {  	v44 =	vld [tilespmem:s12+$0x10070]  }
0x1d2: {  	v45 =	vld [tilespmem:s12+$0x400]  }
0x1d3: {  	v46 =	vld [tilespmem:s12+$0x410]  }
0x1d4: {  	v50 =	vld [tilespmem:s12+$0x10400]  }
0x1d5: {  	v3 =	vsub.f32 v3, v4;
	v10 =	vshll.u32 v5, $0x2;
	v4 =	vsub.f32 v18, v8;
	v18 =	vld [tilespmem:s12+$0x8400]  }
0x1d6: {  	v54 =	vld [tilespmem:s12+$0x10410];
	v6 =	vsub.f32 v6, v7;
	v5 =	vshll.u32 v5, $0x9;
	v22 =	vshll.u32 v11, $0x9  }
0x1d7: {  	v62 =	vld [tilespmem:s12+$0x10420];
	v5 =	vor.u32 v2, v5;
	vm0 =	vlt.f32 v3, $0.0e+00;
	vm10 =	vlt.f32 v4, $0.0e+00  }
0x1d8: {  	v42 =	vsub.f32 v34, v35;
	v34 =	vld [tilespmem:s12+$0x460];
	v9 =	vsel vm0, $0x1, v1;
	v23 =	vsel vm10, $0x1, v1  }
0x1d9: {  	v11 =	vor.u32 v2, v22;
	v9 =	vor.u32 v10, v9;
	v10 =	vshll.u32 v23, $0x7;
	v23 =	vld [tilespmem:s12+$0x430]  }
0x1da: {  	vm9 =	vlt.f32 v6, $0.0e+00;
	v13 =	vmul.f32 v3, v3;
	v52 =	vsub.f32 v45, v18;
	v18 =	vld [tilespmem:s12+$0x420]  }
0x1db: {  	v21 =	vsel vm9, $0x1, v1;
	v45 =	vld [tilespmem:s12+$0x8800]  }
0x1dc: {  	v24 =	vmul.f32 v6, v6;
	v8 =	vshll.u32 v21, $0x7;
	v19 =	vadd.s32 $0x1, v9;
	[tilespmem:v5+s5+$0x0] =	vst.idx.add.f32.msk $0xffff, v13  }
0x1dd: {  	vm14 =	vlt.f32 v42, $0.0e+00;
	v8 =	vor.u32 v8, v22;
	v7 =	vshll.u32 v19, $0x7;
	v19 =	vld [tilespmem:s12+$0x8410]  }
0x1de: {  	v17 =	vsel vm14, $0x1, v1;
	v8 =	vadd.s32 $0x80, v8;
	[tilespmem:v11+s5+$0x0] =	vst.idx.add.f32.msk $0xffff, v24;
	v7 =	vor.u32 v2, v7  }
0x1df: {  	v17 =	vshll.u32 v17, $0x7;
	v13 =	vshll.u32 v38, $0x9;
	v24 =	vld [tilespmem:s12+$0x8430];
	v8 =	vor.u32 v2, v8  }
0x1e0: {  	v5 =	vsub.f32 v32, v33;
	v33 =	vld [tilespmem:s12+$0x10450];
	v17 =	vor.u32 v17, v13;
	v13 =	vor.u32 v2, v13  }
0x1e1: {  	v11 =	vshll.u32 v36, $0x9;
	v36 =	vld [tilespmem:s12+$0x8460]  }
0x1e2: {  	v55 =	vsub.f32 v46, v19;
	v19 =	vld [tilespmem:s12+$0x8420]  }
0x1e3: {  	v53 =	vmul.f32 v42, v42;
	v9 =	vshll.u32 v20, $0x9;
	[tilespmem:v7+s5+$0x0] =	vst.idx.add.f32.msk $0xffff, v3  }
0x1e4: {  	v10 =	vor.u32 v10, v9;
	v9 =	vor.u32 v2, v9;
	[tilespmem:v8+s5+$0x0] =	vst.idx.add.f32.msk $0xffff, v6  }
0x1e5: {  	[tilespmem:v13+s5+$0x0] =	vst.idx.add.f32.msk $0xffff, v53  }
0x1e6: {  	v7 =	vsub.f32 v28, v29;
	v28 =	vld [tilespmem:s12+$0x8440]  }
0x1e7: {  	v10 =	vadd.s32 $0x80, v10;
	v3 =	vmul.f32 v4, v4;
	v29 =	vld [tilespmem:s12+$0x450]  }
0x1e8: {  	v10 =	vor.u32 v2, v10;
	vm13 =	vlt.f32 v5, $0.0e+00;
	v6 =	vshll.u32 v31, $0x9;
	v31 =	vld [tilespmem:s12+$0x10440]  }
0x1e9: {  	v25 =	vshll.u32 v12, $0x9;
	v43 =	vsel vm13, $0x1, v1;
	[tilespmem:v9+s5+$0x0] =	vst.idx.add.f32.msk $0xffff, v3;
	v3 =	vsub.f32 v14, v15  }
0x1ea: {  	v26 =	vor.u32 v2, v25;
	v8 =	vshll.u32 v43, $0x7;
	v43 =	vld [tilespmem:s12+$0x8470]  }
0x1eb: {  	v53 =	vld [tilespmem:s12+$0x10800];
	v8 =	vor.u32 v8, v11;
	v11 =	vor.u32 v2, v11;
	vm11 =	vlt.f32 v3, $0.0e+00  }
0x1ec: {  	v13 =	vshll.u32 v33, $0x9;
	v33 =	vld [tilespmem:s12+$0x850];
	v30 =	vsel vm11, $0x1, v1  }
0x1ed: {  	[tilespmem:v10+s5+$0x0] =	vst.idx.add.f32.msk $0xffff, v4;
	v27 =	vmul.f32 v3, v3;
	v4 =	vshll.u32 v30, $0x7  }
0x1ee: {  	v16 =	vmul.f32 v5, v5;
	v9 =	vsub.f32 v39, v41;
	v39 =	vld [tilespmem:s12+$0x10460];
	v4 =	vor.u32 v4, v25  }
0x1ef: {  	[tilespmem:v26+s5+$0x0] =	vst.idx.add.f32.msk $0xffff, v27;
	v4 =	vadd.s32 $0x80, v4  }
0x1f0: {  	vm12 =	vlt.f32 v7, $0.0e+00;
	v8 =	vadd.s32 $0x80, v8;
	[tilespmem:v11+s5+$0x0] =	vst.idx.add.f32.msk $0xffff, v16;
	v4 =	vor.u32 v2, v4  }
0x1f1: {  	v48 =	vadd.s32 $0x80, v17;
	v37 =	vsel vm12, $0x1, v1;
	v47 =	vor.u32 v2, v8;
	v26 =	vld [tilespmem:s12+$0x10430]  }
0x1f2: {  	v8 =	vor.u32 v2, v48;
	v12 =	vshll.u32 v37, $0x7;
	vm15 =	vlt.f32 v9, $0.0e+00;
	v27 =	vld [tilespmem:s12+$0x440]  }
0x1f3: {  	v12 =	vor.u32 v12, v6;
	v6 =	vor.u32 v2, v6;
	v49 =	vsel vm15, $0x1, v1;
	v30 =	vld [tilespmem:s12+$0x8450]  }
0x1f4: {  	v51 =	vshll.u32 v49, $0x7;
	v49 =	vld [tilespmem:s12+$0x10470]  }
0x1f5: {  	[tilespmem:v4+s5+$0x0] =	vst.idx.add.f32.msk $0xffff, v3;
	v3 =	vadd.s32 $0x80, v12  }
0x1f6: {  	v40 =	vmul.f32 v7, v7;
	[tilespmem:v47+s5+$0x0] =	vst.idx.add.f32.msk $0xffff, v5;
	v3 =	vor.u32 v2, v3  }
0x1f7: {  	[tilespmem:v8+s5+$0x0] =	vst.idx.add.f32.msk $0xffff, v42  }
0x1f8: {  	v58 =	vshll.u32 v50, $0x9;
	[tilespmem:v6+s5+$0x0] =	vst.idx.add.f32.msk $0xffff, v40  }
0x1f9: {  	v61 =	vshll.u32 v54, $0x9;
	v59 =	vor.u32 v2, v58;
	v40 =	vld [tilespmem:s12+$0x470]  }
0x1fa: {  	vm4 =	vlt.f32 v52, $0.0e+00;
	vm5 =	vlt.f32 v55, $0.0e+00;
	v37 =	vsub.f32 v29, v30;
	v29 =	vld [tilespmem:s12+$0x8840]  }
0x1fb: {  	v57 =	vsel vm4, $0x1, v1;
	v60 =	vsel vm5, $0x1, v1;
	v63 =	vmul.f32 v9, v9;
	[tilespmem:v3+s5+$0x0] =	vst.idx.add.f32.msk $0xffff, v7  }
0x1fc: {  	v6 =	vshll.u32 v57, $0x7;
	vm9 =	vlt.f32 v37, $0.0e+00;
	v3 =	vshll.u32 v44, $0x9;
	v44 =	vld [tilespmem:s12+$0x800]  }
0x1fd: {  	v30 =	vld [tilespmem:s12+$0x10830];
	v42 =	vsel vm9, $0x1, v1;
	v7 =	vor.u32 v51, v3;
	v3 =	vor.u32 v2, v3  }
0x1fe: {  	v6 =	vor.u32 v6, v58;
	v17 =	vshll.u32 v42, $0x7;
	v42 =	vld [tilespmem:s12+$0x8860];
	v7 =	vadd.s32 $0x80, v7  }
0x1ff: {  	v51 =	vsub.f32 v40, v43;
	v43 =	vld [tilespmem:s12+$0x870];
	v56 =	vor.u32 v2, v7;
	v7 =	vshll.u32 v60, $0x7  }
0x200: {  	v8 =	vor.u32 v2, v61;
	v6 =	vadd.s32 $0x80, v6;
	v7 =	vor.u32 v7, v61;
	v61 =	vld [tilespmem:s12+$0x10810]  }
0x201: {  	v6 =	vor.u32 v2, v6;
	v54 =	vsub.f32 v44, v45;
	v44 =	vld [tilespmem:s12+$0x8870]  }
0x202: {  	[tilespmem:v3+s5+$0x0] =	vst.idx.add.f32.msk $0xffff, v63  }
0x203: {  	v3 =	vmul.f32 v52, v52;
	v63 =	vld [tilespmem:s12+$0x810]  }
0x204: {  	v7 =	vadd.s32 $0x80, v7;
	[tilespmem:v56+s5+$0x0] =	vst.idx.add.f32.msk $0xffff, v9  }
0x205: {  	v7 =	vor.u32 v2, v7;
	[tilespmem:v59+s5+$0x0] =	vst.idx.add.f32.msk $0xffff, v3;
	v3 =	vmul.f32 v55, v55  }
0x206: {  	v17 =	vor.u32 v17, v13;
	v13 =	vor.u32 v2, v13;
	[tilespmem:v6+s5+$0x0] =	vst.idx.add.f32.msk $0xffff, v52  }
0x207: {  	[tilespmem:v8+s5+$0x0] =	vst.idx.add.f32.msk $0xffff, v3;
	v3 =	vsub.f32 v18, v19  }
0x208: {  	v6 =	vshll.u32 v26, $0x9;
	v26 =	vld [tilespmem:s12+$0x830]  }
0x209: {  	v20 =	vshll.u32 v62, $0x9;
	v52 =	vmul.f32 v37, v37;
	v18 =	vld [tilespmem:s12+$0x8810];
	vm6 =	vlt.f32 v3, $0.0e+00  }
0x20a: {  	v21 =	vor.u32 v2, v20;
	v9 =	vsub.f32 v34, v36;
	[tilespmem:v7+s5+$0x0] =	vst.idx.add.f32.msk $0xffff, v55;
	v25 =	vsel vm6, $0x1, v1  }
0x20b: {  	[tilespmem:v13+s5+$0x0] =	vst.idx.add.f32.msk $0xffff, v52;
	v5 =	vshll.u32 v25, $0x7  }
0x20c: {  	vm10 =	vlt.f32 v9, $0.0e+00;
	v7 =	vsub.f32 v23, v24;
	v23 =	vld [tilespmem:s12+$0x8820];
	v4 =	vor.u32 v5, v20  }
0x20d: {  	v48 =	vsel vm10, $0x1, v1;
	v52 =	vld [tilespmem:s12+$0x10870];
	v22 =	vmul.f32 v3, v3;
	v4 =	vadd.s32 $0x80, v4  }
0x20e: {  	v50 =	vshll.u32 v48, $0x7;
	v48 =	vld [tilespmem:s12+$0x10860];
	v4 =	vor.u32 v2, v4  }
0x20f: {  	vm7 =	vlt.f32 v7, $0.0e+00;
	[tilespmem:v21+s5+$0x0] =	vst.idx.add.f32.msk $0xffff, v22;
	v5 =	vsub.f32 v27, v28  }
0x210: {  	v32 =	vsel vm7, $0x1, v1;
	v22 =	vld [tilespmem:s12+$0x820]  }
0x211: {  	v25 =	vld [tilespmem:s12+$0x10820];
	v12 =	vshll.u32 v32, $0x7;
	vm8 =	vlt.f32 v5, $0.0e+00  }
0x212: {  	v27 =	vld [tilespmem:s12+$0x8830];
	v12 =	vor.u32 v12, v6;
	v6 =	vor.u32 v2, v6;
	v38 =	vsel vm8, $0x1, v1  }
0x213: {  	v11 =	vshll.u32 v31, $0x9;
	v8 =	vshll.u32 v38, $0x7;
	[tilespmem:v4+s5+$0x0] =	vst.idx.add.f32.msk $0xffff, v3;
	v3 =	vadd.s32 $0x80, v12  }
0x214: {  	v28 =	vld [tilespmem:s12+$0x840];
	v8 =	vor.u32 v8, v11;
	v3 =	vor.u32 v2, v3  }
0x215: {  	v35 =	vmul.f32 v7, v7;
	v32 =	vld [tilespmem:s12+$0x10840];
	v11 =	vor.u32 v2, v11;
	v8 =	vadd.s32 $0x80, v8  }
0x216: {  	v57 =	vshll.u32 v49, $0x9;
	v38 =	vld [tilespmem:s12+$0x10850];
	v46 =	vor.u32 v2, v8  }
0x217: {  	v58 =	vor.u32 v2, v57;
	v47 =	vadd.s32 $0x80, v17;
	vm11 =	vlt.f32 v51, $0.0e+00;
	[tilespmem:v6+s5+$0x0] =	vst.idx.add.f32.msk $0xffff, v35  }
0x218: {  	v60 =	vshll.u32 v53, $0x9;
	v41 =	vmul.f32 v5, v5;
	v35 =	vld [tilespmem:s12+$0x8850];
	v8 =	vor.u32 v2, v47  }
0x219: {  	vm12 =	vlt.f32 v54, $0.0e+00;
	v56 =	vsel vm11, $0x1, v1;
	[tilespmem:v3+s5+$0x0] =	vst.idx.add.f32.msk $0xffff, v7;
	v3 =	vshll.u32 v39, $0x9  }
0x21a: {  	v59 =	vsel vm12, $0x1, v1;
	[tilespmem:v11+s5+$0x0] =	vst.idx.add.f32.msk $0xffff, v41;
	v7 =	vor.u32 v50, v3;
	v3 =	vor.u32 v2, v3  }
0x21b: {  	s13 =	sand.u32 $0xFFFFF000, s10;
	v36 =	vsub.f32 v28, v29;
	v6 =	vshll.u32 v56, $0x7;
	[tilespmem:v46+s5+$0x0] =	vst.idx.add.f32.msk $0xffff, v5;
	v7 =	vadd.s32 $0x80, v7  }
0x21c: {  	v62 =	vmul.f32 v9, v9;
	v6 =	vor.u32 v6, v57;
	v39 =	vld [tilespmem:s12+$0x860];
	s12 =	sadd.s32 s13, s11;
	v55 =	vor.u32 v2, v7  }
0x21d: {  	vm4 =	vlt.f32 v36, $0.0e+00;
	v6 =	vadd.s32 $0x80, v6;
	[tilespmem:v8+s5+$0x0] =	vst.idx.add.f32.msk $0xffff, v37;
	s14 =	sor.u32 $0xC00, s12;
	v7 =	vshll.u32 v59, $0x7  }
0x21e: {  	v6 =	vor.u32 v2, v6;
	v8 =	vor.u32 v2, v60;
	v7 =	vor.u32 v7, v60;
	v60 =	vld [tilespmem:s14+$0x10000]  }
0x21f: {  	v13 =	vshll.u32 v32, $0x9;
	v41 =	vsel vm4, $0x1, v1;
	[tilespmem:v3+s5+$0x0] =	vst.idx.add.f32.msk $0xffff, v62  }
0x220: {  	v17 =	vshll.u32 v41, $0x7;
	v7 =	vadd.s32 $0x80, v7;
	v3 =	vmul.f32 v51, v51;
	v62 =	vld [tilespmem:s14+$0x0]  }
0x221: {  	v17 =	vor.u32 v17, v13;
	v7 =	vor.u32 v2, v7;
	[tilespmem:v55+s5+$0x0] =	vst.idx.add.f32.msk $0xffff, v9  }
0x222: {  	v13 =	vor.u32 v2, v13;
	[tilespmem:v58+s5+$0x0] =	vst.idx.add.f32.msk $0xffff, v3;
	v3 =	vmul.f32 v54, v54  }
0x223: {  	[tilespmem:v6+s5+$0x0] =	vst.idx.add.f32.msk $0xffff, v51  }
0x224: {  	v19 =	vshll.u32 v61, $0x9;
	[tilespmem:v8+s5+$0x0] =	vst.idx.add.f32.msk $0xffff, v3;
	v3 =	vsub.f32 v63, v18  }
0x225: {  	v20 =	vor.u32 v2, v19;
	v51 =	vmul.f32 v36, v36;
	v63 =	vld [tilespmem:s14+$0x8000]  }
0x226: {  	[tilespmem:v7+s5+$0x0] =	vst.idx.add.f32.msk $0xffff, v54;
	vm13 =	vlt.f32 v3, $0.0e+00  }
0x227: {  	s14 =	sor.u32 $0xC20, s12;
	[tilespmem:v13+s5+$0x0] =	vst.idx.add.f32.msk $0xffff, v51;
	v24 =	vsel vm13, $0x1, v1  }
0x228: {  	s13 =	sor.u32 $0xC10, s12;
	v7 =	vsub.f32 v22, v23;
	v22 =	vld [tilespmem:s14+$0x8000];
	v21 =	vmul.f32 v3, v3;
	v5 =	vshll.u32 v24, $0x7  }
0x229: {  	v23 =	vld [tilespmem:s13+$0x10000];
	v4 =	vor.u32 v5, v19  }
0x22a: {  	v53 =	vsub.f32 v43, v44;
	[tilespmem:v20+s5+$0x0] =	vst.idx.add.f32.msk $0xffff, v21;
	v4 =	vadd.s32 $0x80, v4  }
0x22b: {  	v20 =	vld [tilespmem:s13+$0x8000];
	v4 =	vor.u32 v2, v4  }
0x22c: {  	vm7 =	vlt.f32 v53, $0.0e+00;
	v56 =	vshll.u32 v48, $0x9;
	vm14 =	vlt.f32 v7, $0.0e+00;
	v21 =	vld [tilespmem:s14+$0x0]  }
0x22d: {  	v57 =	vor.u32 v2, v56;
	v11 =	vshll.u32 v30, $0x9;
	v31 =	vsel vm14, $0x1, v1;
	v24 =	vld [tilespmem:s14+$0x10000]  }
0x22e: {  	v6 =	vshll.u32 v25, $0x9;
	s14 =	sor.u32 $0xC30, s12;
	v12 =	vshll.u32 v31, $0x7;
	v5 =	vsub.f32 v26, v27;
	v19 =	vld [tilespmem:s13+$0x0]  }
0x22f: {  	v46 =	vadd.s32 $0x80, v17;
	v50 =	vsub.f32 v39, v42;
	v26 =	vld [tilespmem:s14+$0x0];
	v12 =	vor.u32 v12, v6  }
0x230: {  	v6 =	vor.u32 v2, v6;
	vm15 =	vlt.f32 v5, $0.0e+00;
	[tilespmem:v4+s5+$0x0] =	vst.idx.add.f32.msk $0xffff, v3;
	v3 =	vadd.s32 $0x80, v12  }
0x231: {  	v59 =	vshll.u32 v52, $0x9;
	v27 =	vld [tilespmem:s14+$0x8000];
	v37 =	vsel vm15, $0x1, v1;
	v3 =	vor.u32 v2, v3  }
0x232: {  	vm6 =	vlt.f32 v50, $0.0e+00;
	v9 =	vsub.f32 v33, v35;
	v29 =	vld [tilespmem:s14+$0x10000];
	s14 =	sor.u32 $0xC40, s12;
	v8 =	vshll.u32 v37, $0x7  }
0x233: {  	v55 =	vsel vm6, $0x1, v1;
	v34 =	vmul.f32 v7, v7;
	v30 =	vld [tilespmem:s14+$0x0];
	v8 =	vor.u32 v8, v11  }
0x234: {  	vm5 =	vlt.f32 v9, $0.0e+00;
	v31 =	vld [tilespmem:s14+$0x8000];
	v11 =	vor.u32 v2, v11;
	v8 =	vadd.s32 $0x80, v8  }
0x235: {  	v47 =	vsel vm5, $0x1, v1;
	[tilespmem:v6+s5+$0x0] =	vst.idx.add.f32.msk $0xffff, v34;
	v45 =	vor.u32 v2, v8;
	v8 =	vor.u32 v2, v46  }
0x236: {  	v58 =	vsel vm7, $0x1, v1;
	v49 =	vshll.u32 v47, $0x7;
	[tilespmem:v3+s5+$0x0] =	vst.idx.add.f32.msk $0xffff, v7;
	v3 =	vshll.u32 v38, $0x9  }
0x237: {  	v61 =	vmul.f32 v9, v9;
	v40 =	vmul.f32 v5, v5;
	v34 =	vld [tilespmem:s14+$0x10000];
	s14 =	sor.u32 $0xC50, s12;
	v7 =	vor.u32 v49, v3  }
0x238: {  	v6 =	vshll.u32 v55, $0x7;
	v35 =	vld [tilespmem:s14+$0x0];
	v3 =	vor.u32 v2, v3;
	v7 =	vadd.s32 $0x80, v7  }
0x239: {  	v16 =	vshll.u32 v60, $0x9;
	v6 =	vor.u32 v6, v56;
	[tilespmem:v11+s5+$0x0] =	vst.idx.add.f32.msk $0xffff, v40;
	v54 =	vor.u32 v2, v7  }
0x23a: {  	v17 =	vor.u32 v2, v16;
	v6 =	vadd.s32 $0x80, v6;
	[tilespmem:v8+s5+$0x0] =	vst.idx.add.f32.msk $0xffff, v36;
	v7 =	vshll.u32 v58, $0x7  }
0x23b: {  	v13 =	vsub.f32 v30, v31;
	v6 =	vor.u32 v2, v6;
	v36 =	vld [tilespmem:s14+$0x8000];
	v7 =	vor.u32 v7, v59  }
0x23c: {  	v11 =	vsub.f32 v26, v27;
	[tilespmem:v45+s5+$0x0] =	vst.idx.add.f32.msk $0xffff, v5;
	v8 =	vor.u32 v2, v59;
	v7 =	vadd.s32 $0x80, v7  }
0x23d: {  	vm12 =	vlt.f32 v13, $0.0e+00;
	[tilespmem:v3+s5+$0x0] =	vst.idx.add.f32.msk $0xffff, v61;
	v3 =	vmul.f32 v50, v50;
	v7 =	vor.u32 v2, v7  }
0x23e: {  	v42 =	vmul.f32 v13, v13;
	v41 =	vsel vm12, $0x1, v1;
	v43 =	vshll.u32 v34, $0x9;
	[tilespmem:v54+s5+$0x0] =	vst.idx.add.f32.msk $0xffff, v9  }
0x23f: {  	v5 =	vsub.f32 v21, v22;
	vm11 =	vlt.f32 v11, $0.0e+00;
	[tilespmem:v57+s5+$0x0] =	vst.idx.add.f32.msk $0xffff, v3;
	v3 =	vmul.f32 v53, v53  }
0x240: {  	v46 =	vor.u32 v2, v43;
	v21 =	vsel vm11, $0x1, v1;
	v12 =	vsub.f32 v35, v36;
	[tilespmem:v6+s5+$0x0] =	vst.idx.add.f32.msk $0xffff, v50  }
0x241: {  	vm10 =	vlt.f32 v5, $0.0e+00;
	v37 =	vmul.f32 v5, v5;
	v21 =	vshll.u32 v21, $0x7;
	[tilespmem:v8+s5+$0x0] =	vst.idx.add.f32.msk $0xffff, v3  }
0x242: {  	v33 =	vsel vm10, $0x1, v1;
	vm13 =	vlt.f32 v12, $0.0e+00;
	v59 =	vmul.f32 v12, v12;
	[tilespmem:v7+s5+$0x0] =	vst.idx.add.f32.msk $0xffff, v53  }
0x243: {  	v44 =	vsel vm13, $0x1, v1;
	v9 =	vshll.u32 v23, $0x9;
	v7 =	vsub.f32 v19, v20;
	v20 =	vld [tilespmem:s14+$0x10000];
	s14 =	sor.u32 $0xC60, s12  }
0x244: {  	v23 =	vmul.f32 v11, v11;
	v6 =	vshll.u32 v29, $0x9;
	v3 =	vsub.f32 v62, v63;
	v22 =	vld [tilespmem:s14+$0x0]  }
0x245: {  	v8 =	vshll.u32 v24, $0x9;
	v24 =	vor.u32 v2, v6;
	v6 =	vor.u32 v21, v6;
	s12 =	sor.u32 $0xC70, s12;
	v38 =	vld [tilespmem:s14+$0x8000]  }
0x246: {  	v48 =	vshll.u32 v44, $0x7;
	v6 =	vadd.s32 $0x80, v6;
	vm8 =	vlt.f32 v3, $0.0e+00;
	v39 =	vld [tilespmem:s12+$0x0]  }
0x247: {  	v18 =	vmul.f32 v3, v3;
	v40 =	vld [tilespmem:s12+$0x8000];
	v25 =	vsel vm8, $0x1, v1;
	vm9 =	vlt.f32 v7, $0.0e+00  }
0x248: {  	v45 =	vld [tilespmem:s14+$0x10000];
	v32 =	vmul.f32 v7, v7;
	v10 =	vshll.u32 v25, $0x7;
	v28 =	vsel vm9, $0x1, v1  }
0x249: {  	v50 =	vld [tilespmem:s12+$0x10000];
	v4 =	vor.u32 v10, v16;
	v10 =	vshll.u32 v28, $0x7;
	v16 =	vshll.u32 v33, $0x7  }
0x24a: {  	[tilespmem:v46+s5+$0x0] =	vst.idx.add.f32.msk $0xffff, v42;
	v4 =	vadd.s32 $0x80, v4;
	v10 =	vor.u32 v10, v9;
	v9 =	vor.u32 v2, v9  }
0x24b: {  	v16 =	vor.u32 v16, v8;
	v8 =	vor.u32 v2, v8;
	v4 =	vor.u32 v2, v4  }
0x24c: {  	[tilespmem:v17+s5+$0x0] =	vst.idx.add.f32.msk $0xffff, v18;
	v47 =	vshll.u32 v20, $0x9;
	v10 =	vadd.s32 $0x80, v10;
	v16 =	vadd.s32 $0x80, v16  }
0x24d: {  	v14 =	vsub.f32 v22, v38;
	v49 =	vsub.f32 v39, v40;
	v52 =	vor.u32 v2, v47  }
0x24e: {  	[tilespmem:v24+s5+$0x0] =	vst.idx.add.f32.msk $0xffff, v23;
	v54 =	vshll.u32 v45, $0x9;
	v57 =	vshll.u32 v50, $0x9;
	v10 =	vor.u32 v2, v10  }
0x24f: {  	v16 =	vor.u32 v2, v16;
	v55 =	vor.u32 v2, v54;
	v60 =	vor.u32 v2, v57  }
0x250: {  	vm14 =	vlt.f32 v14, $0.0e+00;
	vm15 =	vlt.f32 v49, $0.0e+00;
	[tilespmem:v4+s5+$0x0] =	vst.idx.add.f32.msk $0xffff, v3;
	v3 =	vor.u32 v2, v6  }
0x251: {  	v62 =	vmul.f32 v14, v14;
	v53 =	vsel vm14, $0x1, v1;
	[tilespmem:v9+s5+$0x0] =	vst.idx.add.f32.msk $0xffff, v32;
	v4 =	vshll.u32 v41, $0x7  }
0x252: {  	v56 =	vsel vm15, $0x1, v1;
	[tilespmem:v8+s5+$0x0] =	vst.idx.add.f32.msk $0xffff, v37;
	v9 =	vshll.u32 v53, $0x7;
	v4 =	vor.u32 v4, v43  }
0x253: {  	v58 =	vshll.u32 v56, $0x7;
	[tilespmem:v10+s5+$0x0] =	vst.idx.add.f32.msk $0xffff, v7;
	v10 =	vor.u32 v48, v47;
	v4 =	vadd.s32 $0x80, v4  }
0x254: {  	[tilespmem:v52+s5+$0x0] =	vst.idx.add.f32.msk $0xffff, v59;
	v7 =	vor.u32 v58, v57;
	v51 =	vadd.s32 $0x80, v10;
	v4 =	vor.u32 v2, v4  }
0x255: {  	v61 =	vadd.s32 $0x80, v7;
	v8 =	vor.u32 v2, v51;
	[tilespmem:v3+s5+$0x0] =	vst.idx.add.f32.msk $0xffff, v11;
	v3 =	vor.u32 v9, v54  }
0x256: {  	s9 =	sadd.s32 $0x20, s9;
	v63 =	vmul.f32 v49, v49;
	[tilespmem:v16+s5+$0x0] =	vst.idx.add.f32.msk $0xffff, v5;
	v6 =	vor.u32 v2, v61;
	v3 =	vadd.s32 $0x80, v3  }
0x257: {  	p0 =	slt.u32 s9, $0x3E0;
	[tilespmem:v55+s5+$0x0] =	vst.idx.add.f32.msk $0xffff, v62;
	v3 =	vor.u32 v2, v3  }
.Ltmp2:
0x258: {  	[tilespmem:v60+s5+$0x0] =	vst.idx.add.f32.msk $0xffff, v63;
	(pc) =	sbr.rel @p0 .LBB2_6-.Ltmp2, $4  }
0x259: {  	[tilespmem:v4+s5+$0x0] =	vst.idx.add.f32.msk $0xffff, v13  }
0x25a: {  	[tilespmem:v8+s5+$0x0] =	vst.idx.add.f32.msk $0xffff, v12  }
0x25b: {  	[tilespmem:v6+s5+$0x0] =	vst.idx.add.f32.msk $0xffff, v49  }
0x25c: {  	s10 =	sadd.s32 $0x200, s10;
	s11 =	sadd.s32 $0x80, s11;
	[tilespmem:v3+s5+$0x0] =	vst.idx.add.f32.msk $0xffff, v14  }
0x25d: {  	s9 =	simm.s32 $0x0;
	s10 =	rddreg [dreg:$0x10]  }
0x25e: {  	[tilespmem:s9], [sflag:$0x1] =	stream.strided.gather [hbm4b:s10+s30], $0x4000, s31, s30, $0x38;
	[tilespmem:$0x19000] =	vst v63  }
0x25f: {  	s14 =	rddreg [dreg:$0x11]  }
0x260: {  	[tilespmem:s20], [sflag:$0x1] =	stream.strided.gather [hbm4b:s14+s30], $0x4000, s31, s30, $0x38;
	[tilespmem:$0x19000] =	vst v63  }
0x261: {  	_ = 	snop  }
0x262: {  	[tilespmem:s0], [sflag:$0x1] =	stream.strided.gather [hbm4b:s15+s30], $0x4000, s31, s30, $0x38;
	[tilespmem:$0x19000] =	vst v63  }
0x263: {  	_ =	swait.ge [sflag:s6], $0x4000  }
0x264: {  	[sflag:s6] =	ssyncset.done $0x0  }
0x265: {  	[sflag:s6] =	ssyncadd.s32 $0xFFFFC000  }
0x266: {  	_ =	swait.ge [sflag:s6], $0x4000  }
0x267: {  	[sflag:s6] =	ssyncset.done $0x0  }
0x268: {  	[sflag:s6] =	ssyncadd.s32 $0xFFFFC000  }
0x269: {  	_ =	swait.ge [sflag:s6], $0x4000  }
0x26a: {  	[sflag:s6] =	ssyncset.done $0x0  }
0x26b: {  	s11 =	simm.s32 $0x0;
	s10 =	simm.s32 $0xFFFFFFE0;
	[sflag:s6] =	ssyncadd.s32 $0xFFFFC000  }
.LBB2_8:
0x26c: {  	s12 =	sand.u32 $0x3000, s9;
	s13 =	sand.u32 $0x380, s11  }
0x26d: {  	s12 =	sor.u32 s13, s12  }
0x26e: {  	v3 =	vld [tilespmem:s12+$0x4000]  }
0x26f: {  	v4 =	vld [tilespmem:s12+$0xC000]  }
0x270: {  	v5 =	vld [tilespmem:s12+$0x14000]  }
0x271: {  	v6 =	vld [tilespmem:s12+$0x4010]  }
0x272: {  	v7 =	vld [tilespmem:s12+$0xC010]  }
0x273: {  	v18 =	vld [tilespmem:s12+$0x4020]  }
0x274: {  	v8 =	vld [tilespmem:s12+$0xC020]  }
0x275: {  	v11 =	vld [tilespmem:s12+$0x14010]  }
0x276: {  	v20 =	vld [tilespmem:s12+$0x14020]  }
0x277: {  	v12 =	vld [tilespmem:s12+$0x14030]  }
0x278: {  	v14 =	vld [tilespmem:s12+$0x4030]  }
0x279: {  	v15 =	vld [tilespmem:s12+$0xC030]  }
0x27a: {  	v28 =	vld [tilespmem:s12+$0x4040]  }
0x27b: {  	v29 =	vld [tilespmem:s12+$0xC040]  }
0x27c: {  	v31 =	vld [tilespmem:s12+$0x14040]  }
0x27d: {  	v32 =	vld [tilespmem:s12+$0x4050]  }
0x27e: {  	v33 =	vld [tilespmem:s12+$0xC050]  }
0x27f: {  	v34 =	vld [tilespmem:s12+$0x4060]  }
0x280: {  	v35 =	vld [tilespmem:s12+$0xC060]  }
0x281: {  	v36 =	vld [tilespmem:s12+$0x14050]  }
0x282: {  	v38 =	vld [tilespmem:s12+$0x14060]  }
0x283: {  	v39 =	vld [tilespmem:s12+$0x4070]  }
0x284: {  	v41 =	vld [tilespmem:s12+$0xC070]  }
0x285: {  	v44 =	vld [tilespmem:s12+$0x14070]  }
0x286: {  	v45 =	vld [tilespmem:s12+$0x4400]  }
0x287: {  	v46 =	vld [tilespmem:s12+$0x4410]  }
0x288: {  	v50 =	vld [tilespmem:s12+$0x14400]  }
0x289: {  	v3 =	vsub.f32 v3, v4;
	v10 =	vshll.u32 v5, $0x2;
	v4 =	vsub.f32 v18, v8;
	v18 =	vld [tilespmem:s12+$0xC400]  }
0x28a: {  	v54 =	vld [tilespmem:s12+$0x14410];
	v6 =	vsub.f32 v6, v7;
	v5 =	vshll.u32 v5, $0x9;
	v22 =	vshll.u32 v11, $0x9  }
0x28b: {  	v62 =	vld [tilespmem:s12+$0x14420];
	v5 =	vor.u32 v2, v5;
	vm0 =	vlt.f32 v3, $0.0e+00;
	vm10 =	vlt.f32 v4, $0.0e+00  }
0x28c: {  	v42 =	vsub.f32 v34, v35;
	v34 =	vld [tilespmem:s12+$0x4460];
	v9 =	vsel vm0, $0x1, v1;
	v23 =	vsel vm10, $0x1, v1  }
0x28d: {  	v11 =	vor.u32 v2, v22;
	v9 =	vor.u32 v10, v9;
	v10 =	vshll.u32 v23, $0x7;
	v23 =	vld [tilespmem:s12+$0x4430]  }
0x28e: {  	vm9 =	vlt.f32 v6, $0.0e+00;
	v13 =	vmul.f32 v3, v3;
	v52 =	vsub.f32 v45, v18;
	v18 =	vld [tilespmem:s12+$0x4420]  }
0x28f: {  	v21 =	vsel vm9, $0x1, v1;
	v45 =	vld [tilespmem:s12+$0xC800]  }
0x290: {  	v24 =	vmul.f32 v6, v6;
	v8 =	vshll.u32 v21, $0x7;
	v19 =	vadd.s32 $0x1, v9;
	[tilespmem:v5+s5+$0x0] =	vst.idx.add.f32.msk $0xffff, v13  }
0x291: {  	vm14 =	vlt.f32 v42, $0.0e+00;
	v8 =	vor.u32 v8, v22;
	v7 =	vshll.u32 v19, $0x7;
	v19 =	vld [tilespmem:s12+$0xC410]  }
0x292: {  	v17 =	vsel vm14, $0x1, v1;
	v8 =	vadd.s32 $0x80, v8;
	[tilespmem:v11+s5+$0x0] =	vst.idx.add.f32.msk $0xffff, v24;
	v7 =	vor.u32 v2, v7  }
0x293: {  	v17 =	vshll.u32 v17, $0x7;
	v13 =	vshll.u32 v38, $0x9;
	v24 =	vld [tilespmem:s12+$0xC430];
	v8 =	vor.u32 v2, v8  }
0x294: {  	v5 =	vsub.f32 v32, v33;
	v33 =	vld [tilespmem:s12+$0x14450];
	v17 =	vor.u32 v17, v13;
	v13 =	vor.u32 v2, v13  }
0x295: {  	v11 =	vshll.u32 v36, $0x9;
	v36 =	vld [tilespmem:s12+$0xC460]  }
0x296: {  	v55 =	vsub.f32 v46, v19;
	v19 =	vld [tilespmem:s12+$0xC420]  }
0x297: {  	v53 =	vmul.f32 v42, v42;
	v9 =	vshll.u32 v20, $0x9;
	[tilespmem:v7+s5+$0x0] =	vst.idx.add.f32.msk $0xffff, v3  }
0x298: {  	v10 =	vor.u32 v10, v9;
	v9 =	vor.u32 v2, v9;
	[tilespmem:v8+s5+$0x0] =	vst.idx.add.f32.msk $0xffff, v6  }
0x299: {  	[tilespmem:v13+s5+$0x0] =	vst.idx.add.f32.msk $0xffff, v53  }
0x29a: {  	v7 =	vsub.f32 v28, v29;
	v28 =	vld [tilespmem:s12+$0xC440]  }
0x29b: {  	v10 =	vadd.s32 $0x80, v10;
	v3 =	vmul.f32 v4, v4;
	v29 =	vld [tilespmem:s12+$0x4450]  }
0x29c: {  	v10 =	vor.u32 v2, v10;
	vm13 =	vlt.f32 v5, $0.0e+00;
	v6 =	vshll.u32 v31, $0x9;
	v31 =	vld [tilespmem:s12+$0x14440]  }
0x29d: {  	v25 =	vshll.u32 v12, $0x9;
	v43 =	vsel vm13, $0x1, v1;
	[tilespmem:v9+s5+$0x0] =	vst.idx.add.f32.msk $0xffff, v3;
	v3 =	vsub.f32 v14, v15  }
0x29e: {  	v26 =	vor.u32 v2, v25;
	v8 =	vshll.u32 v43, $0x7;
	v43 =	vld [tilespmem:s12+$0xC470]  }
0x29f: {  	v53 =	vld [tilespmem:s12+$0x14800];
	v8 =	vor.u32 v8, v11;
	v11 =	vor.u32 v2, v11;
	vm11 =	vlt.f32 v3, $0.0e+00  }
0x2a0: {  	v13 =	vshll.u32 v33, $0x9;
	v33 =	vld [tilespmem:s12+$0x4850];
	v30 =	vsel vm11, $0x1, v1  }
0x2a1: {  	[tilespmem:v10+s5+$0x0] =	vst.idx.add.f32.msk $0xffff, v4;
	v27 =	vmul.f32 v3, v3;
	v4 =	vshll.u32 v30, $0x7  }
0x2a2: {  	v16 =	vmul.f32 v5, v5;
	v9 =	vsub.f32 v39, v41;
	v39 =	vld [tilespmem:s12+$0x14460];
	v4 =	vor.u32 v4, v25  }
0x2a3: {  	[tilespmem:v26+s5+$0x0] =	vst.idx.add.f32.msk $0xffff, v27;
	v4 =	vadd.s32 $0x80, v4  }
0x2a4: {  	vm12 =	vlt.f32 v7, $0.0e+00;
	v8 =	vadd.s32 $0x80, v8;
	[tilespmem:v11+s5+$0x0] =	vst.idx.add.f32.msk $0xffff, v16;
	v4 =	vor.u32 v2, v4  }
0x2a5: {  	v48 =	vadd.s32 $0x80, v17;
	v37 =	vsel vm12, $0x1, v1;
	v47 =	vor.u32 v2, v8;
	v26 =	vld [tilespmem:s12+$0x14430]  }
0x2a6: {  	v8 =	vor.u32 v2, v48;
	v12 =	vshll.u32 v37, $0x7;
	vm15 =	vlt.f32 v9, $0.0e+00;
	v27 =	vld [tilespmem:s12+$0x4440]  }
0x2a7: {  	v12 =	vor.u32 v12, v6;
	v6 =	vor.u32 v2, v6;
	v49 =	vsel vm15, $0x1, v1;
	v30 =	vld [tilespmem:s12+$0xC450]  }
0x2a8: {  	v51 =	vshll.u32 v49, $0x7;
	v49 =	vld [tilespmem:s12+$0x14470]  }
0x2a9: {  	[tilespmem:v4+s5+$0x0] =	vst.idx.add.f32.msk $0xffff, v3;
	v3 =	vadd.s32 $0x80, v12  }
0x2aa: {  	v40 =	vmul.f32 v7, v7;
	[tilespmem:v47+s5+$0x0] =	vst.idx.add.f32.msk $0xffff, v5;
	v3 =	vor.u32 v2, v3  }
0x2ab: {  	[tilespmem:v8+s5+$0x0] =	vst.idx.add.f32.msk $0xffff, v42  }
0x2ac: {  	v58 =	vshll.u32 v50, $0x9;
	[tilespmem:v6+s5+$0x0] =	vst.idx.add.f32.msk $0xffff, v40  }
0x2ad: {  	v61 =	vshll.u32 v54, $0x9;
	v59 =	vor.u32 v2, v58;
	v40 =	vld [tilespmem:s12+$0x4470]  }
0x2ae: {  	vm4 =	vlt.f32 v52, $0.0e+00;
	vm5 =	vlt.f32 v55, $0.0e+00;
	v37 =	vsub.f32 v29, v30;
	v29 =	vld [tilespmem:s12+$0xC840]  }
0x2af: {  	v57 =	vsel vm4, $0x1, v1;
	v60 =	vsel vm5, $0x1, v1;
	v63 =	vmul.f32 v9, v9;
	[tilespmem:v3+s5+$0x0] =	vst.idx.add.f32.msk $0xffff, v7  }
0x2b0: {  	v6 =	vshll.u32 v57, $0x7;
	vm9 =	vlt.f32 v37, $0.0e+00;
	v3 =	vshll.u32 v44, $0x9;
	v44 =	vld [tilespmem:s12+$0x4800]  }
0x2b1: {  	v30 =	vld [tilespmem:s12+$0x14830];
	v42 =	vsel vm9, $0x1, v1;
	v7 =	vor.u32 v51, v3;
	v3 =	vor.u32 v2, v3  }
0x2b2: {  	v6 =	vor.u32 v6, v58;
	v17 =	vshll.u32 v42, $0x7;
	v42 =	vld [tilespmem:s12+$0xC860];
	v7 =	vadd.s32 $0x80, v7  }
0x2b3: {  	v51 =	vsub.f32 v40, v43;
	v43 =	vld [tilespmem:s12+$0x4870];
	v56 =	vor.u32 v2, v7;
	v7 =	vshll.u32 v60, $0x7  }
0x2b4: {  	v8 =	vor.u32 v2, v61;
	v6 =	vadd.s32 $0x80, v6;
	v7 =	vor.u32 v7, v61;
	v61 =	vld [tilespmem:s12+$0x14810]  }
0x2b5: {  	v6 =	vor.u32 v2, v6;
	v54 =	vsub.f32 v44, v45;
	v44 =	vld [tilespmem:s12+$0xC870]  }
0x2b6: {  	[tilespmem:v3+s5+$0x0] =	vst.idx.add.f32.msk $0xffff, v63  }
0x2b7: {  	v3 =	vmul.f32 v52, v52;
	v63 =	vld [tilespmem:s12+$0x4810]  }
0x2b8: {  	v7 =	vadd.s32 $0x80, v7;
	[tilespmem:v56+s5+$0x0] =	vst.idx.add.f32.msk $0xffff, v9  }
0x2b9: {  	v7 =	vor.u32 v2, v7;
	[tilespmem:v59+s5+$0x0] =	vst.idx.add.f32.msk $0xffff, v3;
	v3 =	vmul.f32 v55, v55  }
0x2ba: {  	v17 =	vor.u32 v17, v13;
	v13 =	vor.u32 v2, v13;
	[tilespmem:v6+s5+$0x0] =	vst.idx.add.f32.msk $0xffff, v52  }
0x2bb: {  	[tilespmem:v8+s5+$0x0] =	vst.idx.add.f32.msk $0xffff, v3;
	v3 =	vsub.f32 v18, v19  }
0x2bc: {  	v6 =	vshll.u32 v26, $0x9;
	v26 =	vld [tilespmem:s12+$0x4830]  }
0x2bd: {  	v20 =	vshll.u32 v62, $0x9;
	v52 =	vmul.f32 v37, v37;
	v18 =	vld [tilespmem:s12+$0xC810];
	vm6 =	vlt.f32 v3, $0.0e+00  }
0x2be: {  	v21 =	vor.u32 v2, v20;
	v9 =	vsub.f32 v34, v36;
	[tilespmem:v7+s5+$0x0] =	vst.idx.add.f32.msk $0xffff, v55;
	v25 =	vsel vm6, $0x1, v1  }
0x2bf: {  	[tilespmem:v13+s5+$0x0] =	vst.idx.add.f32.msk $0xffff, v52;
	v5 =	vshll.u32 v25, $0x7  }
0x2c0: {  	vm10 =	vlt.f32 v9, $0.0e+00;
	v7 =	vsub.f32 v23, v24;
	v23 =	vld [tilespmem:s12+$0xC820];
	v4 =	vor.u32 v5, v20  }
0x2c1: {  	v48 =	vsel vm10, $0x1, v1;
	v52 =	vld [tilespmem:s12+$0x14870];
	v22 =	vmul.f32 v3, v3;
	v4 =	vadd.s32 $0x80, v4  }
0x2c2: {  	v50 =	vshll.u32 v48, $0x7;
	v48 =	vld [tilespmem:s12+$0x14860];
	v4 =	vor.u32 v2, v4  }
0x2c3: {  	vm7 =	vlt.f32 v7, $0.0e+00;
	[tilespmem:v21+s5+$0x0] =	vst.idx.add.f32.msk $0xffff, v22;
	v5 =	vsub.f32 v27, v28  }
0x2c4: {  	v32 =	vsel vm7, $0x1, v1;
	v22 =	vld [tilespmem:s12+$0x4820]  }
0x2c5: {  	v25 =	vld [tilespmem:s12+$0x14820];
	v12 =	vshll.u32 v32, $0x7;
	vm8 =	vlt.f32 v5, $0.0e+00  }
0x2c6: {  	v27 =	vld [tilespmem:s12+$0xC830];
	v12 =	vor.u32 v12, v6;
	v6 =	vor.u32 v2, v6;
	v38 =	vsel vm8, $0x1, v1  }
0x2c7: {  	v11 =	vshll.u32 v31, $0x9;
	v8 =	vshll.u32 v38, $0x7;
	[tilespmem:v4+s5+$0x0] =	vst.idx.add.f32.msk $0xffff, v3;
	v3 =	vadd.s32 $0x80, v12  }
0x2c8: {  	v28 =	vld [tilespmem:s12+$0x4840];
	v8 =	vor.u32 v8, v11;
	v3 =	vor.u32 v2, v3  }
0x2c9: {  	v35 =	vmul.f32 v7, v7;
	v32 =	vld [tilespmem:s12+$0x14840];
	v11 =	vor.u32 v2, v11;
	v8 =	vadd.s32 $0x80, v8  }
0x2ca: {  	v57 =	vshll.u32 v49, $0x9;
	v38 =	vld [tilespmem:s12+$0x14850];
	v46 =	vor.u32 v2, v8  }
0x2cb: {  	v58 =	vor.u32 v2, v57;
	v47 =	vadd.s32 $0x80, v17;
	vm11 =	vlt.f32 v51, $0.0e+00;
	[tilespmem:v6+s5+$0x0] =	vst.idx.add.f32.msk $0xffff, v35  }
0x2cc: {  	v60 =	vshll.u32 v53, $0x9;
	v41 =	vmul.f32 v5, v5;
	v35 =	vld [tilespmem:s12+$0xC850];
	v8 =	vor.u32 v2, v47  }
0x2cd: {  	vm12 =	vlt.f32 v54, $0.0e+00;
	v56 =	vsel vm11, $0x1, v1;
	[tilespmem:v3+s5+$0x0] =	vst.idx.add.f32.msk $0xffff, v7;
	v3 =	vshll.u32 v39, $0x9  }
0x2ce: {  	v59 =	vsel vm12, $0x1, v1;
	[tilespmem:v11+s5+$0x0] =	vst.idx.add.f32.msk $0xffff, v41;
	v7 =	vor.u32 v50, v3;
	v3 =	vor.u32 v2, v3  }
0x2cf: {  	s13 =	sand.u32 $0xFFFFF000, s9;
	v36 =	vsub.f32 v28, v29;
	v6 =	vshll.u32 v56, $0x7;
	[tilespmem:v46+s5+$0x0] =	vst.idx.add.f32.msk $0xffff, v5;
	v7 =	vadd.s32 $0x80, v7  }
0x2d0: {  	v62 =	vmul.f32 v9, v9;
	v6 =	vor.u32 v6, v57;
	v39 =	vld [tilespmem:s12+$0x4860];
	s12 =	sadd.s32 s13, s11;
	v55 =	vor.u32 v2, v7  }
0x2d1: {  	vm4 =	vlt.f32 v36, $0.0e+00;
	v6 =	vadd.s32 $0x80, v6;
	[tilespmem:v8+s5+$0x0] =	vst.idx.add.f32.msk $0xffff, v37;
	s14 =	sor.u32 $0x4C00, s12;
	v7 =	vshll.u32 v59, $0x7  }
0x2d2: {  	v6 =	vor.u32 v2, v6;
	v8 =	vor.u32 v2, v60;
	v7 =	vor.u32 v7, v60;
	v60 =	vld [tilespmem:s14+$0x10000]  }
0x2d3: {  	v13 =	vshll.u32 v32, $0x9;
	v41 =	vsel vm4, $0x1, v1;
	[tilespmem:v3+s5+$0x0] =	vst.idx.add.f32.msk $0xffff, v62  }
0x2d4: {  	v17 =	vshll.u32 v41, $0x7;
	v7 =	vadd.s32 $0x80, v7;
	v3 =	vmul.f32 v51, v51;
	v62 =	vld [tilespmem:s14+$0x0]  }
0x2d5: {  	v17 =	vor.u32 v17, v13;
	v7 =	vor.u32 v2, v7;
	[tilespmem:v55+s5+$0x0] =	vst.idx.add.f32.msk $0xffff, v9  }
0x2d6: {  	v13 =	vor.u32 v2, v13;
	[tilespmem:v58+s5+$0x0] =	vst.idx.add.f32.msk $0xffff, v3;
	v3 =	vmul.f32 v54, v54  }
0x2d7: {  	[tilespmem:v6+s5+$0x0] =	vst.idx.add.f32.msk $0xffff, v51  }
0x2d8: {  	v19 =	vshll.u32 v61, $0x9;
	[tilespmem:v8+s5+$0x0] =	vst.idx.add.f32.msk $0xffff, v3;
	v3 =	vsub.f32 v63, v18  }
0x2d9: {  	v20 =	vor.u32 v2, v19;
	v51 =	vmul.f32 v36, v36;
	v63 =	vld [tilespmem:s14+$0x8000]  }
0x2da: {  	[tilespmem:v7+s5+$0x0] =	vst.idx.add.f32.msk $0xffff, v54;
	vm13 =	vlt.f32 v3, $0.0e+00  }
0x2db: {  	s14 =	sor.u32 $0x4C20, s12;
	[tilespmem:v13+s5+$0x0] =	vst.idx.add.f32.msk $0xffff, v51;
	v24 =	vsel vm13, $0x1, v1  }
0x2dc: {  	s13 =	sor.u32 $0x4C10, s12;
	v7 =	vsub.f32 v22, v23;
	v22 =	vld [tilespmem:s14+$0x8000];
	v21 =	vmul.f32 v3, v3;
	v5 =	vshll.u32 v24, $0x7  }
0x2dd: {  	v23 =	vld [tilespmem:s13+$0x10000];
	v4 =	vor.u32 v5, v19  }
0x2de: {  	v53 =	vsub.f32 v43, v44;
	[tilespmem:v20+s5+$0x0] =	vst.idx.add.f32.msk $0xffff, v21;
	v4 =	vadd.s32 $0x80, v4  }
0x2df: {  	v20 =	vld [tilespmem:s13+$0x8000];
	v4 =	vor.u32 v2, v4  }
0x2e0: {  	vm7 =	vlt.f32 v53, $0.0e+00;
	v56 =	vshll.u32 v48, $0x9;
	vm14 =	vlt.f32 v7, $0.0e+00;
	v21 =	vld [tilespmem:s14+$0x0]  }
0x2e1: {  	v57 =	vor.u32 v2, v56;
	v11 =	vshll.u32 v30, $0x9;
	v31 =	vsel vm14, $0x1, v1;
	v24 =	vld [tilespmem:s14+$0x10000]  }
0x2e2: {  	v6 =	vshll.u32 v25, $0x9;
	s14 =	sor.u32 $0x4C30, s12;
	v12 =	vshll.u32 v31, $0x7;
	v5 =	vsub.f32 v26, v27;
	v19 =	vld [tilespmem:s13+$0x0]  }
0x2e3: {  	v46 =	vadd.s32 $0x80, v17;
	v50 =	vsub.f32 v39, v42;
	v26 =	vld [tilespmem:s14+$0x0];
	v12 =	vor.u32 v12, v6  }
0x2e4: {  	v6 =	vor.u32 v2, v6;
	vm15 =	vlt.f32 v5, $0.0e+00;
	[tilespmem:v4+s5+$0x0] =	vst.idx.add.f32.msk $0xffff, v3;
	v3 =	vadd.s32 $0x80, v12  }
0x2e5: {  	v59 =	vshll.u32 v52, $0x9;
	v27 =	vld [tilespmem:s14+$0x8000];
	v37 =	vsel vm15, $0x1, v1;
	v3 =	vor.u32 v2, v3  }
0x2e6: {  	vm6 =	vlt.f32 v50, $0.0e+00;
	v9 =	vsub.f32 v33, v35;
	v29 =	vld [tilespmem:s14+$0x10000];
	s14 =	sor.u32 $0x4C40, s12;
	v8 =	vshll.u32 v37, $0x7  }
0x2e7: {  	v55 =	vsel vm6, $0x1, v1;
	v34 =	vmul.f32 v7, v7;
	v30 =	vld [tilespmem:s14+$0x0];
	v8 =	vor.u32 v8, v11  }
0x2e8: {  	vm5 =	vlt.f32 v9, $0.0e+00;
	v31 =	vld [tilespmem:s14+$0x8000];
	v11 =	vor.u32 v2, v11;
	v8 =	vadd.s32 $0x80, v8  }
0x2e9: {  	v47 =	vsel vm5, $0x1, v1;
	[tilespmem:v6+s5+$0x0] =	vst.idx.add.f32.msk $0xffff, v34;
	v45 =	vor.u32 v2, v8;
	v8 =	vor.u32 v2, v46  }
0x2ea: {  	v58 =	vsel vm7, $0x1, v1;
	v49 =	vshll.u32 v47, $0x7;
	[tilespmem:v3+s5+$0x0] =	vst.idx.add.f32.msk $0xffff, v7;
	v3 =	vshll.u32 v38, $0x9  }
0x2eb: {  	v61 =	vmul.f32 v9, v9;
	v40 =	vmul.f32 v5, v5;
	v34 =	vld [tilespmem:s14+$0x10000];
	s14 =	sor.u32 $0x4C50, s12;
	v7 =	vor.u32 v49, v3  }
0x2ec: {  	v6 =	vshll.u32 v55, $0x7;
	v35 =	vld [tilespmem:s14+$0x0];
	v3 =	vor.u32 v2, v3;
	v7 =	vadd.s32 $0x80, v7  }
0x2ed: {  	v16 =	vshll.u32 v60, $0x9;
	v6 =	vor.u32 v6, v56;
	[tilespmem:v11+s5+$0x0] =	vst.idx.add.f32.msk $0xffff, v40;
	v54 =	vor.u32 v2, v7  }
0x2ee: {  	v17 =	vor.u32 v2, v16;
	v6 =	vadd.s32 $0x80, v6;
	[tilespmem:v8+s5+$0x0] =	vst.idx.add.f32.msk $0xffff, v36;
	v7 =	vshll.u32 v58, $0x7  }
0x2ef: {  	v13 =	vsub.f32 v30, v31;
	v6 =	vor.u32 v2, v6;
	v36 =	vld [tilespmem:s14+$0x8000];
	v7 =	vor.u32 v7, v59  }
0x2f0: {  	v11 =	vsub.f32 v26, v27;
	[tilespmem:v45+s5+$0x0] =	vst.idx.add.f32.msk $0xffff, v5;
	v8 =	vor.u32 v2, v59;
	v7 =	vadd.s32 $0x80, v7  }
0x2f1: {  	vm12 =	vlt.f32 v13, $0.0e+00;
	[tilespmem:v3+s5+$0x0] =	vst.idx.add.f32.msk $0xffff, v61;
	v3 =	vmul.f32 v50, v50;
	v7 =	vor.u32 v2, v7  }
0x2f2: {  	v42 =	vmul.f32 v13, v13;
	v41 =	vsel vm12, $0x1, v1;
	v43 =	vshll.u32 v34, $0x9;
	[tilespmem:v54+s5+$0x0] =	vst.idx.add.f32.msk $0xffff, v9  }
0x2f3: {  	v5 =	vsub.f32 v21, v22;
	vm11 =	vlt.f32 v11, $0.0e+00;
	[tilespmem:v57+s5+$0x0] =	vst.idx.add.f32.msk $0xffff, v3;
	v3 =	vmul.f32 v53, v53  }
0x2f4: {  	v46 =	vor.u32 v2, v43;
	v21 =	vsel vm11, $0x1, v1;
	v12 =	vsub.f32 v35, v36;
	[tilespmem:v6+s5+$0x0] =	vst.idx.add.f32.msk $0xffff, v50  }
0x2f5: {  	vm10 =	vlt.f32 v5, $0.0e+00;
	v37 =	vmul.f32 v5, v5;
	v21 =	vshll.u32 v21, $0x7;
	[tilespmem:v8+s5+$0x0] =	vst.idx.add.f32.msk $0xffff, v3  }
0x2f6: {  	v33 =	vsel vm10, $0x1, v1;
	vm13 =	vlt.f32 v12, $0.0e+00;
	v59 =	vmul.f32 v12, v12;
	[tilespmem:v7+s5+$0x0] =	vst.idx.add.f32.msk $0xffff, v53  }
0x2f7: {  	v44 =	vsel vm13, $0x1, v1;
	v9 =	vshll.u32 v23, $0x9;
	v7 =	vsub.f32 v19, v20;
	v20 =	vld [tilespmem:s14+$0x10000];
	s14 =	sor.u32 $0x4C60, s12  }
0x2f8: {  	v23 =	vmul.f32 v11, v11;
	v6 =	vshll.u32 v29, $0x9;
	v3 =	vsub.f32 v62, v63;
	v22 =	vld [tilespmem:s14+$0x0]  }
0x2f9: {  	v8 =	vshll.u32 v24, $0x9;
	v24 =	vor.u32 v2, v6;
	v6 =	vor.u32 v21, v6;
	s12 =	sor.u32 $0x4C70, s12;
	v38 =	vld [tilespmem:s14+$0x8000]  }
0x2fa: {  	v48 =	vshll.u32 v44, $0x7;
	v6 =	vadd.s32 $0x80, v6;
	vm8 =	vlt.f32 v3, $0.0e+00;
	v39 =	vld [tilespmem:s12+$0x0]  }
0x2fb: {  	v18 =	vmul.f32 v3, v3;
	v40 =	vld [tilespmem:s12+$0x8000];
	v25 =	vsel vm8, $0x1, v1;
	vm9 =	vlt.f32 v7, $0.0e+00  }
0x2fc: {  	v45 =	vld [tilespmem:s14+$0x10000];
	v32 =	vmul.f32 v7, v7;
	v10 =	vshll.u32 v25, $0x7;
	v28 =	vsel vm9, $0x1, v1  }
0x2fd: {  	v50 =	vld [tilespmem:s12+$0x10000];
	v4 =	vor.u32 v10, v16;
	v10 =	vshll.u32 v28, $0x7;
	v16 =	vshll.u32 v33, $0x7  }
0x2fe: {  	[tilespmem:v46+s5+$0x0] =	vst.idx.add.f32.msk $0xffff, v42;
	v4 =	vadd.s32 $0x80, v4;
	v10 =	vor.u32 v10, v9;
	v9 =	vor.u32 v2, v9  }
0x2ff: {  	v16 =	vor.u32 v16, v8;
	v8 =	vor.u32 v2, v8;
	v4 =	vor.u32 v2, v4  }
0x300: {  	[tilespmem:v17+s5+$0x0] =	vst.idx.add.f32.msk $0xffff, v18;
	v47 =	vshll.u32 v20, $0x9;
	v10 =	vadd.s32 $0x80, v10;
	v16 =	vadd.s32 $0x80, v16  }
0x301: {  	v14 =	vsub.f32 v22, v38;
	v49 =	vsub.f32 v39, v40;
	v52 =	vor.u32 v2, v47  }
0x302: {  	[tilespmem:v24+s5+$0x0] =	vst.idx.add.f32.msk $0xffff, v23;
	v54 =	vshll.u32 v45, $0x9;
	v57 =	vshll.u32 v50, $0x9;
	v10 =	vor.u32 v2, v10  }
0x303: {  	v16 =	vor.u32 v2, v16;
	v55 =	vor.u32 v2, v54;
	v60 =	vor.u32 v2, v57  }
0x304: {  	vm14 =	vlt.f32 v14, $0.0e+00;
	vm15 =	vlt.f32 v49, $0.0e+00;
	[tilespmem:v4+s5+$0x0] =	vst.idx.add.f32.msk $0xffff, v3;
	v3 =	vor.u32 v2, v6  }
0x305: {  	v62 =	vmul.f32 v14, v14;
	v53 =	vsel vm14, $0x1, v1;
	[tilespmem:v9+s5+$0x0] =	vst.idx.add.f32.msk $0xffff, v32;
	v4 =	vshll.u32 v41, $0x7  }
0x306: {  	v56 =	vsel vm15, $0x1, v1;
	[tilespmem:v8+s5+$0x0] =	vst.idx.add.f32.msk $0xffff, v37;
	v9 =	vshll.u32 v53, $0x7;
	v4 =	vor.u32 v4, v43  }
0x307: {  	v58 =	vshll.u32 v56, $0x7;
	[tilespmem:v10+s5+$0x0] =	vst.idx.add.f32.msk $0xffff, v7;
	v10 =	vor.u32 v48, v47;
	v4 =	vadd.s32 $0x80, v4  }
0x308: {  	[tilespmem:v52+s5+$0x0] =	vst.idx.add.f32.msk $0xffff, v59;
	v7 =	vor.u32 v58, v57;
	v51 =	vadd.s32 $0x80, v10;
	v4 =	vor.u32 v2, v4  }
0x309: {  	v61 =	vadd.s32 $0x80, v7;
	v8 =	vor.u32 v2, v51;
	[tilespmem:v3+s5+$0x0] =	vst.idx.add.f32.msk $0xffff, v11;
	v3 =	vor.u32 v9, v54  }
0x30a: {  	s10 =	sadd.s32 $0x20, s10;
	v63 =	vmul.f32 v49, v49;
	[tilespmem:v16+s5+$0x0] =	vst.idx.add.f32.msk $0xffff, v5;
	v6 =	vor.u32 v2, v61;
	v3 =	vadd.s32 $0x80, v3  }
0x30b: {  	p0 =	slt.u32 s10, $0x3E0;
	[tilespmem:v55+s5+$0x0] =	vst.idx.add.f32.msk $0xffff, v62;
	v3 =	vor.u32 v2, v3  }
.Ltmp3:
0x30c: {  	[tilespmem:v60+s5+$0x0] =	vst.idx.add.f32.msk $0xffff, v63;
	(pc) =	sbr.rel @p0 .LBB2_8-.Ltmp3, $4  }
0x30d: {  	[tilespmem:v4+s5+$0x0] =	vst.idx.add.f32.msk $0xffff, v13  }
0x30e: {  	[tilespmem:v8+s5+$0x0] =	vst.idx.add.f32.msk $0xffff, v12  }
0x30f: {  	[tilespmem:v6+s5+$0x0] =	vst.idx.add.f32.msk $0xffff, v49  }
0x310: {  	s9 =	sadd.s32 $0x200, s9;
	s11 =	sadd.s32 $0x80, s11;
	[tilespmem:v3+s5+$0x0] =	vst.idx.add.f32.msk $0xffff, v14  }
0x311: {  	[tilespmem:s1], [sflag:$0x2] =	stream.strided.gather [hbm4b:s16+s30], $0x4000, s31, s30, $0x38;
	[tilespmem:$0x19000] =	vst v63  }
0x312: {  	_ = 	snop  }
0x313: {  	[tilespmem:s2], [sflag:$0x2] =	stream.strided.gather [hbm4b:s17+s30], $0x4000, s31, s30, $0x38;
	[tilespmem:$0x19000] =	vst v63  }
0x314: {  	_ = 	snop  }
0x315: {  	[tilespmem:s3], [sflag:$0x2] =	stream.strided.gather [hbm4b:s18+s30], $0x4000, s31, s30, $0x38;
	[tilespmem:$0x19000] =	vst v63  }
0x316: {  	_ =	swait.ge [sflag:s4], $0x4000  }
0x317: {  	[sflag:s4] =	ssyncset.done $0x0  }
0x318: {  	[sflag:s4] =	ssyncadd.s32 $0xFFFFC000  }
0x319: {  	_ =	swait.ge [sflag:s4], $0x4000  }
0x31a: {  	[sflag:s4] =	ssyncset.done $0x0  }
0x31b: {  	[sflag:s4] =	ssyncadd.s32 $0xFFFFC000  }
0x31c: {  	_ =	swait.ge [sflag:s4], $0x4000  }
0x31d: {  	s9 =	simm.s32 $0xFFFFFFE0;
	[sflag:s4] =	ssyncset.done $0x0  }
0x31e: {  	s10 =	simm.s32 $0x0;
	s11 =	simm.s32 $0x0;
	[sflag:s4] =	ssyncadd.s32 $0xFFFFC000  }
.LBB2_10:
0x31f: {  	s12 =	sand.u32 $0x3000, s10;
	s13 =	sand.u32 $0x380, s11  }
0x320: {  	s12 =	sor.u32 s13, s12  }
0x321: {  	v3 =	vld [tilespmem:s12+$0x0]  }
0x322: {  	v4 =	vld [tilespmem:s12+$0x8000]  }
0x323: {  	v5 =	vld [tilespmem:s12+$0x10000]  }
0x324: {  	v6 =	vld [tilespmem:s12+$0x10]  }
0x325: {  	v7 =	vld [tilespmem:s12+$0x8010]  }
0x326: {  	v18 =	vld [tilespmem:s12+$0x20]  }
0x327: {  	v8 =	vld [tilespmem:s12+$0x8020]  }
0x328: {  	v11 =	vld [tilespmem:s12+$0x10010]  }
0x329: {  	v20 =	vld [tilespmem:s12+$0x10020]  }
0x32a: {  	v12 =	vld [tilespmem:s12+$0x10030]  }
0x32b: {  	v14 =	vld [tilespmem:s12+$0x30]  }
0x32c: {  	v15 =	vld [tilespmem:s12+$0x8030]  }
0x32d: {  	v28 =	vld [tilespmem:s12+$0x40]  }
0x32e: {  	v29 =	vld [tilespmem:s12+$0x8040]  }
0x32f: {  	v31 =	vld [tilespmem:s12+$0x10040]  }
0x330: {  	v32 =	vld [tilespmem:s12+$0x50]  }
0x331: {  	v33 =	vld [tilespmem:s12+$0x8050]  }
0x332: {  	v34 =	vld [tilespmem:s12+$0x60]  }
0x333: {  	v35 =	vld [tilespmem:s12+$0x8060]  }
0x334: {  	v36 =	vld [tilespmem:s12+$0x10050]  }
0x335: {  	v38 =	vld [tilespmem:s12+$0x10060]  }
0x336: {  	v39 =	vld [tilespmem:s12+$0x70]  }
0x337: {  	v41 =	vld [tilespmem:s12+$0x8070]  }
0x338: {  	v44 =	vld [tilespmem:s12+$0x10070]  }
0x339: {  	v45 =	vld [tilespmem:s12+$0x400]  }
0x33a: {  	v46 =	vld [tilespmem:s12+$0x410]  }
0x33b: {  	v50 =	vld [tilespmem:s12+$0x10400]  }
0x33c: {  	v3 =	vsub.f32 v3, v4;
	v10 =	vshll.u32 v5, $0x2;
	v4 =	vsub.f32 v18, v8;
	v18 =	vld [tilespmem:s12+$0x8400]  }
0x33d: {  	v54 =	vld [tilespmem:s12+$0x10410];
	v6 =	vsub.f32 v6, v7;
	v5 =	vshll.u32 v5, $0x9;
	v22 =	vshll.u32 v11, $0x9  }
0x33e: {  	v62 =	vld [tilespmem:s12+$0x10420];
	v5 =	vor.u32 v2, v5;
	vm0 =	vlt.f32 v3, $0.0e+00;
	vm10 =	vlt.f32 v4, $0.0e+00  }
0x33f: {  	v42 =	vsub.f32 v34, v35;
	v34 =	vld [tilespmem:s12+$0x460];
	v9 =	vsel vm0, $0x1, v1;
	v23 =	vsel vm10, $0x1, v1  }
0x340: {  	v11 =	vor.u32 v2, v22;
	v9 =	vor.u32 v10, v9;
	v10 =	vshll.u32 v23, $0x7;
	v23 =	vld [tilespmem:s12+$0x430]  }
0x341: {  	vm9 =	vlt.f32 v6, $0.0e+00;
	v13 =	vmul.f32 v3, v3;
	v52 =	vsub.f32 v45, v18;
	v18 =	vld [tilespmem:s12+$0x420]  }
0x342: {  	v21 =	vsel vm9, $0x1, v1;
	v45 =	vld [tilespmem:s12+$0x8800]  }
0x343: {  	v24 =	vmul.f32 v6, v6;
	v8 =	vshll.u32 v21, $0x7;
	v19 =	vadd.s32 $0x1, v9;
	[tilespmem:v5+s5+$0x0] =	vst.idx.add.f32.msk $0xffff, v13  }
0x344: {  	vm14 =	vlt.f32 v42, $0.0e+00;
	v8 =	vor.u32 v8, v22;
	v7 =	vshll.u32 v19, $0x7;
	v19 =	vld [tilespmem:s12+$0x8410]  }
0x345: {  	v17 =	vsel vm14, $0x1, v1;
	v8 =	vadd.s32 $0x80, v8;
	[tilespmem:v11+s5+$0x0] =	vst.idx.add.f32.msk $0xffff, v24;
	v7 =	vor.u32 v2, v7  }
0x346: {  	v17 =	vshll.u32 v17, $0x7;
	v13 =	vshll.u32 v38, $0x9;
	v24 =	vld [tilespmem:s12+$0x8430];
	v8 =	vor.u32 v2, v8  }
0x347: {  	v5 =	vsub.f32 v32, v33;
	v33 =	vld [tilespmem:s12+$0x10450];
	v17 =	vor.u32 v17, v13;
	v13 =	vor.u32 v2, v13  }
0x348: {  	v11 =	vshll.u32 v36, $0x9;
	v36 =	vld [tilespmem:s12+$0x8460]  }
0x349: {  	v55 =	vsub.f32 v46, v19;
	v19 =	vld [tilespmem:s12+$0x8420]  }
0x34a: {  	v53 =	vmul.f32 v42, v42;
	v9 =	vshll.u32 v20, $0x9;
	[tilespmem:v7+s5+$0x0] =	vst.idx.add.f32.msk $0xffff, v3  }
0x34b: {  	v10 =	vor.u32 v10, v9;
	v9 =	vor.u32 v2, v9;
	[tilespmem:v8+s5+$0x0] =	vst.idx.add.f32.msk $0xffff, v6  }
0x34c: {  	[tilespmem:v13+s5+$0x0] =	vst.idx.add.f32.msk $0xffff, v53  }
0x34d: {  	v7 =	vsub.f32 v28, v29;
	v28 =	vld [tilespmem:s12+$0x8440]  }
0x34e: {  	v10 =	vadd.s32 $0x80, v10;
	v3 =	vmul.f32 v4, v4;
	v29 =	vld [tilespmem:s12+$0x450]  }
0x34f: {  	v10 =	vor.u32 v2, v10;
	vm13 =	vlt.f32 v5, $0.0e+00;
	v6 =	vshll.u32 v31, $0x9;
	v31 =	vld [tilespmem:s12+$0x10440]  }
0x350: {  	v25 =	vshll.u32 v12, $0x9;
	v43 =	vsel vm13, $0x1, v1;
	[tilespmem:v9+s5+$0x0] =	vst.idx.add.f32.msk $0xffff, v3;
	v3 =	vsub.f32 v14, v15  }
0x351: {  	v26 =	vor.u32 v2, v25;
	v8 =	vshll.u32 v43, $0x7;
	v43 =	vld [tilespmem:s12+$0x8470]  }
0x352: {  	v53 =	vld [tilespmem:s12+$0x10800];
	v8 =	vor.u32 v8, v11;
	v11 =	vor.u32 v2, v11;
	vm11 =	vlt.f32 v3, $0.0e+00  }
0x353: {  	v13 =	vshll.u32 v33, $0x9;
	v33 =	vld [tilespmem:s12+$0x850];
	v30 =	vsel vm11, $0x1, v1  }
0x354: {  	[tilespmem:v10+s5+$0x0] =	vst.idx.add.f32.msk $0xffff, v4;
	v27 =	vmul.f32 v3, v3;
	v4 =	vshll.u32 v30, $0x7  }
0x355: {  	v16 =	vmul.f32 v5, v5;
	v9 =	vsub.f32 v39, v41;
	v39 =	vld [tilespmem:s12+$0x10460];
	v4 =	vor.u32 v4, v25  }
0x356: {  	[tilespmem:v26+s5+$0x0] =	vst.idx.add.f32.msk $0xffff, v27;
	v4 =	vadd.s32 $0x80, v4  }
0x357: {  	vm12 =	vlt.f32 v7, $0.0e+00;
	v8 =	vadd.s32 $0x80, v8;
	[tilespmem:v11+s5+$0x0] =	vst.idx.add.f32.msk $0xffff, v16;
	v4 =	vor.u32 v2, v4  }
0x358: {  	v48 =	vadd.s32 $0x80, v17;
	v37 =	vsel vm12, $0x1, v1;
	v47 =	vor.u32 v2, v8;
	v26 =	vld [tilespmem:s12+$0x10430]  }
0x359: {  	v8 =	vor.u32 v2, v48;
	v12 =	vshll.u32 v37, $0x7;
	vm15 =	vlt.f32 v9, $0.0e+00;
	v27 =	vld [tilespmem:s12+$0x440]  }
0x35a: {  	v12 =	vor.u32 v12, v6;
	v6 =	vor.u32 v2, v6;
	v49 =	vsel vm15, $0x1, v1;
	v30 =	vld [tilespmem:s12+$0x8450]  }
0x35b: {  	v51 =	vshll.u32 v49, $0x7;
	v49 =	vld [tilespmem:s12+$0x10470]  }
0x35c: {  	[tilespmem:v4+s5+$0x0] =	vst.idx.add.f32.msk $0xffff, v3;
	v3 =	vadd.s32 $0x80, v12  }
0x35d: {  	v40 =	vmul.f32 v7, v7;
	[tilespmem:v47+s5+$0x0] =	vst.idx.add.f32.msk $0xffff, v5;
	v3 =	vor.u32 v2, v3  }
0x35e: {  	[tilespmem:v8+s5+$0x0] =	vst.idx.add.f32.msk $0xffff, v42  }
0x35f: {  	v58 =	vshll.u32 v50, $0x9;
	[tilespmem:v6+s5+$0x0] =	vst.idx.add.f32.msk $0xffff, v40  }
0x360: {  	v61 =	vshll.u32 v54, $0x9;
	v59 =	vor.u32 v2, v58;
	v40 =	vld [tilespmem:s12+$0x470]  }
0x361: {  	vm4 =	vlt.f32 v52, $0.0e+00;
	vm5 =	vlt.f32 v55, $0.0e+00;
	v37 =	vsub.f32 v29, v30;
	v29 =	vld [tilespmem:s12+$0x8840]  }
0x362: {  	v57 =	vsel vm4, $0x1, v1;
	v60 =	vsel vm5, $0x1, v1;
	v63 =	vmul.f32 v9, v9;
	[tilespmem:v3+s5+$0x0] =	vst.idx.add.f32.msk $0xffff, v7  }
0x363: {  	v6 =	vshll.u32 v57, $0x7;
	vm9 =	vlt.f32 v37, $0.0e+00;
	v3 =	vshll.u32 v44, $0x9;
	v44 =	vld [tilespmem:s12+$0x800]  }
0x364: {  	v30 =	vld [tilespmem:s12+$0x10830];
	v42 =	vsel vm9, $0x1, v1;
	v7 =	vor.u32 v51, v3;
	v3 =	vor.u32 v2, v3  }
0x365: {  	v6 =	vor.u32 v6, v58;
	v17 =	vshll.u32 v42, $0x7;
	v42 =	vld [tilespmem:s12+$0x8860];
	v7 =	vadd.s32 $0x80, v7  }
0x366: {  	v51 =	vsub.f32 v40, v43;
	v43 =	vld [tilespmem:s12+$0x870];
	v56 =	vor.u32 v2, v7;
	v7 =	vshll.u32 v60, $0x7  }
0x367: {  	v8 =	vor.u32 v2, v61;
	v6 =	vadd.s32 $0x80, v6;
	v7 =	vor.u32 v7, v61;
	v61 =	vld [tilespmem:s12+$0x10810]  }
0x368: {  	v6 =	vor.u32 v2, v6;
	v54 =	vsub.f32 v44, v45;
	v44 =	vld [tilespmem:s12+$0x8870]  }
0x369: {  	[tilespmem:v3+s5+$0x0] =	vst.idx.add.f32.msk $0xffff, v63  }
0x36a: {  	v3 =	vmul.f32 v52, v52;
	v63 =	vld [tilespmem:s12+$0x810]  }
0x36b: {  	v7 =	vadd.s32 $0x80, v7;
	[tilespmem:v56+s5+$0x0] =	vst.idx.add.f32.msk $0xffff, v9  }
0x36c: {  	v7 =	vor.u32 v2, v7;
	[tilespmem:v59+s5+$0x0] =	vst.idx.add.f32.msk $0xffff, v3;
	v3 =	vmul.f32 v55, v55  }
0x36d: {  	v17 =	vor.u32 v17, v13;
	v13 =	vor.u32 v2, v13;
	[tilespmem:v6+s5+$0x0] =	vst.idx.add.f32.msk $0xffff, v52  }
0x36e: {  	[tilespmem:v8+s5+$0x0] =	vst.idx.add.f32.msk $0xffff, v3;
	v3 =	vsub.f32 v18, v19  }
0x36f: {  	v6 =	vshll.u32 v26, $0x9;
	v26 =	vld [tilespmem:s12+$0x830]  }
0x370: {  	v20 =	vshll.u32 v62, $0x9;
	v52 =	vmul.f32 v37, v37;
	v18 =	vld [tilespmem:s12+$0x8810];
	vm6 =	vlt.f32 v3, $0.0e+00  }
0x371: {  	v21 =	vor.u32 v2, v20;
	v9 =	vsub.f32 v34, v36;
	[tilespmem:v7+s5+$0x0] =	vst.idx.add.f32.msk $0xffff, v55;
	v25 =	vsel vm6, $0x1, v1  }
0x372: {  	[tilespmem:v13+s5+$0x0] =	vst.idx.add.f32.msk $0xffff, v52;
	v5 =	vshll.u32 v25, $0x7  }
0x373: {  	vm10 =	vlt.f32 v9, $0.0e+00;
	v7 =	vsub.f32 v23, v24;
	v23 =	vld [tilespmem:s12+$0x8820];
	v4 =	vor.u32 v5, v20  }
0x374: {  	v48 =	vsel vm10, $0x1, v1;
	v52 =	vld [tilespmem:s12+$0x10870];
	v22 =	vmul.f32 v3, v3;
	v4 =	vadd.s32 $0x80, v4  }
0x375: {  	v50 =	vshll.u32 v48, $0x7;
	v48 =	vld [tilespmem:s12+$0x10860];
	v4 =	vor.u32 v2, v4  }
0x376: {  	vm7 =	vlt.f32 v7, $0.0e+00;
	[tilespmem:v21+s5+$0x0] =	vst.idx.add.f32.msk $0xffff, v22;
	v5 =	vsub.f32 v27, v28  }
0x377: {  	v32 =	vsel vm7, $0x1, v1;
	v22 =	vld [tilespmem:s12+$0x820]  }
0x378: {  	v25 =	vld [tilespmem:s12+$0x10820];
	v12 =	vshll.u32 v32, $0x7;
	vm8 =	vlt.f32 v5, $0.0e+00  }
0x379: {  	v27 =	vld [tilespmem:s12+$0x8830];
	v12 =	vor.u32 v12, v6;
	v6 =	vor.u32 v2, v6;
	v38 =	vsel vm8, $0x1, v1  }
0x37a: {  	v11 =	vshll.u32 v31, $0x9;
	v8 =	vshll.u32 v38, $0x7;
	[tilespmem:v4+s5+$0x0] =	vst.idx.add.f32.msk $0xffff, v3;
	v3 =	vadd.s32 $0x80, v12  }
0x37b: {  	v28 =	vld [tilespmem:s12+$0x840];
	v8 =	vor.u32 v8, v11;
	v3 =	vor.u32 v2, v3  }
0x37c: {  	v35 =	vmul.f32 v7, v7;
	v32 =	vld [tilespmem:s12+$0x10840];
	v11 =	vor.u32 v2, v11;
	v8 =	vadd.s32 $0x80, v8  }
0x37d: {  	v57 =	vshll.u32 v49, $0x9;
	v38 =	vld [tilespmem:s12+$0x10850];
	v46 =	vor.u32 v2, v8  }
0x37e: {  	v58 =	vor.u32 v2, v57;
	v47 =	vadd.s32 $0x80, v17;
	vm11 =	vlt.f32 v51, $0.0e+00;
	[tilespmem:v6+s5+$0x0] =	vst.idx.add.f32.msk $0xffff, v35  }
0x37f: {  	v60 =	vshll.u32 v53, $0x9;
	v41 =	vmul.f32 v5, v5;
	v35 =	vld [tilespmem:s12+$0x8850];
	v8 =	vor.u32 v2, v47  }
0x380: {  	vm12 =	vlt.f32 v54, $0.0e+00;
	v56 =	vsel vm11, $0x1, v1;
	[tilespmem:v3+s5+$0x0] =	vst.idx.add.f32.msk $0xffff, v7;
	v3 =	vshll.u32 v39, $0x9  }
0x381: {  	v59 =	vsel vm12, $0x1, v1;
	[tilespmem:v11+s5+$0x0] =	vst.idx.add.f32.msk $0xffff, v41;
	v7 =	vor.u32 v50, v3;
	v3 =	vor.u32 v2, v3  }
0x382: {  	s13 =	sand.u32 $0xFFFFF000, s10;
	v36 =	vsub.f32 v28, v29;
	v6 =	vshll.u32 v56, $0x7;
	[tilespmem:v46+s5+$0x0] =	vst.idx.add.f32.msk $0xffff, v5;
	v7 =	vadd.s32 $0x80, v7  }
0x383: {  	v62 =	vmul.f32 v9, v9;
	v6 =	vor.u32 v6, v57;
	v39 =	vld [tilespmem:s12+$0x860];
	s12 =	sadd.s32 s13, s11;
	v55 =	vor.u32 v2, v7  }
0x384: {  	vm4 =	vlt.f32 v36, $0.0e+00;
	v6 =	vadd.s32 $0x80, v6;
	[tilespmem:v8+s5+$0x0] =	vst.idx.add.f32.msk $0xffff, v37;
	s14 =	sor.u32 $0xC00, s12;
	v7 =	vshll.u32 v59, $0x7  }
0x385: {  	v6 =	vor.u32 v2, v6;
	v8 =	vor.u32 v2, v60;
	v7 =	vor.u32 v7, v60;
	v60 =	vld [tilespmem:s14+$0x10000]  }
0x386: {  	v13 =	vshll.u32 v32, $0x9;
	v41 =	vsel vm4, $0x1, v1;
	[tilespmem:v3+s5+$0x0] =	vst.idx.add.f32.msk $0xffff, v62  }
0x387: {  	v17 =	vshll.u32 v41, $0x7;
	v7 =	vadd.s32 $0x80, v7;
	v3 =	vmul.f32 v51, v51;
	v62 =	vld [tilespmem:s14+$0x0]  }
0x388: {  	v17 =	vor.u32 v17, v13;
	v7 =	vor.u32 v2, v7;
	[tilespmem:v55+s5+$0x0] =	vst.idx.add.f32.msk $0xffff, v9  }
0x389: {  	v13 =	vor.u32 v2, v13;
	[tilespmem:v58+s5+$0x0] =	vst.idx.add.f32.msk $0xffff, v3;
	v3 =	vmul.f32 v54, v54  }
0x38a: {  	[tilespmem:v6+s5+$0x0] =	vst.idx.add.f32.msk $0xffff, v51  }
0x38b: {  	v19 =	vshll.u32 v61, $0x9;
	[tilespmem:v8+s5+$0x0] =	vst.idx.add.f32.msk $0xffff, v3;
	v3 =	vsub.f32 v63, v18  }
0x38c: {  	v20 =	vor.u32 v2, v19;
	v51 =	vmul.f32 v36, v36;
	v63 =	vld [tilespmem:s14+$0x8000]  }
0x38d: {  	[tilespmem:v7+s5+$0x0] =	vst.idx.add.f32.msk $0xffff, v54;
	vm13 =	vlt.f32 v3, $0.0e+00  }
0x38e: {  	s14 =	sor.u32 $0xC20, s12;
	[tilespmem:v13+s5+$0x0] =	vst.idx.add.f32.msk $0xffff, v51;
	v24 =	vsel vm13, $0x1, v1  }
0x38f: {  	s13 =	sor.u32 $0xC10, s12;
	v7 =	vsub.f32 v22, v23;
	v22 =	vld [tilespmem:s14+$0x8000];
	v21 =	vmul.f32 v3, v3;
	v5 =	vshll.u32 v24, $0x7  }
0x390: {  	v23 =	vld [tilespmem:s13+$0x10000];
	v4 =	vor.u32 v5, v19  }
0x391: {  	v53 =	vsub.f32 v43, v44;
	[tilespmem:v20+s5+$0x0] =	vst.idx.add.f32.msk $0xffff, v21;
	v4 =	vadd.s32 $0x80, v4  }
0x392: {  	v20 =	vld [tilespmem:s13+$0x8000];
	v4 =	vor.u32 v2, v4  }
0x393: {  	vm7 =	vlt.f32 v53, $0.0e+00;
	v56 =	vshll.u32 v48, $0x9;
	vm14 =	vlt.f32 v7, $0.0e+00;
	v21 =	vld [tilespmem:s14+$0x0]  }
0x394: {  	v57 =	vor.u32 v2, v56;
	v11 =	vshll.u32 v30, $0x9;
	v31 =	vsel vm14, $0x1, v1;
	v24 =	vld [tilespmem:s14+$0x10000]  }
0x395: {  	v6 =	vshll.u32 v25, $0x9;
	s14 =	sor.u32 $0xC30, s12;
	v12 =	vshll.u32 v31, $0x7;
	v5 =	vsub.f32 v26, v27;
	v19 =	vld [tilespmem:s13+$0x0]  }
0x396: {  	v46 =	vadd.s32 $0x80, v17;
	v50 =	vsub.f32 v39, v42;
	v26 =	vld [tilespmem:s14+$0x0];
	v12 =	vor.u32 v12, v6  }
0x397: {  	v6 =	vor.u32 v2, v6;
	vm15 =	vlt.f32 v5, $0.0e+00;
	[tilespmem:v4+s5+$0x0] =	vst.idx.add.f32.msk $0xffff, v3;
	v3 =	vadd.s32 $0x80, v12  }
0x398: {  	v59 =	vshll.u32 v52, $0x9;
	v27 =	vld [tilespmem:s14+$0x8000];
	v37 =	vsel vm15, $0x1, v1;
	v3 =	vor.u32 v2, v3  }
0x399: {  	vm6 =	vlt.f32 v50, $0.0e+00;
	v9 =	vsub.f32 v33, v35;
	v29 =	vld [tilespmem:s14+$0x10000];
	s14 =	sor.u32 $0xC40, s12;
	v8 =	vshll.u32 v37, $0x7  }
0x39a: {  	v55 =	vsel vm6, $0x1, v1;
	v34 =	vmul.f32 v7, v7;
	v30 =	vld [tilespmem:s14+$0x0];
	v8 =	vor.u32 v8, v11  }
0x39b: {  	vm5 =	vlt.f32 v9, $0.0e+00;
	v31 =	vld [tilespmem:s14+$0x8000];
	v11 =	vor.u32 v2, v11;
	v8 =	vadd.s32 $0x80, v8  }
0x39c: {  	v47 =	vsel vm5, $0x1, v1;
	[tilespmem:v6+s5+$0x0] =	vst.idx.add.f32.msk $0xffff, v34;
	v45 =	vor.u32 v2, v8;
	v8 =	vor.u32 v2, v46  }
0x39d: {  	v58 =	vsel vm7, $0x1, v1;
	v49 =	vshll.u32 v47, $0x7;
	[tilespmem:v3+s5+$0x0] =	vst.idx.add.f32.msk $0xffff, v7;
	v3 =	vshll.u32 v38, $0x9  }
0x39e: {  	v61 =	vmul.f32 v9, v9;
	v40 =	vmul.f32 v5, v5;
	v34 =	vld [tilespmem:s14+$0x10000];
	s14 =	sor.u32 $0xC50, s12;
	v7 =	vor.u32 v49, v3  }
0x39f: {  	v6 =	vshll.u32 v55, $0x7;
	v35 =	vld [tilespmem:s14+$0x0];
	v3 =	vor.u32 v2, v3;
	v7 =	vadd.s32 $0x80, v7  }
0x3a0: {  	v16 =	vshll.u32 v60, $0x9;
	v6 =	vor.u32 v6, v56;
	[tilespmem:v11+s5+$0x0] =	vst.idx.add.f32.msk $0xffff, v40;
	v54 =	vor.u32 v2, v7  }
0x3a1: {  	v17 =	vor.u32 v2, v16;
	v6 =	vadd.s32 $0x80, v6;
	[tilespmem:v8+s5+$0x0] =	vst.idx.add.f32.msk $0xffff, v36;
	v7 =	vshll.u32 v58, $0x7  }
0x3a2: {  	v13 =	vsub.f32 v30, v31;
	v6 =	vor.u32 v2, v6;
	v36 =	vld [tilespmem:s14+$0x8000];
	v7 =	vor.u32 v7, v59  }
0x3a3: {  	v11 =	vsub.f32 v26, v27;
	[tilespmem:v45+s5+$0x0] =	vst.idx.add.f32.msk $0xffff, v5;
	v8 =	vor.u32 v2, v59;
	v7 =	vadd.s32 $0x80, v7  }
0x3a4: {  	vm12 =	vlt.f32 v13, $0.0e+00;
	[tilespmem:v3+s5+$0x0] =	vst.idx.add.f32.msk $0xffff, v61;
	v3 =	vmul.f32 v50, v50;
	v7 =	vor.u32 v2, v7  }
0x3a5: {  	v42 =	vmul.f32 v13, v13;
	v41 =	vsel vm12, $0x1, v1;
	v43 =	vshll.u32 v34, $0x9;
	[tilespmem:v54+s5+$0x0] =	vst.idx.add.f32.msk $0xffff, v9  }
0x3a6: {  	v5 =	vsub.f32 v21, v22;
	vm11 =	vlt.f32 v11, $0.0e+00;
	[tilespmem:v57+s5+$0x0] =	vst.idx.add.f32.msk $0xffff, v3;
	v3 =	vmul.f32 v53, v53  }
0x3a7: {  	v46 =	vor.u32 v2, v43;
	v21 =	vsel vm11, $0x1, v1;
	v12 =	vsub.f32 v35, v36;
	[tilespmem:v6+s5+$0x0] =	vst.idx.add.f32.msk $0xffff, v50  }
0x3a8: {  	vm10 =	vlt.f32 v5, $0.0e+00;
	v37 =	vmul.f32 v5, v5;
	v21 =	vshll.u32 v21, $0x7;
	[tilespmem:v8+s5+$0x0] =	vst.idx.add.f32.msk $0xffff, v3  }
0x3a9: {  	v33 =	vsel vm10, $0x1, v1;
	vm13 =	vlt.f32 v12, $0.0e+00;
	v59 =	vmul.f32 v12, v12;
	[tilespmem:v7+s5+$0x0] =	vst.idx.add.f32.msk $0xffff, v53  }
0x3aa: {  	v44 =	vsel vm13, $0x1, v1;
	v9 =	vshll.u32 v23, $0x9;
	v7 =	vsub.f32 v19, v20;
	v20 =	vld [tilespmem:s14+$0x10000];
	s14 =	sor.u32 $0xC60, s12  }
0x3ab: {  	v23 =	vmul.f32 v11, v11;
	v6 =	vshll.u32 v29, $0x9;
	v3 =	vsub.f32 v62, v63;
	v22 =	vld [tilespmem:s14+$0x0]  }
0x3ac: {  	v8 =	vshll.u32 v24, $0x9;
	v24 =	vor.u32 v2, v6;
	v6 =	vor.u32 v21, v6;
	s12 =	sor.u32 $0xC70, s12;
	v38 =	vld [tilespmem:s14+$0x8000]  }
0x3ad: {  	v48 =	vshll.u32 v44, $0x7;
	v6 =	vadd.s32 $0x80, v6;
	vm8 =	vlt.f32 v3, $0.0e+00;
	v39 =	vld [tilespmem:s12+$0x0]  }
0x3ae: {  	v18 =	vmul.f32 v3, v3;
	v40 =	vld [tilespmem:s12+$0x8000];
	v25 =	vsel vm8, $0x1, v1;
	vm9 =	vlt.f32 v7, $0.0e+00  }
0x3af: {  	v45 =	vld [tilespmem:s14+$0x10000];
	v32 =	vmul.f32 v7, v7;
	v10 =	vshll.u32 v25, $0x7;
	v28 =	vsel vm9, $0x1, v1  }
0x3b0: {  	v50 =	vld [tilespmem:s12+$0x10000];
	v4 =	vor.u32 v10, v16;
	v10 =	vshll.u32 v28, $0x7;
	v16 =	vshll.u32 v33, $0x7  }
0x3b1: {  	[tilespmem:v46+s5+$0x0] =	vst.idx.add.f32.msk $0xffff, v42;
	v4 =	vadd.s32 $0x80, v4;
	v10 =	vor.u32 v10, v9;
	v9 =	vor.u32 v2, v9  }
0x3b2: {  	v16 =	vor.u32 v16, v8;
	v8 =	vor.u32 v2, v8;
	v4 =	vor.u32 v2, v4  }
0x3b3: {  	[tilespmem:v17+s5+$0x0] =	vst.idx.add.f32.msk $0xffff, v18;
	v47 =	vshll.u32 v20, $0x9;
	v10 =	vadd.s32 $0x80, v10;
	v16 =	vadd.s32 $0x80, v16  }
0x3b4: {  	v14 =	vsub.f32 v22, v38;
	v49 =	vsub.f32 v39, v40;
	v52 =	vor.u32 v2, v47  }
0x3b5: {  	[tilespmem:v24+s5+$0x0] =	vst.idx.add.f32.msk $0xffff, v23;
	v54 =	vshll.u32 v45, $0x9;
	v57 =	vshll.u32 v50, $0x9;
	v10 =	vor.u32 v2, v10  }
0x3b6: {  	v16 =	vor.u32 v2, v16;
	v55 =	vor.u32 v2, v54;
	v60 =	vor.u32 v2, v57  }
0x3b7: {  	vm14 =	vlt.f32 v14, $0.0e+00;
	vm15 =	vlt.f32 v49, $0.0e+00;
	[tilespmem:v4+s5+$0x0] =	vst.idx.add.f32.msk $0xffff, v3;
	v3 =	vor.u32 v2, v6  }
0x3b8: {  	v62 =	vmul.f32 v14, v14;
	v53 =	vsel vm14, $0x1, v1;
	[tilespmem:v9+s5+$0x0] =	vst.idx.add.f32.msk $0xffff, v32;
	v4 =	vshll.u32 v41, $0x7  }
0x3b9: {  	v56 =	vsel vm15, $0x1, v1;
	[tilespmem:v8+s5+$0x0] =	vst.idx.add.f32.msk $0xffff, v37;
	v9 =	vshll.u32 v53, $0x7;
	v4 =	vor.u32 v4, v43  }
0x3ba: {  	v58 =	vshll.u32 v56, $0x7;
	[tilespmem:v10+s5+$0x0] =	vst.idx.add.f32.msk $0xffff, v7;
	v10 =	vor.u32 v48, v47;
	v4 =	vadd.s32 $0x80, v4  }
0x3bb: {  	[tilespmem:v52+s5+$0x0] =	vst.idx.add.f32.msk $0xffff, v59;
	v7 =	vor.u32 v58, v57;
	v51 =	vadd.s32 $0x80, v10;
	v4 =	vor.u32 v2, v4  }
0x3bc: {  	v61 =	vadd.s32 $0x80, v7;
	v8 =	vor.u32 v2, v51;
	[tilespmem:v3+s5+$0x0] =	vst.idx.add.f32.msk $0xffff, v11;
	v3 =	vor.u32 v9, v54  }
0x3bd: {  	s9 =	sadd.s32 $0x20, s9;
	v63 =	vmul.f32 v49, v49;
	[tilespmem:v16+s5+$0x0] =	vst.idx.add.f32.msk $0xffff, v5;
	v6 =	vor.u32 v2, v61;
	v3 =	vadd.s32 $0x80, v3  }
0x3be: {  	p0 =	slt.u32 s9, $0x3E0;
	[tilespmem:v55+s5+$0x0] =	vst.idx.add.f32.msk $0xffff, v62;
	v3 =	vor.u32 v2, v3  }
.Ltmp4:
0x3bf: {  	[tilespmem:v60+s5+$0x0] =	vst.idx.add.f32.msk $0xffff, v63;
	(pc) =	sbr.rel @p0 .LBB2_10-.Ltmp4, $4  }
0x3c0: {  	[tilespmem:v4+s5+$0x0] =	vst.idx.add.f32.msk $0xffff, v13  }
0x3c1: {  	[tilespmem:v8+s5+$0x0] =	vst.idx.add.f32.msk $0xffff, v12  }
0x3c2: {  	[tilespmem:v6+s5+$0x0] =	vst.idx.add.f32.msk $0xffff, v49  }
0x3c3: {  	s10 =	sadd.s32 $0x200, s10;
	s11 =	sadd.s32 $0x80, s11;
	[tilespmem:v3+s5+$0x0] =	vst.idx.add.f32.msk $0xffff, v14  }
0x3c4: {  	s9 =	simm.s32 $0x0  }
0x3c5: {  	[tilespmem:s9], [sflag:$0x1] =	stream.strided.gather [hbm4b:s21+s30], $0x4000, s31, s30, $0x38;
	[tilespmem:$0x19000] =	vst v63  }
0x3c6: {  	_ = 	snop  }
0x3c7: {  	[tilespmem:s20], [sflag:$0x1] =	stream.strided.gather [hbm4b:s22+s30], $0x4000, s31, s30, $0x38;
	[tilespmem:$0x19000] =	vst v63  }
0x3c8: {  	_ = 	snop  }
0x3c9: {  	[tilespmem:s0], [sflag:$0x1] =	stream.strided.gather [hbm4b:s23+s30], $0x4000, s31, s30, $0x38;
	[tilespmem:$0x19000] =	vst v63  }
0x3ca: {  	_ =	swait.ge [sflag:s6], $0x4000  }
0x3cb: {  	[sflag:s6] =	ssyncset.done $0x0  }
0x3cc: {  	[sflag:s6] =	ssyncadd.s32 $0xFFFFC000  }
0x3cd: {  	_ =	swait.ge [sflag:s6], $0x4000  }
0x3ce: {  	[sflag:s6] =	ssyncset.done $0x0  }
0x3cf: {  	[sflag:s6] =	ssyncadd.s32 $0xFFFFC000  }
0x3d0: {  	_ =	swait.ge [sflag:s6], $0x4000  }
0x3d1: {  	[sflag:s6] =	ssyncset.done $0x0  }
0x3d2: {  	s10 =	simm.s32 $0xFFFFFFE0;
	s11 =	simm.s32 $0x0;
	[sflag:s6] =	ssyncadd.s32 $0xFFFFC000  }
.LBB2_12:
0x3d3: {  	s12 =	sand.u32 $0x3000, s9;
	s13 =	sand.u32 $0x380, s11  }
0x3d4: {  	s12 =	sor.u32 s13, s12  }
0x3d5: {  	v3 =	vld [tilespmem:s12+$0x4000]  }
0x3d6: {  	v4 =	vld [tilespmem:s12+$0xC000]  }
0x3d7: {  	v5 =	vld [tilespmem:s12+$0x14000]  }
0x3d8: {  	v6 =	vld [tilespmem:s12+$0x4010]  }
0x3d9: {  	v7 =	vld [tilespmem:s12+$0xC010]  }
0x3da: {  	v18 =	vld [tilespmem:s12+$0x4020]  }
0x3db: {  	v8 =	vld [tilespmem:s12+$0xC020]  }
0x3dc: {  	v11 =	vld [tilespmem:s12+$0x14010]  }
0x3dd: {  	v20 =	vld [tilespmem:s12+$0x14020]  }
0x3de: {  	v12 =	vld [tilespmem:s12+$0x14030]  }
0x3df: {  	v14 =	vld [tilespmem:s12+$0x4030]  }
0x3e0: {  	v15 =	vld [tilespmem:s12+$0xC030]  }
0x3e1: {  	v28 =	vld [tilespmem:s12+$0x4040]  }
0x3e2: {  	v29 =	vld [tilespmem:s12+$0xC040]  }
0x3e3: {  	v31 =	vld [tilespmem:s12+$0x14040]  }
0x3e4: {  	v32 =	vld [tilespmem:s12+$0x4050]  }
0x3e5: {  	v33 =	vld [tilespmem:s12+$0xC050]  }
0x3e6: {  	v34 =	vld [tilespmem:s12+$0x4060]  }
0x3e7: {  	v35 =	vld [tilespmem:s12+$0xC060]  }
0x3e8: {  	v36 =	vld [tilespmem:s12+$0x14050]  }
0x3e9: {  	v38 =	vld [tilespmem:s12+$0x14060]  }
0x3ea: {  	v39 =	vld [tilespmem:s12+$0x4070]  }
0x3eb: {  	v41 =	vld [tilespmem:s12+$0xC070]  }
0x3ec: {  	v44 =	vld [tilespmem:s12+$0x14070]  }
0x3ed: {  	v45 =	vld [tilespmem:s12+$0x4400]  }
0x3ee: {  	v46 =	vld [tilespmem:s12+$0x4410]  }
0x3ef: {  	v50 =	vld [tilespmem:s12+$0x14400]  }
0x3f0: {  	v3 =	vsub.f32 v3, v4;
	v10 =	vshll.u32 v5, $0x2;
	v4 =	vsub.f32 v18, v8;
	v18 =	vld [tilespmem:s12+$0xC400]  }
0x3f1: {  	v54 =	vld [tilespmem:s12+$0x14410];
	v6 =	vsub.f32 v6, v7;
	v5 =	vshll.u32 v5, $0x9;
	v22 =	vshll.u32 v11, $0x9  }
0x3f2: {  	v62 =	vld [tilespmem:s12+$0x14420];
	v5 =	vor.u32 v2, v5;
	vm0 =	vlt.f32 v3, $0.0e+00;
	vm10 =	vlt.f32 v4, $0.0e+00  }
0x3f3: {  	v42 =	vsub.f32 v34, v35;
	v34 =	vld [tilespmem:s12+$0x4460];
	v9 =	vsel vm0, $0x1, v1;
	v23 =	vsel vm10, $0x1, v1  }
0x3f4: {  	v11 =	vor.u32 v2, v22;
	v9 =	vor.u32 v10, v9;
	v10 =	vshll.u32 v23, $0x7;
	v23 =	vld [tilespmem:s12+$0x4430]  }
0x3f5: {  	vm9 =	vlt.f32 v6, $0.0e+00;
	v13 =	vmul.f32 v3, v3;
	v52 =	vsub.f32 v45, v18;
	v18 =	vld [tilespmem:s12+$0x4420]  }
0x3f6: {  	v21 =	vsel vm9, $0x1, v1;
	v45 =	vld [tilespmem:s12+$0xC800]  }
0x3f7: {  	v24 =	vmul.f32 v6, v6;
	v8 =	vshll.u32 v21, $0x7;
	v19 =	vadd.s32 $0x1, v9;
	[tilespmem:v5+s5+$0x0] =	vst.idx.add.f32.msk $0xffff, v13  }
0x3f8: {  	vm14 =	vlt.f32 v42, $0.0e+00;
	v8 =	vor.u32 v8, v22;
	v7 =	vshll.u32 v19, $0x7;
	v19 =	vld [tilespmem:s12+$0xC410]  }
0x3f9: {  	v17 =	vsel vm14, $0x1, v1;
	v8 =	vadd.s32 $0x80, v8;
	[tilespmem:v11+s5+$0x0] =	vst.idx.add.f32.msk $0xffff, v24;
	v7 =	vor.u32 v2, v7  }
0x3fa: {  	v17 =	vshll.u32 v17, $0x7;
	v13 =	vshll.u32 v38, $0x9;
	v24 =	vld [tilespmem:s12+$0xC430];
	v8 =	vor.u32 v2, v8  }
0x3fb: {  	v5 =	vsub.f32 v32, v33;
	v33 =	vld [tilespmem:s12+$0x14450];
	v17 =	vor.u32 v17, v13;
	v13 =	vor.u32 v2, v13  }
0x3fc: {  	v11 =	vshll.u32 v36, $0x9;
	v36 =	vld [tilespmem:s12+$0xC460]  }
0x3fd: {  	v55 =	vsub.f32 v46, v19;
	v19 =	vld [tilespmem:s12+$0xC420]  }
0x3fe: {  	v53 =	vmul.f32 v42, v42;
	v9 =	vshll.u32 v20, $0x9;
	[tilespmem:v7+s5+$0x0] =	vst.idx.add.f32.msk $0xffff, v3  }
0x3ff: {  	v10 =	vor.u32 v10, v9;
	v9 =	vor.u32 v2, v9;
	[tilespmem:v8+s5+$0x0] =	vst.idx.add.f32.msk $0xffff, v6  }
0x400: {  	[tilespmem:v13+s5+$0x0] =	vst.idx.add.f32.msk $0xffff, v53  }
0x401: {  	v7 =	vsub.f32 v28, v29;
	v28 =	vld [tilespmem:s12+$0xC440]  }
0x402: {  	v10 =	vadd.s32 $0x80, v10;
	v3 =	vmul.f32 v4, v4;
	v29 =	vld [tilespmem:s12+$0x4450]  }
0x403: {  	v10 =	vor.u32 v2, v10;
	vm13 =	vlt.f32 v5, $0.0e+00;
	v6 =	vshll.u32 v31, $0x9;
	v31 =	vld [tilespmem:s12+$0x14440]  }
0x404: {  	v25 =	vshll.u32 v12, $0x9;
	v43 =	vsel vm13, $0x1, v1;
	[tilespmem:v9+s5+$0x0] =	vst.idx.add.f32.msk $0xffff, v3;
	v3 =	vsub.f32 v14, v15  }
0x405: {  	v26 =	vor.u32 v2, v25;
	v8 =	vshll.u32 v43, $0x7;
	v43 =	vld [tilespmem:s12+$0xC470]  }
0x406: {  	v53 =	vld [tilespmem:s12+$0x14800];
	v8 =	vor.u32 v8, v11;
	v11 =	vor.u32 v2, v11;
	vm11 =	vlt.f32 v3, $0.0e+00  }
0x407: {  	v13 =	vshll.u32 v33, $0x9;
	v33 =	vld [tilespmem:s12+$0x4850];
	v30 =	vsel vm11, $0x1, v1  }
0x408: {  	[tilespmem:v10+s5+$0x0] =	vst.idx.add.f32.msk $0xffff, v4;
	v27 =	vmul.f32 v3, v3;
	v4 =	vshll.u32 v30, $0x7  }
0x409: {  	v16 =	vmul.f32 v5, v5;
	v9 =	vsub.f32 v39, v41;
	v39 =	vld [tilespmem:s12+$0x14460];
	v4 =	vor.u32 v4, v25  }
0x40a: {  	[tilespmem:v26+s5+$0x0] =	vst.idx.add.f32.msk $0xffff, v27;
	v4 =	vadd.s32 $0x80, v4  }
0x40b: {  	vm12 =	vlt.f32 v7, $0.0e+00;
	v8 =	vadd.s32 $0x80, v8;
	[tilespmem:v11+s5+$0x0] =	vst.idx.add.f32.msk $0xffff, v16;
	v4 =	vor.u32 v2, v4  }
0x40c: {  	v48 =	vadd.s32 $0x80, v17;
	v37 =	vsel vm12, $0x1, v1;
	v47 =	vor.u32 v2, v8;
	v26 =	vld [tilespmem:s12+$0x14430]  }
0x40d: {  	v8 =	vor.u32 v2, v48;
	v12 =	vshll.u32 v37, $0x7;
	vm15 =	vlt.f32 v9, $0.0e+00;
	v27 =	vld [tilespmem:s12+$0x4440]  }
0x40e: {  	v12 =	vor.u32 v12, v6;
	v6 =	vor.u32 v2, v6;
	v49 =	vsel vm15, $0x1, v1;
	v30 =	vld [tilespmem:s12+$0xC450]  }
0x40f: {  	v51 =	vshll.u32 v49, $0x7;
	v49 =	vld [tilespmem:s12+$0x14470]  }
0x410: {  	[tilespmem:v4+s5+$0x0] =	vst.idx.add.f32.msk $0xffff, v3;
	v3 =	vadd.s32 $0x80, v12  }
0x411: {  	v40 =	vmul.f32 v7, v7;
	[tilespmem:v47+s5+$0x0] =	vst.idx.add.f32.msk $0xffff, v5;
	v3 =	vor.u32 v2, v3  }
0x412: {  	[tilespmem:v8+s5+$0x0] =	vst.idx.add.f32.msk $0xffff, v42  }
0x413: {  	v58 =	vshll.u32 v50, $0x9;
	[tilespmem:v6+s5+$0x0] =	vst.idx.add.f32.msk $0xffff, v40  }
0x414: {  	v61 =	vshll.u32 v54, $0x9;
	v59 =	vor.u32 v2, v58;
	v40 =	vld [tilespmem:s12+$0x4470]  }
0x415: {  	vm4 =	vlt.f32 v52, $0.0e+00;
	vm5 =	vlt.f32 v55, $0.0e+00;
	v37 =	vsub.f32 v29, v30;
	v29 =	vld [tilespmem:s12+$0xC840]  }
0x416: {  	v57 =	vsel vm4, $0x1, v1;
	v60 =	vsel vm5, $0x1, v1;
	v63 =	vmul.f32 v9, v9;
	[tilespmem:v3+s5+$0x0] =	vst.idx.add.f32.msk $0xffff, v7  }
0x417: {  	v6 =	vshll.u32 v57, $0x7;
	vm9 =	vlt.f32 v37, $0.0e+00;
	v3 =	vshll.u32 v44, $0x9;
	v44 =	vld [tilespmem:s12+$0x4800]  }
0x418: {  	v30 =	vld [tilespmem:s12+$0x14830];
	v42 =	vsel vm9, $0x1, v1;
	v7 =	vor.u32 v51, v3;
	v3 =	vor.u32 v2, v3  }
0x419: {  	v6 =	vor.u32 v6, v58;
	v17 =	vshll.u32 v42, $0x7;
	v42 =	vld [tilespmem:s12+$0xC860];
	v7 =	vadd.s32 $0x80, v7  }
0x41a: {  	v51 =	vsub.f32 v40, v43;
	v43 =	vld [tilespmem:s12+$0x4870];
	v56 =	vor.u32 v2, v7;
	v7 =	vshll.u32 v60, $0x7  }
0x41b: {  	v8 =	vor.u32 v2, v61;
	v6 =	vadd.s32 $0x80, v6;
	v7 =	vor.u32 v7, v61;
	v61 =	vld [tilespmem:s12+$0x14810]  }
0x41c: {  	v6 =	vor.u32 v2, v6;
	v54 =	vsub.f32 v44, v45;
	v44 =	vld [tilespmem:s12+$0xC870]  }
0x41d: {  	[tilespmem:v3+s5+$0x0] =	vst.idx.add.f32.msk $0xffff, v63  }
0x41e: {  	v3 =	vmul.f32 v52, v52;
	v63 =	vld [tilespmem:s12+$0x4810]  }
0x41f: {  	v7 =	vadd.s32 $0x80, v7;
	[tilespmem:v56+s5+$0x0] =	vst.idx.add.f32.msk $0xffff, v9  }
0x420: {  	v7 =	vor.u32 v2, v7;
	[tilespmem:v59+s5+$0x0] =	vst.idx.add.f32.msk $0xffff, v3;
	v3 =	vmul.f32 v55, v55  }
0x421: {  	v17 =	vor.u32 v17, v13;
	v13 =	vor.u32 v2, v13;
	[tilespmem:v6+s5+$0x0] =	vst.idx.add.f32.msk $0xffff, v52  }
0x422: {  	[tilespmem:v8+s5+$0x0] =	vst.idx.add.f32.msk $0xffff, v3;
	v3 =	vsub.f32 v18, v19  }
0x423: {  	v6 =	vshll.u32 v26, $0x9;
	v26 =	vld [tilespmem:s12+$0x4830]  }
0x424: {  	v20 =	vshll.u32 v62, $0x9;
	v52 =	vmul.f32 v37, v37;
	v18 =	vld [tilespmem:s12+$0xC810];
	vm6 =	vlt.f32 v3, $0.0e+00  }
0x425: {  	v21 =	vor.u32 v2, v20;
	v9 =	vsub.f32 v34, v36;
	[tilespmem:v7+s5+$0x0] =	vst.idx.add.f32.msk $0xffff, v55;
	v25 =	vsel vm6, $0x1, v1  }
0x426: {  	[tilespmem:v13+s5+$0x0] =	vst.idx.add.f32.msk $0xffff, v52;
	v5 =	vshll.u32 v25, $0x7  }
0x427: {  	vm10 =	vlt.f32 v9, $0.0e+00;
	v7 =	vsub.f32 v23, v24;
	v23 =	vld [tilespmem:s12+$0xC820];
	v4 =	vor.u32 v5, v20  }
0x428: {  	v48 =	vsel vm10, $0x1, v1;
	v52 =	vld [tilespmem:s12+$0x14870];
	v22 =	vmul.f32 v3, v3;
	v4 =	vadd.s32 $0x80, v4  }
0x429: {  	v50 =	vshll.u32 v48, $0x7;
	v48 =	vld [tilespmem:s12+$0x14860];
	v4 =	vor.u32 v2, v4  }
0x42a: {  	vm7 =	vlt.f32 v7, $0.0e+00;
	[tilespmem:v21+s5+$0x0] =	vst.idx.add.f32.msk $0xffff, v22;
	v5 =	vsub.f32 v27, v28  }
0x42b: {  	v32 =	vsel vm7, $0x1, v1;
	v22 =	vld [tilespmem:s12+$0x4820]  }
0x42c: {  	v25 =	vld [tilespmem:s12+$0x14820];
	v12 =	vshll.u32 v32, $0x7;
	vm8 =	vlt.f32 v5, $0.0e+00  }
0x42d: {  	v27 =	vld [tilespmem:s12+$0xC830];
	v12 =	vor.u32 v12, v6;
	v6 =	vor.u32 v2, v6;
	v38 =	vsel vm8, $0x1, v1  }
0x42e: {  	v11 =	vshll.u32 v31, $0x9;
	v8 =	vshll.u32 v38, $0x7;
	[tilespmem:v4+s5+$0x0] =	vst.idx.add.f32.msk $0xffff, v3;
	v3 =	vadd.s32 $0x80, v12  }
0x42f: {  	v28 =	vld [tilespmem:s12+$0x4840];
	v8 =	vor.u32 v8, v11;
	v3 =	vor.u32 v2, v3  }
0x430: {  	v35 =	vmul.f32 v7, v7;
	v32 =	vld [tilespmem:s12+$0x14840];
	v11 =	vor.u32 v2, v11;
	v8 =	vadd.s32 $0x80, v8  }
0x431: {  	v57 =	vshll.u32 v49, $0x9;
	v38 =	vld [tilespmem:s12+$0x14850];
	v46 =	vor.u32 v2, v8  }
0x432: {  	v58 =	vor.u32 v2, v57;
	v47 =	vadd.s32 $0x80, v17;
	vm11 =	vlt.f32 v51, $0.0e+00;
	[tilespmem:v6+s5+$0x0] =	vst.idx.add.f32.msk $0xffff, v35  }
0x433: {  	v60 =	vshll.u32 v53, $0x9;
	v41 =	vmul.f32 v5, v5;
	v35 =	vld [tilespmem:s12+$0xC850];
	v8 =	vor.u32 v2, v47  }
0x434: {  	vm12 =	vlt.f32 v54, $0.0e+00;
	v56 =	vsel vm11, $0x1, v1;
	[tilespmem:v3+s5+$0x0] =	vst.idx.add.f32.msk $0xffff, v7;
	v3 =	vshll.u32 v39, $0x9  }
0x435: {  	v59 =	vsel vm12, $0x1, v1;
	[tilespmem:v11+s5+$0x0] =	vst.idx.add.f32.msk $0xffff, v41;
	v7 =	vor.u32 v50, v3;
	v3 =	vor.u32 v2, v3  }
0x436: {  	s13 =	sand.u32 $0xFFFFF000, s9;
	v36 =	vsub.f32 v28, v29;
	v6 =	vshll.u32 v56, $0x7;
	[tilespmem:v46+s5+$0x0] =	vst.idx.add.f32.msk $0xffff, v5;
	v7 =	vadd.s32 $0x80, v7  }
0x437: {  	v62 =	vmul.f32 v9, v9;
	v6 =	vor.u32 v6, v57;
	v39 =	vld [tilespmem:s12+$0x4860];
	s12 =	sadd.s32 s13, s11;
	v55 =	vor.u32 v2, v7  }
0x438: {  	vm4 =	vlt.f32 v36, $0.0e+00;
	v6 =	vadd.s32 $0x80, v6;
	[tilespmem:v8+s5+$0x0] =	vst.idx.add.f32.msk $0xffff, v37;
	s14 =	sor.u32 $0x4C00, s12;
	v7 =	vshll.u32 v59, $0x7  }
0x439: {  	v6 =	vor.u32 v2, v6;
	v8 =	vor.u32 v2, v60;
	v7 =	vor.u32 v7, v60;
	v60 =	vld [tilespmem:s14+$0x10000]  }
0x43a: {  	v13 =	vshll.u32 v32, $0x9;
	v41 =	vsel vm4, $0x1, v1;
	[tilespmem:v3+s5+$0x0] =	vst.idx.add.f32.msk $0xffff, v62  }
0x43b: {  	v17 =	vshll.u32 v41, $0x7;
	v7 =	vadd.s32 $0x80, v7;
	v3 =	vmul.f32 v51, v51;
	v62 =	vld [tilespmem:s14+$0x0]  }
0x43c: {  	v17 =	vor.u32 v17, v13;
	v7 =	vor.u32 v2, v7;
	[tilespmem:v55+s5+$0x0] =	vst.idx.add.f32.msk $0xffff, v9  }
0x43d: {  	v13 =	vor.u32 v2, v13;
	[tilespmem:v58+s5+$0x0] =	vst.idx.add.f32.msk $0xffff, v3;
	v3 =	vmul.f32 v54, v54  }
0x43e: {  	[tilespmem:v6+s5+$0x0] =	vst.idx.add.f32.msk $0xffff, v51  }
0x43f: {  	v19 =	vshll.u32 v61, $0x9;
	[tilespmem:v8+s5+$0x0] =	vst.idx.add.f32.msk $0xffff, v3;
	v3 =	vsub.f32 v63, v18  }
0x440: {  	v20 =	vor.u32 v2, v19;
	v51 =	vmul.f32 v36, v36;
	v63 =	vld [tilespmem:s14+$0x8000]  }
0x441: {  	[tilespmem:v7+s5+$0x0] =	vst.idx.add.f32.msk $0xffff, v54;
	vm13 =	vlt.f32 v3, $0.0e+00  }
0x442: {  	s14 =	sor.u32 $0x4C20, s12;
	[tilespmem:v13+s5+$0x0] =	vst.idx.add.f32.msk $0xffff, v51;
	v24 =	vsel vm13, $0x1, v1  }
0x443: {  	s13 =	sor.u32 $0x4C10, s12;
	v7 =	vsub.f32 v22, v23;
	v22 =	vld [tilespmem:s14+$0x8000];
	v21 =	vmul.f32 v3, v3;
	v5 =	vshll.u32 v24, $0x7  }
0x444: {  	v23 =	vld [tilespmem:s13+$0x10000];
	v4 =	vor.u32 v5, v19  }
0x445: {  	v53 =	vsub.f32 v43, v44;
	[tilespmem:v20+s5+$0x0] =	vst.idx.add.f32.msk $0xffff, v21;
	v4 =	vadd.s32 $0x80, v4  }
0x446: {  	v20 =	vld [tilespmem:s13+$0x8000];
	v4 =	vor.u32 v2, v4  }
0x447: {  	vm7 =	vlt.f32 v53, $0.0e+00;
	v56 =	vshll.u32 v48, $0x9;
	vm14 =	vlt.f32 v7, $0.0e+00;
	v21 =	vld [tilespmem:s14+$0x0]  }
0x448: {  	v57 =	vor.u32 v2, v56;
	v11 =	vshll.u32 v30, $0x9;
	v31 =	vsel vm14, $0x1, v1;
	v24 =	vld [tilespmem:s14+$0x10000]  }
0x449: {  	v6 =	vshll.u32 v25, $0x9;
	s14 =	sor.u32 $0x4C30, s12;
	v12 =	vshll.u32 v31, $0x7;
	v5 =	vsub.f32 v26, v27;
	v19 =	vld [tilespmem:s13+$0x0]  }
0x44a: {  	v46 =	vadd.s32 $0x80, v17;
	v50 =	vsub.f32 v39, v42;
	v26 =	vld [tilespmem:s14+$0x0];
	v12 =	vor.u32 v12, v6  }
0x44b: {  	v6 =	vor.u32 v2, v6;
	vm15 =	vlt.f32 v5, $0.0e+00;
	[tilespmem:v4+s5+$0x0] =	vst.idx.add.f32.msk $0xffff, v3;
	v3 =	vadd.s32 $0x80, v12  }
0x44c: {  	v59 =	vshll.u32 v52, $0x9;
	v27 =	vld [tilespmem:s14+$0x8000];
	v37 =	vsel vm15, $0x1, v1;
	v3 =	vor.u32 v2, v3  }
0x44d: {  	vm6 =	vlt.f32 v50, $0.0e+00;
	v9 =	vsub.f32 v33, v35;
	v29 =	vld [tilespmem:s14+$0x10000];
	s14 =	sor.u32 $0x4C40, s12;
	v8 =	vshll.u32 v37, $0x7  }
0x44e: {  	v55 =	vsel vm6, $0x1, v1;
	v34 =	vmul.f32 v7, v7;
	v30 =	vld [tilespmem:s14+$0x0];
	v8 =	vor.u32 v8, v11  }
0x44f: {  	vm5 =	vlt.f32 v9, $0.0e+00;
	v31 =	vld [tilespmem:s14+$0x8000];
	v11 =	vor.u32 v2, v11;
	v8 =	vadd.s32 $0x80, v8  }
0x450: {  	v47 =	vsel vm5, $0x1, v1;
	[tilespmem:v6+s5+$0x0] =	vst.idx.add.f32.msk $0xffff, v34;
	v45 =	vor.u32 v2, v8;
	v8 =	vor.u32 v2, v46  }
0x451: {  	v58 =	vsel vm7, $0x1, v1;
	v49 =	vshll.u32 v47, $0x7;
	[tilespmem:v3+s5+$0x0] =	vst.idx.add.f32.msk $0xffff, v7;
	v3 =	vshll.u32 v38, $0x9  }
0x452: {  	v61 =	vmul.f32 v9, v9;
	v40 =	vmul.f32 v5, v5;
	v34 =	vld [tilespmem:s14+$0x10000];
	s14 =	sor.u32 $0x4C50, s12;
	v7 =	vor.u32 v49, v3  }
0x453: {  	v6 =	vshll.u32 v55, $0x7;
	v35 =	vld [tilespmem:s14+$0x0];
	v3 =	vor.u32 v2, v3;
	v7 =	vadd.s32 $0x80, v7  }
0x454: {  	v16 =	vshll.u32 v60, $0x9;
	v6 =	vor.u32 v6, v56;
	[tilespmem:v11+s5+$0x0] =	vst.idx.add.f32.msk $0xffff, v40;
	v54 =	vor.u32 v2, v7  }
0x455: {  	v17 =	vor.u32 v2, v16;
	v6 =	vadd.s32 $0x80, v6;
	[tilespmem:v8+s5+$0x0] =	vst.idx.add.f32.msk $0xffff, v36;
	v7 =	vshll.u32 v58, $0x7  }
0x456: {  	v13 =	vsub.f32 v30, v31;
	v6 =	vor.u32 v2, v6;
	v36 =	vld [tilespmem:s14+$0x8000];
	v7 =	vor.u32 v7, v59  }
0x457: {  	v11 =	vsub.f32 v26, v27;
	[tilespmem:v45+s5+$0x0] =	vst.idx.add.f32.msk $0xffff, v5;
	v8 =	vor.u32 v2, v59;
	v7 =	vadd.s32 $0x80, v7  }
0x458: {  	vm12 =	vlt.f32 v13, $0.0e+00;
	[tilespmem:v3+s5+$0x0] =	vst.idx.add.f32.msk $0xffff, v61;
	v3 =	vmul.f32 v50, v50;
	v7 =	vor.u32 v2, v7  }
0x459: {  	v42 =	vmul.f32 v13, v13;
	v41 =	vsel vm12, $0x1, v1;
	v43 =	vshll.u32 v34, $0x9;
	[tilespmem:v54+s5+$0x0] =	vst.idx.add.f32.msk $0xffff, v9  }
0x45a: {  	v5 =	vsub.f32 v21, v22;
	vm11 =	vlt.f32 v11, $0.0e+00;
	[tilespmem:v57+s5+$0x0] =	vst.idx.add.f32.msk $0xffff, v3;
	v3 =	vmul.f32 v53, v53  }
0x45b: {  	v46 =	vor.u32 v2, v43;
	v21 =	vsel vm11, $0x1, v1;
	v12 =	vsub.f32 v35, v36;
	[tilespmem:v6+s5+$0x0] =	vst.idx.add.f32.msk $0xffff, v50  }
0x45c: {  	vm10 =	vlt.f32 v5, $0.0e+00;
	v37 =	vmul.f32 v5, v5;
	v21 =	vshll.u32 v21, $0x7;
	[tilespmem:v8+s5+$0x0] =	vst.idx.add.f32.msk $0xffff, v3  }
0x45d: {  	v33 =	vsel vm10, $0x1, v1;
	vm13 =	vlt.f32 v12, $0.0e+00;
	v59 =	vmul.f32 v12, v12;
	[tilespmem:v7+s5+$0x0] =	vst.idx.add.f32.msk $0xffff, v53  }
0x45e: {  	v44 =	vsel vm13, $0x1, v1;
	v9 =	vshll.u32 v23, $0x9;
	v7 =	vsub.f32 v19, v20;
	v20 =	vld [tilespmem:s14+$0x10000];
	s14 =	sor.u32 $0x4C60, s12  }
0x45f: {  	v23 =	vmul.f32 v11, v11;
	v6 =	vshll.u32 v29, $0x9;
	v3 =	vsub.f32 v62, v63;
	v22 =	vld [tilespmem:s14+$0x0]  }
0x460: {  	v8 =	vshll.u32 v24, $0x9;
	v24 =	vor.u32 v2, v6;
	v6 =	vor.u32 v21, v6;
	s12 =	sor.u32 $0x4C70, s12;
	v38 =	vld [tilespmem:s14+$0x8000]  }
0x461: {  	v48 =	vshll.u32 v44, $0x7;
	v6 =	vadd.s32 $0x80, v6;
	vm8 =	vlt.f32 v3, $0.0e+00;
	v39 =	vld [tilespmem:s12+$0x0]  }
0x462: {  	v18 =	vmul.f32 v3, v3;
	v40 =	vld [tilespmem:s12+$0x8000];
	v25 =	vsel vm8, $0x1, v1;
	vm9 =	vlt.f32 v7, $0.0e+00  }
0x463: {  	v45 =	vld [tilespmem:s14+$0x10000];
	v32 =	vmul.f32 v7, v7;
	v10 =	vshll.u32 v25, $0x7;
	v28 =	vsel vm9, $0x1, v1  }
0x464: {  	v50 =	vld [tilespmem:s12+$0x10000];
	v4 =	vor.u32 v10, v16;
	v10 =	vshll.u32 v28, $0x7;
	v16 =	vshll.u32 v33, $0x7  }
0x465: {  	[tilespmem:v46+s5+$0x0] =	vst.idx.add.f32.msk $0xffff, v42;
	v4 =	vadd.s32 $0x80, v4;
	v10 =	vor.u32 v10, v9;
	v9 =	vor.u32 v2, v9  }
0x466: {  	v16 =	vor.u32 v16, v8;
	v8 =	vor.u32 v2, v8;
	v4 =	vor.u32 v2, v4  }
0x467: {  	[tilespmem:v17+s5+$0x0] =	vst.idx.add.f32.msk $0xffff, v18;
	v47 =	vshll.u32 v20, $0x9;
	v10 =	vadd.s32 $0x80, v10;
	v16 =	vadd.s32 $0x80, v16  }
0x468: {  	v14 =	vsub.f32 v22, v38;
	v49 =	vsub.f32 v39, v40;
	v52 =	vor.u32 v2, v47  }
0x469: {  	[tilespmem:v24+s5+$0x0] =	vst.idx.add.f32.msk $0xffff, v23;
	v54 =	vshll.u32 v45, $0x9;
	v57 =	vshll.u32 v50, $0x9;
	v10 =	vor.u32 v2, v10  }
0x46a: {  	v16 =	vor.u32 v2, v16;
	v55 =	vor.u32 v2, v54;
	v60 =	vor.u32 v2, v57  }
0x46b: {  	vm14 =	vlt.f32 v14, $0.0e+00;
	vm15 =	vlt.f32 v49, $0.0e+00;
	[tilespmem:v4+s5+$0x0] =	vst.idx.add.f32.msk $0xffff, v3;
	v3 =	vor.u32 v2, v6  }
0x46c: {  	v62 =	vmul.f32 v14, v14;
	v53 =	vsel vm14, $0x1, v1;
	[tilespmem:v9+s5+$0x0] =	vst.idx.add.f32.msk $0xffff, v32;
	v4 =	vshll.u32 v41, $0x7  }
0x46d: {  	v56 =	vsel vm15, $0x1, v1;
	[tilespmem:v8+s5+$0x0] =	vst.idx.add.f32.msk $0xffff, v37;
	v9 =	vshll.u32 v53, $0x7;
	v4 =	vor.u32 v4, v43  }
0x46e: {  	v58 =	vshll.u32 v56, $0x7;
	[tilespmem:v10+s5+$0x0] =	vst.idx.add.f32.msk $0xffff, v7;
	v10 =	vor.u32 v48, v47;
	v4 =	vadd.s32 $0x80, v4  }
0x46f: {  	[tilespmem:v52+s5+$0x0] =	vst.idx.add.f32.msk $0xffff, v59;
	v7 =	vor.u32 v58, v57;
	v51 =	vadd.s32 $0x80, v10;
	v4 =	vor.u32 v2, v4  }
0x470: {  	v61 =	vadd.s32 $0x80, v7;
	v8 =	vor.u32 v2, v51;
	[tilespmem:v3+s5+$0x0] =	vst.idx.add.f32.msk $0xffff, v11;
	v3 =	vor.u32 v9, v54  }
0x471: {  	s10 =	sadd.s32 $0x20, s10;
	v63 =	vmul.f32 v49, v49;
	[tilespmem:v16+s5+$0x0] =	vst.idx.add.f32.msk $0xffff, v5;
	v6 =	vor.u32 v2, v61;
	v3 =	vadd.s32 $0x80, v3  }
0x472: {  	p0 =	slt.u32 s10, $0x3E0;
	[tilespmem:v55+s5+$0x0] =	vst.idx.add.f32.msk $0xffff, v62;
	v3 =	vor.u32 v2, v3  }
.Ltmp5:
0x473: {  	[tilespmem:v60+s5+$0x0] =	vst.idx.add.f32.msk $0xffff, v63;
	(pc) =	sbr.rel @p0 .LBB2_12-.Ltmp5, $4  }
0x474: {  	[tilespmem:v4+s5+$0x0] =	vst.idx.add.f32.msk $0xffff, v13  }
0x475: {  	[tilespmem:v8+s5+$0x0] =	vst.idx.add.f32.msk $0xffff, v12  }
0x476: {  	[tilespmem:v6+s5+$0x0] =	vst.idx.add.f32.msk $0xffff, v49  }
0x477: {  	s9 =	sadd.s32 $0x200, s9;
	s11 =	sadd.s32 $0x80, s11;
	[tilespmem:v3+s5+$0x0] =	vst.idx.add.f32.msk $0xffff, v14  }
0x478: {  	[tilespmem:s1], [sflag:$0x2] =	stream.strided.gather [hbm4b:s24+s30], $0x4000, s31, s30, $0x38;
	[tilespmem:$0x19000] =	vst v63  }
0x479: {  	_ = 	snop  }
0x47a: {  	[tilespmem:s2], [sflag:$0x2] =	stream.strided.gather [hbm4b:s25+s30], $0x4000, s31, s30, $0x38;
	[tilespmem:$0x19000] =	vst v63  }
0x47b: {  	_ = 	snop  }
0x47c: {  	[tilespmem:s3], [sflag:$0x2] =	stream.strided.gather [hbm4b:s26+s30], $0x4000, s31, s30, $0x38;
	[tilespmem:$0x19000] =	vst v63  }
0x47d: {  	_ =	swait.ge [sflag:s4], $0x4000  }
0x47e: {  	[sflag:s4] =	ssyncset.done $0x0  }
0x47f: {  	[sflag:s4] =	ssyncadd.s32 $0xFFFFC000  }
0x480: {  	_ =	swait.ge [sflag:s4], $0x4000  }
0x481: {  	[sflag:s4] =	ssyncset.done $0x0  }
0x482: {  	[sflag:s4] =	ssyncadd.s32 $0xFFFFC000  }
0x483: {  	_ =	swait.ge [sflag:s4], $0x4000  }
0x484: {  	s9 =	simm.s32 $0xFFFFFFE0;
	[sflag:s4] =	ssyncset.done $0x0  }
0x485: {  	s10 =	simm.s32 $0x0;
	s11 =	simm.s32 $0x0;
	[sflag:s4] =	ssyncadd.s32 $0xFFFFC000  }
.LBB2_14:
0x486: {  	s12 =	sand.u32 $0x3000, s10;
	s13 =	sand.u32 $0x380, s11  }
0x487: {  	s12 =	sor.u32 s13, s12  }
0x488: {  	v3 =	vld [tilespmem:s12+$0x0]  }
0x489: {  	v4 =	vld [tilespmem:s12+$0x8000]  }
0x48a: {  	v5 =	vld [tilespmem:s12+$0x10000]  }
0x48b: {  	v6 =	vld [tilespmem:s12+$0x10]  }
0x48c: {  	v7 =	vld [tilespmem:s12+$0x8010]  }
0x48d: {  	v18 =	vld [tilespmem:s12+$0x20]  }
0x48e: {  	v8 =	vld [tilespmem:s12+$0x8020]  }
0x48f: {  	v11 =	vld [tilespmem:s12+$0x10010]  }
0x490: {  	v20 =	vld [tilespmem:s12+$0x10020]  }
0x491: {  	v12 =	vld [tilespmem:s12+$0x10030]  }
0x492: {  	v14 =	vld [tilespmem:s12+$0x30]  }
0x493: {  	v15 =	vld [tilespmem:s12+$0x8030]  }
0x494: {  	v28 =	vld [tilespmem:s12+$0x40]  }
0x495: {  	v29 =	vld [tilespmem:s12+$0x8040]  }
0x496: {  	v31 =	vld [tilespmem:s12+$0x10040]  }
0x497: {  	v32 =	vld [tilespmem:s12+$0x50]  }
0x498: {  	v33 =	vld [tilespmem:s12+$0x8050]  }
0x499: {  	v34 =	vld [tilespmem:s12+$0x60]  }
0x49a: {  	v35 =	vld [tilespmem:s12+$0x8060]  }
0x49b: {  	v36 =	vld [tilespmem:s12+$0x10050]  }
0x49c: {  	v38 =	vld [tilespmem:s12+$0x10060]  }
0x49d: {  	v39 =	vld [tilespmem:s12+$0x70]  }
0x49e: {  	v41 =	vld [tilespmem:s12+$0x8070]  }
0x49f: {  	v44 =	vld [tilespmem:s12+$0x10070]  }
0x4a0: {  	v45 =	vld [tilespmem:s12+$0x400]  }
0x4a1: {  	v46 =	vld [tilespmem:s12+$0x410]  }
0x4a2: {  	v50 =	vld [tilespmem:s12+$0x10400]  }
0x4a3: {  	v3 =	vsub.f32 v3, v4;
	v10 =	vshll.u32 v5, $0x2;
	v4 =	vsub.f32 v18, v8;
	v18 =	vld [tilespmem:s12+$0x8400]  }
0x4a4: {  	v54 =	vld [tilespmem:s12+$0x10410];
	v6 =	vsub.f32 v6, v7;
	v5 =	vshll.u32 v5, $0x9;
	v22 =	vshll.u32 v11, $0x9  }
0x4a5: {  	v62 =	vld [tilespmem:s12+$0x10420];
	v5 =	vor.u32 v2, v5;
	vm0 =	vlt.f32 v3, $0.0e+00;
	vm10 =	vlt.f32 v4, $0.0e+00  }
0x4a6: {  	v42 =	vsub.f32 v34, v35;
	v34 =	vld [tilespmem:s12+$0x460];
	v9 =	vsel vm0, $0x1, v1;
	v23 =	vsel vm10, $0x1, v1  }
0x4a7: {  	v11 =	vor.u32 v2, v22;
	v9 =	vor.u32 v10, v9;
	v10 =	vshll.u32 v23, $0x7;
	v23 =	vld [tilespmem:s12+$0x430]  }
0x4a8: {  	vm9 =	vlt.f32 v6, $0.0e+00;
	v13 =	vmul.f32 v3, v3;
	v52 =	vsub.f32 v45, v18;
	v18 =	vld [tilespmem:s12+$0x420]  }
0x4a9: {  	v21 =	vsel vm9, $0x1, v1;
	v45 =	vld [tilespmem:s12+$0x8800]  }
0x4aa: {  	v24 =	vmul.f32 v6, v6;
	v8 =	vshll.u32 v21, $0x7;
	v19 =	vadd.s32 $0x1, v9;
	[tilespmem:v5+s5+$0x0] =	vst.idx.add.f32.msk $0xffff, v13  }
0x4ab: {  	vm14 =	vlt.f32 v42, $0.0e+00;
	v8 =	vor.u32 v8, v22;
	v7 =	vshll.u32 v19, $0x7;
	v19 =	vld [tilespmem:s12+$0x8410]  }
0x4ac: {  	v17 =	vsel vm14, $0x1, v1;
	v8 =	vadd.s32 $0x80, v8;
	[tilespmem:v11+s5+$0x0] =	vst.idx.add.f32.msk $0xffff, v24;
	v7 =	vor.u32 v2, v7  }
0x4ad: {  	v17 =	vshll.u32 v17, $0x7;
	v13 =	vshll.u32 v38, $0x9;
	v24 =	vld [tilespmem:s12+$0x8430];
	v8 =	vor.u32 v2, v8  }
0x4ae: {  	v5 =	vsub.f32 v32, v33;
	v33 =	vld [tilespmem:s12+$0x10450];
	v17 =	vor.u32 v17, v13;
	v13 =	vor.u32 v2, v13  }
0x4af: {  	v11 =	vshll.u32 v36, $0x9;
	v36 =	vld [tilespmem:s12+$0x8460]  }
0x4b0: {  	v55 =	vsub.f32 v46, v19;
	v19 =	vld [tilespmem:s12+$0x8420]  }
0x4b1: {  	v53 =	vmul.f32 v42, v42;
	v9 =	vshll.u32 v20, $0x9;
	[tilespmem:v7+s5+$0x0] =	vst.idx.add.f32.msk $0xffff, v3  }
0x4b2: {  	v10 =	vor.u32 v10, v9;
	v9 =	vor.u32 v2, v9;
	[tilespmem:v8+s5+$0x0] =	vst.idx.add.f32.msk $0xffff, v6  }
0x4b3: {  	[tilespmem:v13+s5+$0x0] =	vst.idx.add.f32.msk $0xffff, v53  }
0x4b4: {  	v7 =	vsub.f32 v28, v29;
	v28 =	vld [tilespmem:s12+$0x8440]  }
0x4b5: {  	v10 =	vadd.s32 $0x80, v10;
	v3 =	vmul.f32 v4, v4;
	v29 =	vld [tilespmem:s12+$0x450]  }
0x4b6: {  	v10 =	vor.u32 v2, v10;
	vm13 =	vlt.f32 v5, $0.0e+00;
	v6 =	vshll.u32 v31, $0x9;
	v31 =	vld [tilespmem:s12+$0x10440]  }
0x4b7: {  	v25 =	vshll.u32 v12, $0x9;
	v43 =	vsel vm13, $0x1, v1;
	[tilespmem:v9+s5+$0x0] =	vst.idx.add.f32.msk $0xffff, v3;
	v3 =	vsub.f32 v14, v15  }
0x4b8: {  	v26 =	vor.u32 v2, v25;
	v8 =	vshll.u32 v43, $0x7;
	v43 =	vld [tilespmem:s12+$0x8470]  }
0x4b9: {  	v53 =	vld [tilespmem:s12+$0x10800];
	v8 =	vor.u32 v8, v11;
	v11 =	vor.u32 v2, v11;
	vm11 =	vlt.f32 v3, $0.0e+00  }
0x4ba: {  	v13 =	vshll.u32 v33, $0x9;
	v33 =	vld [tilespmem:s12+$0x850];
	v30 =	vsel vm11, $0x1, v1  }
0x4bb: {  	[tilespmem:v10+s5+$0x0] =	vst.idx.add.f32.msk $0xffff, v4;
	v27 =	vmul.f32 v3, v3;
	v4 =	vshll.u32 v30, $0x7  }
0x4bc: {  	v16 =	vmul.f32 v5, v5;
	v9 =	vsub.f32 v39, v41;
	v39 =	vld [tilespmem:s12+$0x10460];
	v4 =	vor.u32 v4, v25  }
0x4bd: {  	[tilespmem:v26+s5+$0x0] =	vst.idx.add.f32.msk $0xffff, v27;
	v4 =	vadd.s32 $0x80, v4  }
0x4be: {  	vm12 =	vlt.f32 v7, $0.0e+00;
	v8 =	vadd.s32 $0x80, v8;
	[tilespmem:v11+s5+$0x0] =	vst.idx.add.f32.msk $0xffff, v16;
	v4 =	vor.u32 v2, v4  }
0x4bf: {  	v48 =	vadd.s32 $0x80, v17;
	v37 =	vsel vm12, $0x1, v1;
	v47 =	vor.u32 v2, v8;
	v26 =	vld [tilespmem:s12+$0x10430]  }
0x4c0: {  	v8 =	vor.u32 v2, v48;
	v12 =	vshll.u32 v37, $0x7;
	vm15 =	vlt.f32 v9, $0.0e+00;
	v27 =	vld [tilespmem:s12+$0x440]  }
0x4c1: {  	v12 =	vor.u32 v12, v6;
	v6 =	vor.u32 v2, v6;
	v49 =	vsel vm15, $0x1, v1;
	v30 =	vld [tilespmem:s12+$0x8450]  }
0x4c2: {  	v51 =	vshll.u32 v49, $0x7;
	v49 =	vld [tilespmem:s12+$0x10470]  }
0x4c3: {  	[tilespmem:v4+s5+$0x0] =	vst.idx.add.f32.msk $0xffff, v3;
	v3 =	vadd.s32 $0x80, v12  }
0x4c4: {  	v40 =	vmul.f32 v7, v7;
	[tilespmem:v47+s5+$0x0] =	vst.idx.add.f32.msk $0xffff, v5;
	v3 =	vor.u32 v2, v3  }
0x4c5: {  	[tilespmem:v8+s5+$0x0] =	vst.idx.add.f32.msk $0xffff, v42  }
0x4c6: {  	v58 =	vshll.u32 v50, $0x9;
	[tilespmem:v6+s5+$0x0] =	vst.idx.add.f32.msk $0xffff, v40  }
0x4c7: {  	v61 =	vshll.u32 v54, $0x9;
	v59 =	vor.u32 v2, v58;
	v40 =	vld [tilespmem:s12+$0x470]  }
0x4c8: {  	vm4 =	vlt.f32 v52, $0.0e+00;
	vm5 =	vlt.f32 v55, $0.0e+00;
	v37 =	vsub.f32 v29, v30;
	v29 =	vld [tilespmem:s12+$0x8840]  }
0x4c9: {  	v57 =	vsel vm4, $0x1, v1;
	v60 =	vsel vm5, $0x1, v1;
	v63 =	vmul.f32 v9, v9;
	[tilespmem:v3+s5+$0x0] =	vst.idx.add.f32.msk $0xffff, v7  }
0x4ca: {  	v6 =	vshll.u32 v57, $0x7;
	vm9 =	vlt.f32 v37, $0.0e+00;
	v3 =	vshll.u32 v44, $0x9;
	v44 =	vld [tilespmem:s12+$0x800]  }
0x4cb: {  	v30 =	vld [tilespmem:s12+$0x10830];
	v42 =	vsel vm9, $0x1, v1;
	v7 =	vor.u32 v51, v3;
	v3 =	vor.u32 v2, v3  }
0x4cc: {  	v6 =	vor.u32 v6, v58;
	v17 =	vshll.u32 v42, $0x7;
	v42 =	vld [tilespmem:s12+$0x8860];
	v7 =	vadd.s32 $0x80, v7  }
0x4cd: {  	v51 =	vsub.f32 v40, v43;
	v43 =	vld [tilespmem:s12+$0x870];
	v56 =	vor.u32 v2, v7;
	v7 =	vshll.u32 v60, $0x7  }
0x4ce: {  	v8 =	vor.u32 v2, v61;
	v6 =	vadd.s32 $0x80, v6;
	v7 =	vor.u32 v7, v61;
	v61 =	vld [tilespmem:s12+$0x10810]  }
0x4cf: {  	v6 =	vor.u32 v2, v6;
	v54 =	vsub.f32 v44, v45;
	v44 =	vld [tilespmem:s12+$0x8870]  }
0x4d0: {  	[tilespmem:v3+s5+$0x0] =	vst.idx.add.f32.msk $0xffff, v63  }
0x4d1: {  	v3 =	vmul.f32 v52, v52;
	v63 =	vld [tilespmem:s12+$0x810]  }
0x4d2: {  	v7 =	vadd.s32 $0x80, v7;
	[tilespmem:v56+s5+$0x0] =	vst.idx.add.f32.msk $0xffff, v9  }
0x4d3: {  	v7 =	vor.u32 v2, v7;
	[tilespmem:v59+s5+$0x0] =	vst.idx.add.f32.msk $0xffff, v3;
	v3 =	vmul.f32 v55, v55  }
0x4d4: {  	v17 =	vor.u32 v17, v13;
	v13 =	vor.u32 v2, v13;
	[tilespmem:v6+s5+$0x0] =	vst.idx.add.f32.msk $0xffff, v52  }
0x4d5: {  	[tilespmem:v8+s5+$0x0] =	vst.idx.add.f32.msk $0xffff, v3;
	v3 =	vsub.f32 v18, v19  }
0x4d6: {  	v6 =	vshll.u32 v26, $0x9;
	v26 =	vld [tilespmem:s12+$0x830]  }
0x4d7: {  	v20 =	vshll.u32 v62, $0x9;
	v52 =	vmul.f32 v37, v37;
	v18 =	vld [tilespmem:s12+$0x8810];
	vm6 =	vlt.f32 v3, $0.0e+00  }
0x4d8: {  	v21 =	vor.u32 v2, v20;
	v9 =	vsub.f32 v34, v36;
	[tilespmem:v7+s5+$0x0] =	vst.idx.add.f32.msk $0xffff, v55;
	v25 =	vsel vm6, $0x1, v1  }
0x4d9: {  	[tilespmem:v13+s5+$0x0] =	vst.idx.add.f32.msk $0xffff, v52;
	v5 =	vshll.u32 v25, $0x7  }
0x4da: {  	vm10 =	vlt.f32 v9, $0.0e+00;
	v7 =	vsub.f32 v23, v24;
	v23 =	vld [tilespmem:s12+$0x8820];
	v4 =	vor.u32 v5, v20  }
0x4db: {  	v48 =	vsel vm10, $0x1, v1;
	v52 =	vld [tilespmem:s12+$0x10870];
	v22 =	vmul.f32 v3, v3;
	v4 =	vadd.s32 $0x80, v4  }
0x4dc: {  	v50 =	vshll.u32 v48, $0x7;
	v48 =	vld [tilespmem:s12+$0x10860];
	v4 =	vor.u32 v2, v4  }
0x4dd: {  	vm7 =	vlt.f32 v7, $0.0e+00;
	[tilespmem:v21+s5+$0x0] =	vst.idx.add.f32.msk $0xffff, v22;
	v5 =	vsub.f32 v27, v28  }
0x4de: {  	v32 =	vsel vm7, $0x1, v1;
	v22 =	vld [tilespmem:s12+$0x820]  }
0x4df: {  	v25 =	vld [tilespmem:s12+$0x10820];
	v12 =	vshll.u32 v32, $0x7;
	vm8 =	vlt.f32 v5, $0.0e+00  }
0x4e0: {  	v27 =	vld [tilespmem:s12+$0x8830];
	v12 =	vor.u32 v12, v6;
	v6 =	vor.u32 v2, v6;
	v38 =	vsel vm8, $0x1, v1  }
0x4e1: {  	v11 =	vshll.u32 v31, $0x9;
	v8 =	vshll.u32 v38, $0x7;
	[tilespmem:v4+s5+$0x0] =	vst.idx.add.f32.msk $0xffff, v3;
	v3 =	vadd.s32 $0x80, v12  }
0x4e2: {  	v28 =	vld [tilespmem:s12+$0x840];
	v8 =	vor.u32 v8, v11;
	v3 =	vor.u32 v2, v3  }
0x4e3: {  	v35 =	vmul.f32 v7, v7;
	v32 =	vld [tilespmem:s12+$0x10840];
	v11 =	vor.u32 v2, v11;
	v8 =	vadd.s32 $0x80, v8  }
0x4e4: {  	v57 =	vshll.u32 v49, $0x9;
	v38 =	vld [tilespmem:s12+$0x10850];
	v46 =	vor.u32 v2, v8  }
0x4e5: {  	v58 =	vor.u32 v2, v57;
	v47 =	vadd.s32 $0x80, v17;
	vm11 =	vlt.f32 v51, $0.0e+00;
	[tilespmem:v6+s5+$0x0] =	vst.idx.add.f32.msk $0xffff, v35  }
0x4e6: {  	v60 =	vshll.u32 v53, $0x9;
	v41 =	vmul.f32 v5, v5;
	v35 =	vld [tilespmem:s12+$0x8850];
	v8 =	vor.u32 v2, v47  }
0x4e7: {  	vm12 =	vlt.f32 v54, $0.0e+00;
	v56 =	vsel vm11, $0x1, v1;
	[tilespmem:v3+s5+$0x0] =	vst.idx.add.f32.msk $0xffff, v7;
	v3 =	vshll.u32 v39, $0x9  }
0x4e8: {  	v59 =	vsel vm12, $0x1, v1;
	[tilespmem:v11+s5+$0x0] =	vst.idx.add.f32.msk $0xffff, v41;
	v7 =	vor.u32 v50, v3;
	v3 =	vor.u32 v2, v3  }
0x4e9: {  	s13 =	sand.u32 $0xFFFFF000, s10;
	v36 =	vsub.f32 v28, v29;
	v6 =	vshll.u32 v56, $0x7;
	[tilespmem:v46+s5+$0x0] =	vst.idx.add.f32.msk $0xffff, v5;
	v7 =	vadd.s32 $0x80, v7  }
0x4ea: {  	v62 =	vmul.f32 v9, v9;
	v6 =	vor.u32 v6, v57;
	v39 =	vld [tilespmem:s12+$0x860];
	s12 =	sadd.s32 s13, s11;
	v55 =	vor.u32 v2, v7  }
0x4eb: {  	vm4 =	vlt.f32 v36, $0.0e+00;
	v6 =	vadd.s32 $0x80, v6;
	[tilespmem:v8+s5+$0x0] =	vst.idx.add.f32.msk $0xffff, v37;
	s14 =	sor.u32 $0xC00, s12;
	v7 =	vshll.u32 v59, $0x7  }
0x4ec: {  	v6 =	vor.u32 v2, v6;
	v8 =	vor.u32 v2, v60;
	v7 =	vor.u32 v7, v60;
	v60 =	vld [tilespmem:s14+$0x10000]  }
0x4ed: {  	v13 =	vshll.u32 v32, $0x9;
	v41 =	vsel vm4, $0x1, v1;
	[tilespmem:v3+s5+$0x0] =	vst.idx.add.f32.msk $0xffff, v62  }
0x4ee: {  	v17 =	vshll.u32 v41, $0x7;
	v7 =	vadd.s32 $0x80, v7;
	v3 =	vmul.f32 v51, v51;
	v62 =	vld [tilespmem:s14+$0x0]  }
0x4ef: {  	v17 =	vor.u32 v17, v13;
	v7 =	vor.u32 v2, v7;
	[tilespmem:v55+s5+$0x0] =	vst.idx.add.f32.msk $0xffff, v9  }
0x4f0: {  	v13 =	vor.u32 v2, v13;
	[tilespmem:v58+s5+$0x0] =	vst.idx.add.f32.msk $0xffff, v3;
	v3 =	vmul.f32 v54, v54  }
0x4f1: {  	[tilespmem:v6+s5+$0x0] =	vst.idx.add.f32.msk $0xffff, v51  }
0x4f2: {  	v19 =	vshll.u32 v61, $0x9;
	[tilespmem:v8+s5+$0x0] =	vst.idx.add.f32.msk $0xffff, v3;
	v3 =	vsub.f32 v63, v18  }
0x4f3: {  	v20 =	vor.u32 v2, v19;
	v51 =	vmul.f32 v36, v36;
	v63 =	vld [tilespmem:s14+$0x8000]  }
0x4f4: {  	[tilespmem:v7+s5+$0x0] =	vst.idx.add.f32.msk $0xffff, v54;
	vm13 =	vlt.f32 v3, $0.0e+00  }
0x4f5: {  	s14 =	sor.u32 $0xC20, s12;
	[tilespmem:v13+s5+$0x0] =	vst.idx.add.f32.msk $0xffff, v51;
	v24 =	vsel vm13, $0x1, v1  }
0x4f6: {  	s13 =	sor.u32 $0xC10, s12;
	v7 =	vsub.f32 v22, v23;
	v22 =	vld [tilespmem:s14+$0x8000];
	v21 =	vmul.f32 v3, v3;
	v5 =	vshll.u32 v24, $0x7  }
0x4f7: {  	v23 =	vld [tilespmem:s13+$0x10000];
	v4 =	vor.u32 v5, v19  }
0x4f8: {  	v53 =	vsub.f32 v43, v44;
	[tilespmem:v20+s5+$0x0] =	vst.idx.add.f32.msk $0xffff, v21;
	v4 =	vadd.s32 $0x80, v4  }
0x4f9: {  	v20 =	vld [tilespmem:s13+$0x8000];
	v4 =	vor.u32 v2, v4  }
0x4fa: {  	vm7 =	vlt.f32 v53, $0.0e+00;
	v56 =	vshll.u32 v48, $0x9;
	vm14 =	vlt.f32 v7, $0.0e+00;
	v21 =	vld [tilespmem:s14+$0x0]  }
0x4fb: {  	v57 =	vor.u32 v2, v56;
	v11 =	vshll.u32 v30, $0x9;
	v31 =	vsel vm14, $0x1, v1;
	v24 =	vld [tilespmem:s14+$0x10000]  }
0x4fc: {  	v6 =	vshll.u32 v25, $0x9;
	s14 =	sor.u32 $0xC30, s12;
	v12 =	vshll.u32 v31, $0x7;
	v5 =	vsub.f32 v26, v27;
	v19 =	vld [tilespmem:s13+$0x0]  }
0x4fd: {  	v46 =	vadd.s32 $0x80, v17;
	v50 =	vsub.f32 v39, v42;
	v26 =	vld [tilespmem:s14+$0x0];
	v12 =	vor.u32 v12, v6  }
0x4fe: {  	v6 =	vor.u32 v2, v6;
	vm15 =	vlt.f32 v5, $0.0e+00;
	[tilespmem:v4+s5+$0x0] =	vst.idx.add.f32.msk $0xffff, v3;
	v3 =	vadd.s32 $0x80, v12  }
0x4ff: {  	v59 =	vshll.u32 v52, $0x9;
	v27 =	vld [tilespmem:s14+$0x8000];
	v37 =	vsel vm15, $0x1, v1;
	v3 =	vor.u32 v2, v3  }
0x500: {  	vm6 =	vlt.f32 v50, $0.0e+00;
	v9 =	vsub.f32 v33, v35;
	v29 =	vld [tilespmem:s14+$0x10000];
	s14 =	sor.u32 $0xC40, s12;
	v8 =	vshll.u32 v37, $0x7  }
0x501: {  	v55 =	vsel vm6, $0x1, v1;
	v34 =	vmul.f32 v7, v7;
	v30 =	vld [tilespmem:s14+$0x0];
	v8 =	vor.u32 v8, v11  }
0x502: {  	vm5 =	vlt.f32 v9, $0.0e+00;
	v31 =	vld [tilespmem:s14+$0x8000];
	v11 =	vor.u32 v2, v11;
	v8 =	vadd.s32 $0x80, v8  }
0x503: {  	v47 =	vsel vm5, $0x1, v1;
	[tilespmem:v6+s5+$0x0] =	vst.idx.add.f32.msk $0xffff, v34;
	v45 =	vor.u32 v2, v8;
	v8 =	vor.u32 v2, v46  }
0x504: {  	v58 =	vsel vm7, $0x1, v1;
	v49 =	vshll.u32 v47, $0x7;
	[tilespmem:v3+s5+$0x0] =	vst.idx.add.f32.msk $0xffff, v7;
	v3 =	vshll.u32 v38, $0x9  }
0x505: {  	v61 =	vmul.f32 v9, v9;
	v40 =	vmul.f32 v5, v5;
	v34 =	vld [tilespmem:s14+$0x10000];
	s14 =	sor.u32 $0xC50, s12;
	v7 =	vor.u32 v49, v3  }
0x506: {  	v6 =	vshll.u32 v55, $0x7;
	v35 =	vld [tilespmem:s14+$0x0];
	v3 =	vor.u32 v2, v3;
	v7 =	vadd.s32 $0x80, v7  }
0x507: {  	v16 =	vshll.u32 v60, $0x9;
	v6 =	vor.u32 v6, v56;
	[tilespmem:v11+s5+$0x0] =	vst.idx.add.f32.msk $0xffff, v40;
	v54 =	vor.u32 v2, v7  }
0x508: {  	v17 =	vor.u32 v2, v16;
	v6 =	vadd.s32 $0x80, v6;
	[tilespmem:v8+s5+$0x0] =	vst.idx.add.f32.msk $0xffff, v36;
	v7 =	vshll.u32 v58, $0x7  }
0x509: {  	v13 =	vsub.f32 v30, v31;
	v6 =	vor.u32 v2, v6;
	v36 =	vld [tilespmem:s14+$0x8000];
	v7 =	vor.u32 v7, v59  }
0x50a: {  	v11 =	vsub.f32 v26, v27;
	[tilespmem:v45+s5+$0x0] =	vst.idx.add.f32.msk $0xffff, v5;
	v8 =	vor.u32 v2, v59;
	v7 =	vadd.s32 $0x80, v7  }
0x50b: {  	vm12 =	vlt.f32 v13, $0.0e+00;
	[tilespmem:v3+s5+$0x0] =	vst.idx.add.f32.msk $0xffff, v61;
	v3 =	vmul.f32 v50, v50;
	v7 =	vor.u32 v2, v7  }
0x50c: {  	v42 =	vmul.f32 v13, v13;
	v41 =	vsel vm12, $0x1, v1;
	v43 =	vshll.u32 v34, $0x9;
	[tilespmem:v54+s5+$0x0] =	vst.idx.add.f32.msk $0xffff, v9  }
0x50d: {  	v5 =	vsub.f32 v21, v22;
	vm11 =	vlt.f32 v11, $0.0e+00;
	[tilespmem:v57+s5+$0x0] =	vst.idx.add.f32.msk $0xffff, v3;
	v3 =	vmul.f32 v53, v53  }
0x50e: {  	v46 =	vor.u32 v2, v43;
	v21 =	vsel vm11, $0x1, v1;
	v12 =	vsub.f32 v35, v36;
	[tilespmem:v6+s5+$0x0] =	vst.idx.add.f32.msk $0xffff, v50  }
0x50f: {  	vm10 =	vlt.f32 v5, $0.0e+00;
	v37 =	vmul.f32 v5, v5;
	v21 =	vshll.u32 v21, $0x7;
	[tilespmem:v8+s5+$0x0] =	vst.idx.add.f32.msk $0xffff, v3  }
0x510: {  	v33 =	vsel vm10, $0x1, v1;
	vm13 =	vlt.f32 v12, $0.0e+00;
	v59 =	vmul.f32 v12, v12;
	[tilespmem:v7+s5+$0x0] =	vst.idx.add.f32.msk $0xffff, v53  }
0x511: {  	v44 =	vsel vm13, $0x1, v1;
	v9 =	vshll.u32 v23, $0x9;
	v7 =	vsub.f32 v19, v20;
	v20 =	vld [tilespmem:s14+$0x10000];
	s14 =	sor.u32 $0xC60, s12  }
0x512: {  	v23 =	vmul.f32 v11, v11;
	v6 =	vshll.u32 v29, $0x9;
	v3 =	vsub.f32 v62, v63;
	v22 =	vld [tilespmem:s14+$0x0]  }
0x513: {  	v8 =	vshll.u32 v24, $0x9;
	v24 =	vor.u32 v2, v6;
	v6 =	vor.u32 v21, v6;
	s12 =	sor.u32 $0xC70, s12;
	v38 =	vld [tilespmem:s14+$0x8000]  }
0x514: {  	v48 =	vshll.u32 v44, $0x7;
	v6 =	vadd.s32 $0x80, v6;
	vm8 =	vlt.f32 v3, $0.0e+00;
	v39 =	vld [tilespmem:s12+$0x0]  }
0x515: {  	v18 =	vmul.f32 v3, v3;
	v40 =	vld [tilespmem:s12+$0x8000];
	v25 =	vsel vm8, $0x1, v1;
	vm9 =	vlt.f32 v7, $0.0e+00  }
0x516: {  	v45 =	vld [tilespmem:s14+$0x10000];
	v32 =	vmul.f32 v7, v7;
	v10 =	vshll.u32 v25, $0x7;
	v28 =	vsel vm9, $0x1, v1  }
0x517: {  	v50 =	vld [tilespmem:s12+$0x10000];
	v4 =	vor.u32 v10, v16;
	v10 =	vshll.u32 v28, $0x7;
	v16 =	vshll.u32 v33, $0x7  }
0x518: {  	[tilespmem:v46+s5+$0x0] =	vst.idx.add.f32.msk $0xffff, v42;
	v4 =	vadd.s32 $0x80, v4;
	v10 =	vor.u32 v10, v9;
	v9 =	vor.u32 v2, v9  }
0x519: {  	v16 =	vor.u32 v16, v8;
	v8 =	vor.u32 v2, v8;
	v4 =	vor.u32 v2, v4  }
0x51a: {  	[tilespmem:v17+s5+$0x0] =	vst.idx.add.f32.msk $0xffff, v18;
	v47 =	vshll.u32 v20, $0x9;
	v10 =	vadd.s32 $0x80, v10;
	v16 =	vadd.s32 $0x80, v16  }
0x51b: {  	v14 =	vsub.f32 v22, v38;
	v49 =	vsub.f32 v39, v40;
	v52 =	vor.u32 v2, v47  }
0x51c: {  	[tilespmem:v24+s5+$0x0] =	vst.idx.add.f32.msk $0xffff, v23;
	v54 =	vshll.u32 v45, $0x9;
	v57 =	vshll.u32 v50, $0x9;
	v10 =	vor.u32 v2, v10  }
0x51d: {  	v16 =	vor.u32 v2, v16;
	v55 =	vor.u32 v2, v54;
	v60 =	vor.u32 v2, v57  }
0x51e: {  	vm14 =	vlt.f32 v14, $0.0e+00;
	vm15 =	vlt.f32 v49, $0.0e+00;
	[tilespmem:v4+s5+$0x0] =	vst.idx.add.f32.msk $0xffff, v3;
	v3 =	vor.u32 v2, v6  }
0x51f: {  	v62 =	vmul.f32 v14, v14;
	v53 =	vsel vm14, $0x1, v1;
	[tilespmem:v9+s5+$0x0] =	vst.idx.add.f32.msk $0xffff, v32;
	v4 =	vshll.u32 v41, $0x7  }
0x520: {  	v56 =	vsel vm15, $0x1, v1;
	[tilespmem:v8+s5+$0x0] =	vst.idx.add.f32.msk $0xffff, v37;
	v9 =	vshll.u32 v53, $0x7;
	v4 =	vor.u32 v4, v43  }
0x521: {  	v58 =	vshll.u32 v56, $0x7;
	[tilespmem:v10+s5+$0x0] =	vst.idx.add.f32.msk $0xffff, v7;
	v10 =	vor.u32 v48, v47;
	v4 =	vadd.s32 $0x80, v4  }
0x522: {  	[tilespmem:v52+s5+$0x0] =	vst.idx.add.f32.msk $0xffff, v59;
	v7 =	vor.u32 v58, v57;
	v51 =	vadd.s32 $0x80, v10;
	v4 =	vor.u32 v2, v4  }
0x523: {  	v61 =	vadd.s32 $0x80, v7;
	v8 =	vor.u32 v2, v51;
	[tilespmem:v3+s5+$0x0] =	vst.idx.add.f32.msk $0xffff, v11;
	v3 =	vor.u32 v9, v54  }
0x524: {  	s9 =	sadd.s32 $0x20, s9;
	v63 =	vmul.f32 v49, v49;
	[tilespmem:v16+s5+$0x0] =	vst.idx.add.f32.msk $0xffff, v5;
	v6 =	vor.u32 v2, v61;
	v3 =	vadd.s32 $0x80, v3  }
0x525: {  	p0 =	slt.u32 s9, $0x3E0;
	[tilespmem:v55+s5+$0x0] =	vst.idx.add.f32.msk $0xffff, v62;
	v3 =	vor.u32 v2, v3  }
.Ltmp6:
0x526: {  	[tilespmem:v60+s5+$0x0] =	vst.idx.add.f32.msk $0xffff, v63;
	(pc) =	sbr.rel @p0 .LBB2_14-.Ltmp6, $4  }
0x527: {  	[tilespmem:v4+s5+$0x0] =	vst.idx.add.f32.msk $0xffff, v13  }
0x528: {  	[tilespmem:v8+s5+$0x0] =	vst.idx.add.f32.msk $0xffff, v12  }
0x529: {  	[tilespmem:v6+s5+$0x0] =	vst.idx.add.f32.msk $0xffff, v49  }
0x52a: {  	s10 =	sadd.s32 $0x200, s10;
	s11 =	sadd.s32 $0x80, s11;
	[tilespmem:v3+s5+$0x0] =	vst.idx.add.f32.msk $0xffff, v14  }
0x52b: {  	_ =	swait.ge [sflag:s6], $0x4000  }
0x52c: {  	[sflag:s6] =	ssyncset.done $0x0  }
0x52d: {  	[sflag:s6] =	ssyncadd.s32 $0xFFFFC000  }
0x52e: {  	_ =	swait.ge [sflag:s6], $0x4000  }
0x52f: {  	[sflag:s6] =	ssyncset.done $0x0  }
0x530: {  	[sflag:s6] =	ssyncadd.s32 $0xFFFFC000  }
0x531: {  	_ =	swait.ge [sflag:s6], $0x4000  }
0x532: {  	s9 =	simm.s32 $0xFFFFFFE0;
	[sflag:s6] =	ssyncset.done $0x0  }
0x533: {  	s10 =	simm.s32 $0x0;
	s11 =	simm.s32 $0x0;
	[sflag:s6] =	ssyncadd.s32 $0xFFFFC000  }
.LBB2_16:
0x534: {  	s12 =	sand.u32 $0x3000, s10;
	s13 =	sand.u32 $0x380, s11  }
0x535: {  	s12 =	sor.u32 s13, s12  }
0x536: {  	v3 =	vld [tilespmem:s12+$0x4000]  }
0x537: {  	v4 =	vld [tilespmem:s12+$0xC000]  }
0x538: {  	v5 =	vld [tilespmem:s12+$0x14000]  }
0x539: {  	v6 =	vld [tilespmem:s12+$0x4010]  }
0x53a: {  	v7 =	vld [tilespmem:s12+$0xC010]  }
0x53b: {  	v18 =	vld [tilespmem:s12+$0x4020]  }
0x53c: {  	v8 =	vld [tilespmem:s12+$0xC020]  }
0x53d: {  	v11 =	vld [tilespmem:s12+$0x14010]  }
0x53e: {  	v20 =	vld [tilespmem:s12+$0x14020]  }
0x53f: {  	v12 =	vld [tilespmem:s12+$0x14030]  }
0x540: {  	v14 =	vld [tilespmem:s12+$0x4030]  }
0x541: {  	v15 =	vld [tilespmem:s12+$0xC030]  }
0x542: {  	v28 =	vld [tilespmem:s12+$0x4040]  }
0x543: {  	v29 =	vld [tilespmem:s12+$0xC040]  }
0x544: {  	v31 =	vld [tilespmem:s12+$0x14040]  }
0x545: {  	v32 =	vld [tilespmem:s12+$0x4050]  }
0x546: {  	v33 =	vld [tilespmem:s12+$0xC050]  }
0x547: {  	v34 =	vld [tilespmem:s12+$0x4060]  }
0x548: {  	v35 =	vld [tilespmem:s12+$0xC060]  }
0x549: {  	v36 =	vld [tilespmem:s12+$0x14050]  }
0x54a: {  	v38 =	vld [tilespmem:s12+$0x14060]  }
0x54b: {  	v39 =	vld [tilespmem:s12+$0x4070]  }
0x54c: {  	v41 =	vld [tilespmem:s12+$0xC070]  }
0x54d: {  	v44 =	vld [tilespmem:s12+$0x14070]  }
0x54e: {  	v45 =	vld [tilespmem:s12+$0x4400]  }
0x54f: {  	v46 =	vld [tilespmem:s12+$0x4410]  }
0x550: {  	v50 =	vld [tilespmem:s12+$0x14400]  }
0x551: {  	v3 =	vsub.f32 v3, v4;
	v10 =	vshll.u32 v5, $0x2;
	v4 =	vsub.f32 v18, v8;
	v18 =	vld [tilespmem:s12+$0xC400]  }
0x552: {  	v54 =	vld [tilespmem:s12+$0x14410];
	v6 =	vsub.f32 v6, v7;
	v5 =	vshll.u32 v5, $0x9;
	v22 =	vshll.u32 v11, $0x9  }
0x553: {  	v62 =	vld [tilespmem:s12+$0x14420];
	v5 =	vor.u32 v2, v5;
	vm0 =	vlt.f32 v3, $0.0e+00;
	vm10 =	vlt.f32 v4, $0.0e+00  }
0x554: {  	v42 =	vsub.f32 v34, v35;
	v34 =	vld [tilespmem:s12+$0x4460];
	v9 =	vsel vm0, $0x1, v1;
	v23 =	vsel vm10, $0x1, v1  }
0x555: {  	v11 =	vor.u32 v2, v22;
	v9 =	vor.u32 v10, v9;
	v10 =	vshll.u32 v23, $0x7;
	v23 =	vld [tilespmem:s12+$0x4430]  }
0x556: {  	vm9 =	vlt.f32 v6, $0.0e+00;
	v13 =	vmul.f32 v3, v3;
	v52 =	vsub.f32 v45, v18;
	v18 =	vld [tilespmem:s12+$0x4420]  }
0x557: {  	v21 =	vsel vm9, $0x1, v1;
	v45 =	vld [tilespmem:s12+$0xC800]  }
0x558: {  	v24 =	vmul.f32 v6, v6;
	v8 =	vshll.u32 v21, $0x7;
	v19 =	vadd.s32 $0x1, v9;
	[tilespmem:v5+s5+$0x0] =	vst.idx.add.f32.msk $0xffff, v13  }
0x559: {  	vm14 =	vlt.f32 v42, $0.0e+00;
	v8 =	vor.u32 v8, v22;
	v7 =	vshll.u32 v19, $0x7;
	v19 =	vld [tilespmem:s12+$0xC410]  }
0x55a: {  	v17 =	vsel vm14, $0x1, v1;
	v8 =	vadd.s32 $0x80, v8;
	[tilespmem:v11+s5+$0x0] =	vst.idx.add.f32.msk $0xffff, v24;
	v7 =	vor.u32 v2, v7  }
0x55b: {  	v17 =	vshll.u32 v17, $0x7;
	v13 =	vshll.u32 v38, $0x9;
	v24 =	vld [tilespmem:s12+$0xC430];
	v8 =	vor.u32 v2, v8  }
0x55c: {  	v5 =	vsub.f32 v32, v33;
	v33 =	vld [tilespmem:s12+$0x14450];
	v17 =	vor.u32 v17, v13;
	v13 =	vor.u32 v2, v13  }
0x55d: {  	v11 =	vshll.u32 v36, $0x9;
	v36 =	vld [tilespmem:s12+$0xC460]  }
0x55e: {  	v55 =	vsub.f32 v46, v19;
	v19 =	vld [tilespmem:s12+$0xC420]  }
0x55f: {  	v53 =	vmul.f32 v42, v42;
	v9 =	vshll.u32 v20, $0x9;
	[tilespmem:v7+s5+$0x0] =	vst.idx.add.f32.msk $0xffff, v3  }
0x560: {  	v10 =	vor.u32 v10, v9;
	v9 =	vor.u32 v2, v9;
	[tilespmem:v8+s5+$0x0] =	vst.idx.add.f32.msk $0xffff, v6  }
0x561: {  	[tilespmem:v13+s5+$0x0] =	vst.idx.add.f32.msk $0xffff, v53  }
0x562: {  	v7 =	vsub.f32 v28, v29;
	v28 =	vld [tilespmem:s12+$0xC440]  }
0x563: {  	v10 =	vadd.s32 $0x80, v10;
	v3 =	vmul.f32 v4, v4;
	v29 =	vld [tilespmem:s12+$0x4450]  }
0x564: {  	v10 =	vor.u32 v2, v10;
	vm13 =	vlt.f32 v5, $0.0e+00;
	v6 =	vshll.u32 v31, $0x9;
	v31 =	vld [tilespmem:s12+$0x14440]  }
0x565: {  	v25 =	vshll.u32 v12, $0x9;
	v43 =	vsel vm13, $0x1, v1;
	[tilespmem:v9+s5+$0x0] =	vst.idx.add.f32.msk $0xffff, v3;
	v3 =	vsub.f32 v14, v15  }
0x566: {  	v26 =	vor.u32 v2, v25;
	v8 =	vshll.u32 v43, $0x7;
	v43 =	vld [tilespmem:s12+$0xC470]  }
0x567: {  	v53 =	vld [tilespmem:s12+$0x14800];
	v8 =	vor.u32 v8, v11;
	v11 =	vor.u32 v2, v11;
	vm11 =	vlt.f32 v3, $0.0e+00  }
0x568: {  	v13 =	vshll.u32 v33, $0x9;
	v33 =	vld [tilespmem:s12+$0x4850];
	v30 =	vsel vm11, $0x1, v1  }
0x569: {  	[tilespmem:v10+s5+$0x0] =	vst.idx.add.f32.msk $0xffff, v4;
	v27 =	vmul.f32 v3, v3;
	v4 =	vshll.u32 v30, $0x7  }
0x56a: {  	v16 =	vmul.f32 v5, v5;
	v9 =	vsub.f32 v39, v41;
	v39 =	vld [tilespmem:s12+$0x14460];
	v4 =	vor.u32 v4, v25  }
0x56b: {  	[tilespmem:v26+s5+$0x0] =	vst.idx.add.f32.msk $0xffff, v27;
	v4 =	vadd.s32 $0x80, v4  }
0x56c: {  	vm12 =	vlt.f32 v7, $0.0e+00;
	v8 =	vadd.s32 $0x80, v8;
	[tilespmem:v11+s5+$0x0] =	vst.idx.add.f32.msk $0xffff, v16;
	v4 =	vor.u32 v2, v4  }
0x56d: {  	v48 =	vadd.s32 $0x80, v17;
	v37 =	vsel vm12, $0x1, v1;
	v47 =	vor.u32 v2, v8;
	v26 =	vld [tilespmem:s12+$0x14430]  }
0x56e: {  	v8 =	vor.u32 v2, v48;
	v12 =	vshll.u32 v37, $0x7;
	vm15 =	vlt.f32 v9, $0.0e+00;
	v27 =	vld [tilespmem:s12+$0x4440]  }
0x56f: {  	v12 =	vor.u32 v12, v6;
	v6 =	vor.u32 v2, v6;
	v49 =	vsel vm15, $0x1, v1;
	v30 =	vld [tilespmem:s12+$0xC450]  }
0x570: {  	v51 =	vshll.u32 v49, $0x7;
	v49 =	vld [tilespmem:s12+$0x14470]  }
0x571: {  	[tilespmem:v4+s5+$0x0] =	vst.idx.add.f32.msk $0xffff, v3;
	v3 =	vadd.s32 $0x80, v12  }
0x572: {  	v40 =	vmul.f32 v7, v7;
	[tilespmem:v47+s5+$0x0] =	vst.idx.add.f32.msk $0xffff, v5;
	v3 =	vor.u32 v2, v3  }
0x573: {  	[tilespmem:v8+s5+$0x0] =	vst.idx.add.f32.msk $0xffff, v42  }
0x574: {  	v58 =	vshll.u32 v50, $0x9;
	[tilespmem:v6+s5+$0x0] =	vst.idx.add.f32.msk $0xffff, v40  }
0x575: {  	v61 =	vshll.u32 v54, $0x9;
	v59 =	vor.u32 v2, v58;
	v40 =	vld [tilespmem:s12+$0x4470]  }
0x576: {  	vm4 =	vlt.f32 v52, $0.0e+00;
	vm5 =	vlt.f32 v55, $0.0e+00;
	v37 =	vsub.f32 v29, v30;
	v29 =	vld [tilespmem:s12+$0xC840]  }
0x577: {  	v57 =	vsel vm4, $0x1, v1;
	v60 =	vsel vm5, $0x1, v1;
	v63 =	vmul.f32 v9, v9;
	[tilespmem:v3+s5+$0x0] =	vst.idx.add.f32.msk $0xffff, v7  }
0x578: {  	v6 =	vshll.u32 v57, $0x7;
	vm9 =	vlt.f32 v37, $0.0e+00;
	v3 =	vshll.u32 v44, $0x9;
	v44 =	vld [tilespmem:s12+$0x4800]  }
0x579: {  	v30 =	vld [tilespmem:s12+$0x14830];
	v42 =	vsel vm9, $0x1, v1;
	v7 =	vor.u32 v51, v3;
	v3 =	vor.u32 v2, v3  }
0x57a: {  	v6 =	vor.u32 v6, v58;
	v17 =	vshll.u32 v42, $0x7;
	v42 =	vld [tilespmem:s12+$0xC860];
	v7 =	vadd.s32 $0x80, v7  }
0x57b: {  	v51 =	vsub.f32 v40, v43;
	v43 =	vld [tilespmem:s12+$0x4870];
	v56 =	vor.u32 v2, v7;
	v7 =	vshll.u32 v60, $0x7  }
0x57c: {  	v8 =	vor.u32 v2, v61;
	v6 =	vadd.s32 $0x80, v6;
	v7 =	vor.u32 v7, v61;
	v61 =	vld [tilespmem:s12+$0x14810]  }
0x57d: {  	v6 =	vor.u32 v2, v6;
	v54 =	vsub.f32 v44, v45;
	v44 =	vld [tilespmem:s12+$0xC870]  }
0x57e: {  	[tilespmem:v3+s5+$0x0] =	vst.idx.add.f32.msk $0xffff, v63  }
0x57f: {  	v3 =	vmul.f32 v52, v52;
	v63 =	vld [tilespmem:s12+$0x4810]  }
0x580: {  	v7 =	vadd.s32 $0x80, v7;
	[tilespmem:v56+s5+$0x0] =	vst.idx.add.f32.msk $0xffff, v9  }
0x581: {  	v7 =	vor.u32 v2, v7;
	[tilespmem:v59+s5+$0x0] =	vst.idx.add.f32.msk $0xffff, v3;
	v3 =	vmul.f32 v55, v55  }
0x582: {  	v17 =	vor.u32 v17, v13;
	v13 =	vor.u32 v2, v13;
	[tilespmem:v6+s5+$0x0] =	vst.idx.add.f32.msk $0xffff, v52  }
0x583: {  	[tilespmem:v8+s5+$0x0] =	vst.idx.add.f32.msk $0xffff, v3;
	v3 =	vsub.f32 v18, v19  }
0x584: {  	v6 =	vshll.u32 v26, $0x9;
	v26 =	vld [tilespmem:s12+$0x4830]  }
0x585: {  	v20 =	vshll.u32 v62, $0x9;
	v52 =	vmul.f32 v37, v37;
	v18 =	vld [tilespmem:s12+$0xC810];
	vm6 =	vlt.f32 v3, $0.0e+00  }
0x586: {  	v21 =	vor.u32 v2, v20;
	v9 =	vsub.f32 v34, v36;
	[tilespmem:v7+s5+$0x0] =	vst.idx.add.f32.msk $0xffff, v55;
	v25 =	vsel vm6, $0x1, v1  }
0x587: {  	[tilespmem:v13+s5+$0x0] =	vst.idx.add.f32.msk $0xffff, v52;
	v5 =	vshll.u32 v25, $0x7  }
0x588: {  	vm10 =	vlt.f32 v9, $0.0e+00;
	v7 =	vsub.f32 v23, v24;
	v23 =	vld [tilespmem:s12+$0xC820];
	v4 =	vor.u32 v5, v20  }
0x589: {  	v48 =	vsel vm10, $0x1, v1;
	v52 =	vld [tilespmem:s12+$0x14870];
	v22 =	vmul.f32 v3, v3;
	v4 =	vadd.s32 $0x80, v4  }
0x58a: {  	v50 =	vshll.u32 v48, $0x7;
	v48 =	vld [tilespmem:s12+$0x14860];
	v4 =	vor.u32 v2, v4  }
0x58b: {  	vm7 =	vlt.f32 v7, $0.0e+00;
	[tilespmem:v21+s5+$0x0] =	vst.idx.add.f32.msk $0xffff, v22;
	v5 =	vsub.f32 v27, v28  }
0x58c: {  	v32 =	vsel vm7, $0x1, v1;
	v22 =	vld [tilespmem:s12+$0x4820]  }
0x58d: {  	v25 =	vld [tilespmem:s12+$0x14820];
	v12 =	vshll.u32 v32, $0x7;
	vm8 =	vlt.f32 v5, $0.0e+00  }
0x58e: {  	v27 =	vld [tilespmem:s12+$0xC830];
	v12 =	vor.u32 v12, v6;
	v6 =	vor.u32 v2, v6;
	v38 =	vsel vm8, $0x1, v1  }
0x58f: {  	v11 =	vshll.u32 v31, $0x9;
	v8 =	vshll.u32 v38, $0x7;
	[tilespmem:v4+s5+$0x0] =	vst.idx.add.f32.msk $0xffff, v3;
	v3 =	vadd.s32 $0x80, v12  }
0x590: {  	v28 =	vld [tilespmem:s12+$0x4840];
	v8 =	vor.u32 v8, v11;
	v3 =	vor.u32 v2, v3  }
0x591: {  	v35 =	vmul.f32 v7, v7;
	v32 =	vld [tilespmem:s12+$0x14840];
	v11 =	vor.u32 v2, v11;
	v8 =	vadd.s32 $0x80, v8  }
0x592: {  	v57 =	vshll.u32 v49, $0x9;
	v38 =	vld [tilespmem:s12+$0x14850];
	v46 =	vor.u32 v2, v8  }
0x593: {  	v58 =	vor.u32 v2, v57;
	v47 =	vadd.s32 $0x80, v17;
	vm11 =	vlt.f32 v51, $0.0e+00;
	[tilespmem:v6+s5+$0x0] =	vst.idx.add.f32.msk $0xffff, v35  }
0x594: {  	v60 =	vshll.u32 v53, $0x9;
	v41 =	vmul.f32 v5, v5;
	v35 =	vld [tilespmem:s12+$0xC850];
	v8 =	vor.u32 v2, v47  }
0x595: {  	vm12 =	vlt.f32 v54, $0.0e+00;
	v56 =	vsel vm11, $0x1, v1;
	[tilespmem:v3+s5+$0x0] =	vst.idx.add.f32.msk $0xffff, v7;
	v3 =	vshll.u32 v39, $0x9  }
0x596: {  	v59 =	vsel vm12, $0x1, v1;
	[tilespmem:v11+s5+$0x0] =	vst.idx.add.f32.msk $0xffff, v41;
	v7 =	vor.u32 v50, v3;
	v3 =	vor.u32 v2, v3  }
0x597: {  	s13 =	sand.u32 $0xFFFFF000, s10;
	v36 =	vsub.f32 v28, v29;
	v6 =	vshll.u32 v56, $0x7;
	[tilespmem:v46+s5+$0x0] =	vst.idx.add.f32.msk $0xffff, v5;
	v7 =	vadd.s32 $0x80, v7  }
0x598: {  	v62 =	vmul.f32 v9, v9;
	v6 =	vor.u32 v6, v57;
	v39 =	vld [tilespmem:s12+$0x4860];
	s12 =	sadd.s32 s13, s11;
	v55 =	vor.u32 v2, v7  }
0x599: {  	vm4 =	vlt.f32 v36, $0.0e+00;
	v6 =	vadd.s32 $0x80, v6;
	[tilespmem:v8+s5+$0x0] =	vst.idx.add.f32.msk $0xffff, v37;
	s14 =	sor.u32 $0x4C00, s12;
	v7 =	vshll.u32 v59, $0x7  }
0x59a: {  	v6 =	vor.u32 v2, v6;
	v8 =	vor.u32 v2, v60;
	v7 =	vor.u32 v7, v60;
	v60 =	vld [tilespmem:s14+$0x10000]  }
0x59b: {  	v13 =	vshll.u32 v32, $0x9;
	v41 =	vsel vm4, $0x1, v1;
	[tilespmem:v3+s5+$0x0] =	vst.idx.add.f32.msk $0xffff, v62  }
0x59c: {  	v17 =	vshll.u32 v41, $0x7;
	v7 =	vadd.s32 $0x80, v7;
	v3 =	vmul.f32 v51, v51;
	v62 =	vld [tilespmem:s14+$0x0]  }
0x59d: {  	v17 =	vor.u32 v17, v13;
	v7 =	vor.u32 v2, v7;
	[tilespmem:v55+s5+$0x0] =	vst.idx.add.f32.msk $0xffff, v9  }
0x59e: {  	v13 =	vor.u32 v2, v13;
	[tilespmem:v58+s5+$0x0] =	vst.idx.add.f32.msk $0xffff, v3;
	v3 =	vmul.f32 v54, v54  }
0x59f: {  	[tilespmem:v6+s5+$0x0] =	vst.idx.add.f32.msk $0xffff, v51  }
0x5a0: {  	v19 =	vshll.u32 v61, $0x9;
	[tilespmem:v8+s5+$0x0] =	vst.idx.add.f32.msk $0xffff, v3;
	v3 =	vsub.f32 v63, v18  }
0x5a1: {  	v20 =	vor.u32 v2, v19;
	v51 =	vmul.f32 v36, v36;
	v63 =	vld [tilespmem:s14+$0x8000]  }
0x5a2: {  	[tilespmem:v7+s5+$0x0] =	vst.idx.add.f32.msk $0xffff, v54;
	vm13 =	vlt.f32 v3, $0.0e+00  }
0x5a3: {  	s14 =	sor.u32 $0x4C20, s12;
	[tilespmem:v13+s5+$0x0] =	vst.idx.add.f32.msk $0xffff, v51;
	v24 =	vsel vm13, $0x1, v1  }
0x5a4: {  	s13 =	sor.u32 $0x4C10, s12;
	v7 =	vsub.f32 v22, v23;
	v22 =	vld [tilespmem:s14+$0x8000];
	v21 =	vmul.f32 v3, v3;
	v5 =	vshll.u32 v24, $0x7  }
0x5a5: {  	v23 =	vld [tilespmem:s13+$0x10000];
	v4 =	vor.u32 v5, v19  }
0x5a6: {  	v53 =	vsub.f32 v43, v44;
	[tilespmem:v20+s5+$0x0] =	vst.idx.add.f32.msk $0xffff, v21;
	v4 =	vadd.s32 $0x80, v4  }
0x5a7: {  	v20 =	vld [tilespmem:s13+$0x8000];
	v4 =	vor.u32 v2, v4  }
0x5a8: {  	vm7 =	vlt.f32 v53, $0.0e+00;
	v56 =	vshll.u32 v48, $0x9;
	vm14 =	vlt.f32 v7, $0.0e+00;
	v21 =	vld [tilespmem:s14+$0x0]  }
0x5a9: {  	v57 =	vor.u32 v2, v56;
	v11 =	vshll.u32 v30, $0x9;
	v31 =	vsel vm14, $0x1, v1;
	v24 =	vld [tilespmem:s14+$0x10000]  }
0x5aa: {  	v6 =	vshll.u32 v25, $0x9;
	s14 =	sor.u32 $0x4C30, s12;
	v12 =	vshll.u32 v31, $0x7;
	v5 =	vsub.f32 v26, v27;
	v19 =	vld [tilespmem:s13+$0x0]  }
0x5ab: {  	v46 =	vadd.s32 $0x80, v17;
	v50 =	vsub.f32 v39, v42;
	v26 =	vld [tilespmem:s14+$0x0];
	v12 =	vor.u32 v12, v6  }
0x5ac: {  	v6 =	vor.u32 v2, v6;
	vm15 =	vlt.f32 v5, $0.0e+00;
	[tilespmem:v4+s5+$0x0] =	vst.idx.add.f32.msk $0xffff, v3;
	v3 =	vadd.s32 $0x80, v12  }
0x5ad: {  	v59 =	vshll.u32 v52, $0x9;
	v27 =	vld [tilespmem:s14+$0x8000];
	v37 =	vsel vm15, $0x1, v1;
	v3 =	vor.u32 v2, v3  }
0x5ae: {  	vm6 =	vlt.f32 v50, $0.0e+00;
	v9 =	vsub.f32 v33, v35;
	v29 =	vld [tilespmem:s14+$0x10000];
	s14 =	sor.u32 $0x4C40, s12;
	v8 =	vshll.u32 v37, $0x7  }
0x5af: {  	v55 =	vsel vm6, $0x1, v1;
	v34 =	vmul.f32 v7, v7;
	v30 =	vld [tilespmem:s14+$0x0];
	v8 =	vor.u32 v8, v11  }
0x5b0: {  	vm5 =	vlt.f32 v9, $0.0e+00;
	v31 =	vld [tilespmem:s14+$0x8000];
	v11 =	vor.u32 v2, v11;
	v8 =	vadd.s32 $0x80, v8  }
0x5b1: {  	v47 =	vsel vm5, $0x1, v1;
	[tilespmem:v6+s5+$0x0] =	vst.idx.add.f32.msk $0xffff, v34;
	v45 =	vor.u32 v2, v8;
	v8 =	vor.u32 v2, v46  }
0x5b2: {  	v58 =	vsel vm7, $0x1, v1;
	v49 =	vshll.u32 v47, $0x7;
	[tilespmem:v3+s5+$0x0] =	vst.idx.add.f32.msk $0xffff, v7;
	v3 =	vshll.u32 v38, $0x9  }
0x5b3: {  	v61 =	vmul.f32 v9, v9;
	v40 =	vmul.f32 v5, v5;
	v34 =	vld [tilespmem:s14+$0x10000];
	s14 =	sor.u32 $0x4C50, s12;
	v7 =	vor.u32 v49, v3  }
0x5b4: {  	v6 =	vshll.u32 v55, $0x7;
	v35 =	vld [tilespmem:s14+$0x0];
	v3 =	vor.u32 v2, v3;
	v7 =	vadd.s32 $0x80, v7  }
0x5b5: {  	v16 =	vshll.u32 v60, $0x9;
	v6 =	vor.u32 v6, v56;
	[tilespmem:v11+s5+$0x0] =	vst.idx.add.f32.msk $0xffff, v40;
	v54 =	vor.u32 v2, v7  }
0x5b6: {  	v17 =	vor.u32 v2, v16;
	v6 =	vadd.s32 $0x80, v6;
	[tilespmem:v8+s5+$0x0] =	vst.idx.add.f32.msk $0xffff, v36;
	v7 =	vshll.u32 v58, $0x7  }
0x5b7: {  	v13 =	vsub.f32 v30, v31;
	v6 =	vor.u32 v2, v6;
	v36 =	vld [tilespmem:s14+$0x8000];
	v7 =	vor.u32 v7, v59  }
0x5b8: {  	v11 =	vsub.f32 v26, v27;
	[tilespmem:v45+s5+$0x0] =	vst.idx.add.f32.msk $0xffff, v5;
	v8 =	vor.u32 v2, v59;
	v7 =	vadd.s32 $0x80, v7  }
0x5b9: {  	vm12 =	vlt.f32 v13, $0.0e+00;
	[tilespmem:v3+s5+$0x0] =	vst.idx.add.f32.msk $0xffff, v61;
	v3 =	vmul.f32 v50, v50;
	v7 =	vor.u32 v2, v7  }
0x5ba: {  	v42 =	vmul.f32 v13, v13;
	v41 =	vsel vm12, $0x1, v1;
	v43 =	vshll.u32 v34, $0x9;
	[tilespmem:v54+s5+$0x0] =	vst.idx.add.f32.msk $0xffff, v9  }
0x5bb: {  	v5 =	vsub.f32 v21, v22;
	vm11 =	vlt.f32 v11, $0.0e+00;
	[tilespmem:v57+s5+$0x0] =	vst.idx.add.f32.msk $0xffff, v3;
	v3 =	vmul.f32 v53, v53  }
0x5bc: {  	v46 =	vor.u32 v2, v43;
	v21 =	vsel vm11, $0x1, v1;
	v12 =	vsub.f32 v35, v36;
	[tilespmem:v6+s5+$0x0] =	vst.idx.add.f32.msk $0xffff, v50  }
0x5bd: {  	vm10 =	vlt.f32 v5, $0.0e+00;
	v37 =	vmul.f32 v5, v5;
	v21 =	vshll.u32 v21, $0x7;
	[tilespmem:v8+s5+$0x0] =	vst.idx.add.f32.msk $0xffff, v3  }
0x5be: {  	v33 =	vsel vm10, $0x1, v1;
	vm13 =	vlt.f32 v12, $0.0e+00;
	v59 =	vmul.f32 v12, v12;
	[tilespmem:v7+s5+$0x0] =	vst.idx.add.f32.msk $0xffff, v53  }
0x5bf: {  	v44 =	vsel vm13, $0x1, v1;
	v9 =	vshll.u32 v23, $0x9;
	v7 =	vsub.f32 v19, v20;
	v20 =	vld [tilespmem:s14+$0x10000];
	s14 =	sor.u32 $0x4C60, s12  }
0x5c0: {  	v23 =	vmul.f32 v11, v11;
	v6 =	vshll.u32 v29, $0x9;
	v3 =	vsub.f32 v62, v63;
	v22 =	vld [tilespmem:s14+$0x0]  }
0x5c1: {  	v8 =	vshll.u32 v24, $0x9;
	v24 =	vor.u32 v2, v6;
	v6 =	vor.u32 v21, v6;
	s12 =	sor.u32 $0x4C70, s12;
	v38 =	vld [tilespmem:s14+$0x8000]  }
0x5c2: {  	v48 =	vshll.u32 v44, $0x7;
	v6 =	vadd.s32 $0x80, v6;
	vm8 =	vlt.f32 v3, $0.0e+00;
	v39 =	vld [tilespmem:s12+$0x0]  }
0x5c3: {  	v18 =	vmul.f32 v3, v3;
	v40 =	vld [tilespmem:s12+$0x8000];
	v25 =	vsel vm8, $0x1, v1;
	vm9 =	vlt.f32 v7, $0.0e+00  }
0x5c4: {  	v45 =	vld [tilespmem:s14+$0x10000];
	v32 =	vmul.f32 v7, v7;
	v10 =	vshll.u32 v25, $0x7;
	v28 =	vsel vm9, $0x1, v1  }
0x5c5: {  	v50 =	vld [tilespmem:s12+$0x10000];
	v4 =	vor.u32 v10, v16;
	v10 =	vshll.u32 v28, $0x7;
	v16 =	vshll.u32 v33, $0x7  }
0x5c6: {  	[tilespmem:v46+s5+$0x0] =	vst.idx.add.f32.msk $0xffff, v42;
	v4 =	vadd.s32 $0x80, v4;
	v10 =	vor.u32 v10, v9;
	v9 =	vor.u32 v2, v9  }
0x5c7: {  	v16 =	vor.u32 v16, v8;
	v8 =	vor.u32 v2, v8;
	v4 =	vor.u32 v2, v4  }
0x5c8: {  	[tilespmem:v17+s5+$0x0] =	vst.idx.add.f32.msk $0xffff, v18;
	v47 =	vshll.u32 v20, $0x9;
	v10 =	vadd.s32 $0x80, v10;
	v16 =	vadd.s32 $0x80, v16  }
0x5c9: {  	v14 =	vsub.f32 v22, v38;
	v49 =	vsub.f32 v39, v40;
	v52 =	vor.u32 v2, v47  }
0x5ca: {  	[tilespmem:v24+s5+$0x0] =	vst.idx.add.f32.msk $0xffff, v23;
	v54 =	vshll.u32 v45, $0x9;
	v57 =	vshll.u32 v50, $0x9;
	v10 =	vor.u32 v2, v10  }
0x5cb: {  	v16 =	vor.u32 v2, v16;
	v55 =	vor.u32 v2, v54;
	v60 =	vor.u32 v2, v57  }
0x5cc: {  	vm14 =	vlt.f32 v14, $0.0e+00;
	vm15 =	vlt.f32 v49, $0.0e+00;
	[tilespmem:v4+s5+$0x0] =	vst.idx.add.f32.msk $0xffff, v3;
	v3 =	vor.u32 v2, v6  }
0x5cd: {  	v62 =	vmul.f32 v14, v14;
	v53 =	vsel vm14, $0x1, v1;
	[tilespmem:v9+s5+$0x0] =	vst.idx.add.f32.msk $0xffff, v32;
	v4 =	vshll.u32 v41, $0x7  }
0x5ce: {  	v56 =	vsel vm15, $0x1, v1;
	[tilespmem:v8+s5+$0x0] =	vst.idx.add.f32.msk $0xffff, v37;
	v9 =	vshll.u32 v53, $0x7;
	v4 =	vor.u32 v4, v43  }
0x5cf: {  	v58 =	vshll.u32 v56, $0x7;
	[tilespmem:v10+s5+$0x0] =	vst.idx.add.f32.msk $0xffff, v7;
	v10 =	vor.u32 v48, v47;
	v4 =	vadd.s32 $0x80, v4  }
0x5d0: {  	[tilespmem:v52+s5+$0x0] =	vst.idx.add.f32.msk $0xffff, v59;
	v7 =	vor.u32 v58, v57;
	v51 =	vadd.s32 $0x80, v10;
	v4 =	vor.u32 v2, v4  }
0x5d1: {  	v61 =	vadd.s32 $0x80, v7;
	v8 =	vor.u32 v2, v51;
	[tilespmem:v3+s5+$0x0] =	vst.idx.add.f32.msk $0xffff, v11;
	v3 =	vor.u32 v9, v54  }
0x5d2: {  	s9 =	sadd.s32 $0x20, s9;
	v63 =	vmul.f32 v49, v49;
	[tilespmem:v16+s5+$0x0] =	vst.idx.add.f32.msk $0xffff, v5;
	v6 =	vor.u32 v2, v61;
	v3 =	vadd.s32 $0x80, v3  }
0x5d3: {  	p0 =	slt.u32 s9, $0x3E0;
	[tilespmem:v55+s5+$0x0] =	vst.idx.add.f32.msk $0xffff, v62;
	v3 =	vor.u32 v2, v3  }
.Ltmp7:
0x5d4: {  	[tilespmem:v60+s5+$0x0] =	vst.idx.add.f32.msk $0xffff, v63;
	(pc) =	sbr.rel @p0 .LBB2_16-.Ltmp7, $4  }
0x5d5: {  	[tilespmem:v4+s5+$0x0] =	vst.idx.add.f32.msk $0xffff, v13  }
0x5d6: {  	[tilespmem:v8+s5+$0x0] =	vst.idx.add.f32.msk $0xffff, v12  }
0x5d7: {  	[tilespmem:v6+s5+$0x0] =	vst.idx.add.f32.msk $0xffff, v49  }
0x5d8: {  	s10 =	sadd.s32 $0x200, s10;
	s11 =	sadd.s32 $0x80, s11;
	[tilespmem:v3+s5+$0x0] =	vst.idx.add.f32.msk $0xffff, v14  }
0x5d9: {  	s8 =	sadd.s32 $0x1, s8  }
0x5da: {  	p0 =	sne.s32 s8, s29  }
.Ltmp8:
0x5db: {  	s9 =	simm.s32 $0x0;
	(pc) =	sbr.rel @p0 .LBB2_1-.Ltmp8, $4  }
0x5dc: {  	[hbm4b:s28+s9] =	stream.linear.scatter [tilespmem:s5], [sflag:$0x3], $0x1000, $0x38;
	[tilespmem:$0x19000] =	vst v63  }
0x5dd: {  	_ =	swait.ge [sflag:s7], $0x1000  }
0x5de: {  	[sflag:s7] =	ssyncset.done $0x0  }
0x5df: {  	[sflag:s7] =	ssyncadd.s32 $0xFFFFF000  }
0x5e0: {  	_ =	sfence.sel $0x180000  }
0x5e1: {  	[bflag:$0x0] =	sbarrier.arrive $0xFFFF  }
0x5e2: {  	_ =	strace $0x90000047  }
0x5e3: {  	s0 =	stileid.u32;
	[bflag:$0x2] =	sbarrier.arrive $0xFFFF  }
0x5e4: {  	p0 =	sne.s32 s0, $0x0;
	s0 =	rddreg [dreg:$0x4]  }
0x5e5: {  	s0 =	sadd.s32 @!p0 $0x100000, s0  }
0x5e6: {  	[sflag:s0] =	ssyncadd.tile.s32 @!p0 $0x1;
	_ =	shalt  }
.Lfunc_end2:
_tile_overlayer_lowered:
.L_overlay_start_2:
0x5e7: {  	(tag) =	ssettag $0x2  }
0x5e8: {  	s0 =	rddreg [dreg:$0x0];
	s2 =	stileid.u32  }
0x5e9: {  	s1 =	rddreg [dreg:$0x1];
	p0 =	sne.s32 s2, $0x0  }
0x5ea: {  	s3 =	rddreg [dreg:$0x2];
	[bflag:$0x3] =	sbarrier.arrive $0xFFFF;
	s2 =	simm.s32 @!p0 $0x1C03  }
0x5eb: {  	[timem:s3], [sflag:s2] =	dma.local @!p0 [hbm:s0], s1  }
0x5ec: {  	s0 =	simm.s32 @!p0 $0x3  }
0x5ed: {  	_ =	swait.ge @!p0 [sflag:s0], s1  }
0x5ee: {  	s1 =	ssub.s32 @!p0 $0x0, s1;
	[sflag:s0] =	ssyncset.done @!p0 $0x0  }
0x5ef: {  	[sflag:s0] =	ssyncadd.s32 @!p0 s1  }
0x5f0: {  	[bflag:$0x3] =	sbarrier.arrive $0xFFFF  }
0x5f1: {  	_ =	shalt  }

</sc_bundles>
